<compile_context>
chip_gen: v7x
topology: tpu7x:2x2x1
jax: 0.10.2.dev20260603
libtpu: 0.0.44.dev20260713+nightly
codegen_flags: <defaults>
</compile_context>

<pallas_src>
import functools

import jax
import jax.numpy as jnp
from jax import lax
from jax.experimental import pallas as pl
from jax.experimental.pallas import tpu as pltpu
from jax.experimental.pallas import tpu_sc as plsc

N = 10000
E = 320000
D = 128
OUT = 64
K = 4
A = 1.0
B = 1.0

NC = 2
NS = 16
NW = NC * NS
C = 120
NCHUNK = -(-E // C)
NCHUNK2 = -(-NCHUNK // NW) * NW
E2 = NCHUNK2 * C
NLOC = NCHUNK2 // NW
assert NLOC % 3 == 0 and NLOC % 2 == 0
N1 = 10240
ROWS_PER_SUB = N1 // NS
DEG_PER_SUB = N1 // NS
PAD_ROW = N1 - 1

_HI = jax.lax.Precision.HIGHEST

_COEF1 = (A - B) / 2.0
_COEF2 = (A + B + 2.0) / 2.0


def _phis(k):
    phi_k = (2 * k + A + B) * (2 * k + A + B - 1) / (2 * k * (k + A + B))
    phi_p = ((2 * k + A + B - 1) * (A ** 2 - B ** 2)
             / (2 * k * (k + A + B) * (2 * k + A + B - 2)))
    phi_pp = ((k + A - 1) * (k + B - 1) * (2 * k + A + B)
              / (k * (k + A + B) * (2 * k + A + B - 2)))
    return phi_k, phi_p, phi_pp



@functools.lru_cache(maxsize=None)
def _sc_mesh():
    return plsc.VectorSubcoreMesh(core_axis_name="c", subcore_axis_name="s",
                                  num_cores=NC, num_subcores=NS)


def _deg2_body(col_hbm, ones_hbm, zeros1_hbm, out_hbm,
               colbuf, ones_v, acc, sem):
    c = lax.axis_index("c")
    s = lax.axis_index("s")
    wid = s * NC + c

    pltpu.sync_copy(zeros1_hbm.at[pl.ds(0, DEG_PER_SUB)],
                    acc.at[pl.ds(s * DEG_PER_SUB, DEG_PER_SUB)])
    pltpu.sync_copy(ones_hbm, ones_v)
    plsc.subcore_barrier()

    def idx_start(jj, b):
        base = (wid + jj * NW) * C
        pltpu.async_copy(col_hbm.at[pl.ds(base, C)], colbuf.at[b], sem.at[b])

    def idx_wait(b):
        pltpu.make_async_copy(col_hbm.at[pl.ds(0, C)], colbuf.at[b],
                              sem.at[b]).wait()

    def scat(b):
        pltpu.sync_copy(ones_v, acc.at[colbuf.at[b]], add=True)

    idx_start(0, 0)

    def pair(p, _):
        for b in range(2):
            jj = 2 * p + 1 + b
            nb = (1 + b) % 2
            cb = b
            idx_start(jj, nb)
            idx_wait(cb)
            scat(cb)
        return 0

    lax.fori_loop(0, (NLOC - 2) // 2, pair, 0)
    idx_start(NLOC - 1, 1)
    idx_wait(0)
    scat(0)
    idx_wait(1)
    scat(1)
    plsc.subcore_barrier()

    pltpu.sync_copy(acc.at[pl.ds(s * DEG_PER_SUB, DEG_PER_SUB)],
                    out_hbm.at[c, pl.ds(s * DEG_PER_SUB, DEG_PER_SUB)])


@functools.lru_cache(maxsize=None)
def _deg2_kernel():
    return pl.kernel(
        _deg2_body,
        out_type=jax.ShapeDtypeStruct((NC, N1), jnp.float32),
        mesh=_sc_mesh(),
        scratch_types=[
            pltpu.VMEM((2, C), jnp.int32),
            pltpu.VMEM((C,), jnp.float32),
            pltpu.VMEM_SHARED((N1,), jnp.float32),
            pltpu.SemaphoreType.DMA((2,)),
        ],
    )


def _ppass_body(y_hbm, rc_hbm, zeros_hbm, out_hbm,
                idxbuf, rows, acc, semg, semi):
    c = lax.axis_index("c")
    s = lax.axis_index("s")
    wid = s * NC + c

    def idx_start(jj, b):
        g = lax.min(wid + jj * NW, NCHUNK2 - 1)
        pltpu.async_copy(rc_hbm.at[g], idxbuf.at[b], semi.at[b])

    def idx_wait(b):
        pltpu.make_async_copy(rc_hbm.at[0], idxbuf.at[b], semi.at[b]).wait()

    def gather_start(b):
        pltpu.async_copy(y_hbm.at[idxbuf.at[b, 0]], rows.at[b], semg.at[b])

    def gather_wait(b):
        pltpu.make_async_copy(y_hbm.at[idxbuf.at[b, 0]], rows.at[b],
                              semg.at[b]).wait()

    def scat(b):
        pltpu.sync_copy(rows.at[b], acc.at[idxbuf.at[b, 1]], add=True)

    for j in range(2):
        idx_start(j, j)
    for j in range(2):
        idx_wait(j)
        gather_start(j)
    idx_start(2, 2)
    pltpu.sync_copy(zeros_hbm, acc.at[pl.ds(s * ROWS_PER_SUB, ROWS_PER_SUB)])
    plsc.subcore_barrier()

    TRIPS = NLOC // 3 - 1

    def trip(p, _):
        for b in range(3):
            b2 = (b + 2) % 3
            jj = 3 * p + b
            idx_wait(b2)
            gather_start(b2)
            gather_wait(b)
            scat(b)
            idx_start(jj + 3, b)
        return 0

    lax.fori_loop(0, TRIPS, trip, 0)
    idx_wait((NLOC - 1) % 3)
    gather_start((NLOC - 1) % 3)
    for j in range(NLOC - 3, NLOC):
        gather_wait(j % 3)
        scat(j % 3)
    plsc.subcore_barrier()

    pltpu.sync_copy(acc.at[pl.ds(s * ROWS_PER_SUB, ROWS_PER_SUB)],
                    out_hbm.at[c, pl.ds(s * ROWS_PER_SUB, ROWS_PER_SUB)])


@functools.lru_cache(maxsize=None)
def _ppass_kernel():
    return pl.kernel(
        _ppass_body,
        out_type=jax.ShapeDtypeStruct((NC, N1, D), jnp.float32),
        mesh=_sc_mesh(),
        scratch_types=[
            pltpu.VMEM((3, 2, C), jnp.int32),
            pltpu.VMEM((3, C, D), jnp.float32),
            pltpu.VMEM_SHARED((N1, D), jnp.float32),
            pltpu.SemaphoreType.DMA((3,)),
            pltpu.SemaphoreType.DMA((3,)),
        ],
    )



BN = 2000
GRID = N // BN


def _mlpscale_body(x_ref, wT_ref, b_ref, deg_ref,
                   h_ref, dinv_ref, y_ref, hsum_ref):
    i = pl.program_id(0)
    h = jnp.dot(x_ref[...], wT_ref[...], precision=_HI,
                preferred_element_type=jnp.float32)
    h = jnp.maximum(h + b_ref[...], 0.0)
    h_ref[...] = h
    deg = deg_ref[0] + deg_ref[1]
    dinv = jnp.where(deg > 0, lax.rsqrt(jnp.maximum(deg, 1e-12)), 0.0)
    dinv_ref[...] = dinv
    y_ref[...] = h * dinv

    @pl.when(i == 0)
    def _():
        hsum_ref[...] = jnp.zeros_like(hsum_ref)

    hsum_ref[...] += jnp.sum(h, axis=0, keepdims=True)


def _mlpscale(x, mlp_wT, mlp_b2, deg_col):
    return pl.pallas_call(
        _mlpscale_body,
        grid=(GRID,),
        in_specs=[
            pl.BlockSpec((BN, D), lambda i: (i, 0)),
            pl.BlockSpec((D, D), lambda i: (0, 0)),
            pl.BlockSpec((1, D), lambda i: (0, 0)),
            pl.BlockSpec((NC, BN, 1), lambda i: (0, i, 0)),
        ],
        out_specs=[
            pl.BlockSpec((BN, D), lambda i: (i, 0)),
            pl.BlockSpec((BN, 1), lambda i: (i, 0)),
            pl.BlockSpec((BN, D), lambda i: (i, 0)),
            pl.BlockSpec((1, D), lambda i: (0, 0)),
        ],
        out_shape=[
            jax.ShapeDtypeStruct((N, D), jnp.float32),
            jax.ShapeDtypeStruct((N, 1), jnp.float32),
            jax.ShapeDtypeStruct((N, D), jnp.float32),
            jax.ShapeDtypeStruct((1, D), jnp.float32),
        ],
    )(x, mlp_wT, mlp_b2, deg_col)


def _comb_body(part_ref, dinv_ref, zlast_ref, zprev_ref,
               z_ref, y_ref, zsum_ref, *, ca, cb, cc):
    i = pl.program_id(0)
    dinv = dinv_ref[...]
    s = (part_ref[0] + part_ref[1]) * dinv
    z = ca * s + cb * zlast_ref[...] + cc * zprev_ref[...]
    z_ref[...] = z
    if y_ref is not None:
        y_ref[...] = z * dinv

    @pl.when(i == 0)
    def _():
        zsum_ref[...] = jnp.zeros_like(zsum_ref)

    zsum_ref[...] += jnp.sum(z, axis=0, keepdims=True)


def _comb(part, dinv_col, z_last, z_prev, ca, cb, cc, with_y=True):
    out_specs = [
        pl.BlockSpec((BN, D), lambda i: (i, 0)),
        pl.BlockSpec((BN, D), lambda i: (i, 0)),
        pl.BlockSpec((1, D), lambda i: (0, 0)),
    ]
    out_shape = [
        jax.ShapeDtypeStruct((N, D), jnp.float32),
        jax.ShapeDtypeStruct((N, D), jnp.float32),
        jax.ShapeDtypeStruct((1, D), jnp.float32),
    ]
    body = functools.partial(_comb_body, ca=ca, cb=cb, cc=cc)
    if not with_y:
        del out_specs[1], out_shape[1]
        full = body

        def body(part_ref, dinv_ref, zlast_ref, zprev_ref, z_ref, zsum_ref):
            full(part_ref, dinv_ref, zlast_ref, zprev_ref, z_ref, None,
                 zsum_ref)

    res = pl.pallas_call(
        body,
        grid=(GRID,),
        in_specs=[
            pl.BlockSpec((NC, BN, D), lambda i: (0, i, 0)),
            pl.BlockSpec((BN, 1), lambda i: (i, 0)),
            pl.BlockSpec((BN, D), lambda i: (i, 0)),
            pl.BlockSpec((BN, D), lambda i: (i, 0)),
        ],
        out_specs=out_specs,
        out_shape=out_shape,
    )(part, dinv_col, z_last, z_prev)
    if not with_y:
        return res[0], None, res[1]
    return res


def _final_body(zs_ref, w_ref, b_ref, zbar_ref, clsT_ref, clsb_ref,
                out_ref, zt_ref, alpha_ref):
    zbar = zbar_ref[...] / float(N)
    qs = [
        jnp.dot(zbar[k:k + 1, :], w_ref[k], precision=_HI,
                preferred_element_type=jnp.float32) + b_ref[k:k + 1, :]
        for k in range(K + 1)
    ]
    hs = [
        jnp.dot(zs_ref[k], w_ref[k], precision=_HI,
                preferred_element_type=jnp.float32) + b_ref[k:k + 1, :]
        for k in range(K + 1)
    ]
    scores = jnp.concatenate(
        [jnp.sum(hs[k] * qs[k], axis=1, keepdims=True)
         for k in range(K + 1)], axis=1)
    scores = jnp.tanh(scores)
    m = jnp.max(scores, axis=1, keepdims=True)
    ex = jnp.exp(scores - m)
    alpha = ex / jnp.sum(ex, axis=1, keepdims=True)
    alpha_ref[...] = alpha
    zt = alpha[:, 0:1] * hs[0]
    for k in range(1, K + 1):
        zt = zt + alpha[:, k:k + 1] * hs[k]
    zt = jnp.maximum(zt, 0.0)
    zt_ref[...] = zt
    out_ref[...] = jnp.dot(zt, clsT_ref[...], precision=_HI,
                           preferred_element_type=jnp.float32) + clsb_ref[...]


def _final(zs, w, b, q, cls_wT, cls_b2):
    return pl.pallas_call(
        _final_body,
        grid=(GRID,),
        in_specs=[
            pl.BlockSpec((K + 1, BN, D), lambda i: (0, i, 0)),
            pl.BlockSpec((K + 1, D, D), lambda i: (0, 0, 0)),
            pl.BlockSpec((K + 1, D), lambda i: (0, 0)),
            pl.BlockSpec((K + 1, D), lambda i: (0, 0)),
            pl.BlockSpec((D, OUT), lambda i: (0, 0)),
            pl.BlockSpec((1, OUT), lambda i: (0, 0)),
        ],
        out_specs=[
            pl.BlockSpec((BN, OUT), lambda i: (i, 0)),
            pl.BlockSpec((BN, D), lambda i: (i, 0)),
            pl.BlockSpec((BN, K + 1), lambda i: (i, 0)),
        ],
        out_shape=[
            jax.ShapeDtypeStruct((N, OUT), jnp.float32),
            jax.ShapeDtypeStruct((N, D), jnp.float32),
            jax.ShapeDtypeStruct((N, K + 1), jnp.float32),
        ],
    )(zs, w, b, q, cls_wT, cls_b2)



def kernel(x, edge_index, mlp_w, mlp_b, W_weight, W_bias, cls_w, cls_b):
    row = edge_index[0].astype(jnp.int32)
    col = edge_index[1].astype(jnp.int32)

    pad = E2 - E
    padfill = jnp.full((pad,), PAD_ROW, jnp.int32)
    colp = jnp.concatenate([col, jnp.zeros((pad,), jnp.int32)])
    rowp = jnp.concatenate([row, padfill])
    rc = jnp.stack([colp.reshape(NCHUNK2, C), rowp.reshape(NCHUNK2, C)],
                   axis=1)
    col_deg = jnp.concatenate([col, padfill])

    ones_c = jnp.ones((C,), jnp.float32)
    zeros1 = jnp.zeros((DEG_PER_SUB,), jnp.float32)
    zeros2 = jnp.zeros((ROWS_PER_SUB, D), jnp.float32)

    deg2 = _deg2_kernel()(col_deg, ones_c, zeros1)
    deg_col = deg2[:, :N].reshape(NC, N, 1)

    h, dinv_col, y, hsum = _mlpscale(x, mlp_w.T, mlp_b.reshape(1, D), deg_col)

    z_list = [h]
    zsums = [hsum]
    part = _ppass_kernel()(y, rc, zeros2)
    z, y, zsum = _comb(part, dinv_col, h, h, _COEF2, _COEF1, 0.0)
    z_list.append(z)
    zsums.append(zsum)
    for k in range(2, K + 1):
        phi_k, phi_p, phi_pp = _phis(k)
        part = _ppass_kernel()(y, rc, zeros2)
        z, y, zsum = _comb(part, dinv_col, z_list[-1], z_list[-2],
                           phi_k, phi_p, -phi_pp, with_y=(k < K))
        z_list.append(z)
        zsums.append(zsum)

    zs = jnp.stack(z_list, axis=0)
    zbar = jnp.concatenate(zsums, axis=0)
    out, zt, alpha = _final(zs, W_weight, W_bias, zbar, cls_w.T,
                            cls_b.reshape(1, OUT))
    return (out, zt, zs, alpha)

# --- scband reference (transcript-rebuilt; emitter-appended) ---
"""Pipeline reference for scband-jacobi-57312043598103 (READ-ONLY COPY).

The authoritative reference and input builder live on the scoring server;
editing this copy changes nothing except your own understanding.
"""

import jax, jax.numpy as jnp
import numpy as np

N = 10000
E = 320000
D_IN = 128
HID = 128
OUT = 64
K = 4
A_COEF = 1.0
B_COEF = 1.0


def setup_inputs(seed: int = 0) -> dict:
    key = jax.random.key(seed)
    ks = jax.random.split(key, 8)
    x = jax.random.normal(ks[0], (N, D_IN), dtype=jnp.float32)
    edge_index = jax.random.randint(ks[1], (2, E), 0, N, dtype=jnp.int64)
    mlp_w = jax.random.normal(ks[2], (HID, D_IN), dtype=jnp.float32) * (1.0 / np.sqrt(D_IN))
    mlp_b = jnp.zeros((HID,), dtype=jnp.float32)
    W_weight = jax.random.normal(ks[3], (K + 1, HID, HID), dtype=jnp.float32) * (1.0 / np.sqrt(HID))
    W_bias = jnp.zeros((K + 1, HID), dtype=jnp.float32)
    cls_w = jax.random.normal(ks[4], (OUT, HID), dtype=jnp.float32) * (1.0 / np.sqrt(HID))
    cls_b = jnp.zeros((OUT,), dtype=jnp.float32)
    return {"x": x, "edge_index": edge_index, "mlp_w": mlp_w, "mlp_b": mlp_b,
            "W_weight": W_weight, "W_bias": W_bias, "cls_w": cls_w, "cls_b": cls_b}


def reference(x, edge_index, mlp_w, mlp_b, W_weight, W_bias, cls_w, cls_b):
    num_nodes = x.shape[0]
    a, b = A_COEF, B_COEF
    # mlp + relu (dropout is identity in eval / deterministic mode)
    h = jax.nn.relu(x @ mlp_w.T + mlp_b)
    row = edge_index[0]
    col = edge_index[1]
    # gcn_norm without self loops: deg from col, norm = dinv[row]*dinv[col]
    deg = jnp.zeros((num_nodes,), x.dtype).at[col].add(jnp.ones((E,), x.dtype))
    dinv = jnp.where(deg > 0, jax.lax.rsqrt(jnp.maximum(deg, 1e-12)), 0.0)
    ew = dinv[row] * dinv[col]

    def spmm(X):
        # A_hat @ X with A_hat indices=(row,col): out[row] += ew * X[col]
        return jnp.zeros((num_nodes, X.shape[1]), X.dtype).at[row].add(ew[:, None] * X[col])

    Z_list = [h]
    coef1 = (a - b) / 2.0
    coef2 = (a + b + 2.0) / 2.0
    Z1 = coef1 * h + coef2 * spmm(h)
    Z_list.append(Z1)
    for k in range(2, K + 1):
        Z_last = Z_list[-1]
        Z_prev = Z_list[-2]
        phi_k = (2 * k + a + b) * (2 * k + a + b - 1) / (2 * k * (k + a + b))
        phi_p = (2 * k + a + b - 1) * (a ** 2 - b ** 2) / (2 * k * (k + a + b) * (2 * k + a + b - 2))
        phi_pp = (k + a - 1) * (k + b - 1) * (2 * k + a + b) / (k * (k + a + b) * (2 * k + a + b - 2))
        Z_list.append(phi_k * spmm(Z_last) + phi_p * Z_last - phi_pp * Z_prev)
    Zs = jnp.stack(Z_list, axis=0)  # [K+1, N, H]
    Hs = jnp.einsum('knh,khd->knd', Zs, W_weight) + W_bias[:, None, :]
    q = jnp.mean(Hs, axis=1)  # [K+1, H]
    scores = jnp.einsum('knh,kh->kn', Hs, q).T  # [N, K+1]
    scores = jnp.tanh(scores)
    alpha = jax.nn.softmax(scores, axis=1)
    Hp = jnp.transpose(Hs, (1, 0, 2))  # [N, K+1, H]
    Z_tilde = jnp.sum(alpha[:, :, None] * Hp, axis=1)
    Z_tilde = jax.nn.relu(Z_tilde)
    out = Z_tilde @ cls_w.T + cls_b
    return (out, Z_tilde, Zs, alpha)

if __name__ == "__main__":
    import jax
    _d = setup_inputs()
    print(jax.jit(kernel)(*tuple(_d.values())))

</pallas_src>

<mosaic_0001>
#map = affine_map<(d0, d1) -> (0, 0)>
#map1 = affine_map<(d0, d1) -> (0, 0, 0)>
module attributes {stable_mosaic.version = 14 : i64} {
  func.func @_ppass_body(%arg0: i32, %arg1: i32, %arg2: memref<10000x128xf32, #tpu.memory_space<hbm>>, %arg3: memref<2688x2x120xi32, #tpu.memory_space<hbm>>, %arg4: memref<640x128xf32, #tpu.memory_space<hbm>>, %arg5: memref<2x10240x128xf32, #tpu.memory_space<hbm>>, %arg6: memref<3x2x120xi32, #tpu.memory_space<vmem>>, %arg7: memref<3x120x128xf32, #tpu.memory_space<vmem>>, %arg8: memref<10240x128xf32, #tpu.memory_space<vmem_shared>>, %arg9: memref<3x!tpu.dma_semaphore, #tpu.memory_space<semaphore_mem>>, %arg10: memref<3x!tpu.dma_semaphore, #tpu.memory_space<semaphore_mem>>) attributes {dimension_semantics = [#tpu.dimension_semantics<core_parallel>, #tpu.dimension_semantics<subcore_parallel>], iteration_bounds = array<i64: 2, 16>, scalar_prefetch = 0 : i64, scratch_operands = 5 : i64, tpu.core_type = #tpu.core_type<sc_vector_subcore>, window_params = [{transform_indices = #map}, {transform_indices = #map1}, {transform_indices = #map}, {transform_indices = #map1}]} {
    %mul3A = arith.constant 2 : i32
    %mul3A_0 = arith.muli %arg1, %mul3A : i32
    %add3A = arith.addi %mul3A_0, %arg0 : i32
    %add3A_1 = arith.constant 0 : i32
    %add3A_2 = arith.addi %add3A, %add3A_1 : i32
    %min3A = arith.constant 2687 : i32
    %min3A_3 = arith.minsi %add3A_2, %min3A : i32
    %dma_start3A = arith.constant 0 : i32
    %dma_start3A_4 = arith.constant 0 : i32
    %dma_start3A_5 = arith.constant 0 : i32
    %dma_start3A_6 = arith.constant 0 : i32
    %dma_start3A_7 = tpu.memref_slice %arg6[%dma_start3A, %dma_start3A_5, %dma_start3A_6] : memref<3x2x120xi32, #tpu.memory_space<vmem>> -> memref<1x2x120xi32, #tpu.memory_space<vmem>>
    %dma_start3A_8 = tpu.memref_squeeze %dma_start3A_7 : memref<1x2x120xi32, #tpu.memory_space<vmem>> -> memref<2x120xi32, #tpu.memory_space<vmem>>
    %dma_start3A_9 = arith.constant 0 : i32
    %dma_start3A_10 = arith.constant 0 : i32
    %dma_start3A_11 = tpu.memref_slice %arg3[%min3A_3, %dma_start3A_9, %dma_start3A_10] : memref<2688x2x120xi32, #tpu.memory_space<hbm>> -> memref<1x2x120xi32, #tpu.memory_space<hbm>>
    %dma_start3A_12 = tpu.memref_squeeze %dma_start3A_11 : memref<1x2x120xi32, #tpu.memory_space<hbm>> -> memref<2x120xi32, #tpu.memory_space<hbm>>
    %dma_start3A_13 = tpu.memref_slice %arg10[%dma_start3A_4] : memref<3x!tpu.dma_semaphore, #tpu.memory_space<semaphore_mem>> -> memref<1x!tpu.dma_semaphore, #tpu.memory_space<semaphore_mem>>
    %dma_start3A_14 = tpu.memref_squeeze %dma_start3A_13 : memref<1x!tpu.dma_semaphore, #tpu.memory_space<semaphore_mem>> -> memref<!tpu.dma_semaphore, #tpu.memory_space<semaphore_mem>>
    %dma_start3A_15 = arith.constant 0 : i32
    %dma_start3A_16 = arith.constant 0 : i32
    %dma_start3A_17 = tpu.memref_slice %arg6[%dma_start3A, %dma_start3A_15, %dma_start3A_16] : memref<3x2x120xi32, #tpu.memory_space<vmem>> -> memref<1x2x120xi32, #tpu.memory_space<vmem>>
    %dma_start3A_18 = tpu.memref_squeeze %dma_start3A_17 : memref<1x2x120xi32, #tpu.memory_space<vmem>> -> memref<2x120xi32, #tpu.memory_space<vmem>>
    %dma_start3A_19 = arith.constant 0 : i32
    %dma_start3A_20 = arith.constant 0 : i32
    %dma_start3A_21 = tpu.memref_slice %arg3[%min3A_3, %dma_start3A_19, %dma_start3A_20] : memref<2688x2x120xi32, #tpu.memory_space<hbm>> -> memref<1x2x120xi32, #tpu.memory_space<hbm>>
    %dma_start3A_22 = tpu.memref_squeeze %dma_start3A_21 : memref<1x2x120xi32, #tpu.memory_space<hbm>> -> memref<2x120xi32, #tpu.memory_space<hbm>>
    tpu.enqueue_dma source(%dma_start3A_22 : memref<2x120xi32, #tpu.memory_space<hbm>>) target(%dma_start3A_18 : memref<2x120xi32, #tpu.memory_space<vmem>>) target_semaphore(%dma_start3A_14 : memref<!tpu.dma_semaphore, #tpu.memory_space<semaphore_mem>>)
    %add3A_23 = arith.constant 32 : i32
    %add3A_24 = arith.addi %add3A, %add3A_23 : i32
    %min3A_25 = arith.constant 2687 : i32
    %min3A_26 = arith.minsi %add3A_24, %min3A_25 : i32
    %dma_start3A_27 = arith.constant 1 : i32
    %dma_start3A_28 = arith.constant 1 : i32
    %dma_start3A_29 = arith.constant 0 : i32
    %dma_start3A_30 = arith.constant 0 : i32
    %dma_start3A_31 = tpu.memref_slice %arg6[%dma_start3A_27, %dma_start3A_29, %dma_start3A_30] : memref<3x2x120xi32, #tpu.memory_space<vmem>> -> memref<1x2x120xi32, #tpu.memory_space<vmem>>
    %dma_start3A_32 = tpu.memref_squeeze %dma_start3A_31 : memref<1x2x120xi32, #tpu.memory_space<vmem>> -> memref<2x120xi32, #tpu.memory_space<vmem>>
    %dma_start3A_33 = arith.constant 0 : i32
    %dma_start3A_34 = arith.constant 0 : i32
    %dma_start3A_35 = tpu.memref_slice %arg3[%min3A_26, %dma_start3A_33, %dma_start3A_34] : memref<2688x2x120xi32, #tpu.memory_space<hbm>> -> memref<1x2x120xi32, #tpu.memory_space<hbm>>
    %dma_start3A_36 = tpu.memref_squeeze %dma_start3A_35 : memref<1x2x120xi32, #tpu.memory_space<hbm>> -> memref<2x120xi32, #tpu.memory_space<hbm>>
    %dma_start3A_37 = tpu.memref_slice %arg10[%dma_start3A_28] : memref<3x!tpu.dma_semaphore, #tpu.memory_space<semaphore_mem>> -> memref<1x!tpu.dma_semaphore, #tpu.memory_space<semaphore_mem>>
    %dma_start3A_38 = tpu.memref_squeeze %dma_start3A_37 : memref<1x!tpu.dma_semaphore, #tpu.memory_space<semaphore_mem>> -> memref<!tpu.dma_semaphore, #tpu.memory_space<semaphore_mem>>
    %dma_start3A_39 = arith.constant 0 : i32
    %dma_start3A_40 = arith.constant 0 : i32
    %dma_start3A_41 = tpu.memref_slice %arg6[%dma_start3A_27, %dma_start3A_39, %dma_start3A_40] : memref<3x2x120xi32, #tpu.memory_space<vmem>> -> memref<1x2x120xi32, #tpu.memory_space<vmem>>
    %dma_start3A_42 = tpu.memref_squeeze %dma_start3A_41 : memref<1x2x120xi32, #tpu.memory_space<vmem>> -> memref<2x120xi32, #tpu.memory_space<vmem>>
    %dma_start3A_43 = arith.constant 0 : i32
    %dma_start3A_44 = arith.constant 0 : i32
    %dma_start3A_45 = tpu.memref_slice %arg3[%min3A_26, %dma_start3A_43, %dma_start3A_44] : memref<2688x2x120xi32, #tpu.memory_space<hbm>> -> memref<1x2x120xi32, #tpu.memory_space<hbm>>
    %dma_start3A_46 = tpu.memref_squeeze %dma_start3A_45 : memref<1x2x120xi32, #tpu.memory_space<hbm>> -> memref<2x120xi32, #tpu.memory_space<hbm>>
    tpu.enqueue_dma source(%dma_start3A_46 : memref<2x120xi32, #tpu.memory_space<hbm>>) target(%dma_start3A_42 : memref<2x120xi32, #tpu.memory_space<vmem>>) target_semaphore(%dma_start3A_38 : memref<!tpu.dma_semaphore, #tpu.memory_space<semaphore_mem>>)
    %dma_wait3A = arith.constant 0 : i32
    %dma_wait3A_47 = arith.constant 0 : i32
    %dma_wait3A_48 = arith.constant 0 : i32
    %dma_wait3A_49 = arith.constant 0 : i32
    %dma_wait3A_50 = arith.constant 0 : i32
    %dma_wait3A_51 = tpu.memref_slice %arg6[%dma_wait3A_47, %dma_wait3A_49, %dma_wait3A_50] : memref<3x2x120xi32, #tpu.memory_space<vmem>> -> memref<1x2x120xi32, #tpu.memory_space<vmem>>
    %dma_wait3A_52 = tpu.memref_squeeze %dma_wait3A_51 : memref<1x2x120xi32, #tpu.memory_space<vmem>> -> memref<2x120xi32, #tpu.memory_space<vmem>>
    %dma_wait3A_53 = arith.constant 0 : i32
    %dma_wait3A_54 = arith.constant 0 : i32
    %dma_wait3A_55 = tpu.memref_slice %arg3[%dma_wait3A, %dma_wait3A_53, %dma_wait3A_54] : memref<2688x2x120xi32, #tpu.memory_space<hbm>> -> memref<1x2x120xi32, #tpu.memory_space<hbm>>
    %dma_wait3A_56 = tpu.memref_squeeze %dma_wait3A_55 : memref<1x2x120xi32, #tpu.memory_space<hbm>> -> memref<2x120xi32, #tpu.memory_space<hbm>>
    %dma_wait3A_57 = tpu.memref_slice %arg10[%dma_wait3A_48] : memref<3x!tpu.dma_semaphore, #tpu.memory_space<semaphore_mem>> -> memref<1x!tpu.dma_semaphore, #tpu.memory_space<semaphore_mem>>
    %dma_wait3A_58 = tpu.memref_squeeze %dma_wait3A_57 : memref<1x!tpu.dma_semaphore, #tpu.memory_space<semaphore_mem>> -> memref<!tpu.dma_semaphore, #tpu.memory_space<semaphore_mem>>
    %dma_wait3A_59 = arith.constant 0 : i32
    %dma_wait3A_60 = arith.constant 0 : i32
    %dma_wait3A_61 = tpu.memref_slice %arg6[%dma_wait3A_47, %dma_wait3A_59, %dma_wait3A_60] : memref<3x2x120xi32, #tpu.memory_space<vmem>> -> memref<1x2x120xi32, #tpu.memory_space<vmem>>
    %dma_wait3A_62 = tpu.memref_squeeze %dma_wait3A_61 : memref<1x2x120xi32, #tpu.memory_space<vmem>> -> memref<2x120xi32, #tpu.memory_space<vmem>>
    %dma_wait3A_63 = arith.constant 0 : i32
    %dma_wait3A_64 = arith.constant 0 : i32
    %dma_wait3A_65 = tpu.memref_slice %arg3[%dma_wait3A, %dma_wait3A_63, %dma_wait3A_64] : memref<2688x2x120xi32, #tpu.memory_space<hbm>> -> memref<1x2x120xi32, #tpu.memory_space<hbm>>
    %dma_wait3A_66 = tpu.memref_squeeze %dma_wait3A_65 : memref<1x2x120xi32, #tpu.memory_space<hbm>> -> memref<2x120xi32, #tpu.memory_space<hbm>>
    tpu.wait_dma2 semaphore(%dma_wait3A_58 : memref<!tpu.dma_semaphore, #tpu.memory_space<semaphore_mem>>) src(%dma_wait3A_66 : memref<2x120xi32, #tpu.memory_space<hbm>>) dst(%dma_wait3A_62 : memref<2x120xi32, #tpu.memory_space<vmem>>)
    %dma_start3A_67 = arith.constant 0 : i32
    %dma_start3A_68 = arith.constant 0 : i32
    %dma_start3A_69 = arith.constant 0 : i32
    %dma_start3A_70 = arith.constant 0 : i32
    %dma_start3A_71 = arith.constant 0 : i32
    %dma_start3A_72 = arith.constant 0 : i32
    %dma_start3A_73 = tpu.memref_slice %arg7[%dma_start3A_69, %dma_start3A_71, %dma_start3A_72] : memref<3x120x128xf32, #tpu.memory_space<vmem>> -> memref<1x120x128xf32, #tpu.memory_space<vmem>>
    %dma_start3A_74 = tpu.memref_squeeze %dma_start3A_73 : memref<1x120x128xf32, #tpu.memory_space<vmem>> -> memref<120x128xf32, #tpu.memory_space<vmem>>
    %dma_start3A_75 = arith.constant 0 : i32
    %dma_start3A_76 = tpu.memref_slice %arg6[%dma_start3A_67, %dma_start3A_68, %dma_start3A_75] : memref<3x2x120xi32, #tpu.memory_space<vmem>> -> memref<1x1x120xi32, #tpu.memory_space<vmem>>
    %dma_start3A_77 = tpu.memref_squeeze %dma_start3A_76 : memref<1x1x120xi32, #tpu.memory_space<vmem>> -> memref<120xi32, #tpu.memory_space<vmem>>
    %dma_start3A_78 = arith.constant 0 : i32
    %dma_start3A_79 = arith.constant 0 : i32
    %dma_start3A_80 = tpu.memref_slice %arg2[%dma_start3A_78, %dma_start3A_79] : memref<10000x128xf32, #tpu.memory_space<hbm>> -> memref<10000x128xf32, #tpu.memory_space<hbm>>
    %dma_start3A_81 = tpu.memref_slice %arg9[%dma_start3A_70] : memref<3x!tpu.dma_semaphore, #tpu.memory_space<semaphore_mem>> -> memref<1x!tpu.dma_semaphore, #tpu.memory_space<semaphore_mem>>
    %dma_start3A_82 = tpu.memref_squeeze %dma_start3A_81 : memref<1x!tpu.dma_semaphore, #tpu.memory_space<semaphore_mem>> -> memref<!tpu.dma_semaphore, #tpu.memory_space<semaphore_mem>>
    tpu.enqueue_indirect_dma source(%dma_start3A_80 : memref<10000x128xf32, #tpu.memory_space<hbm>>) target(%dma_start3A_74 : memref<120x128xf32, #tpu.memory_space<vmem>>) offsets(%dma_start3A_77 : memref<120xi32, #tpu.memory_space<vmem>>) semaphore(%dma_start3A_82 : memref<!tpu.dma_semaphore, #tpu.memory_space<semaphore_mem>>)
    %dma_wait3A_83 = arith.constant 0 : i32
    %dma_wait3A_84 = arith.constant 1 : i32
    %dma_wait3A_85 = arith.constant 1 : i32
    %dma_wait3A_86 = arith.constant 0 : i32
    %dma_wait3A_87 = arith.constant 0 : i32
    %dma_wait3A_88 = tpu.memref_slice %arg6[%dma_wait3A_84, %dma_wait3A_86, %dma_wait3A_87] : memref<3x2x120xi32, #tpu.memory_space<vmem>> -> memref<1x2x120xi32, #tpu.memory_space<vmem>>
    %dma_wait3A_89 = tpu.memref_squeeze %dma_wait3A_88 : memref<1x2x120xi32, #tpu.memory_space<vmem>> -> memref<2x120xi32, #tpu.memory_space<vmem>>
    %dma_wait3A_90 = arith.constant 0 : i32
    %dma_wait3A_91 = arith.constant 0 : i32
    %dma_wait3A_92 = tpu.memref_slice %arg3[%dma_wait3A_83, %dma_wait3A_90, %dma_wait3A_91] : memref<2688x2x120xi32, #tpu.memory_space<hbm>> -> memref<1x2x120xi32, #tpu.memory_space<hbm>>
    %dma_wait3A_93 = tpu.memref_squeeze %dma_wait3A_92 : memref<1x2x120xi32, #tpu.memory_space<hbm>> -> memref<2x120xi32, #tpu.memory_space<hbm>>
    %dma_wait3A_94 = tpu.memref_slice %arg10[%dma_wait3A_85] : memref<3x!tpu.dma_semaphore, #tpu.memory_space<semaphore_mem>> -> memref<1x!tpu.dma_semaphore, #tpu.memory_space<semaphore_mem>>
    %dma_wait3A_95 = tpu.memref_squeeze %dma_wait3A_94 : memref<1x!tpu.dma_semaphore, #tpu.memory_space<semaphore_mem>> -> memref<!tpu.dma_semaphore, #tpu.memory_space<semaphore_mem>>
    %dma_wait3A_96 = arith.constant 0 : i32
    %dma_wait3A_97 = arith.constant 0 : i32
    %dma_wait3A_98 = tpu.memref_slice %arg6[%dma_wait3A_84, %dma_wait3A_96, %dma_wait3A_97] : memref<3x2x120xi32, #tpu.memory_space<vmem>> -> memref<1x2x120xi32, #tpu.memory_space<vmem>>
    %dma_wait3A_99 = tpu.memref_squeeze %dma_wait3A_98 : memref<1x2x120xi32, #tpu.memory_space<vmem>> -> memref<2x120xi32, #tpu.memory_space<vmem>>
    %dma_wait3A_100 = arith.constant 0 : i32
    %dma_wait3A_101 = arith.constant 0 : i32
    %dma_wait3A_102 = tpu.memref_slice %arg3[%dma_wait3A_83, %dma_wait3A_100, %dma_wait3A_101] : memref<2688x2x120xi32, #tpu.memory_space<hbm>> -> memref<1x2x120xi32, #tpu.memory_space<hbm>>
    %dma_wait3A_103 = tpu.memref_squeeze %dma_wait3A_102 : memref<1x2x120xi32, #tpu.memory_space<hbm>> -> memref<2x120xi32, #tpu.memory_space<hbm>>
    tpu.wait_dma2 semaphore(%dma_wait3A_95 : memref<!tpu.dma_semaphore, #tpu.memory_space<semaphore_mem>>) src(%dma_wait3A_103 : memref<2x120xi32, #tpu.memory_space<hbm>>) dst(%dma_wait3A_99 : memref<2x120xi32, #tpu.memory_space<vmem>>)
    %dma_start3A_104 = arith.constant 1 : i32
    %dma_start3A_105 = arith.constant 0 : i32
    %dma_start3A_106 = arith.constant 1 : i32
    %dma_start3A_107 = arith.constant 1 : i32
    %dma_start3A_108 = arith.constant 0 : i32
    %dma_start3A_109 = arith.constant 0 : i32
    %dma_start3A_110 = tpu.memref_slice %arg7[%dma_start3A_106, %dma_start3A_108, %dma_start3A_109] : memref<3x120x128xf32, #tpu.memory_space<vmem>> -> memref<1x120x128xf32, #tpu.memory_space<vmem>>
    %dma_start3A_111 = tpu.memref_squeeze %dma_start3A_110 : memref<1x120x128xf32, #tpu.memory_space<vmem>> -> memref<120x128xf32, #tpu.memory_space<vmem>>
    %dma_start3A_112 = arith.constant 0 : i32
    %dma_start3A_113 = tpu.memref_slice %arg6[%dma_start3A_104, %dma_start3A_105, %dma_start3A_112] : memref<3x2x120xi32, #tpu.memory_space<vmem>> -> memref<1x1x120xi32, #tpu.memory_space<vmem>>
    %dma_start3A_114 = tpu.memref_squeeze %dma_start3A_113 : memref<1x1x120xi32, #tpu.memory_space<vmem>> -> memref<120xi32, #tpu.memory_space<vmem>>
    %dma_start3A_115 = arith.constant 0 : i32
    %dma_start3A_116 = arith.constant 0 : i32
    %dma_start3A_117 = tpu.memref_slice %arg2[%dma_start3A_115, %dma_start3A_116] : memref<10000x128xf32, #tpu.memory_space<hbm>> -> memref<10000x128xf32, #tpu.memory_space<hbm>>
    %dma_start3A_118 = tpu.memref_slice %arg9[%dma_start3A_107] : memref<3x!tpu.dma_semaphore, #tpu.memory_space<semaphore_mem>> -> memref<1x!tpu.dma_semaphore, #tpu.memory_space<semaphore_mem>>
    %dma_start3A_119 = tpu.memref_squeeze %dma_start3A_118 : memref<1x!tpu.dma_semaphore, #tpu.memory_space<semaphore_mem>> -> memref<!tpu.dma_semaphore, #tpu.memory_space<semaphore_mem>>
    tpu.enqueue_indirect_dma source(%dma_start3A_117 : memref<10000x128xf32, #tpu.memory_space<hbm>>) target(%dma_start3A_111 : memref<120x128xf32, #tpu.memory_space<vmem>>) offsets(%dma_start3A_114 : memref<120xi32, #tpu.memory_space<vmem>>) semaphore(%dma_start3A_119 : memref<!tpu.dma_semaphore, #tpu.memory_space<semaphore_mem>>)
    %add3A_120 = arith.constant 64 : i32
    %add3A_121 = arith.addi %add3A, %add3A_120 : i32
    %min3A_122 = arith.constant 2687 : i32
    %min3A_123 = arith.minsi %add3A_121, %min3A_122 : i32
    %dma_start3A_124 = arith.constant 2 : i32
    %dma_start3A_125 = arith.constant 2 : i32
    %dma_start3A_126 = arith.constant 0 : i32
    %dma_start3A_127 = arith.constant 0 : i32
    %dma_start3A_128 = tpu.memref_slice %arg6[%dma_start3A_124, %dma_start3A_126, %dma_start3A_127] : memref<3x2x120xi32, #tpu.memory_space<vmem>> -> memref<1x2x120xi32, #tpu.memory_space<vmem>>
    %dma_start3A_129 = tpu.memref_squeeze %dma_start3A_128 : memref<1x2x120xi32, #tpu.memory_space<vmem>> -> memref<2x120xi32, #tpu.memory_space<vmem>>
    %dma_start3A_130 = arith.constant 0 : i32
    %dma_start3A_131 = arith.constant 0 : i32
    %dma_start3A_132 = tpu.memref_slice %arg3[%min3A_123, %dma_start3A_130, %dma_start3A_131] : memref<2688x2x120xi32, #tpu.memory_space<hbm>> -> memref<1x2x120xi32, #tpu.memory_space<hbm>>
    %dma_start3A_133 = tpu.memref_squeeze %dma_start3A_132 : memref<1x2x120xi32, #tpu.memory_space<hbm>> -> memref<2x120xi32, #tpu.memory_space<hbm>>
    %dma_start3A_134 = tpu.memref_slice %arg10[%dma_start3A_125] : memref<3x!tpu.dma_semaphore, #tpu.memory_space<semaphore_mem>> -> memref<1x!tpu.dma_semaphore, #tpu.memory_space<semaphore_mem>>
    %dma_start3A_135 = tpu.memref_squeeze %dma_start3A_134 : memref<1x!tpu.dma_semaphore, #tpu.memory_space<semaphore_mem>> -> memref<!tpu.dma_semaphore, #tpu.memory_space<semaphore_mem>>
    %dma_start3A_136 = arith.constant 0 : i32
    %dma_start3A_137 = arith.constant 0 : i32
    %dma_start3A_138 = tpu.memref_slice %arg6[%dma_start3A_124, %dma_start3A_136, %dma_start3A_137] : memref<3x2x120xi32, #tpu.memory_space<vmem>> -> memref<1x2x120xi32, #tpu.memory_space<vmem>>
    %dma_start3A_139 = tpu.memref_squeeze %dma_start3A_138 : memref<1x2x120xi32, #tpu.memory_space<vmem>> -> memref<2x120xi32, #tpu.memory_space<vmem>>
    %dma_start3A_140 = arith.constant 0 : i32
    %dma_start3A_141 = arith.constant 0 : i32
    %dma_start3A_142 = tpu.memref_slice %arg3[%min3A_123, %dma_start3A_140, %dma_start3A_141] : memref<2688x2x120xi32, #tpu.memory_space<hbm>> -> memref<1x2x120xi32, #tpu.memory_space<hbm>>
    %dma_start3A_143 = tpu.memref_squeeze %dma_start3A_142 : memref<1x2x120xi32, #tpu.memory_space<hbm>> -> memref<2x120xi32, #tpu.memory_space<hbm>>
    tpu.enqueue_dma source(%dma_start3A_143 : memref<2x120xi32, #tpu.memory_space<hbm>>) target(%dma_start3A_139 : memref<2x120xi32, #tpu.memory_space<vmem>>) target_semaphore(%dma_start3A_135 : memref<!tpu.dma_semaphore, #tpu.memory_space<semaphore_mem>>)
    %mul3A_144 = arith.constant 640 : i32
    %mul3A_145 = arith.muli %arg1, %mul3A_144 : i32
    "tpu.region"() ({
      %run_scoped3A_250 = tpu.sem_alloc : memref<!tpu.dma_semaphore, #tpu.memory_space<semaphore_mem>>
      %dma_start3A_251 = arith.constant 0 : i32
      %dma_start3A_252 = tpu.memref_slice %arg8[%mul3A_145, %dma_start3A_251] : memref<10240x128xf32, #tpu.memory_space<vmem_shared>> -> memref<640x128xf32, #tpu.memory_space<vmem_shared>>
      tpu.enqueue_dma source(%arg4 : memref<640x128xf32, #tpu.memory_space<hbm>>) target(%dma_start3A_252 : memref<640x128xf32, #tpu.memory_space<vmem_shared>>) target_semaphore(%run_scoped3A_250 : memref<!tpu.dma_semaphore, #tpu.memory_space<semaphore_mem>>)
      %dma_wait3A_253 = arith.constant 0 : i32
      %dma_wait3A_254 = tpu.memref_slice %arg8[%mul3A_145, %dma_wait3A_253] : memref<10240x128xf32, #tpu.memory_space<vmem_shared>> -> memref<640x128xf32, #tpu.memory_space<vmem_shared>>
      tpu.wait_dma2 semaphore(%run_scoped3A_250 : memref<!tpu.dma_semaphore, #tpu.memory_space<semaphore_mem>>) src(%arg4 : memref<640x128xf32, #tpu.memory_space<hbm>>) dst(%dma_wait3A_254 : memref<640x128xf32, #tpu.memory_space<vmem_shared>>)
      tpu.yield
    }) : () -> ()
    %barrier3A = arith.constant 0 : index
    tpu.barrier barrier_id(%barrier3A)
    %scan3A = arith.constant 0 : i32
    %scan3A_146 = arith.constant 0 : i32
    %scan3A_147 = arith.constant 27 : i32
    %scan3A_148 = arith.addi %scan3A_146, %scan3A_147 : i32
    %scan3A_149 = arith.constant 1 : i32
    %scan3A_150 = scf.for %scan3A_250 = %scan3A_146 to %scan3A_148 step %scan3A_149 iter_args(%scan3A_251 = %scan3A) -> (i32)  : i32 {
      %mul3A_252 = arith.constant 3 : i32
      %mul3A_253 = arith.muli %mul3A_252, %scan3A_250 : i32
      %add3A_254 = arith.constant 0 : i32
      %add3A_255 = arith.addi %mul3A_253, %add3A_254 : i32
      %dma_wait3A_256 = arith.constant 0 : i32
      %dma_wait3A_257 = arith.constant 2 : i32
      %dma_wait3A_258 = arith.constant 2 : i32
      %dma_wait3A_259 = arith.constant 0 : i32
      %dma_wait3A_260 = arith.constant 0 : i32
      %dma_wait3A_261 = tpu.memref_slice %arg6[%dma_wait3A_257, %dma_wait3A_259, %dma_wait3A_260] : memref<3x2x120xi32, #tpu.memory_space<vmem>> -> memref<1x2x120xi32, #tpu.memory_space<vmem>>
      %dma_wait3A_262 = tpu.memref_squeeze %dma_wait3A_261 : memref<1x2x120xi32, #tpu.memory_space<vmem>> -> memref<2x120xi32, #tpu.memory_space<vmem>>
      %dma_wait3A_263 = arith.constant 0 : i32
      %dma_wait3A_264 = arith.constant 0 : i32
      %dma_wait3A_265 = tpu.memref_slice %arg3[%dma_wait3A_256, %dma_wait3A_263, %dma_wait3A_264] : memref<2688x2x120xi32, #tpu.memory_space<hbm>> -> memref<1x2x120xi32, #tpu.memory_space<hbm>>
      %dma_wait3A_266 = tpu.memref_squeeze %dma_wait3A_265 : memref<1x2x120xi32, #tpu.memory_space<hbm>> -> memref<2x120xi32, #tpu.memory_space<hbm>>
      %dma_wait3A_267 = tpu.memref_slice %arg10[%dma_wait3A_258] : memref<3x!tpu.dma_semaphore, #tpu.memory_space<semaphore_mem>> -> memref<1x!tpu.dma_semaphore, #tpu.memory_space<semaphore_mem>>
      %dma_wait3A_268 = tpu.memref_squeeze %dma_wait3A_267 : memref<1x!tpu.dma_semaphore, #tpu.memory_space<semaphore_mem>> -> memref<!tpu.dma_semaphore, #tpu.memory_space<semaphore_mem>>
      %dma_wait3A_269 = arith.constant 0 : i32
      %dma_wait3A_270 = arith.constant 0 : i32
      %dma_wait3A_271 = tpu.memref_slice %arg6[%dma_wait3A_257, %dma_wait3A_269, %dma_wait3A_270] : memref<3x2x120xi32, #tpu.memory_space<vmem>> -> memref<1x2x120xi32, #tpu.memory_space<vmem>>
      %dma_wait3A_272 = tpu.memref_squeeze %dma_wait3A_271 : memref<1x2x120xi32, #tpu.memory_space<vmem>> -> memref<2x120xi32, #tpu.memory_space<vmem>>
      %dma_wait3A_273 = arith.constant 0 : i32
      %dma_wait3A_274 = arith.constant 0 : i32
      %dma_wait3A_275 = tpu.memref_slice %arg3[%dma_wait3A_256, %dma_wait3A_273, %dma_wait3A_274] : memref<2688x2x120xi32, #tpu.memory_space<hbm>> -> memref<1x2x120xi32, #tpu.memory_space<hbm>>
      %dma_wait3A_276 = tpu.memref_squeeze %dma_wait3A_275 : memref<1x2x120xi32, #tpu.memory_space<hbm>> -> memref<2x120xi32, #tpu.memory_space<hbm>>
      tpu.wait_dma2 semaphore(%dma_wait3A_268 : memref<!tpu.dma_semaphore, #tpu.memory_space<semaphore_mem>>) src(%dma_wait3A_276 : memref<2x120xi32, #tpu.memory_space<hbm>>) dst(%dma_wait3A_272 : memref<2x120xi32, #tpu.memory_space<vmem>>)
      %dma_start3A_277 = arith.constant 2 : i32
      %dma_start3A_278 = arith.constant 0 : i32
      %dma_start3A_279 = arith.constant 2 : i32
      %dma_start3A_280 = arith.constant 2 : i32
      %dma_start3A_281 = arith.constant 0 : i32
      %dma_start3A_282 = arith.constant 0 : i32
      %dma_start3A_283 = tpu.memref_slice %arg7[%dma_start3A_279, %dma_start3A_281, %dma_start3A_282] : memref<3x120x128xf32, #tpu.memory_space<vmem>> -> memref<1x120x128xf32, #tpu.memory_space<vmem>>
      %dma_start3A_284 = tpu.memref_squeeze %dma_start3A_283 : memref<1x120x128xf32, #tpu.memory_space<vmem>> -> memref<120x128xf32, #tpu.memory_space<vmem>>
      %dma_start3A_285 = arith.constant 0 : i32
      %dma_start3A_286 = tpu.memref_slice %arg6[%dma_start3A_277, %dma_start3A_278, %dma_start3A_285] : memref<3x2x120xi32, #tpu.memory_space<vmem>> -> memref<1x1x120xi32, #tpu.memory_space<vmem>>
      %dma_start3A_287 = tpu.memref_squeeze %dma_start3A_286 : memref<1x1x120xi32, #tpu.memory_space<vmem>> -> memref<120xi32, #tpu.memory_space<vmem>>
      %dma_start3A_288 = arith.constant 0 : i32
      %dma_start3A_289 = arith.constant 0 : i32
      %dma_start3A_290 = tpu.memref_slice %arg2[%dma_start3A_288, %dma_start3A_289] : memref<10000x128xf32, #tpu.memory_space<hbm>> -> memref<10000x128xf32, #tpu.memory_space<hbm>>
      %dma_start3A_291 = tpu.memref_slice %arg9[%dma_start3A_280] : memref<3x!tpu.dma_semaphore, #tpu.memory_space<semaphore_mem>> -> memref<1x!tpu.dma_semaphore, #tpu.memory_space<semaphore_mem>>
      %dma_start3A_292 = tpu.memref_squeeze %dma_start3A_291 : memref<1x!tpu.dma_semaphore, #tpu.memory_space<semaphore_mem>> -> memref<!tpu.dma_semaphore, #tpu.memory_space<semaphore_mem>>
      tpu.enqueue_indirect_dma source(%dma_start3A_290 : memref<10000x128xf32, #tpu.memory_space<hbm>>) target(%dma_start3A_284 : memref<120x128xf32, #tpu.memory_space<vmem>>) offsets(%dma_start3A_287 : memref<120xi32, #tpu.memory_space<vmem>>) semaphore(%dma_start3A_292 : memref<!tpu.dma_semaphore, #tpu.memory_space<semaphore_mem>>)
      %dma_wait3A_293 = arith.constant 0 : i32
      %dma_wait3A_294 = arith.constant 0 : i32
      %dma_wait3A_295 = arith.constant 0 : i32
      %dma_wait3A_296 = arith.constant 0 : i32
      %dma_wait3A_297 = arith.constant 0 : i32
      %dma_wait3A_298 = arith.constant 0 : i32
      %dma_wait3A_299 = tpu.memref_slice %arg7[%dma_wait3A_295, %dma_wait3A_297, %dma_wait3A_298] : memref<3x120x128xf32, #tpu.memory_space<vmem>> -> memref<1x120x128xf32, #tpu.memory_space<vmem>>
      %dma_wait3A_300 = tpu.memref_squeeze %dma_wait3A_299 : memref<1x120x128xf32, #tpu.memory_space<vmem>> -> memref<120x128xf32, #tpu.memory_space<vmem>>
      %dma_wait3A_301 = arith.constant 0 : i32
      %dma_wait3A_302 = tpu.memref_slice %arg6[%dma_wait3A_293, %dma_wait3A_294, %dma_wait3A_301] : memref<3x2x120xi32, #tpu.memory_space<vmem>> -> memref<1x1x120xi32, #tpu.memory_space<vmem>>
      %dma_wait3A_303 = tpu.memref_squeeze %dma_wait3A_302 : memref<1x1x120xi32, #tpu.memory_space<vmem>> -> memref<120xi32, #tpu.memory_space<vmem>>
      %dma_wait3A_304 = arith.constant 0 : i32
      %dma_wait3A_305 = arith.constant 0 : i32
      %dma_wait3A_306 = tpu.memref_slice %arg2[%dma_wait3A_304, %dma_wait3A_305] : memref<10000x128xf32, #tpu.memory_space<hbm>> -> memref<10000x128xf32, #tpu.memory_space<hbm>>
      %dma_wait3A_307 = tpu.memref_slice %arg9[%dma_wait3A_296] : memref<3x!tpu.dma_semaphore, #tpu.memory_space<semaphore_mem>> -> memref<1x!tpu.dma_semaphore, #tpu.memory_space<semaphore_mem>>
      %dma_wait3A_308 = tpu.memref_squeeze %dma_wait3A_307 : memref<1x!tpu.dma_semaphore, #tpu.memory_space<semaphore_mem>> -> memref<!tpu.dma_semaphore, #tpu.memory_space<semaphore_mem>>
      tpu.wait_indirect_dma semaphore(%dma_wait3A_308 : memref<!tpu.dma_semaphore, #tpu.memory_space<semaphore_mem>>) src(%dma_wait3A_306 : memref<10000x128xf32, #tpu.memory_space<hbm>>) dst(%dma_wait3A_300 : memref<120x128xf32, #tpu.memory_space<vmem>>)
      %run_scoped3A_309 = arith.constant 0 : i32
      %run_scoped3A_310 = arith.constant 0 : i32
      %run_scoped3A_311 = arith.constant 1 : i32
      "tpu.region"() ({
        %run_scoped3A_514 = tpu.sem_alloc : memref<!tpu.dma_semaphore, #tpu.memory_space<semaphore_mem>>
        %dma_start3A_515 = arith.constant 0 : i32
        %dma_start3A_516 = arith.constant 0 : i32
        %dma_start3A_517 = tpu.memref_slice %arg7[%run_scoped3A_309, %dma_start3A_515, %dma_start3A_516] : memref<3x120x128xf32, #tpu.memory_space<vmem>> -> memref<1x120x128xf32, #tpu.memory_space<vmem>>
        %dma_start3A_518 = tpu.memref_squeeze %dma_start3A_517 : memref<1x120x128xf32, #tpu.memory_space<vmem>> -> memref<120x128xf32, #tpu.memory_space<vmem>>
        %dma_start3A_519 = arith.constant 0 : i32
        %dma_start3A_520 = tpu.memref_slice %arg6[%run_scoped3A_310, %run_scoped3A_311, %dma_start3A_519] : memref<3x2x120xi32, #tpu.memory_space<vmem>> -> memref<1x1x120xi32, #tpu.memory_space<vmem>>
        %dma_start3A_521 = tpu.memref_squeeze %dma_start3A_520 : memref<1x1x120xi32, #tpu.memory_space<vmem>> -> memref<120xi32, #tpu.memory_space<vmem>>
        %dma_start3A_522 = arith.constant 0 : i32
        %dma_start3A_523 = arith.constant 0 : i32
        %dma_start3A_524 = tpu.memref_slice %arg8[%dma_start3A_522, %dma_start3A_523] : memref<10240x128xf32, #tpu.memory_space<vmem_shared>> -> memref<10240x128xf32, #tpu.memory_space<vmem_shared>>
        tpu.enqueue_indirect_dma source(%dma_start3A_518 : memref<120x128xf32, #tpu.memory_space<vmem>>) target(%dma_start3A_524 : memref<10240x128xf32, #tpu.memory_space<vmem_shared>>) offsets(%dma_start3A_521 : memref<120xi32, #tpu.memory_space<vmem>>) semaphore(%run_scoped3A_514 : memref<!tpu.dma_semaphore, #tpu.memory_space<semaphore_mem>>) {add = true}
        %dma_wait3A_525 = arith.constant 0 : i32
        %dma_wait3A_526 = arith.constant 0 : i32
        %dma_wait3A_527 = tpu.memref_slice %arg7[%run_scoped3A_309, %dma_wait3A_525, %dma_wait3A_526] : memref<3x120x128xf32, #tpu.memory_space<vmem>> -> memref<1x120x128xf32, #tpu.memory_space<vmem>>
        %dma_wait3A_528 = tpu.memref_squeeze %dma_wait3A_527 : memref<1x120x128xf32, #tpu.memory_space<vmem>> -> memref<120x128xf32, #tpu.memory_space<vmem>>
        %dma_wait3A_529 = arith.constant 0 : i32
        %dma_wait3A_530 = tpu.memref_slice %arg6[%run_scoped3A_310, %run_scoped3A_311, %dma_wait3A_529] : memref<3x2x120xi32, #tpu.memory_space<vmem>> -> memref<1x1x120xi32, #tpu.memory_space<vmem>>
        %dma_wait3A_531 = tpu.memref_squeeze %dma_wait3A_530 : memref<1x1x120xi32, #tpu.memory_space<vmem>> -> memref<120xi32, #tpu.memory_space<vmem>>
        %dma_wait3A_532 = arith.constant 0 : i32
        %dma_wait3A_533 = arith.constant 0 : i32
        %dma_wait3A_534 = tpu.memref_slice %arg8[%dma_wait3A_532, %dma_wait3A_533] : memref<10240x128xf32, #tpu.memory_space<vmem_shared>> -> memref<10240x128xf32, #tpu.memory_space<vmem_shared>>
        tpu.wait_indirect_dma semaphore(%run_scoped3A_514 : memref<!tpu.dma_semaphore, #tpu.memory_space<semaphore_mem>>) src(%dma_wait3A_528 : memref<120x128xf32, #tpu.memory_space<vmem>>) dst(%dma_wait3A_534 : memref<10240x128xf32, #tpu.memory_space<vmem_shared>>)
        tpu.yield
      }) : () -> ()
      %add3A_312 = arith.constant 3 : i32
      %add3A_313 = arith.addi %add3A_255, %add3A_312 : i32
      %mul3A_314 = arith.constant 32 : i32
      %mul3A_315 = arith.muli %add3A_313, %mul3A_314 : i32
      %add3A_316 = arith.addi %add3A, %mul3A_315 : i32
      %min3A_317 = arith.constant 2687 : i32
      %min3A_318 = arith.minsi %add3A_316, %min3A_317 : i32
      %dma_start3A_319 = arith.constant 0 : i32
      %dma_start3A_320 = arith.constant 0 : i32
      %dma_start3A_321 = arith.constant 0 : i32
      %dma_start3A_322 = arith.constant 0 : i32
      %dma_start3A_323 = tpu.memref_slice %arg6[%dma_start3A_319, %dma_start3A_321, %dma_start3A_322] : memref<3x2x120xi32, #tpu.memory_space<vmem>> -> memref<1x2x120xi32, #tpu.memory_space<vmem>>
      %dma_start3A_324 = tpu.memref_squeeze %dma_start3A_323 : memref<1x2x120xi32, #tpu.memory_space<vmem>> -> memref<2x120xi32, #tpu.memory_space<vmem>>
      %dma_start3A_325 = arith.constant 0 : i32
      %dma_start3A_326 = arith.constant 0 : i32
      %dma_start3A_327 = tpu.memref_slice %arg3[%min3A_318, %dma_start3A_325, %dma_start3A_326] : memref<2688x2x120xi32, #tpu.memory_space<hbm>> -> memref<1x2x120xi32, #tpu.memory_space<hbm>>
      %dma_start3A_328 = tpu.memref_squeeze %dma_start3A_327 : memref<1x2x120xi32, #tpu.memory_space<hbm>> -> memref<2x120xi32, #tpu.memory_space<hbm>>
      %dma_start3A_329 = tpu.memref_slice %arg10[%dma_start3A_320] : memref<3x!tpu.dma_semaphore, #tpu.memory_space<semaphore_mem>> -> memref<1x!tpu.dma_semaphore, #tpu.memory_space<semaphore_mem>>
      %dma_start3A_330 = tpu.memref_squeeze %dma_start3A_329 : memref<1x!tpu.dma_semaphore, #tpu.memory_space<semaphore_mem>> -> memref<!tpu.dma_semaphore, #tpu.memory_space<semaphore_mem>>
      %dma_start3A_331 = arith.constant 0 : i32
      %dma_start3A_332 = arith.constant 0 : i32
      %dma_start3A_333 = tpu.memref_slice %arg6[%dma_start3A_319, %dma_start3A_331, %dma_start3A_332] : memref<3x2x120xi32, #tpu.memory_space<vmem>> -> memref<1x2x120xi32, #tpu.memory_space<vmem>>
      %dma_start3A_334 = tpu.memref_squeeze %dma_start3A_333 : memref<1x2x120xi32, #tpu.memory_space<vmem>> -> memref<2x120xi32, #tpu.memory_space<vmem>>
      %dma_start3A_335 = arith.constant 0 : i32
      %dma_start3A_336 = arith.constant 0 : i32
      %dma_start3A_337 = tpu.memref_slice %arg3[%min3A_318, %dma_start3A_335, %dma_start3A_336] : memref<2688x2x120xi32, #tpu.memory_space<hbm>> -> memref<1x2x120xi32, #tpu.memory_space<hbm>>
      %dma_start3A_338 = tpu.memref_squeeze %dma_start3A_337 : memref<1x2x120xi32, #tpu.memory_space<hbm>> -> memref<2x120xi32, #tpu.memory_space<hbm>>
      tpu.enqueue_dma source(%dma_start3A_338 : memref<2x120xi32, #tpu.memory_space<hbm>>) target(%dma_start3A_334 : memref<2x120xi32, #tpu.memory_space<vmem>>) target_semaphore(%dma_start3A_330 : memref<!tpu.dma_semaphore, #tpu.memory_space<semaphore_mem>>)
      %mul3A_339 = arith.constant 3 : i32
      %mul3A_340 = arith.muli %mul3A_339, %scan3A_250 : i32
      %add3A_341 = arith.constant 1 : i32
      %add3A_342 = arith.addi %mul3A_340, %add3A_341 : i32
      %dma_wait3A_343 = arith.constant 0 : i32
      %dma_wait3A_344 = arith.constant 0 : i32
      %dma_wait3A_345 = arith.constant 0 : i32
      %dma_wait3A_346 = arith.constant 0 : i32
      %dma_wait3A_347 = arith.constant 0 : i32
      %dma_wait3A_348 = tpu.memref_slice %arg6[%dma_wait3A_344, %dma_wait3A_346, %dma_wait3A_347] : memref<3x2x120xi32, #tpu.memory_space<vmem>> -> memref<1x2x120xi32, #tpu.memory_space<vmem>>
      %dma_wait3A_349 = tpu.memref_squeeze %dma_wait3A_348 : memref<1x2x120xi32, #tpu.memory_space<vmem>> -> memref<2x120xi32, #tpu.memory_space<vmem>>
      %dma_wait3A_350 = arith.constant 0 : i32
      %dma_wait3A_351 = arith.constant 0 : i32
      %dma_wait3A_352 = tpu.memref_slice %arg3[%dma_wait3A_343, %dma_wait3A_350, %dma_wait3A_351] : memref<2688x2x120xi32, #tpu.memory_space<hbm>> -> memref<1x2x120xi32, #tpu.memory_space<hbm>>
      %dma_wait3A_353 = tpu.memref_squeeze %dma_wait3A_352 : memref<1x2x120xi32, #tpu.memory_space<hbm>> -> memref<2x120xi32, #tpu.memory_space<hbm>>
      %dma_wait3A_354 = tpu.memref_slice %arg10[%dma_wait3A_345] : memref<3x!tpu.dma_semaphore, #tpu.memory_space<semaphore_mem>> -> memref<1x!tpu.dma_semaphore, #tpu.memory_space<semaphore_mem>>
      %dma_wait3A_355 = tpu.memref_squeeze %dma_wait3A_354 : memref<1x!tpu.dma_semaphore, #tpu.memory_space<semaphore_mem>> -> memref<!tpu.dma_semaphore, #tpu.memory_space<semaphore_mem>>
      %dma_wait3A_356 = arith.constant 0 : i32
      %dma_wait3A_357 = arith.constant 0 : i32
      %dma_wait3A_358 = tpu.memref_slice %arg6[%dma_wait3A_344, %dma_wait3A_356, %dma_wait3A_357] : memref<3x2x120xi32, #tpu.memory_space<vmem>> -> memref<1x2x120xi32, #tpu.memory_space<vmem>>
      %dma_wait3A_359 = tpu.memref_squeeze %dma_wait3A_358 : memref<1x2x120xi32, #tpu.memory_space<vmem>> -> memref<2x120xi32, #tpu.memory_space<vmem>>
      %dma_wait3A_360 = arith.constant 0 : i32
      %dma_wait3A_361 = arith.constant 0 : i32
      %dma_wait3A_362 = tpu.memref_slice %arg3[%dma_wait3A_343, %dma_wait3A_360, %dma_wait3A_361] : memref<2688x2x120xi32, #tpu.memory_space<hbm>> -> memref<1x2x120xi32, #tpu.memory_space<hbm>>
      %dma_wait3A_363 = tpu.memref_squeeze %dma_wait3A_362 : memref<1x2x120xi32, #tpu.memory_space<hbm>> -> memref<2x120xi32, #tpu.memory_space<hbm>>
      tpu.wait_dma2 semaphore(%dma_wait3A_355 : memref<!tpu.dma_semaphore, #tpu.memory_space<semaphore_mem>>) src(%dma_wait3A_363 : memref<2x120xi32, #tpu.memory_space<hbm>>) dst(%dma_wait3A_359 : memref<2x120xi32, #tpu.memory_space<vmem>>)
      %dma_start3A_364 = arith.constant 0 : i32
      %dma_start3A_365 = arith.constant 0 : i32
      %dma_start3A_366 = arith.constant 0 : i32
      %dma_start3A_367 = arith.constant 0 : i32
      %dma_start3A_368 = arith.constant 0 : i32
      %dma_start3A_369 = arith.constant 0 : i32
      %dma_start3A_370 = tpu.memref_slice %arg7[%dma_start3A_366, %dma_start3A_368, %dma_start3A_369] : memref<3x120x128xf32, #tpu.memory_space<vmem>> -> memref<1x120x128xf32, #tpu.memory_space<vmem>>
      %dma_start3A_371 = tpu.memref_squeeze %dma_start3A_370 : memref<1x120x128xf32, #tpu.memory_space<vmem>> -> memref<120x128xf32, #tpu.memory_space<vmem>>
      %dma_start3A_372 = arith.constant 0 : i32
      %dma_start3A_373 = tpu.memref_slice %arg6[%dma_start3A_364, %dma_start3A_365, %dma_start3A_372] : memref<3x2x120xi32, #tpu.memory_space<vmem>> -> memref<1x1x120xi32, #tpu.memory_space<vmem>>
      %dma_start3A_374 = tpu.memref_squeeze %dma_start3A_373 : memref<1x1x120xi32, #tpu.memory_space<vmem>> -> memref<120xi32, #tpu.memory_space<vmem>>
      %dma_start3A_375 = arith.constant 0 : i32
      %dma_start3A_376 = arith.constant 0 : i32
      %dma_start3A_377 = tpu.memref_slice %arg2[%dma_start3A_375, %dma_start3A_376] : memref<10000x128xf32, #tpu.memory_space<hbm>> -> memref<10000x128xf32, #tpu.memory_space<hbm>>
      %dma_start3A_378 = tpu.memref_slice %arg9[%dma_start3A_367] : memref<3x!tpu.dma_semaphore, #tpu.memory_space<semaphore_mem>> -> memref<1x!tpu.dma_semaphore, #tpu.memory_space<semaphore_mem>>
      %dma_start3A_379 = tpu.memref_squeeze %dma_start3A_378 : memref<1x!tpu.dma_semaphore, #tpu.memory_space<semaphore_mem>> -> memref<!tpu.dma_semaphore, #tpu.memory_space<semaphore_mem>>
      tpu.enqueue_indirect_dma source(%dma_start3A_377 : memref<10000x128xf32, #tpu.memory_space<hbm>>) target(%dma_start3A_371 : memref<120x128xf32, #tpu.memory_space<vmem>>) offsets(%dma_start3A_374 : memref<120xi32, #tpu.memory_space<vmem>>) semaphore(%dma_start3A_379 : memref<!tpu.dma_semaphore, #tpu.memory_space<semaphore_mem>>)
      %dma_wait3A_380 = arith.constant 1 : i32
      %dma_wait3A_381 = arith.constant 0 : i32
      %dma_wait3A_382 = arith.constant 1 : i32
      %dma_wait3A_383 = arith.constant 1 : i32
      %dma_wait3A_384 = arith.constant 0 : i32
      %dma_wait3A_385 = arith.constant 0 : i32
      %dma_wait3A_386 = tpu.memref_slice %arg7[%dma_wait3A_382, %dma_wait3A_384, %dma_wait3A_385] : memref<3x120x128xf32, #tpu.memory_space<vmem>> -> memref<1x120x128xf32, #tpu.memory_space<vmem>>
      %dma_wait3A_387 = tpu.memref_squeeze %dma_wait3A_386 : memref<1x120x128xf32, #tpu.memory_space<vmem>> -> memref<120x128xf32, #tpu.memory_space<vmem>>
      %dma_wait3A_388 = arith.constant 0 : i32
      %dma_wait3A_389 = tpu.memref_slice %arg6[%dma_wait3A_380, %dma_wait3A_381, %dma_wait3A_388] : memref<3x2x120xi32, #tpu.memory_space<vmem>> -> memref<1x1x120xi32, #tpu.memory_space<vmem>>
      %dma_wait3A_390 = tpu.memref_squeeze %dma_wait3A_389 : memref<1x1x120xi32, #tpu.memory_space<vmem>> -> memref<120xi32, #tpu.memory_space<vmem>>
      %dma_wait3A_391 = arith.constant 0 : i32
      %dma_wait3A_392 = arith.constant 0 : i32
      %dma_wait3A_393 = tpu.memref_slice %arg2[%dma_wait3A_391, %dma_wait3A_392] : memref<10000x128xf32, #tpu.memory_space<hbm>> -> memref<10000x128xf32, #tpu.memory_space<hbm>>
      %dma_wait3A_394 = tpu.memref_slice %arg9[%dma_wait3A_383] : memref<3x!tpu.dma_semaphore, #tpu.memory_space<semaphore_mem>> -> memref<1x!tpu.dma_semaphore, #tpu.memory_space<semaphore_mem>>
      %dma_wait3A_395 = tpu.memref_squeeze %dma_wait3A_394 : memref<1x!tpu.dma_semaphore, #tpu.memory_space<semaphore_mem>> -> memref<!tpu.dma_semaphore, #tpu.memory_space<semaphore_mem>>
      tpu.wait_indirect_dma semaphore(%dma_wait3A_395 : memref<!tpu.dma_semaphore, #tpu.memory_space<semaphore_mem>>) src(%dma_wait3A_393 : memref<10000x128xf32, #tpu.memory_space<hbm>>) dst(%dma_wait3A_387 : memref<120x128xf32, #tpu.memory_space<vmem>>)
      %run_scoped3A_396 = arith.constant 1 : i32
      %run_scoped3A_397 = arith.constant 1 : i32
      %run_scoped3A_398 = arith.constant 1 : i32
      "tpu.region"() ({
        %run_scoped3A_514 = tpu.sem_alloc : memref<!tpu.dma_semaphore, #tpu.memory_space<semaphore_mem>>
        %dma_start3A_515 = arith.constant 0 : i32
        %dma_start3A_516 = arith.constant 0 : i32
        %dma_start3A_517 = tpu.memref_slice %arg7[%run_scoped3A_396, %dma_start3A_515, %dma_start3A_516] : memref<3x120x128xf32, #tpu.memory_space<vmem>> -> memref<1x120x128xf32, #tpu.memory_space<vmem>>
        %dma_start3A_518 = tpu.memref_squeeze %dma_start3A_517 : memref<1x120x128xf32, #tpu.memory_space<vmem>> -> memref<120x128xf32, #tpu.memory_space<vmem>>
        %dma_start3A_519 = arith.constant 0 : i32
        %dma_start3A_520 = tpu.memref_slice %arg6[%run_scoped3A_397, %run_scoped3A_398, %dma_start3A_519] : memref<3x2x120xi32, #tpu.memory_space<vmem>> -> memref<1x1x120xi32, #tpu.memory_space<vmem>>
        %dma_start3A_521 = tpu.memref_squeeze %dma_start3A_520 : memref<1x1x120xi32, #tpu.memory_space<vmem>> -> memref<120xi32, #tpu.memory_space<vmem>>
        %dma_start3A_522 = arith.constant 0 : i32
        %dma_start3A_523 = arith.constant 0 : i32
        %dma_start3A_524 = tpu.memref_slice %arg8[%dma_start3A_522, %dma_start3A_523] : memref<10240x128xf32, #tpu.memory_space<vmem_shared>> -> memref<10240x128xf32, #tpu.memory_space<vmem_shared>>
        tpu.enqueue_indirect_dma source(%dma_start3A_518 : memref<120x128xf32, #tpu.memory_space<vmem>>) target(%dma_start3A_524 : memref<10240x128xf32, #tpu.memory_space<vmem_shared>>) offsets(%dma_start3A_521 : memref<120xi32, #tpu.memory_space<vmem>>) semaphore(%run_scoped3A_514 : memref<!tpu.dma_semaphore, #tpu.memory_space<semaphore_mem>>) {add = true}
        %dma_wait3A_525 = arith.constant 0 : i32
        %dma_wait3A_526 = arith.constant 0 : i32
        %dma_wait3A_527 = tpu.memref_slice %arg7[%run_scoped3A_396, %dma_wait3A_525, %dma_wait3A_526] : memref<3x120x128xf32, #tpu.memory_space<vmem>> -> memref<1x120x128xf32, #tpu.memory_space<vmem>>
        %dma_wait3A_528 = tpu.memref_squeeze %dma_wait3A_527 : memref<1x120x128xf32, #tpu.memory_space<vmem>> -> memref<120x128xf32, #tpu.memory_space<vmem>>
        %dma_wait3A_529 = arith.constant 0 : i32
        %dma_wait3A_530 = tpu.memref_slice %arg6[%run_scoped3A_397, %run_scoped3A_398, %dma_wait3A_529] : memref<3x2x120xi32, #tpu.memory_space<vmem>> -> memref<1x1x120xi32, #tpu.memory_space<vmem>>
        %dma_wait3A_531 = tpu.memref_squeeze %dma_wait3A_530 : memref<1x1x120xi32, #tpu.memory_space<vmem>> -> memref<120xi32, #tpu.memory_space<vmem>>
        %dma_wait3A_532 = arith.constant 0 : i32
        %dma_wait3A_533 = arith.constant 0 : i32
        %dma_wait3A_534 = tpu.memref_slice %arg8[%dma_wait3A_532, %dma_wait3A_533] : memref<10240x128xf32, #tpu.memory_space<vmem_shared>> -> memref<10240x128xf32, #tpu.memory_space<vmem_shared>>
        tpu.wait_indirect_dma semaphore(%run_scoped3A_514 : memref<!tpu.dma_semaphore, #tpu.memory_space<semaphore_mem>>) src(%dma_wait3A_528 : memref<120x128xf32, #tpu.memory_space<vmem>>) dst(%dma_wait3A_534 : memref<10240x128xf32, #tpu.memory_space<vmem_shared>>)
        tpu.yield
      }) : () -> ()
      %add3A_399 = arith.constant 3 : i32
      %add3A_400 = arith.addi %add3A_342, %add3A_399 : i32
      %mul3A_401 = arith.constant 32 : i32
      %mul3A_402 = arith.muli %add3A_400, %mul3A_401 : i32
      %add3A_403 = arith.addi %add3A, %mul3A_402 : i32
      %min3A_404 = arith.constant 2687 : i32
      %min3A_405 = arith.minsi %add3A_403, %min3A_404 : i32
      %dma_start3A_406 = arith.constant 1 : i32
      %dma_start3A_407 = arith.constant 1 : i32
      %dma_start3A_408 = arith.constant 0 : i32
      %dma_start3A_409 = arith.constant 0 : i32
      %dma_start3A_410 = tpu.memref_slice %arg6[%dma_start3A_406, %dma_start3A_408, %dma_start3A_409] : memref<3x2x120xi32, #tpu.memory_space<vmem>> -> memref<1x2x120xi32, #tpu.memory_space<vmem>>
      %dma_start3A_411 = tpu.memref_squeeze %dma_start3A_410 : memref<1x2x120xi32, #tpu.memory_space<vmem>> -> memref<2x120xi32, #tpu.memory_space<vmem>>
      %dma_start3A_412 = arith.constant 0 : i32
      %dma_start3A_413 = arith.constant 0 : i32
      %dma_start3A_414 = tpu.memref_slice %arg3[%min3A_405, %dma_start3A_412, %dma_start3A_413] : memref<2688x2x120xi32, #tpu.memory_space<hbm>> -> memref<1x2x120xi32, #tpu.memory_space<hbm>>
      %dma_start3A_415 = tpu.memref_squeeze %dma_start3A_414 : memref<1x2x120xi32, #tpu.memory_space<hbm>> -> memref<2x120xi32, #tpu.memory_space<hbm>>
      %dma_start3A_416 = tpu.memref_slice %arg10[%dma_start3A_407] : memref<3x!tpu.dma_semaphore, #tpu.memory_space<semaphore_mem>> -> memref<1x!tpu.dma_semaphore, #tpu.memory_space<semaphore_mem>>
      %dma_start3A_417 = tpu.memref_squeeze %dma_start3A_416 : memref<1x!tpu.dma_semaphore, #tpu.memory_space<semaphore_mem>> -> memref<!tpu.dma_semaphore, #tpu.memory_space<semaphore_mem>>
      %dma_start3A_418 = arith.constant 0 : i32
      %dma_start3A_419 = arith.constant 0 : i32
      %dma_start3A_420 = tpu.memref_slice %arg6[%dma_start3A_406, %dma_start3A_418, %dma_start3A_419] : memref<3x2x120xi32, #tpu.memory_space<vmem>> -> memref<1x2x120xi32, #tpu.memory_space<vmem>>
      %dma_start3A_421 = tpu.memref_squeeze %dma_start3A_420 : memref<1x2x120xi32, #tpu.memory_space<vmem>> -> memref<2x120xi32, #tpu.memory_space<vmem>>
      %dma_start3A_422 = arith.constant 0 : i32
      %dma_start3A_423 = arith.constant 0 : i32
      %dma_start3A_424 = tpu.memref_slice %arg3[%min3A_405, %dma_start3A_422, %dma_start3A_423] : memref<2688x2x120xi32, #tpu.memory_space<hbm>> -> memref<1x2x120xi32, #tpu.memory_space<hbm>>
      %dma_start3A_425 = tpu.memref_squeeze %dma_start3A_424 : memref<1x2x120xi32, #tpu.memory_space<hbm>> -> memref<2x120xi32, #tpu.memory_space<hbm>>
      tpu.enqueue_dma source(%dma_start3A_425 : memref<2x120xi32, #tpu.memory_space<hbm>>) target(%dma_start3A_421 : memref<2x120xi32, #tpu.memory_space<vmem>>) target_semaphore(%dma_start3A_417 : memref<!tpu.dma_semaphore, #tpu.memory_space<semaphore_mem>>)
      %mul3A_426 = arith.constant 3 : i32
      %mul3A_427 = arith.muli %mul3A_426, %scan3A_250 : i32
      %add3A_428 = arith.constant 2 : i32
      %add3A_429 = arith.addi %mul3A_427, %add3A_428 : i32
      %dma_wait3A_430 = arith.constant 0 : i32
      %dma_wait3A_431 = arith.constant 1 : i32
      %dma_wait3A_432 = arith.constant 1 : i32
      %dma_wait3A_433 = arith.constant 0 : i32
      %dma_wait3A_434 = arith.constant 0 : i32
      %dma_wait3A_435 = tpu.memref_slice %arg6[%dma_wait3A_431, %dma_wait3A_433, %dma_wait3A_434] : memref<3x2x120xi32, #tpu.memory_space<vmem>> -> memref<1x2x120xi32, #tpu.memory_space<vmem>>
      %dma_wait3A_436 = tpu.memref_squeeze %dma_wait3A_435 : memref<1x2x120xi32, #tpu.memory_space<vmem>> -> memref<2x120xi32, #tpu.memory_space<vmem>>
      %dma_wait3A_437 = arith.constant 0 : i32
      %dma_wait3A_438 = arith.constant 0 : i32
      %dma_wait3A_439 = tpu.memref_slice %arg3[%dma_wait3A_430, %dma_wait3A_437, %dma_wait3A_438] : memref<2688x2x120xi32, #tpu.memory_space<hbm>> -> memref<1x2x120xi32, #tpu.memory_space<hbm>>
      %dma_wait3A_440 = tpu.memref_squeeze %dma_wait3A_439 : memref<1x2x120xi32, #tpu.memory_space<hbm>> -> memref<2x120xi32, #tpu.memory_space<hbm>>
      %dma_wait3A_441 = tpu.memref_slice %arg10[%dma_wait3A_432] : memref<3x!tpu.dma_semaphore, #tpu.memory_space<semaphore_mem>> -> memref<1x!tpu.dma_semaphore, #tpu.memory_space<semaphore_mem>>
      %dma_wait3A_442 = tpu.memref_squeeze %dma_wait3A_441 : memref<1x!tpu.dma_semaphore, #tpu.memory_space<semaphore_mem>> -> memref<!tpu.dma_semaphore, #tpu.memory_space<semaphore_mem>>
      %dma_wait3A_443 = arith.constant 0 : i32
      %dma_wait3A_444 = arith.constant 0 : i32
      %dma_wait3A_445 = tpu.memref_slice %arg6[%dma_wait3A_431, %dma_wait3A_443, %dma_wait3A_444] : memref<3x2x120xi32, #tpu.memory_space<vmem>> -> memref<1x2x120xi32, #tpu.memory_space<vmem>>
      %dma_wait3A_446 = tpu.memref_squeeze %dma_wait3A_445 : memref<1x2x120xi32, #tpu.memory_space<vmem>> -> memref<2x120xi32, #tpu.memory_space<vmem>>
      %dma_wait3A_447 = arith.constant 0 : i32
      %dma_wait3A_448 = arith.constant 0 : i32
      %dma_wait3A_449 = tpu.memref_slice %arg3[%dma_wait3A_430, %dma_wait3A_447, %dma_wait3A_448] : memref<2688x2x120xi32, #tpu.memory_space<hbm>> -> memref<1x2x120xi32, #tpu.memory_space<hbm>>
      %dma_wait3A_450 = tpu.memref_squeeze %dma_wait3A_449 : memref<1x2x120xi32, #tpu.memory_space<hbm>> -> memref<2x120xi32, #tpu.memory_space<hbm>>
      tpu.wait_dma2 semaphore(%dma_wait3A_442 : memref<!tpu.dma_semaphore, #tpu.memory_space<semaphore_mem>>) src(%dma_wait3A_450 : memref<2x120xi32, #tpu.memory_space<hbm>>) dst(%dma_wait3A_446 : memref<2x120xi32, #tpu.memory_space<vmem>>)
      %dma_start3A_451 = arith.constant 1 : i32
      %dma_start3A_452 = arith.constant 0 : i32
      %dma_start3A_453 = arith.constant 1 : i32
      %dma_start3A_454 = arith.constant 1 : i32
      %dma_start3A_455 = arith.constant 0 : i32
      %dma_start3A_456 = arith.constant 0 : i32
      %dma_start3A_457 = tpu.memref_slice %arg7[%dma_start3A_453, %dma_start3A_455, %dma_start3A_456] : memref<3x120x128xf32, #tpu.memory_space<vmem>> -> memref<1x120x128xf32, #tpu.memory_space<vmem>>
      %dma_start3A_458 = tpu.memref_squeeze %dma_start3A_457 : memref<1x120x128xf32, #tpu.memory_space<vmem>> -> memref<120x128xf32, #tpu.memory_space<vmem>>
      %dma_start3A_459 = arith.constant 0 : i32
      %dma_start3A_460 = tpu.memref_slice %arg6[%dma_start3A_451, %dma_start3A_452, %dma_start3A_459] : memref<3x2x120xi32, #tpu.memory_space<vmem>> -> memref<1x1x120xi32, #tpu.memory_space<vmem>>
      %dma_start3A_461 = tpu.memref_squeeze %dma_start3A_460 : memref<1x1x120xi32, #tpu.memory_space<vmem>> -> memref<120xi32, #tpu.memory_space<vmem>>
      %dma_start3A_462 = arith.constant 0 : i32
      %dma_start3A_463 = arith.constant 0 : i32
      %dma_start3A_464 = tpu.memref_slice %arg2[%dma_start3A_462, %dma_start3A_463] : memref<10000x128xf32, #tpu.memory_space<hbm>> -> memref<10000x128xf32, #tpu.memory_space<hbm>>
      %dma_start3A_465 = tpu.memref_slice %arg9[%dma_start3A_454] : memref<3x!tpu.dma_semaphore, #tpu.memory_space<semaphore_mem>> -> memref<1x!tpu.dma_semaphore, #tpu.memory_space<semaphore_mem>>
      %dma_start3A_466 = tpu.memref_squeeze %dma_start3A_465 : memref<1x!tpu.dma_semaphore, #tpu.memory_space<semaphore_mem>> -> memref<!tpu.dma_semaphore, #tpu.memory_space<semaphore_mem>>
      tpu.enqueue_indirect_dma source(%dma_start3A_464 : memref<10000x128xf32, #tpu.memory_space<hbm>>) target(%dma_start3A_458 : memref<120x128xf32, #tpu.memory_space<vmem>>) offsets(%dma_start3A_461 : memref<120xi32, #tpu.memory_space<vmem>>) semaphore(%dma_start3A_466 : memref<!tpu.dma_semaphore, #tpu.memory_space<semaphore_mem>>)
      %dma_wait3A_467 = arith.constant 2 : i32
      %dma_wait3A_468 = arith.constant 0 : i32
      %dma_wait3A_469 = arith.constant 2 : i32
      %dma_wait3A_470 = arith.constant 2 : i32
      %dma_wait3A_471 = arith.constant 0 : i32
      %dma_wait3A_472 = arith.constant 0 : i32
      %dma_wait3A_473 = tpu.memref_slice %arg7[%dma_wait3A_469, %dma_wait3A_471, %dma_wait3A_472] : memref<3x120x128xf32, #tpu.memory_space<vmem>> -> memref<1x120x128xf32, #tpu.memory_space<vmem>>
      %dma_wait3A_474 = tpu.memref_squeeze %dma_wait3A_473 : memref<1x120x128xf32, #tpu.memory_space<vmem>> -> memref<120x128xf32, #tpu.memory_space<vmem>>
      %dma_wait3A_475 = arith.constant 0 : i32
      %dma_wait3A_476 = tpu.memref_slice %arg6[%dma_wait3A_467, %dma_wait3A_468, %dma_wait3A_475] : memref<3x2x120xi32, #tpu.memory_space<vmem>> -> memref<1x1x120xi32, #tpu.memory_space<vmem>>
      %dma_wait3A_477 = tpu.memref_squeeze %dma_wait3A_476 : memref<1x1x120xi32, #tpu.memory_space<vmem>> -> memref<120xi32, #tpu.memory_space<vmem>>
      %dma_wait3A_478 = arith.constant 0 : i32
      %dma_wait3A_479 = arith.constant 0 : i32
      %dma_wait3A_480 = tpu.memref_slice %arg2[%dma_wait3A_478, %dma_wait3A_479] : memref<10000x128xf32, #tpu.memory_space<hbm>> -> memref<10000x128xf32, #tpu.memory_space<hbm>>
      %dma_wait3A_481 = tpu.memref_slice %arg9[%dma_wait3A_470] : memref<3x!tpu.dma_semaphore, #tpu.memory_space<semaphore_mem>> -> memref<1x!tpu.dma_semaphore, #tpu.memory_space<semaphore_mem>>
      %dma_wait3A_482 = tpu.memref_squeeze %dma_wait3A_481 : memref<1x!tpu.dma_semaphore, #tpu.memory_space<semaphore_mem>> -> memref<!tpu.dma_semaphore, #tpu.memory_space<semaphore_mem>>
      tpu.wait_indirect_dma semaphore(%dma_wait3A_482 : memref<!tpu.dma_semaphore, #tpu.memory_space<semaphore_mem>>) src(%dma_wait3A_480 : memref<10000x128xf32, #tpu.memory_space<hbm>>) dst(%dma_wait3A_474 : memref<120x128xf32, #tpu.memory_space<vmem>>)
      %run_scoped3A_483 = arith.constant 2 : i32
      %run_scoped3A_484 = arith.constant 2 : i32
      %run_scoped3A_485 = arith.constant 1 : i32
      "tpu.region"() ({
        %run_scoped3A_514 = tpu.sem_alloc : memref<!tpu.dma_semaphore, #tpu.memory_space<semaphore_mem>>
        %dma_start3A_515 = arith.constant 0 : i32
        %dma_start3A_516 = arith.constant 0 : i32
        %dma_start3A_517 = tpu.memref_slice %arg7[%run_scoped3A_483, %dma_start3A_515, %dma_start3A_516] : memref<3x120x128xf32, #tpu.memory_space<vmem>> -> memref<1x120x128xf32, #tpu.memory_space<vmem>>
        %dma_start3A_518 = tpu.memref_squeeze %dma_start3A_517 : memref<1x120x128xf32, #tpu.memory_space<vmem>> -> memref<120x128xf32, #tpu.memory_space<vmem>>
        %dma_start3A_519 = arith.constant 0 : i32
        %dma_start3A_520 = tpu.memref_slice %arg6[%run_scoped3A_484, %run_scoped3A_485, %dma_start3A_519] : memref<3x2x120xi32, #tpu.memory_space<vmem>> -> memref<1x1x120xi32, #tpu.memory_space<vmem>>
        %dma_start3A_521 = tpu.memref_squeeze %dma_start3A_520 : memref<1x1x120xi32, #tpu.memory_space<vmem>> -> memref<120xi32, #tpu.memory_space<vmem>>
        %dma_start3A_522 = arith.constant 0 : i32
        %dma_start3A_523 = arith.constant 0 : i32
        %dma_start3A_524 = tpu.memref_slice %arg8[%dma_start3A_522, %dma_start3A_523] : memref<10240x128xf32, #tpu.memory_space<vmem_shared>> -> memref<10240x128xf32, #tpu.memory_space<vmem_shared>>
        tpu.enqueue_indirect_dma source(%dma_start3A_518 : memref<120x128xf32, #tpu.memory_space<vmem>>) target(%dma_start3A_524 : memref<10240x128xf32, #tpu.memory_space<vmem_shared>>) offsets(%dma_start3A_521 : memref<120xi32, #tpu.memory_space<vmem>>) semaphore(%run_scoped3A_514 : memref<!tpu.dma_semaphore, #tpu.memory_space<semaphore_mem>>) {add = true}
        %dma_wait3A_525 = arith.constant 0 : i32
        %dma_wait3A_526 = arith.constant 0 : i32
        %dma_wait3A_527 = tpu.memref_slice %arg7[%run_scoped3A_483, %dma_wait3A_525, %dma_wait3A_526] : memref<3x120x128xf32, #tpu.memory_space<vmem>> -> memref<1x120x128xf32, #tpu.memory_space<vmem>>
        %dma_wait3A_528 = tpu.memref_squeeze %dma_wait3A_527 : memref<1x120x128xf32, #tpu.memory_space<vmem>> -> memref<120x128xf32, #tpu.memory_space<vmem>>
        %dma_wait3A_529 = arith.constant 0 : i32
        %dma_wait3A_530 = tpu.memref_slice %arg6[%run_scoped3A_484, %run_scoped3A_485, %dma_wait3A_529] : memref<3x2x120xi32, #tpu.memory_space<vmem>> -> memref<1x1x120xi32, #tpu.memory_space<vmem>>
        %dma_wait3A_531 = tpu.memref_squeeze %dma_wait3A_530 : memref<1x1x120xi32, #tpu.memory_space<vmem>> -> memref<120xi32, #tpu.memory_space<vmem>>
        %dma_wait3A_532 = arith.constant 0 : i32
        %dma_wait3A_533 = arith.constant 0 : i32
        %dma_wait3A_534 = tpu.memref_slice %arg8[%dma_wait3A_532, %dma_wait3A_533] : memref<10240x128xf32, #tpu.memory_space<vmem_shared>> -> memref<10240x128xf32, #tpu.memory_space<vmem_shared>>
        tpu.wait_indirect_dma semaphore(%run_scoped3A_514 : memref<!tpu.dma_semaphore, #tpu.memory_space<semaphore_mem>>) src(%dma_wait3A_528 : memref<120x128xf32, #tpu.memory_space<vmem>>) dst(%dma_wait3A_534 : memref<10240x128xf32, #tpu.memory_space<vmem_shared>>)
        tpu.yield
      }) : () -> ()
      %add3A_486 = arith.constant 3 : i32
      %add3A_487 = arith.addi %add3A_429, %add3A_486 : i32
      %mul3A_488 = arith.constant 32 : i32
      %mul3A_489 = arith.muli %add3A_487, %mul3A_488 : i32
      %add3A_490 = arith.addi %add3A, %mul3A_489 : i32
      %min3A_491 = arith.constant 2687 : i32
      %min3A_492 = arith.minsi %add3A_490, %min3A_491 : i32
      %dma_start3A_493 = arith.constant 2 : i32
      %dma_start3A_494 = arith.constant 2 : i32
      %dma_start3A_495 = arith.constant 0 : i32
      %dma_start3A_496 = arith.constant 0 : i32
      %dma_start3A_497 = tpu.memref_slice %arg6[%dma_start3A_493, %dma_start3A_495, %dma_start3A_496] : memref<3x2x120xi32, #tpu.memory_space<vmem>> -> memref<1x2x120xi32, #tpu.memory_space<vmem>>
      %dma_start3A_498 = tpu.memref_squeeze %dma_start3A_497 : memref<1x2x120xi32, #tpu.memory_space<vmem>> -> memref<2x120xi32, #tpu.memory_space<vmem>>
      %dma_start3A_499 = arith.constant 0 : i32
      %dma_start3A_500 = arith.constant 0 : i32
      %dma_start3A_501 = tpu.memref_slice %arg3[%min3A_492, %dma_start3A_499, %dma_start3A_500] : memref<2688x2x120xi32, #tpu.memory_space<hbm>> -> memref<1x2x120xi32, #tpu.memory_space<hbm>>
      %dma_start3A_502 = tpu.memref_squeeze %dma_start3A_501 : memref<1x2x120xi32, #tpu.memory_space<hbm>> -> memref<2x120xi32, #tpu.memory_space<hbm>>
      %dma_start3A_503 = tpu.memref_slice %arg10[%dma_start3A_494] : memref<3x!tpu.dma_semaphore, #tpu.memory_space<semaphore_mem>> -> memref<1x!tpu.dma_semaphore, #tpu.memory_space<semaphore_mem>>
      %dma_start3A_504 = tpu.memref_squeeze %dma_start3A_503 : memref<1x!tpu.dma_semaphore, #tpu.memory_space<semaphore_mem>> -> memref<!tpu.dma_semaphore, #tpu.memory_space<semaphore_mem>>
      %dma_start3A_505 = arith.constant 0 : i32
      %dma_start3A_506 = arith.constant 0 : i32
      %dma_start3A_507 = tpu.memref_slice %arg6[%dma_start3A_493, %dma_start3A_505, %dma_start3A_506] : memref<3x2x120xi32, #tpu.memory_space<vmem>> -> memref<1x2x120xi32, #tpu.memory_space<vmem>>
      %dma_start3A_508 = tpu.memref_squeeze %dma_start3A_507 : memref<1x2x120xi32, #tpu.memory_space<vmem>> -> memref<2x120xi32, #tpu.memory_space<vmem>>
      %dma_start3A_509 = arith.constant 0 : i32
      %dma_start3A_510 = arith.constant 0 : i32
      %dma_start3A_511 = tpu.memref_slice %arg3[%min3A_492, %dma_start3A_509, %dma_start3A_510] : memref<2688x2x120xi32, #tpu.memory_space<hbm>> -> memref<1x2x120xi32, #tpu.memory_space<hbm>>
      %dma_start3A_512 = tpu.memref_squeeze %dma_start3A_511 : memref<1x2x120xi32, #tpu.memory_space<hbm>> -> memref<2x120xi32, #tpu.memory_space<hbm>>
      tpu.enqueue_dma source(%dma_start3A_512 : memref<2x120xi32, #tpu.memory_space<hbm>>) target(%dma_start3A_508 : memref<2x120xi32, #tpu.memory_space<vmem>>) target_semaphore(%dma_start3A_504 : memref<!tpu.dma_semaphore, #tpu.memory_space<semaphore_mem>>)
      %scan3A_513 = arith.constant 0 : i32
      scf.yield %scan3A_513 : i32
    }
    %scan3A_151 = arith.constant 27 : i32
    %dma_wait3A_152 = arith.constant 0 : i32
    %dma_wait3A_153 = arith.constant 2 : i32
    %dma_wait3A_154 = arith.constant 2 : i32
    %dma_wait3A_155 = arith.constant 0 : i32
    %dma_wait3A_156 = arith.constant 0 : i32
    %dma_wait3A_157 = tpu.memref_slice %arg6[%dma_wait3A_153, %dma_wait3A_155, %dma_wait3A_156] : memref<3x2x120xi32, #tpu.memory_space<vmem>> -> memref<1x2x120xi32, #tpu.memory_space<vmem>>
    %dma_wait3A_158 = tpu.memref_squeeze %dma_wait3A_157 : memref<1x2x120xi32, #tpu.memory_space<vmem>> -> memref<2x120xi32, #tpu.memory_space<vmem>>
    %dma_wait3A_159 = arith.constant 0 : i32
    %dma_wait3A_160 = arith.constant 0 : i32
    %dma_wait3A_161 = tpu.memref_slice %arg3[%dma_wait3A_152, %dma_wait3A_159, %dma_wait3A_160] : memref<2688x2x120xi32, #tpu.memory_space<hbm>> -> memref<1x2x120xi32, #tpu.memory_space<hbm>>
    %dma_wait3A_162 = tpu.memref_squeeze %dma_wait3A_161 : memref<1x2x120xi32, #tpu.memory_space<hbm>> -> memref<2x120xi32, #tpu.memory_space<hbm>>
    %dma_wait3A_163 = tpu.memref_slice %arg10[%dma_wait3A_154] : memref<3x!tpu.dma_semaphore, #tpu.memory_space<semaphore_mem>> -> memref<1x!tpu.dma_semaphore, #tpu.memory_space<semaphore_mem>>
    %dma_wait3A_164 = tpu.memref_squeeze %dma_wait3A_163 : memref<1x!tpu.dma_semaphore, #tpu.memory_space<semaphore_mem>> -> memref<!tpu.dma_semaphore, #tpu.memory_space<semaphore_mem>>
    %dma_wait3A_165 = arith.constant 0 : i32
    %dma_wait3A_166 = arith.constant 0 : i32
    %dma_wait3A_167 = tpu.memref_slice %arg6[%dma_wait3A_153, %dma_wait3A_165, %dma_wait3A_166] : memref<3x2x120xi32, #tpu.memory_space<vmem>> -> memref<1x2x120xi32, #tpu.memory_space<vmem>>
    %dma_wait3A_168 = tpu.memref_squeeze %dma_wait3A_167 : memref<1x2x120xi32, #tpu.memory_space<vmem>> -> memref<2x120xi32, #tpu.memory_space<vmem>>
    %dma_wait3A_169 = arith.constant 0 : i32
    %dma_wait3A_170 = arith.constant 0 : i32
    %dma_wait3A_171 = tpu.memref_slice %arg3[%dma_wait3A_152, %dma_wait3A_169, %dma_wait3A_170] : memref<2688x2x120xi32, #tpu.memory_space<hbm>> -> memref<1x2x120xi32, #tpu.memory_space<hbm>>
    %dma_wait3A_172 = tpu.memref_squeeze %dma_wait3A_171 : memref<1x2x120xi32, #tpu.memory_space<hbm>> -> memref<2x120xi32, #tpu.memory_space<hbm>>
    tpu.wait_dma2 semaphore(%dma_wait3A_164 : memref<!tpu.dma_semaphore, #tpu.memory_space<semaphore_mem>>) src(%dma_wait3A_172 : memref<2x120xi32, #tpu.memory_space<hbm>>) dst(%dma_wait3A_168 : memref<2x120xi32, #tpu.memory_space<vmem>>)
    %dma_start3A_173 = arith.constant 2 : i32
    %dma_start3A_174 = arith.constant 0 : i32
    %dma_start3A_175 = arith.constant 2 : i32
    %dma_start3A_176 = arith.constant 2 : i32
    %dma_start3A_177 = arith.constant 0 : i32
    %dma_start3A_178 = arith.constant 0 : i32
    %dma_start3A_179 = tpu.memref_slice %arg7[%dma_start3A_175, %dma_start3A_177, %dma_start3A_178] : memref<3x120x128xf32, #tpu.memory_space<vmem>> -> memref<1x120x128xf32, #tpu.memory_space<vmem>>
    %dma_start3A_180 = tpu.memref_squeeze %dma_start3A_179 : memref<1x120x128xf32, #tpu.memory_space<vmem>> -> memref<120x128xf32, #tpu.memory_space<vmem>>
    %dma_start3A_181 = arith.constant 0 : i32
    %dma_start3A_182 = tpu.memref_slice %arg6[%dma_start3A_173, %dma_start3A_174, %dma_start3A_181] : memref<3x2x120xi32, #tpu.memory_space<vmem>> -> memref<1x1x120xi32, #tpu.memory_space<vmem>>
    %dma_start3A_183 = tpu.memref_squeeze %dma_start3A_182 : memref<1x1x120xi32, #tpu.memory_space<vmem>> -> memref<120xi32, #tpu.memory_space<vmem>>
    %dma_start3A_184 = arith.constant 0 : i32
    %dma_start3A_185 = arith.constant 0 : i32
    %dma_start3A_186 = tpu.memref_slice %arg2[%dma_start3A_184, %dma_start3A_185] : memref<10000x128xf32, #tpu.memory_space<hbm>> -> memref<10000x128xf32, #tpu.memory_space<hbm>>
    %dma_start3A_187 = tpu.memref_slice %arg9[%dma_start3A_176] : memref<3x!tpu.dma_semaphore, #tpu.memory_space<semaphore_mem>> -> memref<1x!tpu.dma_semaphore, #tpu.memory_space<semaphore_mem>>
    %dma_start3A_188 = tpu.memref_squeeze %dma_start3A_187 : memref<1x!tpu.dma_semaphore, #tpu.memory_space<semaphore_mem>> -> memref<!tpu.dma_semaphore, #tpu.memory_space<semaphore_mem>>
    tpu.enqueue_indirect_dma source(%dma_start3A_186 : memref<10000x128xf32, #tpu.memory_space<hbm>>) target(%dma_start3A_180 : memref<120x128xf32, #tpu.memory_space<vmem>>) offsets(%dma_start3A_183 : memref<120xi32, #tpu.memory_space<vmem>>) semaphore(%dma_start3A_188 : memref<!tpu.dma_semaphore, #tpu.memory_space<semaphore_mem>>)
    %dma_wait3A_189 = arith.constant 0 : i32
    %dma_wait3A_190 = arith.constant 0 : i32
    %dma_wait3A_191 = arith.constant 0 : i32
    %dma_wait3A_192 = arith.constant 0 : i32
    %dma_wait3A_193 = arith.constant 0 : i32
    %dma_wait3A_194 = arith.constant 0 : i32
    %dma_wait3A_195 = tpu.memref_slice %arg7[%dma_wait3A_191, %dma_wait3A_193, %dma_wait3A_194] : memref<3x120x128xf32, #tpu.memory_space<vmem>> -> memref<1x120x128xf32, #tpu.memory_space<vmem>>
    %dma_wait3A_196 = tpu.memref_squeeze %dma_wait3A_195 : memref<1x120x128xf32, #tpu.memory_space<vmem>> -> memref<120x128xf32, #tpu.memory_space<vmem>>
    %dma_wait3A_197 = arith.constant 0 : i32
    %dma_wait3A_198 = tpu.memref_slice %arg6[%dma_wait3A_189, %dma_wait3A_190, %dma_wait3A_197] : memref<3x2x120xi32, #tpu.memory_space<vmem>> -> memref<1x1x120xi32, #tpu.memory_space<vmem>>
    %dma_wait3A_199 = tpu.memref_squeeze %dma_wait3A_198 : memref<1x1x120xi32, #tpu.memory_space<vmem>> -> memref<120xi32, #tpu.memory_space<vmem>>
    %dma_wait3A_200 = arith.constant 0 : i32
    %dma_wait3A_201 = arith.constant 0 : i32
    %dma_wait3A_202 = tpu.memref_slice %arg2[%dma_wait3A_200, %dma_wait3A_201] : memref<10000x128xf32, #tpu.memory_space<hbm>> -> memref<10000x128xf32, #tpu.memory_space<hbm>>
    %dma_wait3A_203 = tpu.memref_slice %arg9[%dma_wait3A_192] : memref<3x!tpu.dma_semaphore, #tpu.memory_space<semaphore_mem>> -> memref<1x!tpu.dma_semaphore, #tpu.memory_space<semaphore_mem>>
    %dma_wait3A_204 = tpu.memref_squeeze %dma_wait3A_203 : memref<1x!tpu.dma_semaphore, #tpu.memory_space<semaphore_mem>> -> memref<!tpu.dma_semaphore, #tpu.memory_space<semaphore_mem>>
    tpu.wait_indirect_dma semaphore(%dma_wait3A_204 : memref<!tpu.dma_semaphore, #tpu.memory_space<semaphore_mem>>) src(%dma_wait3A_202 : memref<10000x128xf32, #tpu.memory_space<hbm>>) dst(%dma_wait3A_196 : memref<120x128xf32, #tpu.memory_space<vmem>>)
    %run_scoped3A = arith.constant 0 : i32
    %run_scoped3A_205 = arith.constant 0 : i32
    %run_scoped3A_206 = arith.constant 1 : i32
    "tpu.region"() ({
      %run_scoped3A_250 = tpu.sem_alloc : memref<!tpu.dma_semaphore, #tpu.memory_space<semaphore_mem>>
      %dma_start3A_251 = arith.constant 0 : i32
      %dma_start3A_252 = arith.constant 0 : i32
      %dma_start3A_253 = tpu.memref_slice %arg7[%run_scoped3A, %dma_start3A_251, %dma_start3A_252] : memref<3x120x128xf32, #tpu.memory_space<vmem>> -> memref<1x120x128xf32, #tpu.memory_space<vmem>>
      %dma_start3A_254 = tpu.memref_squeeze %dma_start3A_253 : memref<1x120x128xf32, #tpu.memory_space<vmem>> -> memref<120x128xf32, #tpu.memory_space<vmem>>
      %dma_start3A_255 = arith.constant 0 : i32
      %dma_start3A_256 = tpu.memref_slice %arg6[%run_scoped3A_205, %run_scoped3A_206, %dma_start3A_255] : memref<3x2x120xi32, #tpu.memory_space<vmem>> -> memref<1x1x120xi32, #tpu.memory_space<vmem>>
      %dma_start3A_257 = tpu.memref_squeeze %dma_start3A_256 : memref<1x1x120xi32, #tpu.memory_space<vmem>> -> memref<120xi32, #tpu.memory_space<vmem>>
      %dma_start3A_258 = arith.constant 0 : i32
      %dma_start3A_259 = arith.constant 0 : i32
      %dma_start3A_260 = tpu.memref_slice %arg8[%dma_start3A_258, %dma_start3A_259] : memref<10240x128xf32, #tpu.memory_space<vmem_shared>> -> memref<10240x128xf32, #tpu.memory_space<vmem_shared>>
      tpu.enqueue_indirect_dma source(%dma_start3A_254 : memref<120x128xf32, #tpu.memory_space<vmem>>) target(%dma_start3A_260 : memref<10240x128xf32, #tpu.memory_space<vmem_shared>>) offsets(%dma_start3A_257 : memref<120xi32, #tpu.memory_space<vmem>>) semaphore(%run_scoped3A_250 : memref<!tpu.dma_semaphore, #tpu.memory_space<semaphore_mem>>) {add = true}
      %dma_wait3A_261 = arith.constant 0 : i32
      %dma_wait3A_262 = arith.constant 0 : i32
      %dma_wait3A_263 = tpu.memref_slice %arg7[%run_scoped3A, %dma_wait3A_261, %dma_wait3A_262] : memref<3x120x128xf32, #tpu.memory_space<vmem>> -> memref<1x120x128xf32, #tpu.memory_space<vmem>>
      %dma_wait3A_264 = tpu.memref_squeeze %dma_wait3A_263 : memref<1x120x128xf32, #tpu.memory_space<vmem>> -> memref<120x128xf32, #tpu.memory_space<vmem>>
      %dma_wait3A_265 = arith.constant 0 : i32
      %dma_wait3A_266 = tpu.memref_slice %arg6[%run_scoped3A_205, %run_scoped3A_206, %dma_wait3A_265] : memref<3x2x120xi32, #tpu.memory_space<vmem>> -> memref<1x1x120xi32, #tpu.memory_space<vmem>>
      %dma_wait3A_267 = tpu.memref_squeeze %dma_wait3A_266 : memref<1x1x120xi32, #tpu.memory_space<vmem>> -> memref<120xi32, #tpu.memory_space<vmem>>
      %dma_wait3A_268 = arith.constant 0 : i32
      %dma_wait3A_269 = arith.constant 0 : i32
      %dma_wait3A_270 = tpu.memref_slice %arg8[%dma_wait3A_268, %dma_wait3A_269] : memref<10240x128xf32, #tpu.memory_space<vmem_shared>> -> memref<10240x128xf32, #tpu.memory_space<vmem_shared>>
      tpu.wait_indirect_dma semaphore(%run_scoped3A_250 : memref<!tpu.dma_semaphore, #tpu.memory_space<semaphore_mem>>) src(%dma_wait3A_264 : memref<120x128xf32, #tpu.memory_space<vmem>>) dst(%dma_wait3A_270 : memref<10240x128xf32, #tpu.memory_space<vmem_shared>>)
      tpu.yield
    }) : () -> ()
    %dma_wait3A_207 = arith.constant 1 : i32
    %dma_wait3A_208 = arith.constant 0 : i32
    %dma_wait3A_209 = arith.constant 1 : i32
    %dma_wait3A_210 = arith.constant 1 : i32
    %dma_wait3A_211 = arith.constant 0 : i32
    %dma_wait3A_212 = arith.constant 0 : i32
    %dma_wait3A_213 = tpu.memref_slice %arg7[%dma_wait3A_209, %dma_wait3A_211, %dma_wait3A_212] : memref<3x120x128xf32, #tpu.memory_space<vmem>> -> memref<1x120x128xf32, #tpu.memory_space<vmem>>
    %dma_wait3A_214 = tpu.memref_squeeze %dma_wait3A_213 : memref<1x120x128xf32, #tpu.memory_space<vmem>> -> memref<120x128xf32, #tpu.memory_space<vmem>>
    %dma_wait3A_215 = arith.constant 0 : i32
    %dma_wait3A_216 = tpu.memref_slice %arg6[%dma_wait3A_207, %dma_wait3A_208, %dma_wait3A_215] : memref<3x2x120xi32, #tpu.memory_space<vmem>> -> memref<1x1x120xi32, #tpu.memory_space<vmem>>
    %dma_wait3A_217 = tpu.memref_squeeze %dma_wait3A_216 : memref<1x1x120xi32, #tpu.memory_space<vmem>> -> memref<120xi32, #tpu.memory_space<vmem>>
    %dma_wait3A_218 = arith.constant 0 : i32
    %dma_wait3A_219 = arith.constant 0 : i32
    %dma_wait3A_220 = tpu.memref_slice %arg2[%dma_wait3A_218, %dma_wait3A_219] : memref<10000x128xf32, #tpu.memory_space<hbm>> -> memref<10000x128xf32, #tpu.memory_space<hbm>>
    %dma_wait3A_221 = tpu.memref_slice %arg9[%dma_wait3A_210] : memref<3x!tpu.dma_semaphore, #tpu.memory_space<semaphore_mem>> -> memref<1x!tpu.dma_semaphore, #tpu.memory_space<semaphore_mem>>
    %dma_wait3A_222 = tpu.memref_squeeze %dma_wait3A_221 : memref<1x!tpu.dma_semaphore, #tpu.memory_space<semaphore_mem>> -> memref<!tpu.dma_semaphore, #tpu.memory_space<semaphore_mem>>
    tpu.wait_indirect_dma semaphore(%dma_wait3A_222 : memref<!tpu.dma_semaphore, #tpu.memory_space<semaphore_mem>>) src(%dma_wait3A_220 : memref<10000x128xf32, #tpu.memory_space<hbm>>) dst(%dma_wait3A_214 : memref<120x128xf32, #tpu.memory_space<vmem>>)
    %run_scoped3A_223 = arith.constant 1 : i32
    %run_scoped3A_224 = arith.constant 1 : i32
    %run_scoped3A_225 = arith.constant 1 : i32
    "tpu.region"() ({
      %run_scoped3A_250 = tpu.sem_alloc : memref<!tpu.dma_semaphore, #tpu.memory_space<semaphore_mem>>
      %dma_start3A_251 = arith.constant 0 : i32
      %dma_start3A_252 = arith.constant 0 : i32
      %dma_start3A_253 = tpu.memref_slice %arg7[%run_scoped3A_223, %dma_start3A_251, %dma_start3A_252] : memref<3x120x128xf32, #tpu.memory_space<vmem>> -> memref<1x120x128xf32, #tpu.memory_space<vmem>>
      %dma_start3A_254 = tpu.memref_squeeze %dma_start3A_253 : memref<1x120x128xf32, #tpu.memory_space<vmem>> -> memref<120x128xf32, #tpu.memory_space<vmem>>
      %dma_start3A_255 = arith.constant 0 : i32
      %dma_start3A_256 = tpu.memref_slice %arg6[%run_scoped3A_224, %run_scoped3A_225, %dma_start3A_255] : memref<3x2x120xi32, #tpu.memory_space<vmem>> -> memref<1x1x120xi32, #tpu.memory_space<vmem>>
      %dma_start3A_257 = tpu.memref_squeeze %dma_start3A_256 : memref<1x1x120xi32, #tpu.memory_space<vmem>> -> memref<120xi32, #tpu.memory_space<vmem>>
      %dma_start3A_258 = arith.constant 0 : i32
      %dma_start3A_259 = arith.constant 0 : i32
      %dma_start3A_260 = tpu.memref_slice %arg8[%dma_start3A_258, %dma_start3A_259] : memref<10240x128xf32, #tpu.memory_space<vmem_shared>> -> memref<10240x128xf32, #tpu.memory_space<vmem_shared>>
      tpu.enqueue_indirect_dma source(%dma_start3A_254 : memref<120x128xf32, #tpu.memory_space<vmem>>) target(%dma_start3A_260 : memref<10240x128xf32, #tpu.memory_space<vmem_shared>>) offsets(%dma_start3A_257 : memref<120xi32, #tpu.memory_space<vmem>>) semaphore(%run_scoped3A_250 : memref<!tpu.dma_semaphore, #tpu.memory_space<semaphore_mem>>) {add = true}
      %dma_wait3A_261 = arith.constant 0 : i32
      %dma_wait3A_262 = arith.constant 0 : i32
      %dma_wait3A_263 = tpu.memref_slice %arg7[%run_scoped3A_223, %dma_wait3A_261, %dma_wait3A_262] : memref<3x120x128xf32, #tpu.memory_space<vmem>> -> memref<1x120x128xf32, #tpu.memory_space<vmem>>
      %dma_wait3A_264 = tpu.memref_squeeze %dma_wait3A_263 : memref<1x120x128xf32, #tpu.memory_space<vmem>> -> memref<120x128xf32, #tpu.memory_space<vmem>>
      %dma_wait3A_265 = arith.constant 0 : i32
      %dma_wait3A_266 = tpu.memref_slice %arg6[%run_scoped3A_224, %run_scoped3A_225, %dma_wait3A_265] : memref<3x2x120xi32, #tpu.memory_space<vmem>> -> memref<1x1x120xi32, #tpu.memory_space<vmem>>
      %dma_wait3A_267 = tpu.memref_squeeze %dma_wait3A_266 : memref<1x1x120xi32, #tpu.memory_space<vmem>> -> memref<120xi32, #tpu.memory_space<vmem>>
      %dma_wait3A_268 = arith.constant 0 : i32
      %dma_wait3A_269 = arith.constant 0 : i32
      %dma_wait3A_270 = tpu.memref_slice %arg8[%dma_wait3A_268, %dma_wait3A_269] : memref<10240x128xf32, #tpu.memory_space<vmem_shared>> -> memref<10240x128xf32, #tpu.memory_space<vmem_shared>>
      tpu.wait_indirect_dma semaphore(%run_scoped3A_250 : memref<!tpu.dma_semaphore, #tpu.memory_space<semaphore_mem>>) src(%dma_wait3A_264 : memref<120x128xf32, #tpu.memory_space<vmem>>) dst(%dma_wait3A_270 : memref<10240x128xf32, #tpu.memory_space<vmem_shared>>)
      tpu.yield
    }) : () -> ()
    %dma_wait3A_226 = arith.constant 2 : i32
    %dma_wait3A_227 = arith.constant 0 : i32
    %dma_wait3A_228 = arith.constant 2 : i32
    %dma_wait3A_229 = arith.constant 2 : i32
    %dma_wait3A_230 = arith.constant 0 : i32
    %dma_wait3A_231 = arith.constant 0 : i32
    %dma_wait3A_232 = tpu.memref_slice %arg7[%dma_wait3A_228, %dma_wait3A_230, %dma_wait3A_231] : memref<3x120x128xf32, #tpu.memory_space<vmem>> -> memref<1x120x128xf32, #tpu.memory_space<vmem>>
    %dma_wait3A_233 = tpu.memref_squeeze %dma_wait3A_232 : memref<1x120x128xf32, #tpu.memory_space<vmem>> -> memref<120x128xf32, #tpu.memory_space<vmem>>
    %dma_wait3A_234 = arith.constant 0 : i32
    %dma_wait3A_235 = tpu.memref_slice %arg6[%dma_wait3A_226, %dma_wait3A_227, %dma_wait3A_234] : memref<3x2x120xi32, #tpu.memory_space<vmem>> -> memref<1x1x120xi32, #tpu.memory_space<vmem>>
    %dma_wait3A_236 = tpu.memref_squeeze %dma_wait3A_235 : memref<1x1x120xi32, #tpu.memory_space<vmem>> -> memref<120xi32, #tpu.memory_space<vmem>>
    %dma_wait3A_237 = arith.constant 0 : i32
    %dma_wait3A_238 = arith.constant 0 : i32
    %dma_wait3A_239 = tpu.memref_slice %arg2[%dma_wait3A_237, %dma_wait3A_238] : memref<10000x128xf32, #tpu.memory_space<hbm>> -> memref<10000x128xf32, #tpu.memory_space<hbm>>
    %dma_wait3A_240 = tpu.memref_slice %arg9[%dma_wait3A_229] : memref<3x!tpu.dma_semaphore, #tpu.memory_space<semaphore_mem>> -> memref<1x!tpu.dma_semaphore, #tpu.memory_space<semaphore_mem>>
    %dma_wait3A_241 = tpu.memref_squeeze %dma_wait3A_240 : memref<1x!tpu.dma_semaphore, #tpu.memory_space<semaphore_mem>> -> memref<!tpu.dma_semaphore, #tpu.memory_space<semaphore_mem>>
    tpu.wait_indirect_dma semaphore(%dma_wait3A_241 : memref<!tpu.dma_semaphore, #tpu.memory_space<semaphore_mem>>) src(%dma_wait3A_239 : memref<10000x128xf32, #tpu.memory_space<hbm>>) dst(%dma_wait3A_233 : memref<120x128xf32, #tpu.memory_space<vmem>>)
    %run_scoped3A_242 = arith.constant 2 : i32
    %run_scoped3A_243 = arith.constant 2 : i32
    %run_scoped3A_244 = arith.constant 1 : i32
    "tpu.region"() ({
      %run_scoped3A_250 = tpu.sem_alloc : memref<!tpu.dma_semaphore, #tpu.memory_space<semaphore_mem>>
      %dma_start3A_251 = arith.constant 0 : i32
      %dma_start3A_252 = arith.constant 0 : i32
      %dma_start3A_253 = tpu.memref_slice %arg7[%run_scoped3A_242, %dma_start3A_251, %dma_start3A_252] : memref<3x120x128xf32, #tpu.memory_space<vmem>> -> memref<1x120x128xf32, #tpu.memory_space<vmem>>
      %dma_start3A_254 = tpu.memref_squeeze %dma_start3A_253 : memref<1x120x128xf32, #tpu.memory_space<vmem>> -> memref<120x128xf32, #tpu.memory_space<vmem>>
      %dma_start3A_255 = arith.constant 0 : i32
      %dma_start3A_256 = tpu.memref_slice %arg6[%run_scoped3A_243, %run_scoped3A_244, %dma_start3A_255] : memref<3x2x120xi32, #tpu.memory_space<vmem>> -> memref<1x1x120xi32, #tpu.memory_space<vmem>>
      %dma_start3A_257 = tpu.memref_squeeze %dma_start3A_256 : memref<1x1x120xi32, #tpu.memory_space<vmem>> -> memref<120xi32, #tpu.memory_space<vmem>>
      %dma_start3A_258 = arith.constant 0 : i32
      %dma_start3A_259 = arith.constant 0 : i32
      %dma_start3A_260 = tpu.memref_slice %arg8[%dma_start3A_258, %dma_start3A_259] : memref<10240x128xf32, #tpu.memory_space<vmem_shared>> -> memref<10240x128xf32, #tpu.memory_space<vmem_shared>>
      tpu.enqueue_indirect_dma source(%dma_start3A_254 : memref<120x128xf32, #tpu.memory_space<vmem>>) target(%dma_start3A_260 : memref<10240x128xf32, #tpu.memory_space<vmem_shared>>) offsets(%dma_start3A_257 : memref<120xi32, #tpu.memory_space<vmem>>) semaphore(%run_scoped3A_250 : memref<!tpu.dma_semaphore, #tpu.memory_space<semaphore_mem>>) {add = true}
      %dma_wait3A_261 = arith.constant 0 : i32
      %dma_wait3A_262 = arith.constant 0 : i32
      %dma_wait3A_263 = tpu.memref_slice %arg7[%run_scoped3A_242, %dma_wait3A_261, %dma_wait3A_262] : memref<3x120x128xf32, #tpu.memory_space<vmem>> -> memref<1x120x128xf32, #tpu.memory_space<vmem>>
      %dma_wait3A_264 = tpu.memref_squeeze %dma_wait3A_263 : memref<1x120x128xf32, #tpu.memory_space<vmem>> -> memref<120x128xf32, #tpu.memory_space<vmem>>
      %dma_wait3A_265 = arith.constant 0 : i32
      %dma_wait3A_266 = tpu.memref_slice %arg6[%run_scoped3A_243, %run_scoped3A_244, %dma_wait3A_265] : memref<3x2x120xi32, #tpu.memory_space<vmem>> -> memref<1x1x120xi32, #tpu.memory_space<vmem>>
      %dma_wait3A_267 = tpu.memref_squeeze %dma_wait3A_266 : memref<1x1x120xi32, #tpu.memory_space<vmem>> -> memref<120xi32, #tpu.memory_space<vmem>>
      %dma_wait3A_268 = arith.constant 0 : i32
      %dma_wait3A_269 = arith.constant 0 : i32
      %dma_wait3A_270 = tpu.memref_slice %arg8[%dma_wait3A_268, %dma_wait3A_269] : memref<10240x128xf32, #tpu.memory_space<vmem_shared>> -> memref<10240x128xf32, #tpu.memory_space<vmem_shared>>
      tpu.wait_indirect_dma semaphore(%run_scoped3A_250 : memref<!tpu.dma_semaphore, #tpu.memory_space<semaphore_mem>>) src(%dma_wait3A_264 : memref<120x128xf32, #tpu.memory_space<vmem>>) dst(%dma_wait3A_270 : memref<10240x128xf32, #tpu.memory_space<vmem_shared>>)
      tpu.yield
    }) : () -> ()
    %barrier3A_245 = arith.constant 0 : index
    tpu.barrier barrier_id(%barrier3A_245)
    %mul3A_246 = arith.constant 640 : i32
    %mul3A_247 = arith.muli %arg1, %mul3A_246 : i32
    %mul3A_248 = arith.constant 640 : i32
    %mul3A_249 = arith.muli %arg1, %mul3A_248 : i32
    "tpu.region"() ({
      %run_scoped3A_250 = tpu.sem_alloc : memref<!tpu.dma_semaphore, #tpu.memory_space<semaphore_mem>>
      %dma_start3A_251 = arith.constant 0 : i32
      %dma_start3A_252 = tpu.memref_slice %arg5[%arg0, %mul3A_249, %dma_start3A_251] : memref<2x10240x128xf32, #tpu.memory_space<hbm>> -> memref<1x640x128xf32, #tpu.memory_space<hbm>>
      %dma_start3A_253 = tpu.memref_squeeze %dma_start3A_252 : memref<1x640x128xf32, #tpu.memory_space<hbm>> -> memref<640x128xf32, #tpu.memory_space<hbm>>
      %dma_start3A_254 = arith.constant 0 : i32
      %dma_start3A_255 = tpu.memref_slice %arg8[%mul3A_247, %dma_start3A_254] : memref<10240x128xf32, #tpu.memory_space<vmem_shared>> -> memref<640x128xf32, #tpu.memory_space<vmem_shared>>
      tpu.enqueue_dma source(%dma_start3A_255 : memref<640x128xf32, #tpu.memory_space<vmem_shared>>) target(%dma_start3A_253 : memref<640x128xf32, #tpu.memory_space<hbm>>) target_semaphore(%run_scoped3A_250 : memref<!tpu.dma_semaphore, #tpu.memory_space<semaphore_mem>>)
      %dma_wait3A_256 = arith.constant 0 : i32
      %dma_wait3A_257 = tpu.memref_slice %arg5[%arg0, %mul3A_249, %dma_wait3A_256] : memref<2x10240x128xf32, #tpu.memory_space<hbm>> -> memref<1x640x128xf32, #tpu.memory_space<hbm>>
      %dma_wait3A_258 = tpu.memref_squeeze %dma_wait3A_257 : memref<1x640x128xf32, #tpu.memory_space<hbm>> -> memref<640x128xf32, #tpu.memory_space<hbm>>
      %dma_wait3A_259 = arith.constant 0 : i32
      %dma_wait3A_260 = tpu.memref_slice %arg8[%mul3A_247, %dma_wait3A_259] : memref<10240x128xf32, #tpu.memory_space<vmem_shared>> -> memref<640x128xf32, #tpu.memory_space<vmem_shared>>
      tpu.wait_dma2 semaphore(%run_scoped3A_250 : memref<!tpu.dma_semaphore, #tpu.memory_space<semaphore_mem>>) src(%dma_wait3A_260 : memref<640x128xf32, #tpu.memory_space<vmem_shared>>) dst(%dma_wait3A_258 : memref<640x128xf32, #tpu.memory_space<hbm>>)
      tpu.yield
    }) : () -> ()
    return
  }
}

#map = affine_map<(d0, d1) -> (0)>
#map1 = affine_map<(d0, d1) -> (0, 0)>
module attributes {stable_mosaic.version = 14 : i64} {
  func.func @_deg2_body(%arg0: i32, %arg1: i32, %arg2: memref<322560xi32, #tpu.memory_space<hbm>>, %arg3: memref<120xf32, #tpu.memory_space<hbm>>, %arg4: memref<640xf32, #tpu.memory_space<hbm>>, %arg5: memref<2x10240xf32, #tpu.memory_space<hbm>>, %arg6: memref<2x120xi32, #tpu.memory_space<vmem>>, %arg7: memref<120xf32, #tpu.memory_space<vmem>>, %arg8: memref<10240xf32, #tpu.memory_space<vmem_shared>>, %arg9: memref<2x!tpu.dma_semaphore, #tpu.memory_space<semaphore_mem>>) attributes {dimension_semantics = [#tpu.dimension_semantics<core_parallel>, #tpu.dimension_semantics<subcore_parallel>], iteration_bounds = array<i64: 2, 16>, scalar_prefetch = 0 : i64, scratch_operands = 4 : i64, tpu.core_type = #tpu.core_type<sc_vector_subcore>, window_params = [{transform_indices = #map}, {transform_indices = #map}, {transform_indices = #map}, {transform_indices = #map1}]} {
    %mul3A = arith.constant 2 : i32
    %mul3A_0 = arith.muli %arg1, %mul3A : i32
    %add3A = arith.addi %mul3A_0, %arg0 : i32
    %mul3A_1 = arith.constant 640 : i32
    %mul3A_2 = arith.muli %arg1, %mul3A_1 : i32
    "tpu.region"() ({
      %run_scoped3A_73 = tpu.sem_alloc : memref<!tpu.dma_semaphore, #tpu.memory_space<semaphore_mem>>
      %dma_start3A_74 = tpu.memref_slice %arg8[%mul3A_2] : memref<10240xf32, #tpu.memory_space<vmem_shared>> -> memref<640xf32, #tpu.memory_space<vmem_shared>>
      %dma_start3A_75 = arith.constant 0 : i32
      %dma_start3A_76 = tpu.memref_slice %arg4[%dma_start3A_75] : memref<640xf32, #tpu.memory_space<hbm>> -> memref<640xf32, #tpu.memory_space<hbm>>
      tpu.enqueue_dma source(%dma_start3A_76 : memref<640xf32, #tpu.memory_space<hbm>>) target(%dma_start3A_74 : memref<640xf32, #tpu.memory_space<vmem_shared>>) target_semaphore(%run_scoped3A_73 : memref<!tpu.dma_semaphore, #tpu.memory_space<semaphore_mem>>)
      %dma_wait3A_77 = tpu.memref_slice %arg8[%mul3A_2] : memref<10240xf32, #tpu.memory_space<vmem_shared>> -> memref<640xf32, #tpu.memory_space<vmem_shared>>
      %dma_wait3A_78 = arith.constant 0 : i32
      %dma_wait3A_79 = tpu.memref_slice %arg4[%dma_wait3A_78] : memref<640xf32, #tpu.memory_space<hbm>> -> memref<640xf32, #tpu.memory_space<hbm>>
      tpu.wait_dma2 semaphore(%run_scoped3A_73 : memref<!tpu.dma_semaphore, #tpu.memory_space<semaphore_mem>>) src(%dma_wait3A_79 : memref<640xf32, #tpu.memory_space<hbm>>) dst(%dma_wait3A_77 : memref<640xf32, #tpu.memory_space<vmem_shared>>)
      tpu.yield
    }) : () -> ()
    "tpu.region"() ({
      %run_scoped3A_73 = tpu.sem_alloc : memref<!tpu.dma_semaphore, #tpu.memory_space<semaphore_mem>>
      tpu.enqueue_dma source(%arg3 : memref<120xf32, #tpu.memory_space<hbm>>) target(%arg7 : memref<120xf32, #tpu.memory_space<vmem>>) target_semaphore(%run_scoped3A_73 : memref<!tpu.dma_semaphore, #tpu.memory_space<semaphore_mem>>)
      tpu.wait_dma2 semaphore(%run_scoped3A_73 : memref<!tpu.dma_semaphore, #tpu.memory_space<semaphore_mem>>) src(%arg3 : memref<120xf32, #tpu.memory_space<hbm>>) dst(%arg7 : memref<120xf32, #tpu.memory_space<vmem>>)
      tpu.yield
    }) : () -> ()
    %barrier3A = arith.constant 0 : index
    tpu.barrier barrier_id(%barrier3A)
    %add3A_3 = arith.constant 0 : i32
    %add3A_4 = arith.addi %add3A, %add3A_3 : i32
    %mul3A_5 = arith.constant 120 : i32
    %mul3A_6 = arith.muli %add3A_4, %mul3A_5 : i32
    %dma_start3A = arith.constant 0 : i32
    %dma_start3A_7 = arith.constant 0 : i32
    %dma_start3A_8 = arith.constant 0 : i32
    %dma_start3A_9 = tpu.memref_slice %arg6[%dma_start3A, %dma_start3A_8] : memref<2x120xi32, #tpu.memory_space<vmem>> -> memref<1x120xi32, #tpu.memory_space<vmem>>
    %dma_start3A_10 = tpu.memref_squeeze %dma_start3A_9 : memref<1x120xi32, #tpu.memory_space<vmem>> -> memref<120xi32, #tpu.memory_space<vmem>>
    %dma_start3A_11 = tpu.memref_slice %arg2[%mul3A_6] : memref<322560xi32, #tpu.memory_space<hbm>> -> memref<120xi32, #tpu.memory_space<hbm>>
    %dma_start3A_12 = tpu.memref_slice %arg9[%dma_start3A_7] : memref<2x!tpu.dma_semaphore, #tpu.memory_space<semaphore_mem>> -> memref<1x!tpu.dma_semaphore, #tpu.memory_space<semaphore_mem>>
    %dma_start3A_13 = tpu.memref_squeeze %dma_start3A_12 : memref<1x!tpu.dma_semaphore, #tpu.memory_space<semaphore_mem>> -> memref<!tpu.dma_semaphore, #tpu.memory_space<semaphore_mem>>
    %dma_start3A_14 = arith.constant 0 : i32
    %dma_start3A_15 = tpu.memref_slice %arg6[%dma_start3A, %dma_start3A_14] : memref<2x120xi32, #tpu.memory_space<vmem>> -> memref<1x120xi32, #tpu.memory_space<vmem>>
    %dma_start3A_16 = tpu.memref_squeeze %dma_start3A_15 : memref<1x120xi32, #tpu.memory_space<vmem>> -> memref<120xi32, #tpu.memory_space<vmem>>
    %dma_start3A_17 = tpu.memref_slice %arg2[%mul3A_6] : memref<322560xi32, #tpu.memory_space<hbm>> -> memref<120xi32, #tpu.memory_space<hbm>>
    tpu.enqueue_dma source(%dma_start3A_17 : memref<120xi32, #tpu.memory_space<hbm>>) target(%dma_start3A_16 : memref<120xi32, #tpu.memory_space<vmem>>) target_semaphore(%dma_start3A_13 : memref<!tpu.dma_semaphore, #tpu.memory_space<semaphore_mem>>)
    %scan3A = arith.constant 0 : i32
    %scan3A_18 = arith.constant 0 : i32
    %scan3A_19 = arith.constant 41 : i32
    %scan3A_20 = arith.addi %scan3A_18, %scan3A_19 : i32
    %scan3A_21 = arith.constant 1 : i32
    %scan3A_22 = scf.for %scan3A_73 = %scan3A_18 to %scan3A_20 step %scan3A_21 iter_args(%scan3A_74 = %scan3A) -> (i32)  : i32 {
      %mul3A_75 = arith.constant 2 : i32
      %mul3A_76 = arith.muli %mul3A_75, %scan3A_73 : i32
      %add3A_77 = arith.constant 1 : i32
      %add3A_78 = arith.addi %mul3A_76, %add3A_77 : i32
      %add3A_79 = arith.constant 0 : i32
      %add3A_80 = arith.addi %add3A_78, %add3A_79 : i32
      %mul3A_81 = arith.constant 32 : i32
      %mul3A_82 = arith.muli %add3A_80, %mul3A_81 : i32
      %add3A_83 = arith.addi %add3A, %mul3A_82 : i32
      %mul3A_84 = arith.constant 120 : i32
      %mul3A_85 = arith.muli %add3A_83, %mul3A_84 : i32
      %dma_start3A_86 = arith.constant 1 : i32
      %dma_start3A_87 = arith.constant 1 : i32
      %dma_start3A_88 = arith.constant 0 : i32
      %dma_start3A_89 = tpu.memref_slice %arg6[%dma_start3A_86, %dma_start3A_88] : memref<2x120xi32, #tpu.memory_space<vmem>> -> memref<1x120xi32, #tpu.memory_space<vmem>>
      %dma_start3A_90 = tpu.memref_squeeze %dma_start3A_89 : memref<1x120xi32, #tpu.memory_space<vmem>> -> memref<120xi32, #tpu.memory_space<vmem>>
      %dma_start3A_91 = tpu.memref_slice %arg2[%mul3A_85] : memref<322560xi32, #tpu.memory_space<hbm>> -> memref<120xi32, #tpu.memory_space<hbm>>
      %dma_start3A_92 = tpu.memref_slice %arg9[%dma_start3A_87] : memref<2x!tpu.dma_semaphore, #tpu.memory_space<semaphore_mem>> -> memref<1x!tpu.dma_semaphore, #tpu.memory_space<semaphore_mem>>
      %dma_start3A_93 = tpu.memref_squeeze %dma_start3A_92 : memref<1x!tpu.dma_semaphore, #tpu.memory_space<semaphore_mem>> -> memref<!tpu.dma_semaphore, #tpu.memory_space<semaphore_mem>>
      %dma_start3A_94 = arith.constant 0 : i32
      %dma_start3A_95 = tpu.memref_slice %arg6[%dma_start3A_86, %dma_start3A_94] : memref<2x120xi32, #tpu.memory_space<vmem>> -> memref<1x120xi32, #tpu.memory_space<vmem>>
      %dma_start3A_96 = tpu.memref_squeeze %dma_start3A_95 : memref<1x120xi32, #tpu.memory_space<vmem>> -> memref<120xi32, #tpu.memory_space<vmem>>
      %dma_start3A_97 = tpu.memref_slice %arg2[%mul3A_85] : memref<322560xi32, #tpu.memory_space<hbm>> -> memref<120xi32, #tpu.memory_space<hbm>>
      tpu.enqueue_dma source(%dma_start3A_97 : memref<120xi32, #tpu.memory_space<hbm>>) target(%dma_start3A_96 : memref<120xi32, #tpu.memory_space<vmem>>) target_semaphore(%dma_start3A_93 : memref<!tpu.dma_semaphore, #tpu.memory_space<semaphore_mem>>)
      %dma_wait3A_98 = arith.constant 0 : i32
      %dma_wait3A_99 = arith.constant 0 : i32
      %dma_wait3A_100 = arith.constant 0 : i32
      %dma_wait3A_101 = tpu.memref_slice %arg6[%dma_wait3A_98, %dma_wait3A_100] : memref<2x120xi32, #tpu.memory_space<vmem>> -> memref<1x120xi32, #tpu.memory_space<vmem>>
      %dma_wait3A_102 = tpu.memref_squeeze %dma_wait3A_101 : memref<1x120xi32, #tpu.memory_space<vmem>> -> memref<120xi32, #tpu.memory_space<vmem>>
      %dma_wait3A_103 = arith.constant 0 : i32
      %dma_wait3A_104 = tpu.memref_slice %arg2[%dma_wait3A_103] : memref<322560xi32, #tpu.memory_space<hbm>> -> memref<120xi32, #tpu.memory_space<hbm>>
      %dma_wait3A_105 = tpu.memref_slice %arg9[%dma_wait3A_99] : memref<2x!tpu.dma_semaphore, #tpu.memory_space<semaphore_mem>> -> memref<1x!tpu.dma_semaphore, #tpu.memory_space<semaphore_mem>>
      %dma_wait3A_106 = tpu.memref_squeeze %dma_wait3A_105 : memref<1x!tpu.dma_semaphore, #tpu.memory_space<semaphore_mem>> -> memref<!tpu.dma_semaphore, #tpu.memory_space<semaphore_mem>>
      %dma_wait3A_107 = arith.constant 0 : i32
      %dma_wait3A_108 = tpu.memref_slice %arg6[%dma_wait3A_98, %dma_wait3A_107] : memref<2x120xi32, #tpu.memory_space<vmem>> -> memref<1x120xi32, #tpu.memory_space<vmem>>
      %dma_wait3A_109 = tpu.memref_squeeze %dma_wait3A_108 : memref<1x120xi32, #tpu.memory_space<vmem>> -> memref<120xi32, #tpu.memory_space<vmem>>
      %dma_wait3A_110 = arith.constant 0 : i32
      %dma_wait3A_111 = tpu.memref_slice %arg2[%dma_wait3A_110] : memref<322560xi32, #tpu.memory_space<hbm>> -> memref<120xi32, #tpu.memory_space<hbm>>
      tpu.wait_dma2 semaphore(%dma_wait3A_106 : memref<!tpu.dma_semaphore, #tpu.memory_space<semaphore_mem>>) src(%dma_wait3A_111 : memref<120xi32, #tpu.memory_space<hbm>>) dst(%dma_wait3A_109 : memref<120xi32, #tpu.memory_space<vmem>>)
      %run_scoped3A_112 = arith.constant 0 : i32
      "tpu.region"() ({
        %run_scoped3A_152 = tpu.sem_alloc : memref<!tpu.dma_semaphore, #tpu.memory_space<semaphore_mem>>
        %dma_start3A_153 = arith.constant 0 : i32
        %dma_start3A_154 = tpu.memref_slice %arg6[%run_scoped3A_112, %dma_start3A_153] : memref<2x120xi32, #tpu.memory_space<vmem>> -> memref<1x120xi32, #tpu.memory_space<vmem>>
        %dma_start3A_155 = tpu.memref_squeeze %dma_start3A_154 : memref<1x120xi32, #tpu.memory_space<vmem>> -> memref<120xi32, #tpu.memory_space<vmem>>
        %dma_start3A_156 = arith.constant 0 : i32
        %dma_start3A_157 = tpu.memref_slice %arg8[%dma_start3A_156] : memref<10240xf32, #tpu.memory_space<vmem_shared>> -> memref<10240xf32, #tpu.memory_space<vmem_shared>>
        tpu.enqueue_indirect_dma source(%arg7 : memref<120xf32, #tpu.memory_space<vmem>>) target(%dma_start3A_157 : memref<10240xf32, #tpu.memory_space<vmem_shared>>) offsets(%dma_start3A_155 : memref<120xi32, #tpu.memory_space<vmem>>) semaphore(%run_scoped3A_152 : memref<!tpu.dma_semaphore, #tpu.memory_space<semaphore_mem>>) {add = true}
        %dma_wait3A_158 = arith.constant 0 : i32
        %dma_wait3A_159 = tpu.memref_slice %arg6[%run_scoped3A_112, %dma_wait3A_158] : memref<2x120xi32, #tpu.memory_space<vmem>> -> memref<1x120xi32, #tpu.memory_space<vmem>>
        %dma_wait3A_160 = tpu.memref_squeeze %dma_wait3A_159 : memref<1x120xi32, #tpu.memory_space<vmem>> -> memref<120xi32, #tpu.memory_space<vmem>>
        %dma_wait3A_161 = arith.constant 0 : i32
        %dma_wait3A_162 = tpu.memref_slice %arg8[%dma_wait3A_161] : memref<10240xf32, #tpu.memory_space<vmem_shared>> -> memref<10240xf32, #tpu.memory_space<vmem_shared>>
        tpu.wait_indirect_dma semaphore(%run_scoped3A_152 : memref<!tpu.dma_semaphore, #tpu.memory_space<semaphore_mem>>) src(%arg7 : memref<120xf32, #tpu.memory_space<vmem>>) dst(%dma_wait3A_162 : memref<10240xf32, #tpu.memory_space<vmem_shared>>)
        tpu.yield
      }) : () -> ()
      %mul3A_113 = arith.constant 2 : i32
      %mul3A_114 = arith.muli %mul3A_113, %scan3A_73 : i32
      %add3A_115 = arith.constant 1 : i32
      %add3A_116 = arith.addi %mul3A_114, %add3A_115 : i32
      %add3A_117 = arith.constant 1 : i32
      %add3A_118 = arith.addi %add3A_116, %add3A_117 : i32
      %mul3A_119 = arith.constant 32 : i32
      %mul3A_120 = arith.muli %add3A_118, %mul3A_119 : i32
      %add3A_121 = arith.addi %add3A, %mul3A_120 : i32
      %mul3A_122 = arith.constant 120 : i32
      %mul3A_123 = arith.muli %add3A_121, %mul3A_122 : i32
      %dma_start3A_124 = arith.constant 0 : i32
      %dma_start3A_125 = arith.constant 0 : i32
      %dma_start3A_126 = arith.constant 0 : i32
      %dma_start3A_127 = tpu.memref_slice %arg6[%dma_start3A_124, %dma_start3A_126] : memref<2x120xi32, #tpu.memory_space<vmem>> -> memref<1x120xi32, #tpu.memory_space<vmem>>
      %dma_start3A_128 = tpu.memref_squeeze %dma_start3A_127 : memref<1x120xi32, #tpu.memory_space<vmem>> -> memref<120xi32, #tpu.memory_space<vmem>>
      %dma_start3A_129 = tpu.memref_slice %arg2[%mul3A_123] : memref<322560xi32, #tpu.memory_space<hbm>> -> memref<120xi32, #tpu.memory_space<hbm>>
      %dma_start3A_130 = tpu.memref_slice %arg9[%dma_start3A_125] : memref<2x!tpu.dma_semaphore, #tpu.memory_space<semaphore_mem>> -> memref<1x!tpu.dma_semaphore, #tpu.memory_space<semaphore_mem>>
      %dma_start3A_131 = tpu.memref_squeeze %dma_start3A_130 : memref<1x!tpu.dma_semaphore, #tpu.memory_space<semaphore_mem>> -> memref<!tpu.dma_semaphore, #tpu.memory_space<semaphore_mem>>
      %dma_start3A_132 = arith.constant 0 : i32
      %dma_start3A_133 = tpu.memref_slice %arg6[%dma_start3A_124, %dma_start3A_132] : memref<2x120xi32, #tpu.memory_space<vmem>> -> memref<1x120xi32, #tpu.memory_space<vmem>>
      %dma_start3A_134 = tpu.memref_squeeze %dma_start3A_133 : memref<1x120xi32, #tpu.memory_space<vmem>> -> memref<120xi32, #tpu.memory_space<vmem>>
      %dma_start3A_135 = tpu.memref_slice %arg2[%mul3A_123] : memref<322560xi32, #tpu.memory_space<hbm>> -> memref<120xi32, #tpu.memory_space<hbm>>
      tpu.enqueue_dma source(%dma_start3A_135 : memref<120xi32, #tpu.memory_space<hbm>>) target(%dma_start3A_134 : memref<120xi32, #tpu.memory_space<vmem>>) target_semaphore(%dma_start3A_131 : memref<!tpu.dma_semaphore, #tpu.memory_space<semaphore_mem>>)
      %dma_wait3A_136 = arith.constant 1 : i32
      %dma_wait3A_137 = arith.constant 1 : i32
      %dma_wait3A_138 = arith.constant 0 : i32
      %dma_wait3A_139 = tpu.memref_slice %arg6[%dma_wait3A_136, %dma_wait3A_138] : memref<2x120xi32, #tpu.memory_space<vmem>> -> memref<1x120xi32, #tpu.memory_space<vmem>>
      %dma_wait3A_140 = tpu.memref_squeeze %dma_wait3A_139 : memref<1x120xi32, #tpu.memory_space<vmem>> -> memref<120xi32, #tpu.memory_space<vmem>>
      %dma_wait3A_141 = arith.constant 0 : i32
      %dma_wait3A_142 = tpu.memref_slice %arg2[%dma_wait3A_141] : memref<322560xi32, #tpu.memory_space<hbm>> -> memref<120xi32, #tpu.memory_space<hbm>>
      %dma_wait3A_143 = tpu.memref_slice %arg9[%dma_wait3A_137] : memref<2x!tpu.dma_semaphore, #tpu.memory_space<semaphore_mem>> -> memref<1x!tpu.dma_semaphore, #tpu.memory_space<semaphore_mem>>
      %dma_wait3A_144 = tpu.memref_squeeze %dma_wait3A_143 : memref<1x!tpu.dma_semaphore, #tpu.memory_space<semaphore_mem>> -> memref<!tpu.dma_semaphore, #tpu.memory_space<semaphore_mem>>
      %dma_wait3A_145 = arith.constant 0 : i32
      %dma_wait3A_146 = tpu.memref_slice %arg6[%dma_wait3A_136, %dma_wait3A_145] : memref<2x120xi32, #tpu.memory_space<vmem>> -> memref<1x120xi32, #tpu.memory_space<vmem>>
      %dma_wait3A_147 = tpu.memref_squeeze %dma_wait3A_146 : memref<1x120xi32, #tpu.memory_space<vmem>> -> memref<120xi32, #tpu.memory_space<vmem>>
      %dma_wait3A_148 = arith.constant 0 : i32
      %dma_wait3A_149 = tpu.memref_slice %arg2[%dma_wait3A_148] : memref<322560xi32, #tpu.memory_space<hbm>> -> memref<120xi32, #tpu.memory_space<hbm>>
      tpu.wait_dma2 semaphore(%dma_wait3A_144 : memref<!tpu.dma_semaphore, #tpu.memory_space<semaphore_mem>>) src(%dma_wait3A_149 : memref<120xi32, #tpu.memory_space<hbm>>) dst(%dma_wait3A_147 : memref<120xi32, #tpu.memory_space<vmem>>)
      %run_scoped3A_150 = arith.constant 1 : i32
      "tpu.region"() ({
        %run_scoped3A_152 = tpu.sem_alloc : memref<!tpu.dma_semaphore, #tpu.memory_space<semaphore_mem>>
        %dma_start3A_153 = arith.constant 0 : i32
        %dma_start3A_154 = tpu.memref_slice %arg6[%run_scoped3A_150, %dma_start3A_153] : memref<2x120xi32, #tpu.memory_space<vmem>> -> memref<1x120xi32, #tpu.memory_space<vmem>>
        %dma_start3A_155 = tpu.memref_squeeze %dma_start3A_154 : memref<1x120xi32, #tpu.memory_space<vmem>> -> memref<120xi32, #tpu.memory_space<vmem>>
        %dma_start3A_156 = arith.constant 0 : i32
        %dma_start3A_157 = tpu.memref_slice %arg8[%dma_start3A_156] : memref<10240xf32, #tpu.memory_space<vmem_shared>> -> memref<10240xf32, #tpu.memory_space<vmem_shared>>
        tpu.enqueue_indirect_dma source(%arg7 : memref<120xf32, #tpu.memory_space<vmem>>) target(%dma_start3A_157 : memref<10240xf32, #tpu.memory_space<vmem_shared>>) offsets(%dma_start3A_155 : memref<120xi32, #tpu.memory_space<vmem>>) semaphore(%run_scoped3A_152 : memref<!tpu.dma_semaphore, #tpu.memory_space<semaphore_mem>>) {add = true}
        %dma_wait3A_158 = arith.constant 0 : i32
        %dma_wait3A_159 = tpu.memref_slice %arg6[%run_scoped3A_150, %dma_wait3A_158] : memref<2x120xi32, #tpu.memory_space<vmem>> -> memref<1x120xi32, #tpu.memory_space<vmem>>
        %dma_wait3A_160 = tpu.memref_squeeze %dma_wait3A_159 : memref<1x120xi32, #tpu.memory_space<vmem>> -> memref<120xi32, #tpu.memory_space<vmem>>
        %dma_wait3A_161 = arith.constant 0 : i32
        %dma_wait3A_162 = tpu.memref_slice %arg8[%dma_wait3A_161] : memref<10240xf32, #tpu.memory_space<vmem_shared>> -> memref<10240xf32, #tpu.memory_space<vmem_shared>>
        tpu.wait_indirect_dma semaphore(%run_scoped3A_152 : memref<!tpu.dma_semaphore, #tpu.memory_space<semaphore_mem>>) src(%arg7 : memref<120xf32, #tpu.memory_space<vmem>>) dst(%dma_wait3A_162 : memref<10240xf32, #tpu.memory_space<vmem_shared>>)
        tpu.yield
      }) : () -> ()
      %scan3A_151 = arith.constant 0 : i32
      scf.yield %scan3A_151 : i32
    }
    %scan3A_23 = arith.constant 41 : i32
    %add3A_24 = arith.constant 2656 : i32
    %add3A_25 = arith.addi %add3A, %add3A_24 : i32
    %mul3A_26 = arith.constant 120 : i32
    %mul3A_27 = arith.muli %add3A_25, %mul3A_26 : i32
    %dma_start3A_28 = arith.constant 1 : i32
    %dma_start3A_29 = arith.constant 1 : i32
    %dma_start3A_30 = arith.constant 0 : i32
    %dma_start3A_31 = tpu.memref_slice %arg6[%dma_start3A_28, %dma_start3A_30] : memref<2x120xi32, #tpu.memory_space<vmem>> -> memref<1x120xi32, #tpu.memory_space<vmem>>
    %dma_start3A_32 = tpu.memref_squeeze %dma_start3A_31 : memref<1x120xi32, #tpu.memory_space<vmem>> -> memref<120xi32, #tpu.memory_space<vmem>>
    %dma_start3A_33 = tpu.memref_slice %arg2[%mul3A_27] : memref<322560xi32, #tpu.memory_space<hbm>> -> memref<120xi32, #tpu.memory_space<hbm>>
    %dma_start3A_34 = tpu.memref_slice %arg9[%dma_start3A_29] : memref<2x!tpu.dma_semaphore, #tpu.memory_space<semaphore_mem>> -> memref<1x!tpu.dma_semaphore, #tpu.memory_space<semaphore_mem>>
    %dma_start3A_35 = tpu.memref_squeeze %dma_start3A_34 : memref<1x!tpu.dma_semaphore, #tpu.memory_space<semaphore_mem>> -> memref<!tpu.dma_semaphore, #tpu.memory_space<semaphore_mem>>
    %dma_start3A_36 = arith.constant 0 : i32
    %dma_start3A_37 = tpu.memref_slice %arg6[%dma_start3A_28, %dma_start3A_36] : memref<2x120xi32, #tpu.memory_space<vmem>> -> memref<1x120xi32, #tpu.memory_space<vmem>>
    %dma_start3A_38 = tpu.memref_squeeze %dma_start3A_37 : memref<1x120xi32, #tpu.memory_space<vmem>> -> memref<120xi32, #tpu.memory_space<vmem>>
    %dma_start3A_39 = tpu.memref_slice %arg2[%mul3A_27] : memref<322560xi32, #tpu.memory_space<hbm>> -> memref<120xi32, #tpu.memory_space<hbm>>
    tpu.enqueue_dma source(%dma_start3A_39 : memref<120xi32, #tpu.memory_space<hbm>>) target(%dma_start3A_38 : memref<120xi32, #tpu.memory_space<vmem>>) target_semaphore(%dma_start3A_35 : memref<!tpu.dma_semaphore, #tpu.memory_space<semaphore_mem>>)
    %dma_wait3A = arith.constant 0 : i32
    %dma_wait3A_40 = arith.constant 0 : i32
    %dma_wait3A_41 = arith.constant 0 : i32
    %dma_wait3A_42 = tpu.memref_slice %arg6[%dma_wait3A, %dma_wait3A_41] : memref<2x120xi32, #tpu.memory_space<vmem>> -> memref<1x120xi32, #tpu.memory_space<vmem>>
    %dma_wait3A_43 = tpu.memref_squeeze %dma_wait3A_42 : memref<1x120xi32, #tpu.memory_space<vmem>> -> memref<120xi32, #tpu.memory_space<vmem>>
    %dma_wait3A_44 = arith.constant 0 : i32
    %dma_wait3A_45 = tpu.memref_slice %arg2[%dma_wait3A_44] : memref<322560xi32, #tpu.memory_space<hbm>> -> memref<120xi32, #tpu.memory_space<hbm>>
    %dma_wait3A_46 = tpu.memref_slice %arg9[%dma_wait3A_40] : memref<2x!tpu.dma_semaphore, #tpu.memory_space<semaphore_mem>> -> memref<1x!tpu.dma_semaphore, #tpu.memory_space<semaphore_mem>>
    %dma_wait3A_47 = tpu.memref_squeeze %dma_wait3A_46 : memref<1x!tpu.dma_semaphore, #tpu.memory_space<semaphore_mem>> -> memref<!tpu.dma_semaphore, #tpu.memory_space<semaphore_mem>>
    %dma_wait3A_48 = arith.constant 0 : i32
    %dma_wait3A_49 = tpu.memref_slice %arg6[%dma_wait3A, %dma_wait3A_48] : memref<2x120xi32, #tpu.memory_space<vmem>> -> memref<1x120xi32, #tpu.memory_space<vmem>>
    %dma_wait3A_50 = tpu.memref_squeeze %dma_wait3A_49 : memref<1x120xi32, #tpu.memory_space<vmem>> -> memref<120xi32, #tpu.memory_space<vmem>>
    %dma_wait3A_51 = arith.constant 0 : i32
    %dma_wait3A_52 = tpu.memref_slice %arg2[%dma_wait3A_51] : memref<322560xi32, #tpu.memory_space<hbm>> -> memref<120xi32, #tpu.memory_space<hbm>>
    tpu.wait_dma2 semaphore(%dma_wait3A_47 : memref<!tpu.dma_semaphore, #tpu.memory_space<semaphore_mem>>) src(%dma_wait3A_52 : memref<120xi32, #tpu.memory_space<hbm>>) dst(%dma_wait3A_50 : memref<120xi32, #tpu.memory_space<vmem>>)
    %run_scoped3A = arith.constant 0 : i32
    "tpu.region"() ({
      %run_scoped3A_73 = tpu.sem_alloc : memref<!tpu.dma_semaphore, #tpu.memory_space<semaphore_mem>>
      %dma_start3A_74 = arith.constant 0 : i32
      %dma_start3A_75 = tpu.memref_slice %arg6[%run_scoped3A, %dma_start3A_74] : memref<2x120xi32, #tpu.memory_space<vmem>> -> memref<1x120xi32, #tpu.memory_space<vmem>>
      %dma_start3A_76 = tpu.memref_squeeze %dma_start3A_75 : memref<1x120xi32, #tpu.memory_space<vmem>> -> memref<120xi32, #tpu.memory_space<vmem>>
      %dma_start3A_77 = arith.constant 0 : i32
      %dma_start3A_78 = tpu.memref_slice %arg8[%dma_start3A_77] : memref<10240xf32, #tpu.memory_space<vmem_shared>> -> memref<10240xf32, #tpu.memory_space<vmem_shared>>
      tpu.enqueue_indirect_dma source(%arg7 : memref<120xf32, #tpu.memory_space<vmem>>) target(%dma_start3A_78 : memref<10240xf32, #tpu.memory_space<vmem_shared>>) offsets(%dma_start3A_76 : memref<120xi32, #tpu.memory_space<vmem>>) semaphore(%run_scoped3A_73 : memref<!tpu.dma_semaphore, #tpu.memory_space<semaphore_mem>>) {add = true}
      %dma_wait3A_79 = arith.constant 0 : i32
      %dma_wait3A_80 = tpu.memref_slice %arg6[%run_scoped3A, %dma_wait3A_79] : memref<2x120xi32, #tpu.memory_space<vmem>> -> memref<1x120xi32, #tpu.memory_space<vmem>>
      %dma_wait3A_81 = tpu.memref_squeeze %dma_wait3A_80 : memref<1x120xi32, #tpu.memory_space<vmem>> -> memref<120xi32, #tpu.memory_space<vmem>>
      %dma_wait3A_82 = arith.constant 0 : i32
      %dma_wait3A_83 = tpu.memref_slice %arg8[%dma_wait3A_82] : memref<10240xf32, #tpu.memory_space<vmem_shared>> -> memref<10240xf32, #tpu.memory_space<vmem_shared>>
      tpu.wait_indirect_dma semaphore(%run_scoped3A_73 : memref<!tpu.dma_semaphore, #tpu.memory_space<semaphore_mem>>) src(%arg7 : memref<120xf32, #tpu.memory_space<vmem>>) dst(%dma_wait3A_83 : memref<10240xf32, #tpu.memory_space<vmem_shared>>)
      tpu.yield
    }) : () -> ()
    %dma_wait3A_53 = arith.constant 1 : i32
    %dma_wait3A_54 = arith.constant 1 : i32
    %dma_wait3A_55 = arith.constant 0 : i32
    %dma_wait3A_56 = tpu.memref_slice %arg6[%dma_wait3A_53, %dma_wait3A_55] : memref<2x120xi32, #tpu.memory_space<vmem>> -> memref<1x120xi32, #tpu.memory_space<vmem>>
    %dma_wait3A_57 = tpu.memref_squeeze %dma_wait3A_56 : memref<1x120xi32, #tpu.memory_space<vmem>> -> memref<120xi32, #tpu.memory_space<vmem>>
    %dma_wait3A_58 = arith.constant 0 : i32
    %dma_wait3A_59 = tpu.memref_slice %arg2[%dma_wait3A_58] : memref<322560xi32, #tpu.memory_space<hbm>> -> memref<120xi32, #tpu.memory_space<hbm>>
    %dma_wait3A_60 = tpu.memref_slice %arg9[%dma_wait3A_54] : memref<2x!tpu.dma_semaphore, #tpu.memory_space<semaphore_mem>> -> memref<1x!tpu.dma_semaphore, #tpu.memory_space<semaphore_mem>>
    %dma_wait3A_61 = tpu.memref_squeeze %dma_wait3A_60 : memref<1x!tpu.dma_semaphore, #tpu.memory_space<semaphore_mem>> -> memref<!tpu.dma_semaphore, #tpu.memory_space<semaphore_mem>>
    %dma_wait3A_62 = arith.constant 0 : i32
    %dma_wait3A_63 = tpu.memref_slice %arg6[%dma_wait3A_53, %dma_wait3A_62] : memref<2x120xi32, #tpu.memory_space<vmem>> -> memref<1x120xi32, #tpu.memory_space<vmem>>
    %dma_wait3A_64 = tpu.memref_squeeze %dma_wait3A_63 : memref<1x120xi32, #tpu.memory_space<vmem>> -> memref<120xi32, #tpu.memory_space<vmem>>
    %dma_wait3A_65 = arith.constant 0 : i32
    %dma_wait3A_66 = tpu.memref_slice %arg2[%dma_wait3A_65] : memref<322560xi32, #tpu.memory_space<hbm>> -> memref<120xi32, #tpu.memory_space<hbm>>
    tpu.wait_dma2 semaphore(%dma_wait3A_61 : memref<!tpu.dma_semaphore, #tpu.memory_space<semaphore_mem>>) src(%dma_wait3A_66 : memref<120xi32, #tpu.memory_space<hbm>>) dst(%dma_wait3A_64 : memref<120xi32, #tpu.memory_space<vmem>>)
    %run_scoped3A_67 = arith.constant 1 : i32
    "tpu.region"() ({
      %run_scoped3A_73 = tpu.sem_alloc : memref<!tpu.dma_semaphore, #tpu.memory_space<semaphore_mem>>
      %dma_start3A_74 = arith.constant 0 : i32
      %dma_start3A_75 = tpu.memref_slice %arg6[%run_scoped3A_67, %dma_start3A_74] : memref<2x120xi32, #tpu.memory_space<vmem>> -> memref<1x120xi32, #tpu.memory_space<vmem>>
      %dma_start3A_76 = tpu.memref_squeeze %dma_start3A_75 : memref<1x120xi32, #tpu.memory_space<vmem>> -> memref<120xi32, #tpu.memory_space<vmem>>
      %dma_start3A_77 = arith.constant 0 : i32
      %dma_start3A_78 = tpu.memref_slice %arg8[%dma_start3A_77] : memref<10240xf32, #tpu.memory_space<vmem_shared>> -> memref<10240xf32, #tpu.memory_space<vmem_shared>>
      tpu.enqueue_indirect_dma source(%arg7 : memref<120xf32, #tpu.memory_space<vmem>>) target(%dma_start3A_78 : memref<10240xf32, #tpu.memory_space<vmem_shared>>) offsets(%dma_start3A_76 : memref<120xi32, #tpu.memory_space<vmem>>) semaphore(%run_scoped3A_73 : memref<!tpu.dma_semaphore, #tpu.memory_space<semaphore_mem>>) {add = true}
      %dma_wait3A_79 = arith.constant 0 : i32
      %dma_wait3A_80 = tpu.memref_slice %arg6[%run_scoped3A_67, %dma_wait3A_79] : memref<2x120xi32, #tpu.memory_space<vmem>> -> memref<1x120xi32, #tpu.memory_space<vmem>>
      %dma_wait3A_81 = tpu.memref_squeeze %dma_wait3A_80 : memref<1x120xi32, #tpu.memory_space<vmem>> -> memref<120xi32, #tpu.memory_space<vmem>>
      %dma_wait3A_82 = arith.constant 0 : i32
      %dma_wait3A_83 = tpu.memref_slice %arg8[%dma_wait3A_82] : memref<10240xf32, #tpu.memory_space<vmem_shared>> -> memref<10240xf32, #tpu.memory_space<vmem_shared>>
      tpu.wait_indirect_dma semaphore(%run_scoped3A_73 : memref<!tpu.dma_semaphore, #tpu.memory_space<semaphore_mem>>) src(%arg7 : memref<120xf32, #tpu.memory_space<vmem>>) dst(%dma_wait3A_83 : memref<10240xf32, #tpu.memory_space<vmem_shared>>)
      tpu.yield
    }) : () -> ()
    %barrier3A_68 = arith.constant 0 : index
    tpu.barrier barrier_id(%barrier3A_68)
    %mul3A_69 = arith.constant 640 : i32
    %mul3A_70 = arith.muli %arg1, %mul3A_69 : i32
    %mul3A_71 = arith.constant 640 : i32
    %mul3A_72 = arith.muli %arg1, %mul3A_71 : i32
    "tpu.region"() ({
      %run_scoped3A_73 = tpu.sem_alloc : memref<!tpu.dma_semaphore, #tpu.memory_space<semaphore_mem>>
      %dma_start3A_74 = tpu.memref_slice %arg5[%arg0, %mul3A_72] : memref<2x10240xf32, #tpu.memory_space<hbm>> -> memref<1x640xf32, #tpu.memory_space<hbm>>
      %dma_start3A_75 = tpu.memref_squeeze %dma_start3A_74 : memref<1x640xf32, #tpu.memory_space<hbm>> -> memref<640xf32, #tpu.memory_space<hbm>>
      %dma_start3A_76 = tpu.memref_slice %arg8[%mul3A_70] : memref<10240xf32, #tpu.memory_space<vmem_shared>> -> memref<640xf32, #tpu.memory_space<vmem_shared>>
      tpu.enqueue_dma source(%dma_start3A_76 : memref<640xf32, #tpu.memory_space<vmem_shared>>) target(%dma_start3A_75 : memref<640xf32, #tpu.memory_space<hbm>>) target_semaphore(%run_scoped3A_73 : memref<!tpu.dma_semaphore, #tpu.memory_space<semaphore_mem>>)
      %dma_wait3A_77 = tpu.memref_slice %arg5[%arg0, %mul3A_72] : memref<2x10240xf32, #tpu.memory_space<hbm>> -> memref<1x640xf32, #tpu.memory_space<hbm>>
      %dma_wait3A_78 = tpu.memref_squeeze %dma_wait3A_77 : memref<1x640xf32, #tpu.memory_space<hbm>> -> memref<640xf32, #tpu.memory_space<hbm>>
      %dma_wait3A_79 = tpu.memref_slice %arg8[%mul3A_70] : memref<10240xf32, #tpu.memory_space<vmem_shared>> -> memref<640xf32, #tpu.memory_space<vmem_shared>>
      tpu.wait_dma2 semaphore(%run_scoped3A_73 : memref<!tpu.dma_semaphore, #tpu.memory_space<semaphore_mem>>) src(%dma_wait3A_79 : memref<640xf32, #tpu.memory_space<vmem_shared>>) dst(%dma_wait3A_78 : memref<640xf32, #tpu.memory_space<hbm>>)
      tpu.yield
    }) : () -> ()
    return
  }
}

#map = affine_map<(d0, d1) -> (0, 0)>
#map1 = affine_map<(d0, d1) -> (0, 0, 0)>
module attributes {stable_mosaic.version = 14 : i64} {
  func.func @_ppass_body(%arg0: i32, %arg1: i32, %arg2: memref<10000x128xf32, #tpu.memory_space<hbm>>, %arg3: memref<2688x2x120xi32, #tpu.memory_space<hbm>>, %arg4: memref<640x128xf32, #tpu.memory_space<hbm>>, %arg5: memref<2x10240x128xf32, #tpu.memory_space<hbm>>, %arg6: memref<3x2x120xi32, #tpu.memory_space<vmem>>, %arg7: memref<3x120x128xf32, #tpu.memory_space<vmem>>, %arg8: memref<10240x128xf32, #tpu.memory_space<vmem_shared>>, %arg9: memref<3x!tpu.dma_semaphore, #tpu.memory_space<semaphore_mem>>, %arg10: memref<3x!tpu.dma_semaphore, #tpu.memory_space<semaphore_mem>>) attributes {dimension_semantics = [#tpu.dimension_semantics<core_parallel>, #tpu.dimension_semantics<subcore_parallel>], iteration_bounds = array<i64: 2, 16>, scalar_prefetch = 0 : i64, scratch_operands = 5 : i64, tpu.core_type = #tpu.core_type<sc_vector_subcore>, window_params = [{transform_indices = #map}, {transform_indices = #map1}, {transform_indices = #map}, {transform_indices = #map1}]} {
    %mul3A = arith.constant 2 : i32
    %mul3A_0 = arith.muli %arg1, %mul3A : i32
    %add3A = arith.addi %mul3A_0, %arg0 : i32
    %add3A_1 = arith.constant 0 : i32
    %add3A_2 = arith.addi %add3A, %add3A_1 : i32
    %min3A = arith.constant 2687 : i32
    %min3A_3 = arith.minsi %add3A_2, %min3A : i32
    %dma_start3A = arith.constant 0 : i32
    %dma_start3A_4 = arith.constant 0 : i32
    %dma_start3A_5 = arith.constant 0 : i32
    %dma_start3A_6 = arith.constant 0 : i32
    %dma_start3A_7 = tpu.memref_slice %arg6[%dma_start3A, %dma_start3A_5, %dma_start3A_6] : memref<3x2x120xi32, #tpu.memory_space<vmem>> -> memref<1x2x120xi32, #tpu.memory_space<vmem>>
    %dma_start3A_8 = tpu.memref_squeeze %dma_start3A_7 : memref<1x2x120xi32, #tpu.memory_space<vmem>> -> memref<2x120xi32, #tpu.memory_space<vmem>>
    %dma_start3A_9 = arith.constant 0 : i32
    %dma_start3A_10 = arith.constant 0 : i32
    %dma_start3A_11 = tpu.memref_slice %arg3[%min3A_3, %dma_start3A_9, %dma_start3A_10] : memref<2688x2x120xi32, #tpu.memory_space<hbm>> -> memref<1x2x120xi32, #tpu.memory_space<hbm>>
    %dma_start3A_12 = tpu.memref_squeeze %dma_start3A_11 : memref<1x2x120xi32, #tpu.memory_space<hbm>> -> memref<2x120xi32, #tpu.memory_space<hbm>>
    %dma_start3A_13 = tpu.memref_slice %arg10[%dma_start3A_4] : memref<3x!tpu.dma_semaphore, #tpu.memory_space<semaphore_mem>> -> memref<1x!tpu.dma_semaphore, #tpu.memory_space<semaphore_mem>>
    %dma_start3A_14 = tpu.memref_squeeze %dma_start3A_13 : memref<1x!tpu.dma_semaphore, #tpu.memory_space<semaphore_mem>> -> memref<!tpu.dma_semaphore, #tpu.memory_space<semaphore_mem>>
    %dma_start3A_15 = arith.constant 0 : i32
    %dma_start3A_16 = arith.constant 0 : i32
    %dma_start3A_17 = tpu.memref_slice %arg6[%dma_start3A, %dma_start3A_15, %dma_start3A_16] : memref<3x2x120xi32, #tpu.memory_space<vmem>> -> memref<1x2x120xi32, #tpu.memory_space<vmem>>
    %dma_start3A_18 = tpu.memref_squeeze %dma_start3A_17 : memref<1x2x120xi32, #tpu.memory_space<vmem>> -> memref<2x120xi32, #tpu.memory_space<vmem>>
    %dma_start3A_19 = arith.constant 0 : i32
    %dma_start3A_20 = arith.constant 0 : i32
    %dma_start3A_21 = tpu.memref_slice %arg3[%min3A_3, %dma_start3A_19, %dma_start3A_20] : memref<2688x2x120xi32, #tpu.memory_space<hbm>> -> memref<1x2x120xi32, #tpu.memory_space<hbm>>
    %dma_start3A_22 = tpu.memref_squeeze %dma_start3A_21 : memref<1x2x120xi32, #tpu.memory_space<hbm>> -> memref<2x120xi32, #tpu.memory_space<hbm>>
    tpu.enqueue_dma source(%dma_start3A_22 : memref<2x120xi32, #tpu.memory_space<hbm>>) target(%dma_start3A_18 : memref<2x120xi32, #tpu.memory_space<vmem>>) target_semaphore(%dma_start3A_14 : memref<!tpu.dma_semaphore, #tpu.memory_space<semaphore_mem>>)
    %add3A_23 = arith.constant 32 : i32
    %add3A_24 = arith.addi %add3A, %add3A_23 : i32
    %min3A_25 = arith.constant 2687 : i32
    %min3A_26 = arith.minsi %add3A_24, %min3A_25 : i32
    %dma_start3A_27 = arith.constant 1 : i32
    %dma_start3A_28 = arith.constant 1 : i32
    %dma_start3A_29 = arith.constant 0 : i32
    %dma_start3A_30 = arith.constant 0 : i32
    %dma_start3A_31 = tpu.memref_slice %arg6[%dma_start3A_27, %dma_start3A_29, %dma_start3A_30] : memref<3x2x120xi32, #tpu.memory_space<vmem>> -> memref<1x2x120xi32, #tpu.memory_space<vmem>>
    %dma_start3A_32 = tpu.memref_squeeze %dma_start3A_31 : memref<1x2x120xi32, #tpu.memory_space<vmem>> -> memref<2x120xi32, #tpu.memory_space<vmem>>
    %dma_start3A_33 = arith.constant 0 : i32
    %dma_start3A_34 = arith.constant 0 : i32
    %dma_start3A_35 = tpu.memref_slice %arg3[%min3A_26, %dma_start3A_33, %dma_start3A_34] : memref<2688x2x120xi32, #tpu.memory_space<hbm>> -> memref<1x2x120xi32, #tpu.memory_space<hbm>>
    %dma_start3A_36 = tpu.memref_squeeze %dma_start3A_35 : memref<1x2x120xi32, #tpu.memory_space<hbm>> -> memref<2x120xi32, #tpu.memory_space<hbm>>
    %dma_start3A_37 = tpu.memref_slice %arg10[%dma_start3A_28] : memref<3x!tpu.dma_semaphore, #tpu.memory_space<semaphore_mem>> -> memref<1x!tpu.dma_semaphore, #tpu.memory_space<semaphore_mem>>
    %dma_start3A_38 = tpu.memref_squeeze %dma_start3A_37 : memref<1x!tpu.dma_semaphore, #tpu.memory_space<semaphore_mem>> -> memref<!tpu.dma_semaphore, #tpu.memory_space<semaphore_mem>>
    %dma_start3A_39 = arith.constant 0 : i32
    %dma_start3A_40 = arith.constant 0 : i32
    %dma_start3A_41 = tpu.memref_slice %arg6[%dma_start3A_27, %dma_start3A_39, %dma_start3A_40] : memref<3x2x120xi32, #tpu.memory_space<vmem>> -> memref<1x2x120xi32, #tpu.memory_space<vmem>>
    %dma_start3A_42 = tpu.memref_squeeze %dma_start3A_41 : memref<1x2x120xi32, #tpu.memory_space<vmem>> -> memref<2x120xi32, #tpu.memory_space<vmem>>
    %dma_start3A_43 = arith.constant 0 : i32
    %dma_start3A_44 = arith.constant 0 : i32
    %dma_start3A_45 = tpu.memref_slice %arg3[%min3A_26, %dma_start3A_43, %dma_start3A_44] : memref<2688x2x120xi32, #tpu.memory_space<hbm>> -> memref<1x2x120xi32, #tpu.memory_space<hbm>>
    %dma_start3A_46 = tpu.memref_squeeze %dma_start3A_45 : memref<1x2x120xi32, #tpu.memory_space<hbm>> -> memref<2x120xi32, #tpu.memory_space<hbm>>
    tpu.enqueue_dma source(%dma_start3A_46 : memref<2x120xi32, #tpu.memory_space<hbm>>) target(%dma_start3A_42 : memref<2x120xi32, #tpu.memory_space<vmem>>) target_semaphore(%dma_start3A_38 : memref<!tpu.dma_semaphore, #tpu.memory_space<semaphore_mem>>)
    %dma_wait3A = arith.constant 0 : i32
    %dma_wait3A_47 = arith.constant 0 : i32
    %dma_wait3A_48 = arith.constant 0 : i32
    %dma_wait3A_49 = arith.constant 0 : i32
    %dma_wait3A_50 = arith.constant 0 : i32
    %dma_wait3A_51 = tpu.memref_slice %arg6[%dma_wait3A_47, %dma_wait3A_49, %dma_wait3A_50] : memref<3x2x120xi32, #tpu.memory_space<vmem>> -> memref<1x2x120xi32, #tpu.memory_space<vmem>>
    %dma_wait3A_52 = tpu.memref_squeeze %dma_wait3A_51 : memref<1x2x120xi32, #tpu.memory_space<vmem>> -> memref<2x120xi32, #tpu.memory_space<vmem>>
    %dma_wait3A_53 = arith.constant 0 : i32
    %dma_wait3A_54 = arith.constant 0 : i32
    %dma_wait3A_55 = tpu.memref_slice %arg3[%dma_wait3A, %dma_wait3A_53, %dma_wait3A_54] : memref<2688x2x120xi32, #tpu.memory_space<hbm>> -> memref<1x2x120xi32, #tpu.memory_space<hbm>>
    %dma_wait3A_56 = tpu.memref_squeeze %dma_wait3A_55 : memref<1x2x120xi32, #tpu.memory_space<hbm>> -> memref<2x120xi32, #tpu.memory_space<hbm>>
    %dma_wait3A_57 = tpu.memref_slice %arg10[%dma_wait3A_48] : memref<3x!tpu.dma_semaphore, #tpu.memory_space<semaphore_mem>> -> memref<1x!tpu.dma_semaphore, #tpu.memory_space<semaphore_mem>>
    %dma_wait3A_58 = tpu.memref_squeeze %dma_wait3A_57 : memref<1x!tpu.dma_semaphore, #tpu.memory_space<semaphore_mem>> -> memref<!tpu.dma_semaphore, #tpu.memory_space<semaphore_mem>>
    %dma_wait3A_59 = arith.constant 0 : i32
    %dma_wait3A_60 = arith.constant 0 : i32
    %dma_wait3A_61 = tpu.memref_slice %arg6[%dma_wait3A_47, %dma_wait3A_59, %dma_wait3A_60] : memref<3x2x120xi32, #tpu.memory_space<vmem>> -> memref<1x2x120xi32, #tpu.memory_space<vmem>>
    %dma_wait3A_62 = tpu.memref_squeeze %dma_wait3A_61 : memref<1x2x120xi32, #tpu.memory_space<vmem>> -> memref<2x120xi32, #tpu.memory_space<vmem>>
    %dma_wait3A_63 = arith.constant 0 : i32
    %dma_wait3A_64 = arith.constant 0 : i32
    %dma_wait3A_65 = tpu.memref_slice %arg3[%dma_wait3A, %dma_wait3A_63, %dma_wait3A_64] : memref<2688x2x120xi32, #tpu.memory_space<hbm>> -> memref<1x2x120xi32, #tpu.memory_space<hbm>>
    %dma_wait3A_66 = tpu.memref_squeeze %dma_wait3A_65 : memref<1x2x120xi32, #tpu.memory_space<hbm>> -> memref<2x120xi32, #tpu.memory_space<hbm>>
    tpu.wait_dma2 semaphore(%dma_wait3A_58 : memref<!tpu.dma_semaphore, #tpu.memory_space<semaphore_mem>>) src(%dma_wait3A_66 : memref<2x120xi32, #tpu.memory_space<hbm>>) dst(%dma_wait3A_62 : memref<2x120xi32, #tpu.memory_space<vmem>>)
    %dma_start3A_67 = arith.constant 0 : i32
    %dma_start3A_68 = arith.constant 0 : i32
    %dma_start3A_69 = arith.constant 0 : i32
    %dma_start3A_70 = arith.constant 0 : i32
    %dma_start3A_71 = arith.constant 0 : i32
    %dma_start3A_72 = arith.constant 0 : i32
    %dma_start3A_73 = tpu.memref_slice %arg7[%dma_start3A_69, %dma_start3A_71, %dma_start3A_72] : memref<3x120x128xf32, #tpu.memory_space<vmem>> -> memref<1x120x128xf32, #tpu.memory_space<vmem>>
    %dma_start3A_74 = tpu.memref_squeeze %dma_start3A_73 : memref<1x120x128xf32, #tpu.memory_space<vmem>> -> memref<120x128xf32, #tpu.memory_space<vmem>>
    %dma_start3A_75 = arith.constant 0 : i32
    %dma_start3A_76 = tpu.memref_slice %arg6[%dma_start3A_67, %dma_start3A_68, %dma_start3A_75] : memref<3x2x120xi32, #tpu.memory_space<vmem>> -> memref<1x1x120xi32, #tpu.memory_space<vmem>>
    %dma_start3A_77 = tpu.memref_squeeze %dma_start3A_76 : memref<1x1x120xi32, #tpu.memory_space<vmem>> -> memref<120xi32, #tpu.memory_space<vmem>>
    %dma_start3A_78 = arith.constant 0 : i32
    %dma_start3A_79 = arith.constant 0 : i32
    %dma_start3A_80 = tpu.memref_slice %arg2[%dma_start3A_78, %dma_start3A_79] : memref<10000x128xf32, #tpu.memory_space<hbm>> -> memref<10000x128xf32, #tpu.memory_space<hbm>>
    %dma_start3A_81 = tpu.memref_slice %arg9[%dma_start3A_70] : memref<3x!tpu.dma_semaphore, #tpu.memory_space<semaphore_mem>> -> memref<1x!tpu.dma_semaphore, #tpu.memory_space<semaphore_mem>>
    %dma_start3A_82 = tpu.memref_squeeze %dma_start3A_81 : memref<1x!tpu.dma_semaphore, #tpu.memory_space<semaphore_mem>> -> memref<!tpu.dma_semaphore, #tpu.memory_space<semaphore_mem>>
    tpu.enqueue_indirect_dma source(%dma_start3A_80 : memref<10000x128xf32, #tpu.memory_space<hbm>>) target(%dma_start3A_74 : memref<120x128xf32, #tpu.memory_space<vmem>>) offsets(%dma_start3A_77 : memref<120xi32, #tpu.memory_space<vmem>>) semaphore(%dma_start3A_82 : memref<!tpu.dma_semaphore, #tpu.memory_space<semaphore_mem>>)
    %dma_wait3A_83 = arith.constant 0 : i32
    %dma_wait3A_84 = arith.constant 1 : i32
    %dma_wait3A_85 = arith.constant 1 : i32
    %dma_wait3A_86 = arith.constant 0 : i32
    %dma_wait3A_87 = arith.constant 0 : i32
    %dma_wait3A_88 = tpu.memref_slice %arg6[%dma_wait3A_84, %dma_wait3A_86, %dma_wait3A_87] : memref<3x2x120xi32, #tpu.memory_space<vmem>> -> memref<1x2x120xi32, #tpu.memory_space<vmem>>
    %dma_wait3A_89 = tpu.memref_squeeze %dma_wait3A_88 : memref<1x2x120xi32, #tpu.memory_space<vmem>> -> memref<2x120xi32, #tpu.memory_space<vmem>>
    %dma_wait3A_90 = arith.constant 0 : i32
    %dma_wait3A_91 = arith.constant 0 : i32
    %dma_wait3A_92 = tpu.memref_slice %arg3[%dma_wait3A_83, %dma_wait3A_90, %dma_wait3A_91] : memref<2688x2x120xi32, #tpu.memory_space<hbm>> -> memref<1x2x120xi32, #tpu.memory_space<hbm>>
    %dma_wait3A_93 = tpu.memref_squeeze %dma_wait3A_92 : memref<1x2x120xi32, #tpu.memory_space<hbm>> -> memref<2x120xi32, #tpu.memory_space<hbm>>
    %dma_wait3A_94 = tpu.memref_slice %arg10[%dma_wait3A_85] : memref<3x!tpu.dma_semaphore, #tpu.memory_space<semaphore_mem>> -> memref<1x!tpu.dma_semaphore, #tpu.memory_space<semaphore_mem>>
    %dma_wait3A_95 = tpu.memref_squeeze %dma_wait3A_94 : memref<1x!tpu.dma_semaphore, #tpu.memory_space<semaphore_mem>> -> memref<!tpu.dma_semaphore, #tpu.memory_space<semaphore_mem>>
    %dma_wait3A_96 = arith.constant 0 : i32
    %dma_wait3A_97 = arith.constant 0 : i32
    %dma_wait3A_98 = tpu.memref_slice %arg6[%dma_wait3A_84, %dma_wait3A_96, %dma_wait3A_97] : memref<3x2x120xi32, #tpu.memory_space<vmem>> -> memref<1x2x120xi32, #tpu.memory_space<vmem>>
    %dma_wait3A_99 = tpu.memref_squeeze %dma_wait3A_98 : memref<1x2x120xi32, #tpu.memory_space<vmem>> -> memref<2x120xi32, #tpu.memory_space<vmem>>
    %dma_wait3A_100 = arith.constant 0 : i32
    %dma_wait3A_101 = arith.constant 0 : i32
    %dma_wait3A_102 = tpu.memref_slice %arg3[%dma_wait3A_83, %dma_wait3A_100, %dma_wait3A_101] : memref<2688x2x120xi32, #tpu.memory_space<hbm>> -> memref<1x2x120xi32, #tpu.memory_space<hbm>>
    %dma_wait3A_103 = tpu.memref_squeeze %dma_wait3A_102 : memref<1x2x120xi32, #tpu.memory_space<hbm>> -> memref<2x120xi32, #tpu.memory_space<hbm>>
    tpu.wait_dma2 semaphore(%dma_wait3A_95 : memref<!tpu.dma_semaphore, #tpu.memory_space<semaphore_mem>>) src(%dma_wait3A_103 : memref<2x120xi32, #tpu.memory_space<hbm>>) dst(%dma_wait3A_99 : memref<2x120xi32, #tpu.memory_space<vmem>>)
    %dma_start3A_104 = arith.constant 1 : i32
    %dma_start3A_105 = arith.constant 0 : i32
    %dma_start3A_106 = arith.constant 1 : i32
    %dma_start3A_107 = arith.constant 1 : i32
    %dma_start3A_108 = arith.constant 0 : i32
    %dma_start3A_109 = arith.constant 0 : i32
    %dma_start3A_110 = tpu.memref_slice %arg7[%dma_start3A_106, %dma_start3A_108, %dma_start3A_109] : memref<3x120x128xf32, #tpu.memory_space<vmem>> -> memref<1x120x128xf32, #tpu.memory_space<vmem>>
    %dma_start3A_111 = tpu.memref_squeeze %dma_start3A_110 : memref<1x120x128xf32, #tpu.memory_space<vmem>> -> memref<120x128xf32, #tpu.memory_space<vmem>>
    %dma_start3A_112 = arith.constant 0 : i32
    %dma_start3A_113 = tpu.memref_slice %arg6[%dma_start3A_104, %dma_start3A_105, %dma_start3A_112] : memref<3x2x120xi32, #tpu.memory_space<vmem>> -> memref<1x1x120xi32, #tpu.memory_space<vmem>>
    %dma_start3A_114 = tpu.memref_squeeze %dma_start3A_113 : memref<1x1x120xi32, #tpu.memory_space<vmem>> -> memref<120xi32, #tpu.memory_space<vmem>>
    %dma_start3A_115 = arith.constant 0 : i32
    %dma_start3A_116 = arith.constant 0 : i32
    %dma_start3A_117 = tpu.memref_slice %arg2[%dma_start3A_115, %dma_start3A_116] : memref<10000x128xf32, #tpu.memory_space<hbm>> -> memref<10000x128xf32, #tpu.memory_space<hbm>>
    %dma_start3A_118 = tpu.memref_slice %arg9[%dma_start3A_107] : memref<3x!tpu.dma_semaphore, #tpu.memory_space<semaphore_mem>> -> memref<1x!tpu.dma_semaphore, #tpu.memory_space<semaphore_mem>>
    %dma_start3A_119 = tpu.memref_squeeze %dma_start3A_118 : memref<1x!tpu.dma_semaphore, #tpu.memory_space<semaphore_mem>> -> memref<!tpu.dma_semaphore, #tpu.memory_space<semaphore_mem>>
    tpu.enqueue_indirect_dma source(%dma_start3A_117 : memref<10000x128xf32, #tpu.memory_space<hbm>>) target(%dma_start3A_111 : memref<120x128xf32, #tpu.memory_space<vmem>>) offsets(%dma_start3A_114 : memref<120xi32, #tpu.memory_space<vmem>>) semaphore(%dma_start3A_119 : memref<!tpu.dma_semaphore, #tpu.memory_space<semaphore_mem>>)
    %add3A_120 = arith.constant 64 : i32
    %add3A_121 = arith.addi %add3A, %add3A_120 : i32
    %min3A_122 = arith.constant 2687 : i32
    %min3A_123 = arith.minsi %add3A_121, %min3A_122 : i32
    %dma_start3A_124 = arith.constant 2 : i32
    %dma_start3A_125 = arith.constant 2 : i32
    %dma_start3A_126 = arith.constant 0 : i32
    %dma_start3A_127 = arith.constant 0 : i32
    %dma_start3A_128 = tpu.memref_slice %arg6[%dma_start3A_124, %dma_start3A_126, %dma_start3A_127] : memref<3x2x120xi32, #tpu.memory_space<vmem>> -> memref<1x2x120xi32, #tpu.memory_space<vmem>>
    %dma_start3A_129 = tpu.memref_squeeze %dma_start3A_128 : memref<1x2x120xi32, #tpu.memory_space<vmem>> -> memref<2x120xi32, #tpu.memory_space<vmem>>
    %dma_start3A_130 = arith.constant 0 : i32
    %dma_start3A_131 = arith.constant 0 : i32
    %dma_start3A_132 = tpu.memref_slice %arg3[%min3A_123, %dma_start3A_130, %dma_start3A_131] : memref<2688x2x120xi32, #tpu.memory_space<hbm>> -> memref<1x2x120xi32, #tpu.memory_space<hbm>>
    %dma_start3A_133 = tpu.memref_squeeze %dma_start3A_132 : memref<1x2x120xi32, #tpu.memory_space<hbm>> -> memref<2x120xi32, #tpu.memory_space<hbm>>
    %dma_start3A_134 = tpu.memref_slice %arg10[%dma_start3A_125] : memref<3x!tpu.dma_semaphore, #tpu.memory_space<semaphore_mem>> -> memref<1x!tpu.dma_semaphore, #tpu.memory_space<semaphore_mem>>
    %dma_start3A_135 = tpu.memref_squeeze %dma_start3A_134 : memref<1x!tpu.dma_semaphore, #tpu.memory_space<semaphore_mem>> -> memref<!tpu.dma_semaphore, #tpu.memory_space<semaphore_mem>>
    %dma_start3A_136 = arith.constant 0 : i32
    %dma_start3A_137 = arith.constant 0 : i32
    %dma_start3A_138 = tpu.memref_slice %arg6[%dma_start3A_124, %dma_start3A_136, %dma_start3A_137] : memref<3x2x120xi32, #tpu.memory_space<vmem>> -> memref<1x2x120xi32, #tpu.memory_space<vmem>>
    %dma_start3A_139 = tpu.memref_squeeze %dma_start3A_138 : memref<1x2x120xi32, #tpu.memory_space<vmem>> -> memref<2x120xi32, #tpu.memory_space<vmem>>
    %dma_start3A_140 = arith.constant 0 : i32
    %dma_start3A_141 = arith.constant 0 : i32
    %dma_start3A_142 = tpu.memref_slice %arg3[%min3A_123, %dma_start3A_140, %dma_start3A_141] : memref<2688x2x120xi32, #tpu.memory_space<hbm>> -> memref<1x2x120xi32, #tpu.memory_space<hbm>>
    %dma_start3A_143 = tpu.memref_squeeze %dma_start3A_142 : memref<1x2x120xi32, #tpu.memory_space<hbm>> -> memref<2x120xi32, #tpu.memory_space<hbm>>
    tpu.enqueue_dma source(%dma_start3A_143 : memref<2x120xi32, #tpu.memory_space<hbm>>) target(%dma_start3A_139 : memref<2x120xi32, #tpu.memory_space<vmem>>) target_semaphore(%dma_start3A_135 : memref<!tpu.dma_semaphore, #tpu.memory_space<semaphore_mem>>)
    %mul3A_144 = arith.constant 640 : i32
    %mul3A_145 = arith.muli %arg1, %mul3A_144 : i32
    "tpu.region"() ({
      %run_scoped3A_250 = tpu.sem_alloc : memref<!tpu.dma_semaphore, #tpu.memory_space<semaphore_mem>>
      %dma_start3A_251 = arith.constant 0 : i32
      %dma_start3A_252 = tpu.memref_slice %arg8[%mul3A_145, %dma_start3A_251] : memref<10240x128xf32, #tpu.memory_space<vmem_shared>> -> memref<640x128xf32, #tpu.memory_space<vmem_shared>>
      tpu.enqueue_dma source(%arg4 : memref<640x128xf32, #tpu.memory_space<hbm>>) target(%dma_start3A_252 : memref<640x128xf32, #tpu.memory_space<vmem_shared>>) target_semaphore(%run_scoped3A_250 : memref<!tpu.dma_semaphore, #tpu.memory_space<semaphore_mem>>)
      %dma_wait3A_253 = arith.constant 0 : i32
      %dma_wait3A_254 = tpu.memref_slice %arg8[%mul3A_145, %dma_wait3A_253] : memref<10240x128xf32, #tpu.memory_space<vmem_shared>> -> memref<640x128xf32, #tpu.memory_space<vmem_shared>>
      tpu.wait_dma2 semaphore(%run_scoped3A_250 : memref<!tpu.dma_semaphore, #tpu.memory_space<semaphore_mem>>) src(%arg4 : memref<640x128xf32, #tpu.memory_space<hbm>>) dst(%dma_wait3A_254 : memref<640x128xf32, #tpu.memory_space<vmem_shared>>)
      tpu.yield
    }) : () -> ()
    %barrier3A = arith.constant 0 : index
    tpu.barrier barrier_id(%barrier3A)
    %scan3A = arith.constant 0 : i32
    %scan3A_146 = arith.constant 0 : i32
    %scan3A_147 = arith.constant 27 : i32
    %scan3A_148 = arith.addi %scan3A_146, %scan3A_147 : i32
    %scan3A_149 = arith.constant 1 : i32
    %scan3A_150 = scf.for %scan3A_250 = %scan3A_146 to %scan3A_148 step %scan3A_149 iter_args(%scan3A_251 = %scan3A) -> (i32)  : i32 {
      %mul3A_252 = arith.constant 3 : i32
      %mul3A_253 = arith.muli %mul3A_252, %scan3A_250 : i32
      %add3A_254 = arith.constant 0 : i32
      %add3A_255 = arith.addi %mul3A_253, %add3A_254 : i32
      %dma_wait3A_256 = arith.constant 0 : i32
      %dma_wait3A_257 = arith.constant 2 : i32
      %dma_wait3A_258 = arith.constant 2 : i32
      %dma_wait3A_259 = arith.constant 0 : i32
      %dma_wait3A_260 = arith.constant 0 : i32
      %dma_wait3A_261 = tpu.memref_slice %arg6[%dma_wait3A_257, %dma_wait3A_259, %dma_wait3A_260] : memref<3x2x120xi32, #tpu.memory_space<vmem>> -> memref<1x2x120xi32, #tpu.memory_space<vmem>>
      %dma_wait3A_262 = tpu.memref_squeeze %dma_wait3A_261 : memref<1x2x120xi32, #tpu.memory_space<vmem>> -> memref<2x120xi32, #tpu.memory_space<vmem>>
      %dma_wait3A_263 = arith.constant 0 : i32
      %dma_wait3A_264 = arith.constant 0 : i32
      %dma_wait3A_265 = tpu.memref_slice %arg3[%dma_wait3A_256, %dma_wait3A_263, %dma_wait3A_264] : memref<2688x2x120xi32, #tpu.memory_space<hbm>> -> memref<1x2x120xi32, #tpu.memory_space<hbm>>
      %dma_wait3A_266 = tpu.memref_squeeze %dma_wait3A_265 : memref<1x2x120xi32, #tpu.memory_space<hbm>> -> memref<2x120xi32, #tpu.memory_space<hbm>>
      %dma_wait3A_267 = tpu.memref_slice %arg10[%dma_wait3A_258] : memref<3x!tpu.dma_semaphore, #tpu.memory_space<semaphore_mem>> -> memref<1x!tpu.dma_semaphore, #tpu.memory_space<semaphore_mem>>
      %dma_wait3A_268 = tpu.memref_squeeze %dma_wait3A_267 : memref<1x!tpu.dma_semaphore, #tpu.memory_space<semaphore_mem>> -> memref<!tpu.dma_semaphore, #tpu.memory_space<semaphore_mem>>
      %dma_wait3A_269 = arith.constant 0 : i32
      %dma_wait3A_270 = arith.constant 0 : i32
      %dma_wait3A_271 = tpu.memref_slice %arg6[%dma_wait3A_257, %dma_wait3A_269, %dma_wait3A_270] : memref<3x2x120xi32, #tpu.memory_space<vmem>> -> memref<1x2x120xi32, #tpu.memory_space<vmem>>
      %dma_wait3A_272 = tpu.memref_squeeze %dma_wait3A_271 : memref<1x2x120xi32, #tpu.memory_space<vmem>> -> memref<2x120xi32, #tpu.memory_space<vmem>>
      %dma_wait3A_273 = arith.constant 0 : i32
      %dma_wait3A_274 = arith.constant 0 : i32
      %dma_wait3A_275 = tpu.memref_slice %arg3[%dma_wait3A_256, %dma_wait3A_273, %dma_wait3A_274] : memref<2688x2x120xi32, #tpu.memory_space<hbm>> -> memref<1x2x120xi32, #tpu.memory_space<hbm>>
      %dma_wait3A_276 = tpu.memref_squeeze %dma_wait3A_275 : memref<1x2x120xi32, #tpu.memory_space<hbm>> -> memref<2x120xi32, #tpu.memory_space<hbm>>
      tpu.wait_dma2 semaphore(%dma_wait3A_268 : memref<!tpu.dma_semaphore, #tpu.memory_space<semaphore_mem>>) src(%dma_wait3A_276 : memref<2x120xi32, #tpu.memory_space<hbm>>) dst(%dma_wait3A_272 : memref<2x120xi32, #tpu.memory_space<vmem>>)
      %dma_start3A_277 = arith.constant 2 : i32
      %dma_start3A_278 = arith.constant 0 : i32
      %dma_start3A_279 = arith.constant 2 : i32
      %dma_start3A_280 = arith.constant 2 : i32
      %dma_start3A_281 = arith.constant 0 : i32
      %dma_start3A_282 = arith.constant 0 : i32
      %dma_start3A_283 = tpu.memref_slice %arg7[%dma_start3A_279, %dma_start3A_281, %dma_start3A_282] : memref<3x120x128xf32, #tpu.memory_space<vmem>> -> memref<1x120x128xf32, #tpu.memory_space<vmem>>
      %dma_start3A_284 = tpu.memref_squeeze %dma_start3A_283 : memref<1x120x128xf32, #tpu.memory_space<vmem>> -> memref<120x128xf32, #tpu.memory_space<vmem>>
      %dma_start3A_285 = arith.constant 0 : i32
      %dma_start3A_286 = tpu.memref_slice %arg6[%dma_start3A_277, %dma_start3A_278, %dma_start3A_285] : memref<3x2x120xi32, #tpu.memory_space<vmem>> -> memref<1x1x120xi32, #tpu.memory_space<vmem>>
      %dma_start3A_287 = tpu.memref_squeeze %dma_start3A_286 : memref<1x1x120xi32, #tpu.memory_space<vmem>> -> memref<120xi32, #tpu.memory_space<vmem>>
      %dma_start3A_288 = arith.constant 0 : i32
      %dma_start3A_289 = arith.constant 0 : i32
      %dma_start3A_290 = tpu.memref_slice %arg2[%dma_start3A_288, %dma_start3A_289] : memref<10000x128xf32, #tpu.memory_space<hbm>> -> memref<10000x128xf32, #tpu.memory_space<hbm>>
      %dma_start3A_291 = tpu.memref_slice %arg9[%dma_start3A_280] : memref<3x!tpu.dma_semaphore, #tpu.memory_space<semaphore_mem>> -> memref<1x!tpu.dma_semaphore, #tpu.memory_space<semaphore_mem>>
      %dma_start3A_292 = tpu.memref_squeeze %dma_start3A_291 : memref<1x!tpu.dma_semaphore, #tpu.memory_space<semaphore_mem>> -> memref<!tpu.dma_semaphore, #tpu.memory_space<semaphore_mem>>
      tpu.enqueue_indirect_dma source(%dma_start3A_290 : memref<10000x128xf32, #tpu.memory_space<hbm>>) target(%dma_start3A_284 : memref<120x128xf32, #tpu.memory_space<vmem>>) offsets(%dma_start3A_287 : memref<120xi32, #tpu.memory_space<vmem>>) semaphore(%dma_start3A_292 : memref<!tpu.dma_semaphore, #tpu.memory_space<semaphore_mem>>)
      %dma_wait3A_293 = arith.constant 0 : i32
      %dma_wait3A_294 = arith.constant 0 : i32
      %dma_wait3A_295 = arith.constant 0 : i32
      %dma_wait3A_296 = arith.constant 0 : i32
      %dma_wait3A_297 = arith.constant 0 : i32
      %dma_wait3A_298 = arith.constant 0 : i32
      %dma_wait3A_299 = tpu.memref_slice %arg7[%dma_wait3A_295, %dma_wait3A_297, %dma_wait3A_298] : memref<3x120x128xf32, #tpu.memory_space<vmem>> -> memref<1x120x128xf32, #tpu.memory_space<vmem>>
      %dma_wait3A_300 = tpu.memref_squeeze %dma_wait3A_299 : memref<1x120x128xf32, #tpu.memory_space<vmem>> -> memref<120x128xf32, #tpu.memory_space<vmem>>
      %dma_wait3A_301 = arith.constant 0 : i32
      %dma_wait3A_302 = tpu.memref_slice %arg6[%dma_wait3A_293, %dma_wait3A_294, %dma_wait3A_301] : memref<3x2x120xi32, #tpu.memory_space<vmem>> -> memref<1x1x120xi32, #tpu.memory_space<vmem>>
      %dma_wait3A_303 = tpu.memref_squeeze %dma_wait3A_302 : memref<1x1x120xi32, #tpu.memory_space<vmem>> -> memref<120xi32, #tpu.memory_space<vmem>>
      %dma_wait3A_304 = arith.constant 0 : i32
      %dma_wait3A_305 = arith.constant 0 : i32
      %dma_wait3A_306 = tpu.memref_slice %arg2[%dma_wait3A_304, %dma_wait3A_305] : memref<10000x128xf32, #tpu.memory_space<hbm>> -> memref<10000x128xf32, #tpu.memory_space<hbm>>
      %dma_wait3A_307 = tpu.memref_slice %arg9[%dma_wait3A_296] : memref<3x!tpu.dma_semaphore, #tpu.memory_space<semaphore_mem>> -> memref<1x!tpu.dma_semaphore, #tpu.memory_space<semaphore_mem>>
      %dma_wait3A_308 = tpu.memref_squeeze %dma_wait3A_307 : memref<1x!tpu.dma_semaphore, #tpu.memory_space<semaphore_mem>> -> memref<!tpu.dma_semaphore, #tpu.memory_space<semaphore_mem>>
      tpu.wait_indirect_dma semaphore(%dma_wait3A_308 : memref<!tpu.dma_semaphore, #tpu.memory_space<semaphore_mem>>) src(%dma_wait3A_306 : memref<10000x128xf32, #tpu.memory_space<hbm>>) dst(%dma_wait3A_300 : memref<120x128xf32, #tpu.memory_space<vmem>>)
      %run_scoped3A_309 = arith.constant 0 : i32
      %run_scoped3A_310 = arith.constant 0 : i32
      %run_scoped3A_311 = arith.constant 1 : i32
      "tpu.region"() ({
        %run_scoped3A_514 = tpu.sem_alloc : memref<!tpu.dma_semaphore, #tpu.memory_space<semaphore_mem>>
        %dma_start3A_515 = arith.constant 0 : i32
        %dma_start3A_516 = arith.constant 0 : i32
        %dma_start3A_517 = tpu.memref_slice %arg7[%run_scoped3A_309, %dma_start3A_515, %dma_start3A_516] : memref<3x120x128xf32, #tpu.memory_space<vmem>> -> memref<1x120x128xf32, #tpu.memory_space<vmem>>
        %dma_start3A_518 = tpu.memref_squeeze %dma_start3A_517 : memref<1x120x128xf32, #tpu.memory_space<vmem>> -> memref<120x128xf32, #tpu.memory_space<vmem>>
        %dma_start3A_519 = arith.constant 0 : i32
        %dma_start3A_520 = tpu.memref_slice %arg6[%run_scoped3A_310, %run_scoped3A_311, %dma_start3A_519] : memref<3x2x120xi32, #tpu.memory_space<vmem>> -> memref<1x1x120xi32, #tpu.memory_space<vmem>>
        %dma_start3A_521 = tpu.memref_squeeze %dma_start3A_520 : memref<1x1x120xi32, #tpu.memory_space<vmem>> -> memref<120xi32, #tpu.memory_space<vmem>>
        %dma_start3A_522 = arith.constant 0 : i32
        %dma_start3A_523 = arith.constant 0 : i32
        %dma_start3A_524 = tpu.memref_slice %arg8[%dma_start3A_522, %dma_start3A_523] : memref<10240x128xf32, #tpu.memory_space<vmem_shared>> -> memref<10240x128xf32, #tpu.memory_space<vmem_shared>>
        tpu.enqueue_indirect_dma source(%dma_start3A_518 : memref<120x128xf32, #tpu.memory_space<vmem>>) target(%dma_start3A_524 : memref<10240x128xf32, #tpu.memory_space<vmem_shared>>) offsets(%dma_start3A_521 : memref<120xi32, #tpu.memory_space<vmem>>) semaphore(%run_scoped3A_514 : memref<!tpu.dma_semaphore, #tpu.memory_space<semaphore_mem>>) {add = true}
        %dma_wait3A_525 = arith.constant 0 : i32
        %dma_wait3A_526 = arith.constant 0 : i32
        %dma_wait3A_527 = tpu.memref_slice %arg7[%run_scoped3A_309, %dma_wait3A_525, %dma_wait3A_526] : memref<3x120x128xf32, #tpu.memory_space<vmem>> -> memref<1x120x128xf32, #tpu.memory_space<vmem>>
        %dma_wait3A_528 = tpu.memref_squeeze %dma_wait3A_527 : memref<1x120x128xf32, #tpu.memory_space<vmem>> -> memref<120x128xf32, #tpu.memory_space<vmem>>
        %dma_wait3A_529 = arith.constant 0 : i32
        %dma_wait3A_530 = tpu.memref_slice %arg6[%run_scoped3A_310, %run_scoped3A_311, %dma_wait3A_529] : memref<3x2x120xi32, #tpu.memory_space<vmem>> -> memref<1x1x120xi32, #tpu.memory_space<vmem>>
        %dma_wait3A_531 = tpu.memref_squeeze %dma_wait3A_530 : memref<1x1x120xi32, #tpu.memory_space<vmem>> -> memref<120xi32, #tpu.memory_space<vmem>>
        %dma_wait3A_532 = arith.constant 0 : i32
        %dma_wait3A_533 = arith.constant 0 : i32
        %dma_wait3A_534 = tpu.memref_slice %arg8[%dma_wait3A_532, %dma_wait3A_533] : memref<10240x128xf32, #tpu.memory_space<vmem_shared>> -> memref<10240x128xf32, #tpu.memory_space<vmem_shared>>
        tpu.wait_indirect_dma semaphore(%run_scoped3A_514 : memref<!tpu.dma_semaphore, #tpu.memory_space<semaphore_mem>>) src(%dma_wait3A_528 : memref<120x128xf32, #tpu.memory_space<vmem>>) dst(%dma_wait3A_534 : memref<10240x128xf32, #tpu.memory_space<vmem_shared>>)
        tpu.yield
      }) : () -> ()
      %add3A_312 = arith.constant 3 : i32
      %add3A_313 = arith.addi %add3A_255, %add3A_312 : i32
      %mul3A_314 = arith.constant 32 : i32
      %mul3A_315 = arith.muli %add3A_313, %mul3A_314 : i32
      %add3A_316 = arith.addi %add3A, %mul3A_315 : i32
      %min3A_317 = arith.constant 2687 : i32
      %min3A_318 = arith.minsi %add3A_316, %min3A_317 : i32
      %dma_start3A_319 = arith.constant 0 : i32
      %dma_start3A_320 = arith.constant 0 : i32
      %dma_start3A_321 = arith.constant 0 : i32
      %dma_start3A_322 = arith.constant 0 : i32
      %dma_start3A_323 = tpu.memref_slice %arg6[%dma_start3A_319, %dma_start3A_321, %dma_start3A_322] : memref<3x2x120xi32, #tpu.memory_space<vmem>> -> memref<1x2x120xi32, #tpu.memory_space<vmem>>
      %dma_start3A_324 = tpu.memref_squeeze %dma_start3A_323 : memref<1x2x120xi32, #tpu.memory_space<vmem>> -> memref<2x120xi32, #tpu.memory_space<vmem>>
      %dma_start3A_325 = arith.constant 0 : i32
      %dma_start3A_326 = arith.constant 0 : i32
      %dma_start3A_327 = tpu.memref_slice %arg3[%min3A_318, %dma_start3A_325, %dma_start3A_326] : memref<2688x2x120xi32, #tpu.memory_space<hbm>> -> memref<1x2x120xi32, #tpu.memory_space<hbm>>
      %dma_start3A_328 = tpu.memref_squeeze %dma_start3A_327 : memref<1x2x120xi32, #tpu.memory_space<hbm>> -> memref<2x120xi32, #tpu.memory_space<hbm>>
      %dma_start3A_329 = tpu.memref_slice %arg10[%dma_start3A_320] : memref<3x!tpu.dma_semaphore, #tpu.memory_space<semaphore_mem>> -> memref<1x!tpu.dma_semaphore, #tpu.memory_space<semaphore_mem>>
      %dma_start3A_330 = tpu.memref_squeeze %dma_start3A_329 : memref<1x!tpu.dma_semaphore, #tpu.memory_space<semaphore_mem>> -> memref<!tpu.dma_semaphore, #tpu.memory_space<semaphore_mem>>
      %dma_start3A_331 = arith.constant 0 : i32
      %dma_start3A_332 = arith.constant 0 : i32
      %dma_start3A_333 = tpu.memref_slice %arg6[%dma_start3A_319, %dma_start3A_331, %dma_start3A_332] : memref<3x2x120xi32, #tpu.memory_space<vmem>> -> memref<1x2x120xi32, #tpu.memory_space<vmem>>
      %dma_start3A_334 = tpu.memref_squeeze %dma_start3A_333 : memref<1x2x120xi32, #tpu.memory_space<vmem>> -> memref<2x120xi32, #tpu.memory_space<vmem>>
      %dma_start3A_335 = arith.constant 0 : i32
      %dma_start3A_336 = arith.constant 0 : i32
      %dma_start3A_337 = tpu.memref_slice %arg3[%min3A_318, %dma_start3A_335, %dma_start3A_336] : memref<2688x2x120xi32, #tpu.memory_space<hbm>> -> memref<1x2x120xi32, #tpu.memory_space<hbm>>
      %dma_start3A_338 = tpu.memref_squeeze %dma_start3A_337 : memref<1x2x120xi32, #tpu.memory_space<hbm>> -> memref<2x120xi32, #tpu.memory_space<hbm>>
      tpu.enqueue_dma source(%dma_start3A_338 : memref<2x120xi32, #tpu.memory_space<hbm>>) target(%dma_start3A_334 : memref<2x120xi32, #tpu.memory_space<vmem>>) target_semaphore(%dma_start3A_330 : memref<!tpu.dma_semaphore, #tpu.memory_space<semaphore_mem>>)
      %mul3A_339 = arith.constant 3 : i32
      %mul3A_340 = arith.muli %mul3A_339, %scan3A_250 : i32
      %add3A_341 = arith.constant 1 : i32
      %add3A_342 = arith.addi %mul3A_340, %add3A_341 : i32
      %dma_wait3A_343 = arith.constant 0 : i32
      %dma_wait3A_344 = arith.constant 0 : i32
      %dma_wait3A_345 = arith.constant 0 : i32
      %dma_wait3A_346 = arith.constant 0 : i32
      %dma_wait3A_347 = arith.constant 0 : i32
      %dma_wait3A_348 = tpu.memref_slice %arg6[%dma_wait3A_344, %dma_wait3A_346, %dma_wait3A_347] : memref<3x2x120xi32, #tpu.memory_space<vmem>> -> memref<1x2x120xi32, #tpu.memory_space<vmem>>
      %dma_wait3A_349 = tpu.memref_squeeze %dma_wait3A_348 : memref<1x2x120xi32, #tpu.memory_space<vmem>> -> memref<2x120xi32, #tpu.memory_space<vmem>>
      %dma_wait3A_350 = arith.constant 0 : i32
      %dma_wait3A_351 = arith.constant 0 : i32
      %dma_wait3A_352 = tpu.memref_slice %arg3[%dma_wait3A_343, %dma_wait3A_350, %dma_wait3A_351] : memref<2688x2x120xi32, #tpu.memory_space<hbm>> -> memref<1x2x120xi32, #tpu.memory_space<hbm>>
      %dma_wait3A_353 = tpu.memref_squeeze %dma_wait3A_352 : memref<1x2x120xi32, #tpu.memory_space<hbm>> -> memref<2x120xi32, #tpu.memory_space<hbm>>
      %dma_wait3A_354 = tpu.memref_slice %arg10[%dma_wait3A_345] : memref<3x!tpu.dma_semaphore, #tpu.memory_space<semaphore_mem>> -> memref<1x!tpu.dma_semaphore, #tpu.memory_space<semaphore_mem>>
      %dma_wait3A_355 = tpu.memref_squeeze %dma_wait3A_354 : memref<1x!tpu.dma_semaphore, #tpu.memory_space<semaphore_mem>> -> memref<!tpu.dma_semaphore, #tpu.memory_space<semaphore_mem>>
      %dma_wait3A_356 = arith.constant 0 : i32
      %dma_wait3A_357 = arith.constant 0 : i32
      %dma_wait3A_358 = tpu.memref_slice %arg6[%dma_wait3A_344, %dma_wait3A_356, %dma_wait3A_357] : memref<3x2x120xi32, #tpu.memory_space<vmem>> -> memref<1x2x120xi32, #tpu.memory_space<vmem>>
      %dma_wait3A_359 = tpu.memref_squeeze %dma_wait3A_358 : memref<1x2x120xi32, #tpu.memory_space<vmem>> -> memref<2x120xi32, #tpu.memory_space<vmem>>
      %dma_wait3A_360 = arith.constant 0 : i32
      %dma_wait3A_361 = arith.constant 0 : i32
      %dma_wait3A_362 = tpu.memref_slice %arg3[%dma_wait3A_343, %dma_wait3A_360, %dma_wait3A_361] : memref<2688x2x120xi32, #tpu.memory_space<hbm>> -> memref<1x2x120xi32, #tpu.memory_space<hbm>>
      %dma_wait3A_363 = tpu.memref_squeeze %dma_wait3A_362 : memref<1x2x120xi32, #tpu.memory_space<hbm>> -> memref<2x120xi32, #tpu.memory_space<hbm>>
      tpu.wait_dma2 semaphore(%dma_wait3A_355 : memref<!tpu.dma_semaphore, #tpu.memory_space<semaphore_mem>>) src(%dma_wait3A_363 : memref<2x120xi32, #tpu.memory_space<hbm>>) dst(%dma_wait3A_359 : memref<2x120xi32, #tpu.memory_space<vmem>>)
      %dma_start3A_364 = arith.constant 0 : i32
      %dma_start3A_365 = arith.constant 0 : i32
      %dma_start3A_366 = arith.constant 0 : i32
      %dma_start3A_367 = arith.constant 0 : i32
      %dma_start3A_368 = arith.constant 0 : i32
      %dma_start3A_369 = arith.constant 0 : i32
      %dma_start3A_370 = tpu.memref_slice %arg7[%dma_start3A_366, %dma_start3A_368, %dma_start3A_369] : memref<3x120x128xf32, #tpu.memory_space<vmem>> -> memref<1x120x128xf32, #tpu.memory_space<vmem>>
      %dma_start3A_371 = tpu.memref_squeeze %dma_start3A_370 : memref<1x120x128xf32, #tpu.memory_space<vmem>> -> memref<120x128xf32, #tpu.memory_space<vmem>>
      %dma_start3A_372 = arith.constant 0 : i32
      %dma_start3A_373 = tpu.memref_slice %arg6[%dma_start3A_364, %dma_start3A_365, %dma_start3A_372] : memref<3x2x120xi32, #tpu.memory_space<vmem>> -> memref<1x1x120xi32, #tpu.memory_space<vmem>>
      %dma_start3A_374 = tpu.memref_squeeze %dma_start3A_373 : memref<1x1x120xi32, #tpu.memory_space<vmem>> -> memref<120xi32, #tpu.memory_space<vmem>>
      %dma_start3A_375 = arith.constant 0 : i32
      %dma_start3A_376 = arith.constant 0 : i32
      %dma_start3A_377 = tpu.memref_slice %arg2[%dma_start3A_375, %dma_start3A_376] : memref<10000x128xf32, #tpu.memory_space<hbm>> -> memref<10000x128xf32, #tpu.memory_space<hbm>>
      %dma_start3A_378 = tpu.memref_slice %arg9[%dma_start3A_367] : memref<3x!tpu.dma_semaphore, #tpu.memory_space<semaphore_mem>> -> memref<1x!tpu.dma_semaphore, #tpu.memory_space<semaphore_mem>>
      %dma_start3A_379 = tpu.memref_squeeze %dma_start3A_378 : memref<1x!tpu.dma_semaphore, #tpu.memory_space<semaphore_mem>> -> memref<!tpu.dma_semaphore, #tpu.memory_space<semaphore_mem>>
      tpu.enqueue_indirect_dma source(%dma_start3A_377 : memref<10000x128xf32, #tpu.memory_space<hbm>>) target(%dma_start3A_371 : memref<120x128xf32, #tpu.memory_space<vmem>>) offsets(%dma_start3A_374 : memref<120xi32, #tpu.memory_space<vmem>>) semaphore(%dma_start3A_379 : memref<!tpu.dma_semaphore, #tpu.memory_space<semaphore_mem>>)
      %dma_wait3A_380 = arith.constant 1 : i32
      %dma_wait3A_381 = arith.constant 0 : i32
      %dma_wait3A_382 = arith.constant 1 : i32
      %dma_wait3A_383 = arith.constant 1 : i32
      %dma_wait3A_384 = arith.constant 0 : i32
      %dma_wait3A_385 = arith.constant 0 : i32
      %dma_wait3A_386 = tpu.memref_slice %arg7[%dma_wait3A_382, %dma_wait3A_384, %dma_wait3A_385] : memref<3x120x128xf32, #tpu.memory_space<vmem>> -> memref<1x120x128xf32, #tpu.memory_space<vmem>>
      %dma_wait3A_387 = tpu.memref_squeeze %dma_wait3A_386 : memref<1x120x128xf32, #tpu.memory_space<vmem>> -> memref<120x128xf32, #tpu.memory_space<vmem>>
      %dma_wait3A_388 = arith.constant 0 : i32
      %dma_wait3A_389 = tpu.memref_slice %arg6[%dma_wait3A_380, %dma_wait3A_381, %dma_wait3A_388] : memref<3x2x120xi32, #tpu.memory_space<vmem>> -> memref<1x1x120xi32, #tpu.memory_space<vmem>>
      %dma_wait3A_390 = tpu.memref_squeeze %dma_wait3A_389 : memref<1x1x120xi32, #tpu.memory_space<vmem>> -> memref<120xi32, #tpu.memory_space<vmem>>
      %dma_wait3A_391 = arith.constant 0 : i32
      %dma_wait3A_392 = arith.constant 0 : i32
      %dma_wait3A_393 = tpu.memref_slice %arg2[%dma_wait3A_391, %dma_wait3A_392] : memref<10000x128xf32, #tpu.memory_space<hbm>> -> memref<10000x128xf32, #tpu.memory_space<hbm>>
      %dma_wait3A_394 = tpu.memref_slice %arg9[%dma_wait3A_383] : memref<3x!tpu.dma_semaphore, #tpu.memory_space<semaphore_mem>> -> memref<1x!tpu.dma_semaphore, #tpu.memory_space<semaphore_mem>>
      %dma_wait3A_395 = tpu.memref_squeeze %dma_wait3A_394 : memref<1x!tpu.dma_semaphore, #tpu.memory_space<semaphore_mem>> -> memref<!tpu.dma_semaphore, #tpu.memory_space<semaphore_mem>>
      tpu.wait_indirect_dma semaphore(%dma_wait3A_395 : memref<!tpu.dma_semaphore, #tpu.memory_space<semaphore_mem>>) src(%dma_wait3A_393 : memref<10000x128xf32, #tpu.memory_space<hbm>>) dst(%dma_wait3A_387 : memref<120x128xf32, #tpu.memory_space<vmem>>)
      %run_scoped3A_396 = arith.constant 1 : i32
      %run_scoped3A_397 = arith.constant 1 : i32
      %run_scoped3A_398 = arith.constant 1 : i32
      "tpu.region"() ({
        %run_scoped3A_514 = tpu.sem_alloc : memref<!tpu.dma_semaphore, #tpu.memory_space<semaphore_mem>>
        %dma_start3A_515 = arith.constant 0 : i32
        %dma_start3A_516 = arith.constant 0 : i32
        %dma_start3A_517 = tpu.memref_slice %arg7[%run_scoped3A_396, %dma_start3A_515, %dma_start3A_516] : memref<3x120x128xf32, #tpu.memory_space<vmem>> -> memref<1x120x128xf32, #tpu.memory_space<vmem>>
        %dma_start3A_518 = tpu.memref_squeeze %dma_start3A_517 : memref<1x120x128xf32, #tpu.memory_space<vmem>> -> memref<120x128xf32, #tpu.memory_space<vmem>>
        %dma_start3A_519 = arith.constant 0 : i32
        %dma_start3A_520 = tpu.memref_slice %arg6[%run_scoped3A_397, %run_scoped3A_398, %dma_start3A_519] : memref<3x2x120xi32, #tpu.memory_space<vmem>> -> memref<1x1x120xi32, #tpu.memory_space<vmem>>
        %dma_start3A_521 = tpu.memref_squeeze %dma_start3A_520 : memref<1x1x120xi32, #tpu.memory_space<vmem>> -> memref<120xi32, #tpu.memory_space<vmem>>
        %dma_start3A_522 = arith.constant 0 : i32
        %dma_start3A_523 = arith.constant 0 : i32
        %dma_start3A_524 = tpu.memref_slice %arg8[%dma_start3A_522, %dma_start3A_523] : memref<10240x128xf32, #tpu.memory_space<vmem_shared>> -> memref<10240x128xf32, #tpu.memory_space<vmem_shared>>
        tpu.enqueue_indirect_dma source(%dma_start3A_518 : memref<120x128xf32, #tpu.memory_space<vmem>>) target(%dma_start3A_524 : memref<10240x128xf32, #tpu.memory_space<vmem_shared>>) offsets(%dma_start3A_521 : memref<120xi32, #tpu.memory_space<vmem>>) semaphore(%run_scoped3A_514 : memref<!tpu.dma_semaphore, #tpu.memory_space<semaphore_mem>>) {add = true}
        %dma_wait3A_525 = arith.constant 0 : i32
        %dma_wait3A_526 = arith.constant 0 : i32
        %dma_wait3A_527 = tpu.memref_slice %arg7[%run_scoped3A_396, %dma_wait3A_525, %dma_wait3A_526] : memref<3x120x128xf32, #tpu.memory_space<vmem>> -> memref<1x120x128xf32, #tpu.memory_space<vmem>>
        %dma_wait3A_528 = tpu.memref_squeeze %dma_wait3A_527 : memref<1x120x128xf32, #tpu.memory_space<vmem>> -> memref<120x128xf32, #tpu.memory_space<vmem>>
        %dma_wait3A_529 = arith.constant 0 : i32
        %dma_wait3A_530 = tpu.memref_slice %arg6[%run_scoped3A_397, %run_scoped3A_398, %dma_wait3A_529] : memref<3x2x120xi32, #tpu.memory_space<vmem>> -> memref<1x1x120xi32, #tpu.memory_space<vmem>>
        %dma_wait3A_531 = tpu.memref_squeeze %dma_wait3A_530 : memref<1x1x120xi32, #tpu.memory_space<vmem>> -> memref<120xi32, #tpu.memory_space<vmem>>
        %dma_wait3A_532 = arith.constant 0 : i32
        %dma_wait3A_533 = arith.constant 0 : i32
        %dma_wait3A_534 = tpu.memref_slice %arg8[%dma_wait3A_532, %dma_wait3A_533] : memref<10240x128xf32, #tpu.memory_space<vmem_shared>> -> memref<10240x128xf32, #tpu.memory_space<vmem_shared>>
        tpu.wait_indirect_dma semaphore(%run_scoped3A_514 : memref<!tpu.dma_semaphore, #tpu.memory_space<semaphore_mem>>) src(%dma_wait3A_528 : memref<120x128xf32, #tpu.memory_space<vmem>>) dst(%dma_wait3A_534 : memref<10240x128xf32, #tpu.memory_space<vmem_shared>>)
        tpu.yield
      }) : () -> ()
      %add3A_399 = arith.constant 3 : i32
      %add3A_400 = arith.addi %add3A_342, %add3A_399 : i32
      %mul3A_401 = arith.constant 32 : i32
      %mul3A_402 = arith.muli %add3A_400, %mul3A_401 : i32
      %add3A_403 = arith.addi %add3A, %mul3A_402 : i32
      %min3A_404 = arith.constant 2687 : i32
      %min3A_405 = arith.minsi %add3A_403, %min3A_404 : i32
      %dma_start3A_406 = arith.constant 1 : i32
      %dma_start3A_407 = arith.constant 1 : i32
      %dma_start3A_408 = arith.constant 0 : i32
      %dma_start3A_409 = arith.constant 0 : i32
      %dma_start3A_410 = tpu.memref_slice %arg6[%dma_start3A_406, %dma_start3A_408, %dma_start3A_409] : memref<3x2x120xi32, #tpu.memory_space<vmem>> -> memref<1x2x120xi32, #tpu.memory_space<vmem>>
      %dma_start3A_411 = tpu.memref_squeeze %dma_start3A_410 : memref<1x2x120xi32, #tpu.memory_space<vmem>> -> memref<2x120xi32, #tpu.memory_space<vmem>>
      %dma_start3A_412 = arith.constant 0 : i32
      %dma_start3A_413 = arith.constant 0 : i32
      %dma_start3A_414 = tpu.memref_slice %arg3[%min3A_405, %dma_start3A_412, %dma_start3A_413] : memref<2688x2x120xi32, #tpu.memory_space<hbm>> -> memref<1x2x120xi32, #tpu.memory_space<hbm>>
      %dma_start3A_415 = tpu.memref_squeeze %dma_start3A_414 : memref<1x2x120xi32, #tpu.memory_space<hbm>> -> memref<2x120xi32, #tpu.memory_space<hbm>>
      %dma_start3A_416 = tpu.memref_slice %arg10[%dma_start3A_407] : memref<3x!tpu.dma_semaphore, #tpu.memory_space<semaphore_mem>> -> memref<1x!tpu.dma_semaphore, #tpu.memory_space<semaphore_mem>>
      %dma_start3A_417 = tpu.memref_squeeze %dma_start3A_416 : memref<1x!tpu.dma_semaphore, #tpu.memory_space<semaphore_mem>> -> memref<!tpu.dma_semaphore, #tpu.memory_space<semaphore_mem>>
      %dma_start3A_418 = arith.constant 0 : i32
      %dma_start3A_419 = arith.constant 0 : i32
      %dma_start3A_420 = tpu.memref_slice %arg6[%dma_start3A_406, %dma_start3A_418, %dma_start3A_419] : memref<3x2x120xi32, #tpu.memory_space<vmem>> -> memref<1x2x120xi32, #tpu.memory_space<vmem>>
      %dma_start3A_421 = tpu.memref_squeeze %dma_start3A_420 : memref<1x2x120xi32, #tpu.memory_space<vmem>> -> memref<2x120xi32, #tpu.memory_space<vmem>>
      %dma_start3A_422 = arith.constant 0 : i32
      %dma_start3A_423 = arith.constant 0 : i32
      %dma_start3A_424 = tpu.memref_slice %arg3[%min3A_405, %dma_start3A_422, %dma_start3A_423] : memref<2688x2x120xi32, #tpu.memory_space<hbm>> -> memref<1x2x120xi32, #tpu.memory_space<hbm>>
      %dma_start3A_425 = tpu.memref_squeeze %dma_start3A_424 : memref<1x2x120xi32, #tpu.memory_space<hbm>> -> memref<2x120xi32, #tpu.memory_space<hbm>>
      tpu.enqueue_dma source(%dma_start3A_425 : memref<2x120xi32, #tpu.memory_space<hbm>>) target(%dma_start3A_421 : memref<2x120xi32, #tpu.memory_space<vmem>>) target_semaphore(%dma_start3A_417 : memref<!tpu.dma_semaphore, #tpu.memory_space<semaphore_mem>>)
      %mul3A_426 = arith.constant 3 : i32
      %mul3A_427 = arith.muli %mul3A_426, %scan3A_250 : i32
      %add3A_428 = arith.constant 2 : i32
      %add3A_429 = arith.addi %mul3A_427, %add3A_428 : i32
      %dma_wait3A_430 = arith.constant 0 : i32
      %dma_wait3A_431 = arith.constant 1 : i32
      %dma_wait3A_432 = arith.constant 1 : i32
      %dma_wait3A_433 = arith.constant 0 : i32
      %dma_wait3A_434 = arith.constant 0 : i32
      %dma_wait3A_435 = tpu.memref_slice %arg6[%dma_wait3A_431, %dma_wait3A_433, %dma_wait3A_434] : memref<3x2x120xi32, #tpu.memory_space<vmem>> -> memref<1x2x120xi32, #tpu.memory_space<vmem>>
      %dma_wait3A_436 = tpu.memref_squeeze %dma_wait3A_435 : memref<1x2x120xi32, #tpu.memory_space<vmem>> -> memref<2x120xi32, #tpu.memory_space<vmem>>
      %dma_wait3A_437 = arith.constant 0 : i32
      %dma_wait3A_438 = arith.constant 0 : i32
      %dma_wait3A_439 = tpu.memref_slice %arg3[%dma_wait3A_430, %dma_wait3A_437, %dma_wait3A_438] : memref<2688x2x120xi32, #tpu.memory_space<hbm>> -> memref<1x2x120xi32, #tpu.memory_space<hbm>>
      %dma_wait3A_440 = tpu.memref_squeeze %dma_wait3A_439 : memref<1x2x120xi32, #tpu.memory_space<hbm>> -> memref<2x120xi32, #tpu.memory_space<hbm>>
      %dma_wait3A_441 = tpu.memref_slice %arg10[%dma_wait3A_432] : memref<3x!tpu.dma_semaphore, #tpu.memory_space<semaphore_mem>> -> memref<1x!tpu.dma_semaphore, #tpu.memory_space<semaphore_mem>>
      %dma_wait3A_442 = tpu.memref_squeeze %dma_wait3A_441 : memref<1x!tpu.dma_semaphore, #tpu.memory_space<semaphore_mem>> -> memref<!tpu.dma_semaphore, #tpu.memory_space<semaphore_mem>>
      %dma_wait3A_443 = arith.constant 0 : i32
      %dma_wait3A_444 = arith.constant 0 : i32
      %dma_wait3A_445 = tpu.memref_slice %arg6[%dma_wait3A_431, %dma_wait3A_443, %dma_wait3A_444] : memref<3x2x120xi32, #tpu.memory_space<vmem>> -> memref<1x2x120xi32, #tpu.memory_space<vmem>>
      %dma_wait3A_446 = tpu.memref_squeeze %dma_wait3A_445 : memref<1x2x120xi32, #tpu.memory_space<vmem>> -> memref<2x120xi32, #tpu.memory_space<vmem>>
      %dma_wait3A_447 = arith.constant 0 : i32
      %dma_wait3A_448 = arith.constant 0 : i32
      %dma_wait3A_449 = tpu.memref_slice %arg3[%dma_wait3A_430, %dma_wait3A_447, %dma_wait3A_448] : memref<2688x2x120xi32, #tpu.memory_space<hbm>> -> memref<1x2x120xi32, #tpu.memory_space<hbm>>
      %dma_wait3A_450 = tpu.memref_squeeze %dma_wait3A_449 : memref<1x2x120xi32, #tpu.memory_space<hbm>> -> memref<2x120xi32, #tpu.memory_space<hbm>>
      tpu.wait_dma2 semaphore(%dma_wait3A_442 : memref<!tpu.dma_semaphore, #tpu.memory_space<semaphore_mem>>) src(%dma_wait3A_450 : memref<2x120xi32, #tpu.memory_space<hbm>>) dst(%dma_wait3A_446 : memref<2x120xi32, #tpu.memory_space<vmem>>)
      %dma_start3A_451 = arith.constant 1 : i32
      %dma_start3A_452 = arith.constant 0 : i32
      %dma_start3A_453 = arith.constant 1 : i32
      %dma_start3A_454 = arith.constant 1 : i32
      %dma_start3A_455 = arith.constant 0 : i32
      %dma_start3A_456 = arith.constant 0 : i32
      %dma_start3A_457 = tpu.memref_slice %arg7[%dma_start3A_453, %dma_start3A_455, %dma_start3A_456] : memref<3x120x128xf32, #tpu.memory_space<vmem>> -> memref<1x120x128xf32, #tpu.memory_space<vmem>>
      %dma_start3A_458 = tpu.memref_squeeze %dma_start3A_457 : memref<1x120x128xf32, #tpu.memory_space<vmem>> -> memref<120x128xf32, #tpu.memory_space<vmem>>
      %dma_start3A_459 = arith.constant 0 : i32
      %dma_start3A_460 = tpu.memref_slice %arg6[%dma_start3A_451, %dma_start3A_452, %dma_start3A_459] : memref<3x2x120xi32, #tpu.memory_space<vmem>> -> memref<1x1x120xi32, #tpu.memory_space<vmem>>
      %dma_start3A_461 = tpu.memref_squeeze %dma_start3A_460 : memref<1x1x120xi32, #tpu.memory_space<vmem>> -> memref<120xi32, #tpu.memory_space<vmem>>
      %dma_start3A_462 = arith.constant 0 : i32
      %dma_start3A_463 = arith.constant 0 : i32
      %dma_start3A_464 = tpu.memref_slice %arg2[%dma_start3A_462, %dma_start3A_463] : memref<10000x128xf32, #tpu.memory_space<hbm>> -> memref<10000x128xf32, #tpu.memory_space<hbm>>
      %dma_start3A_465 = tpu.memref_slice %arg9[%dma_start3A_454] : memref<3x!tpu.dma_semaphore, #tpu.memory_space<semaphore_mem>> -> memref<1x!tpu.dma_semaphore, #tpu.memory_space<semaphore_mem>>
      %dma_start3A_466 = tpu.memref_squeeze %dma_start3A_465 : memref<1x!tpu.dma_semaphore, #tpu.memory_space<semaphore_mem>> -> memref<!tpu.dma_semaphore, #tpu.memory_space<semaphore_mem>>
      tpu.enqueue_indirect_dma source(%dma_start3A_464 : memref<10000x128xf32, #tpu.memory_space<hbm>>) target(%dma_start3A_458 : memref<120x128xf32, #tpu.memory_space<vmem>>) offsets(%dma_start3A_461 : memref<120xi32, #tpu.memory_space<vmem>>) semaphore(%dma_start3A_466 : memref<!tpu.dma_semaphore, #tpu.memory_space<semaphore_mem>>)
      %dma_wait3A_467 = arith.constant 2 : i32
      %dma_wait3A_468 = arith.constant 0 : i32
      %dma_wait3A_469 = arith.constant 2 : i32
      %dma_wait3A_470 = arith.constant 2 : i32
      %dma_wait3A_471 = arith.constant 0 : i32
      %dma_wait3A_472 = arith.constant 0 : i32
      %dma_wait3A_473 = tpu.memref_slice %arg7[%dma_wait3A_469, %dma_wait3A_471, %dma_wait3A_472] : memref<3x120x128xf32, #tpu.memory_space<vmem>> -> memref<1x120x128xf32, #tpu.memory_space<vmem>>
      %dma_wait3A_474 = tpu.memref_squeeze %dma_wait3A_473 : memref<1x120x128xf32, #tpu.memory_space<vmem>> -> memref<120x128xf32, #tpu.memory_space<vmem>>
      %dma_wait3A_475 = arith.constant 0 : i32
      %dma_wait3A_476 = tpu.memref_slice %arg6[%dma_wait3A_467, %dma_wait3A_468, %dma_wait3A_475] : memref<3x2x120xi32, #tpu.memory_space<vmem>> -> memref<1x1x120xi32, #tpu.memory_space<vmem>>
      %dma_wait3A_477 = tpu.memref_squeeze %dma_wait3A_476 : memref<1x1x120xi32, #tpu.memory_space<vmem>> -> memref<120xi32, #tpu.memory_space<vmem>>
      %dma_wait3A_478 = arith.constant 0 : i32
      %dma_wait3A_479 = arith.constant 0 : i32
      %dma_wait3A_480 = tpu.memref_slice %arg2[%dma_wait3A_478, %dma_wait3A_479] : memref<10000x128xf32, #tpu.memory_space<hbm>> -> memref<10000x128xf32, #tpu.memory_space<hbm>>
      %dma_wait3A_481 = tpu.memref_slice %arg9[%dma_wait3A_470] : memref<3x!tpu.dma_semaphore, #tpu.memory_space<semaphore_mem>> -> memref<1x!tpu.dma_semaphore, #tpu.memory_space<semaphore_mem>>
      %dma_wait3A_482 = tpu.memref_squeeze %dma_wait3A_481 : memref<1x!tpu.dma_semaphore, #tpu.memory_space<semaphore_mem>> -> memref<!tpu.dma_semaphore, #tpu.memory_space<semaphore_mem>>
      tpu.wait_indirect_dma semaphore(%dma_wait3A_482 : memref<!tpu.dma_semaphore, #tpu.memory_space<semaphore_mem>>) src(%dma_wait3A_480 : memref<10000x128xf32, #tpu.memory_space<hbm>>) dst(%dma_wait3A_474 : memref<120x128xf32, #tpu.memory_space<vmem>>)
      %run_scoped3A_483 = arith.constant 2 : i32
      %run_scoped3A_484 = arith.constant 2 : i32
      %run_scoped3A_485 = arith.constant 1 : i32
      "tpu.region"() ({
        %run_scoped3A_514 = tpu.sem_alloc : memref<!tpu.dma_semaphore, #tpu.memory_space<semaphore_mem>>
        %dma_start3A_515 = arith.constant 0 : i32
        %dma_start3A_516 = arith.constant 0 : i32
        %dma_start3A_517 = tpu.memref_slice %arg7[%run_scoped3A_483, %dma_start3A_515, %dma_start3A_516] : memref<3x120x128xf32, #tpu.memory_space<vmem>> -> memref<1x120x128xf32, #tpu.memory_space<vmem>>
        %dma_start3A_518 = tpu.memref_squeeze %dma_start3A_517 : memref<1x120x128xf32, #tpu.memory_space<vmem>> -> memref<120x128xf32, #tpu.memory_space<vmem>>
        %dma_start3A_519 = arith.constant 0 : i32
        %dma_start3A_520 = tpu.memref_slice %arg6[%run_scoped3A_484, %run_scoped3A_485, %dma_start3A_519] : memref<3x2x120xi32, #tpu.memory_space<vmem>> -> memref<1x1x120xi32, #tpu.memory_space<vmem>>
        %dma_start3A_521 = tpu.memref_squeeze %dma_start3A_520 : memref<1x1x120xi32, #tpu.memory_space<vmem>> -> memref<120xi32, #tpu.memory_space<vmem>>
        %dma_start3A_522 = arith.constant 0 : i32
        %dma_start3A_523 = arith.constant 0 : i32
        %dma_start3A_524 = tpu.memref_slice %arg8[%dma_start3A_522, %dma_start3A_523] : memref<10240x128xf32, #tpu.memory_space<vmem_shared>> -> memref<10240x128xf32, #tpu.memory_space<vmem_shared>>
        tpu.enqueue_indirect_dma source(%dma_start3A_518 : memref<120x128xf32, #tpu.memory_space<vmem>>) target(%dma_start3A_524 : memref<10240x128xf32, #tpu.memory_space<vmem_shared>>) offsets(%dma_start3A_521 : memref<120xi32, #tpu.memory_space<vmem>>) semaphore(%run_scoped3A_514 : memref<!tpu.dma_semaphore, #tpu.memory_space<semaphore_mem>>) {add = true}
        %dma_wait3A_525 = arith.constant 0 : i32
        %dma_wait3A_526 = arith.constant 0 : i32
        %dma_wait3A_527 = tpu.memref_slice %arg7[%run_scoped3A_483, %dma_wait3A_525, %dma_wait3A_526] : memref<3x120x128xf32, #tpu.memory_space<vmem>> -> memref<1x120x128xf32, #tpu.memory_space<vmem>>
        %dma_wait3A_528 = tpu.memref_squeeze %dma_wait3A_527 : memref<1x120x128xf32, #tpu.memory_space<vmem>> -> memref<120x128xf32, #tpu.memory_space<vmem>>
        %dma_wait3A_529 = arith.constant 0 : i32
        %dma_wait3A_530 = tpu.memref_slice %arg6[%run_scoped3A_484, %run_scoped3A_485, %dma_wait3A_529] : memref<3x2x120xi32, #tpu.memory_space<vmem>> -> memref<1x1x120xi32, #tpu.memory_space<vmem>>
        %dma_wait3A_531 = tpu.memref_squeeze %dma_wait3A_530 : memref<1x1x120xi32, #tpu.memory_space<vmem>> -> memref<120xi32, #tpu.memory_space<vmem>>
        %dma_wait3A_532 = arith.constant 0 : i32
        %dma_wait3A_533 = arith.constant 0 : i32
        %dma_wait3A_534 = tpu.memref_slice %arg8[%dma_wait3A_532, %dma_wait3A_533] : memref<10240x128xf32, #tpu.memory_space<vmem_shared>> -> memref<10240x128xf32, #tpu.memory_space<vmem_shared>>
        tpu.wait_indirect_dma semaphore(%run_scoped3A_514 : memref<!tpu.dma_semaphore, #tpu.memory_space<semaphore_mem>>) src(%dma_wait3A_528 : memref<120x128xf32, #tpu.memory_space<vmem>>) dst(%dma_wait3A_534 : memref<10240x128xf32, #tpu.memory_space<vmem_shared>>)
        tpu.yield
      }) : () -> ()
      %add3A_486 = arith.constant 3 : i32
      %add3A_487 = arith.addi %add3A_429, %add3A_486 : i32
      %mul3A_488 = arith.constant 32 : i32
      %mul3A_489 = arith.muli %add3A_487, %mul3A_488 : i32
      %add3A_490 = arith.addi %add3A, %mul3A_489 : i32
      %min3A_491 = arith.constant 2687 : i32
      %min3A_492 = arith.minsi %add3A_490, %min3A_491 : i32
      %dma_start3A_493 = arith.constant 2 : i32
      %dma_start3A_494 = arith.constant 2 : i32
      %dma_start3A_495 = arith.constant 0 : i32
      %dma_start3A_496 = arith.constant 0 : i32
      %dma_start3A_497 = tpu.memref_slice %arg6[%dma_start3A_493, %dma_start3A_495, %dma_start3A_496] : memref<3x2x120xi32, #tpu.memory_space<vmem>> -> memref<1x2x120xi32, #tpu.memory_space<vmem>>
      %dma_start3A_498 = tpu.memref_squeeze %dma_start3A_497 : memref<1x2x120xi32, #tpu.memory_space<vmem>> -> memref<2x120xi32, #tpu.memory_space<vmem>>
      %dma_start3A_499 = arith.constant 0 : i32
      %dma_start3A_500 = arith.constant 0 : i32
      %dma_start3A_501 = tpu.memref_slice %arg3[%min3A_492, %dma_start3A_499, %dma_start3A_500] : memref<2688x2x120xi32, #tpu.memory_space<hbm>> -> memref<1x2x120xi32, #tpu.memory_space<hbm>>
      %dma_start3A_502 = tpu.memref_squeeze %dma_start3A_501 : memref<1x2x120xi32, #tpu.memory_space<hbm>> -> memref<2x120xi32, #tpu.memory_space<hbm>>
      %dma_start3A_503 = tpu.memref_slice %arg10[%dma_start3A_494] : memref<3x!tpu.dma_semaphore, #tpu.memory_space<semaphore_mem>> -> memref<1x!tpu.dma_semaphore, #tpu.memory_space<semaphore_mem>>
      %dma_start3A_504 = tpu.memref_squeeze %dma_start3A_503 : memref<1x!tpu.dma_semaphore, #tpu.memory_space<semaphore_mem>> -> memref<!tpu.dma_semaphore, #tpu.memory_space<semaphore_mem>>
      %dma_start3A_505 = arith.constant 0 : i32
      %dma_start3A_506 = arith.constant 0 : i32
      %dma_start3A_507 = tpu.memref_slice %arg6[%dma_start3A_493, %dma_start3A_505, %dma_start3A_506] : memref<3x2x120xi32, #tpu.memory_space<vmem>> -> memref<1x2x120xi32, #tpu.memory_space<vmem>>
      %dma_start3A_508 = tpu.memref_squeeze %dma_start3A_507 : memref<1x2x120xi32, #tpu.memory_space<vmem>> -> memref<2x120xi32, #tpu.memory_space<vmem>>
      %dma_start3A_509 = arith.constant 0 : i32
      %dma_start3A_510 = arith.constant 0 : i32
      %dma_start3A_511 = tpu.memref_slice %arg3[%min3A_492, %dma_start3A_509, %dma_start3A_510] : memref<2688x2x120xi32, #tpu.memory_space<hbm>> -> memref<1x2x120xi32, #tpu.memory_space<hbm>>
      %dma_start3A_512 = tpu.memref_squeeze %dma_start3A_511 : memref<1x2x120xi32, #tpu.memory_space<hbm>> -> memref<2x120xi32, #tpu.memory_space<hbm>>
      tpu.enqueue_dma source(%dma_start3A_512 : memref<2x120xi32, #tpu.memory_space<hbm>>) target(%dma_start3A_508 : memref<2x120xi32, #tpu.memory_space<vmem>>) target_semaphore(%dma_start3A_504 : memref<!tpu.dma_semaphore, #tpu.memory_space<semaphore_mem>>)
      %scan3A_513 = arith.constant 0 : i32
      scf.yield %scan3A_513 : i32
    }
    %scan3A_151 = arith.constant 27 : i32
    %dma_wait3A_152 = arith.constant 0 : i32
    %dma_wait3A_153 = arith.constant 2 : i32
    %dma_wait3A_154 = arith.constant 2 : i32
    %dma_wait3A_155 = arith.constant 0 : i32
    %dma_wait3A_156 = arith.constant 0 : i32
    %dma_wait3A_157 = tpu.memref_slice %arg6[%dma_wait3A_153, %dma_wait3A_155, %dma_wait3A_156] : memref<3x2x120xi32, #tpu.memory_space<vmem>> -> memref<1x2x120xi32, #tpu.memory_space<vmem>>
    %dma_wait3A_158 = tpu.memref_squeeze %dma_wait3A_157 : memref<1x2x120xi32, #tpu.memory_space<vmem>> -> memref<2x120xi32, #tpu.memory_space<vmem>>
    %dma_wait3A_159 = arith.constant 0 : i32
    %dma_wait3A_160 = arith.constant 0 : i32
    %dma_wait3A_161 = tpu.memref_slice %arg3[%dma_wait3A_152, %dma_wait3A_159, %dma_wait3A_160] : memref<2688x2x120xi32, #tpu.memory_space<hbm>> -> memref<1x2x120xi32, #tpu.memory_space<hbm>>
    %dma_wait3A_162 = tpu.memref_squeeze %dma_wait3A_161 : memref<1x2x120xi32, #tpu.memory_space<hbm>> -> memref<2x120xi32, #tpu.memory_space<hbm>>
    %dma_wait3A_163 = tpu.memref_slice %arg10[%dma_wait3A_154] : memref<3x!tpu.dma_semaphore, #tpu.memory_space<semaphore_mem>> -> memref<1x!tpu.dma_semaphore, #tpu.memory_space<semaphore_mem>>
    %dma_wait3A_164 = tpu.memref_squeeze %dma_wait3A_163 : memref<1x!tpu.dma_semaphore, #tpu.memory_space<semaphore_mem>> -> memref<!tpu.dma_semaphore, #tpu.memory_space<semaphore_mem>>
    %dma_wait3A_165 = arith.constant 0 : i32
    %dma_wait3A_166 = arith.constant 0 : i32
    %dma_wait3A_167 = tpu.memref_slice %arg6[%dma_wait3A_153, %dma_wait3A_165, %dma_wait3A_166] : memref<3x2x120xi32, #tpu.memory_space<vmem>> -> memref<1x2x120xi32, #tpu.memory_space<vmem>>
    %dma_wait3A_168 = tpu.memref_squeeze %dma_wait3A_167 : memref<1x2x120xi32, #tpu.memory_space<vmem>> -> memref<2x120xi32, #tpu.memory_space<vmem>>
    %dma_wait3A_169 = arith.constant 0 : i32
    %dma_wait3A_170 = arith.constant 0 : i32
    %dma_wait3A_171 = tpu.memref_slice %arg3[%dma_wait3A_152, %dma_wait3A_169, %dma_wait3A_170] : memref<2688x2x120xi32, #tpu.memory_space<hbm>> -> memref<1x2x120xi32, #tpu.memory_space<hbm>>
    %dma_wait3A_172 = tpu.memref_squeeze %dma_wait3A_171 : memref<1x2x120xi32, #tpu.memory_space<hbm>> -> memref<2x120xi32, #tpu.memory_space<hbm>>
    tpu.wait_dma2 semaphore(%dma_wait3A_164 : memref<!tpu.dma_semaphore, #tpu.memory_space<semaphore_mem>>) src(%dma_wait3A_172 : memref<2x120xi32, #tpu.memory_space<hbm>>) dst(%dma_wait3A_168 : memref<2x120xi32, #tpu.memory_space<vmem>>)
    %dma_start3A_173 = arith.constant 2 : i32
    %dma_start3A_174 = arith.constant 0 : i32
    %dma_start3A_175 = arith.constant 2 : i32
    %dma_start3A_176 = arith.constant 2 : i32
    %dma_start3A_177 = arith.constant 0 : i32
    %dma_start3A_178 = arith.constant 0 : i32
    %dma_start3A_179 = tpu.memref_slice %arg7[%dma_start3A_175, %dma_start3A_177, %dma_start3A_178] : memref<3x120x128xf32, #tpu.memory_space<vmem>> -> memref<1x120x128xf32, #tpu.memory_space<vmem>>
    %dma_start3A_180 = tpu.memref_squeeze %dma_start3A_179 : memref<1x120x128xf32, #tpu.memory_space<vmem>> -> memref<120x128xf32, #tpu.memory_space<vmem>>
    %dma_start3A_181 = arith.constant 0 : i32
    %dma_start3A_182 = tpu.memref_slice %arg6[%dma_start3A_173, %dma_start3A_174, %dma_start3A_181] : memref<3x2x120xi32, #tpu.memory_space<vmem>> -> memref<1x1x120xi32, #tpu.memory_space<vmem>>
    %dma_start3A_183 = tpu.memref_squeeze %dma_start3A_182 : memref<1x1x120xi32, #tpu.memory_space<vmem>> -> memref<120xi32, #tpu.memory_space<vmem>>
    %dma_start3A_184 = arith.constant 0 : i32
    %dma_start3A_185 = arith.constant 0 : i32
    %dma_start3A_186 = tpu.memref_slice %arg2[%dma_start3A_184, %dma_start3A_185] : memref<10000x128xf32, #tpu.memory_space<hbm>> -> memref<10000x128xf32, #tpu.memory_space<hbm>>
    %dma_start3A_187 = tpu.memref_slice %arg9[%dma_start3A_176] : memref<3x!tpu.dma_semaphore, #tpu.memory_space<semaphore_mem>> -> memref<1x!tpu.dma_semaphore, #tpu.memory_space<semaphore_mem>>
    %dma_start3A_188 = tpu.memref_squeeze %dma_start3A_187 : memref<1x!tpu.dma_semaphore, #tpu.memory_space<semaphore_mem>> -> memref<!tpu.dma_semaphore, #tpu.memory_space<semaphore_mem>>
    tpu.enqueue_indirect_dma source(%dma_start3A_186 : memref<10000x128xf32, #tpu.memory_space<hbm>>) target(%dma_start3A_180 : memref<120x128xf32, #tpu.memory_space<vmem>>) offsets(%dma_start3A_183 : memref<120xi32, #tpu.memory_space<vmem>>) semaphore(%dma_start3A_188 : memref<!tpu.dma_semaphore, #tpu.memory_space<semaphore_mem>>)
    %dma_wait3A_189 = arith.constant 0 : i32
    %dma_wait3A_190 = arith.constant 0 : i32
    %dma_wait3A_191 = arith.constant 0 : i32
    %dma_wait3A_192 = arith.constant 0 : i32
    %dma_wait3A_193 = arith.constant 0 : i32
    %dma_wait3A_194 = arith.constant 0 : i32
    %dma_wait3A_195 = tpu.memref_slice %arg7[%dma_wait3A_191, %dma_wait3A_193, %dma_wait3A_194] : memref<3x120x128xf32, #tpu.memory_space<vmem>> -> memref<1x120x128xf32, #tpu.memory_space<vmem>>
    %dma_wait3A_196 = tpu.memref_squeeze %dma_wait3A_195 : memref<1x120x128xf32, #tpu.memory_space<vmem>> -> memref<120x128xf32, #tpu.memory_space<vmem>>
    %dma_wait3A_197 = arith.constant 0 : i32
    %dma_wait3A_198 = tpu.memref_slice %arg6[%dma_wait3A_189, %dma_wait3A_190, %dma_wait3A_197] : memref<3x2x120xi32, #tpu.memory_space<vmem>> -> memref<1x1x120xi32, #tpu.memory_space<vmem>>
    %dma_wait3A_199 = tpu.memref_squeeze %dma_wait3A_198 : memref<1x1x120xi32, #tpu.memory_space<vmem>> -> memref<120xi32, #tpu.memory_space<vmem>>
    %dma_wait3A_200 = arith.constant 0 : i32
    %dma_wait3A_201 = arith.constant 0 : i32
    %dma_wait3A_202 = tpu.memref_slice %arg2[%dma_wait3A_200, %dma_wait3A_201] : memref<10000x128xf32, #tpu.memory_space<hbm>> -> memref<10000x128xf32, #tpu.memory_space<hbm>>
    %dma_wait3A_203 = tpu.memref_slice %arg9[%dma_wait3A_192] : memref<3x!tpu.dma_semaphore, #tpu.memory_space<semaphore_mem>> -> memref<1x!tpu.dma_semaphore, #tpu.memory_space<semaphore_mem>>
    %dma_wait3A_204 = tpu.memref_squeeze %dma_wait3A_203 : memref<1x!tpu.dma_semaphore, #tpu.memory_space<semaphore_mem>> -> memref<!tpu.dma_semaphore, #tpu.memory_space<semaphore_mem>>
    tpu.wait_indirect_dma semaphore(%dma_wait3A_204 : memref<!tpu.dma_semaphore, #tpu.memory_space<semaphore_mem>>) src(%dma_wait3A_202 : memref<10000x128xf32, #tpu.memory_space<hbm>>) dst(%dma_wait3A_196 : memref<120x128xf32, #tpu.memory_space<vmem>>)
    %run_scoped3A = arith.constant 0 : i32
    %run_scoped3A_205 = arith.constant 0 : i32
    %run_scoped3A_206 = arith.constant 1 : i32
    "tpu.region"() ({
      %run_scoped3A_250 = tpu.sem_alloc : memref<!tpu.dma_semaphore, #tpu.memory_space<semaphore_mem>>
      %dma_start3A_251 = arith.constant 0 : i32
      %dma_start3A_252 = arith.constant 0 : i32
      %dma_start3A_253 = tpu.memref_slice %arg7[%run_scoped3A, %dma_start3A_251, %dma_start3A_252] : memref<3x120x128xf32, #tpu.memory_space<vmem>> -> memref<1x120x128xf32, #tpu.memory_space<vmem>>
      %dma_start3A_254 = tpu.memref_squeeze %dma_start3A_253 : memref<1x120x128xf32, #tpu.memory_space<vmem>> -> memref<120x128xf32, #tpu.memory_space<vmem>>
      %dma_start3A_255 = arith.constant 0 : i32
      %dma_start3A_256 = tpu.memref_slice %arg6[%run_scoped3A_205, %run_scoped3A_206, %dma_start3A_255] : memref<3x2x120xi32, #tpu.memory_space<vmem>> -> memref<1x1x120xi32, #tpu.memory_space<vmem>>
      %dma_start3A_257 = tpu.memref_squeeze %dma_start3A_256 : memref<1x1x120xi32, #tpu.memory_space<vmem>> -> memref<120xi32, #tpu.memory_space<vmem>>
      %dma_start3A_258 = arith.constant 0 : i32
      %dma_start3A_259 = arith.constant 0 : i32
      %dma_start3A_260 = tpu.memref_slice %arg8[%dma_start3A_258, %dma_start3A_259] : memref<10240x128xf32, #tpu.memory_space<vmem_shared>> -> memref<10240x128xf32, #tpu.memory_space<vmem_shared>>
      tpu.enqueue_indirect_dma source(%dma_start3A_254 : memref<120x128xf32, #tpu.memory_space<vmem>>) target(%dma_start3A_260 : memref<10240x128xf32, #tpu.memory_space<vmem_shared>>) offsets(%dma_start3A_257 : memref<120xi32, #tpu.memory_space<vmem>>) semaphore(%run_scoped3A_250 : memref<!tpu.dma_semaphore, #tpu.memory_space<semaphore_mem>>) {add = true}
      %dma_wait3A_261 = arith.constant 0 : i32
      %dma_wait3A_262 = arith.constant 0 : i32
      %dma_wait3A_263 = tpu.memref_slice %arg7[%run_scoped3A, %dma_wait3A_261, %dma_wait3A_262] : memref<3x120x128xf32, #tpu.memory_space<vmem>> -> memref<1x120x128xf32, #tpu.memory_space<vmem>>
      %dma_wait3A_264 = tpu.memref_squeeze %dma_wait3A_263 : memref<1x120x128xf32, #tpu.memory_space<vmem>> -> memref<120x128xf32, #tpu.memory_space<vmem>>
      %dma_wait3A_265 = arith.constant 0 : i32
      %dma_wait3A_266 = tpu.memref_slice %arg6[%run_scoped3A_205, %run_scoped3A_206, %dma_wait3A_265] : memref<3x2x120xi32, #tpu.memory_space<vmem>> -> memref<1x1x120xi32, #tpu.memory_space<vmem>>
      %dma_wait3A_267 = tpu.memref_squeeze %dma_wait3A_266 : memref<1x1x120xi32, #tpu.memory_space<vmem>> -> memref<120xi32, #tpu.memory_space<vmem>>
      %dma_wait3A_268 = arith.constant 0 : i32
      %dma_wait3A_269 = arith.constant 0 : i32
      %dma_wait3A_270 = tpu.memref_slice %arg8[%dma_wait3A_268, %dma_wait3A_269] : memref<10240x128xf32, #tpu.memory_space<vmem_shared>> -> memref<10240x128xf32, #tpu.memory_space<vmem_shared>>
      tpu.wait_indirect_dma semaphore(%run_scoped3A_250 : memref<!tpu.dma_semaphore, #tpu.memory_space<semaphore_mem>>) src(%dma_wait3A_264 : memref<120x128xf32, #tpu.memory_space<vmem>>) dst(%dma_wait3A_270 : memref<10240x128xf32, #tpu.memory_space<vmem_shared>>)
      tpu.yield
    }) : () -> ()
    %dma_wait3A_207 = arith.constant 1 : i32
    %dma_wait3A_208 = arith.constant 0 : i32
    %dma_wait3A_209 = arith.constant 1 : i32
    %dma_wait3A_210 = arith.constant 1 : i32
    %dma_wait3A_211 = arith.constant 0 : i32
    %dma_wait3A_212 = arith.constant 0 : i32
    %dma_wait3A_213 = tpu.memref_slice %arg7[%dma_wait3A_209, %dma_wait3A_211, %dma_wait3A_212] : memref<3x120x128xf32, #tpu.memory_space<vmem>> -> memref<1x120x128xf32, #tpu.memory_space<vmem>>
    %dma_wait3A_214 = tpu.memref_squeeze %dma_wait3A_213 : memref<1x120x128xf32, #tpu.memory_space<vmem>> -> memref<120x128xf32, #tpu.memory_space<vmem>>
    %dma_wait3A_215 = arith.constant 0 : i32
    %dma_wait3A_216 = tpu.memref_slice %arg6[%dma_wait3A_207, %dma_wait3A_208, %dma_wait3A_215] : memref<3x2x120xi32, #tpu.memory_space<vmem>> -> memref<1x1x120xi32, #tpu.memory_space<vmem>>
    %dma_wait3A_217 = tpu.memref_squeeze %dma_wait3A_216 : memref<1x1x120xi32, #tpu.memory_space<vmem>> -> memref<120xi32, #tpu.memory_space<vmem>>
    %dma_wait3A_218 = arith.constant 0 : i32
    %dma_wait3A_219 = arith.constant 0 : i32
    %dma_wait3A_220 = tpu.memref_slice %arg2[%dma_wait3A_218, %dma_wait3A_219] : memref<10000x128xf32, #tpu.memory_space<hbm>> -> memref<10000x128xf32, #tpu.memory_space<hbm>>
    %dma_wait3A_221 = tpu.memref_slice %arg9[%dma_wait3A_210] : memref<3x!tpu.dma_semaphore, #tpu.memory_space<semaphore_mem>> -> memref<1x!tpu.dma_semaphore, #tpu.memory_space<semaphore_mem>>
    %dma_wait3A_222 = tpu.memref_squeeze %dma_wait3A_221 : memref<1x!tpu.dma_semaphore, #tpu.memory_space<semaphore_mem>> -> memref<!tpu.dma_semaphore, #tpu.memory_space<semaphore_mem>>
    tpu.wait_indirect_dma semaphore(%dma_wait3A_222 : memref<!tpu.dma_semaphore, #tpu.memory_space<semaphore_mem>>) src(%dma_wait3A_220 : memref<10000x128xf32, #tpu.memory_space<hbm>>) dst(%dma_wait3A_214 : memref<120x128xf32, #tpu.memory_space<vmem>>)
    %run_scoped3A_223 = arith.constant 1 : i32
    %run_scoped3A_224 = arith.constant 1 : i32
    %run_scoped3A_225 = arith.constant 1 : i32
    "tpu.region"() ({
      %run_scoped3A_250 = tpu.sem_alloc : memref<!tpu.dma_semaphore, #tpu.memory_space<semaphore_mem>>
      %dma_start3A_251 = arith.constant 0 : i32
      %dma_start3A_252 = arith.constant 0 : i32
      %dma_start3A_253 = tpu.memref_slice %arg7[%run_scoped3A_223, %dma_start3A_251, %dma_start3A_252] : memref<3x120x128xf32, #tpu.memory_space<vmem>> -> memref<1x120x128xf32, #tpu.memory_space<vmem>>
      %dma_start3A_254 = tpu.memref_squeeze %dma_start3A_253 : memref<1x120x128xf32, #tpu.memory_space<vmem>> -> memref<120x128xf32, #tpu.memory_space<vmem>>
      %dma_start3A_255 = arith.constant 0 : i32
      %dma_start3A_256 = tpu.memref_slice %arg6[%run_scoped3A_224, %run_scoped3A_225, %dma_start3A_255] : memref<3x2x120xi32, #tpu.memory_space<vmem>> -> memref<1x1x120xi32, #tpu.memory_space<vmem>>
      %dma_start3A_257 = tpu.memref_squeeze %dma_start3A_256 : memref<1x1x120xi32, #tpu.memory_space<vmem>> -> memref<120xi32, #tpu.memory_space<vmem>>
      %dma_start3A_258 = arith.constant 0 : i32
      %dma_start3A_259 = arith.constant 0 : i32
      %dma_start3A_260 = tpu.memref_slice %arg8[%dma_start3A_258, %dma_start3A_259] : memref<10240x128xf32, #tpu.memory_space<vmem_shared>> -> memref<10240x128xf32, #tpu.memory_space<vmem_shared>>
      tpu.enqueue_indirect_dma source(%dma_start3A_254 : memref<120x128xf32, #tpu.memory_space<vmem>>) target(%dma_start3A_260 : memref<10240x128xf32, #tpu.memory_space<vmem_shared>>) offsets(%dma_start3A_257 : memref<120xi32, #tpu.memory_space<vmem>>) semaphore(%run_scoped3A_250 : memref<!tpu.dma_semaphore, #tpu.memory_space<semaphore_mem>>) {add = true}
      %dma_wait3A_261 = arith.constant 0 : i32
      %dma_wait3A_262 = arith.constant 0 : i32
      %dma_wait3A_263 = tpu.memref_slice %arg7[%run_scoped3A_223, %dma_wait3A_261, %dma_wait3A_262] : memref<3x120x128xf32, #tpu.memory_space<vmem>> -> memref<1x120x128xf32, #tpu.memory_space<vmem>>
      %dma_wait3A_264 = tpu.memref_squeeze %dma_wait3A_263 : memref<1x120x128xf32, #tpu.memory_space<vmem>> -> memref<120x128xf32, #tpu.memory_space<vmem>>
      %dma_wait3A_265 = arith.constant 0 : i32
      %dma_wait3A_266 = tpu.memref_slice %arg6[%run_scoped3A_224, %run_scoped3A_225, %dma_wait3A_265] : memref<3x2x120xi32, #tpu.memory_space<vmem>> -> memref<1x1x120xi32, #tpu.memory_space<vmem>>
      %dma_wait3A_267 = tpu.memref_squeeze %dma_wait3A_266 : memref<1x1x120xi32, #tpu.memory_space<vmem>> -> memref<120xi32, #tpu.memory_space<vmem>>
      %dma_wait3A_268 = arith.constant 0 : i32
      %dma_wait3A_269 = arith.constant 0 : i32
      %dma_wait3A_270 = tpu.memref_slice %arg8[%dma_wait3A_268, %dma_wait3A_269] : memref<10240x128xf32, #tpu.memory_space<vmem_shared>> -> memref<10240x128xf32, #tpu.memory_space<vmem_shared>>
      tpu.wait_indirect_dma semaphore(%run_scoped3A_250 : memref<!tpu.dma_semaphore, #tpu.memory_space<semaphore_mem>>) src(%dma_wait3A_264 : memref<120x128xf32, #tpu.memory_space<vmem>>) dst(%dma_wait3A_270 : memref<10240x128xf32, #tpu.memory_space<vmem_shared>>)
      tpu.yield
    }) : () -> ()
    %dma_wait3A_226 = arith.constant 2 : i32
    %dma_wait3A_227 = arith.constant 0 : i32
    %dma_wait3A_228 = arith.constant 2 : i32
    %dma_wait3A_229 = arith.constant 2 : i32
    %dma_wait3A_230 = arith.constant 0 : i32
    %dma_wait3A_231 = arith.constant 0 : i32
    %dma_wait3A_232 = tpu.memref_slice %arg7[%dma_wait3A_228, %dma_wait3A_230, %dma_wait3A_231] : memref<3x120x128xf32, #tpu.memory_space<vmem>> -> memref<1x120x128xf32, #tpu.memory_space<vmem>>
    %dma_wait3A_233 = tpu.memref_squeeze %dma_wait3A_232 : memref<1x120x128xf32, #tpu.memory_space<vmem>> -> memref<120x128xf32, #tpu.memory_space<vmem>>
    %dma_wait3A_234 = arith.constant 0 : i32
    %dma_wait3A_235 = tpu.memref_slice %arg6[%dma_wait3A_226, %dma_wait3A_227, %dma_wait3A_234] : memref<3x2x120xi32, #tpu.memory_space<vmem>> -> memref<1x1x120xi32, #tpu.memory_space<vmem>>
    %dma_wait3A_236 = tpu.memref_squeeze %dma_wait3A_235 : memref<1x1x120xi32, #tpu.memory_space<vmem>> -> memref<120xi32, #tpu.memory_space<vmem>>
    %dma_wait3A_237 = arith.constant 0 : i32
    %dma_wait3A_238 = arith.constant 0 : i32
    %dma_wait3A_239 = tpu.memref_slice %arg2[%dma_wait3A_237, %dma_wait3A_238] : memref<10000x128xf32, #tpu.memory_space<hbm>> -> memref<10000x128xf32, #tpu.memory_space<hbm>>
    %dma_wait3A_240 = tpu.memref_slice %arg9[%dma_wait3A_229] : memref<3x!tpu.dma_semaphore, #tpu.memory_space<semaphore_mem>> -> memref<1x!tpu.dma_semaphore, #tpu.memory_space<semaphore_mem>>
    %dma_wait3A_241 = tpu.memref_squeeze %dma_wait3A_240 : memref<1x!tpu.dma_semaphore, #tpu.memory_space<semaphore_mem>> -> memref<!tpu.dma_semaphore, #tpu.memory_space<semaphore_mem>>
    tpu.wait_indirect_dma semaphore(%dma_wait3A_241 : memref<!tpu.dma_semaphore, #tpu.memory_space<semaphore_mem>>) src(%dma_wait3A_239 : memref<10000x128xf32, #tpu.memory_space<hbm>>) dst(%dma_wait3A_233 : memref<120x128xf32, #tpu.memory_space<vmem>>)
    %run_scoped3A_242 = arith.constant 2 : i32
    %run_scoped3A_243 = arith.constant 2 : i32
    %run_scoped3A_244 = arith.constant 1 : i32
    "tpu.region"() ({
      %run_scoped3A_250 = tpu.sem_alloc : memref<!tpu.dma_semaphore, #tpu.memory_space<semaphore_mem>>
      %dma_start3A_251 = arith.constant 0 : i32
      %dma_start3A_252 = arith.constant 0 : i32
      %dma_start3A_253 = tpu.memref_slice %arg7[%run_scoped3A_242, %dma_start3A_251, %dma_start3A_252] : memref<3x120x128xf32, #tpu.memory_space<vmem>> -> memref<1x120x128xf32, #tpu.memory_space<vmem>>
      %dma_start3A_254 = tpu.memref_squeeze %dma_start3A_253 : memref<1x120x128xf32, #tpu.memory_space<vmem>> -> memref<120x128xf32, #tpu.memory_space<vmem>>
      %dma_start3A_255 = arith.constant 0 : i32
      %dma_start3A_256 = tpu.memref_slice %arg6[%run_scoped3A_243, %run_scoped3A_244, %dma_start3A_255] : memref<3x2x120xi32, #tpu.memory_space<vmem>> -> memref<1x1x120xi32, #tpu.memory_space<vmem>>
      %dma_start3A_257 = tpu.memref_squeeze %dma_start3A_256 : memref<1x1x120xi32, #tpu.memory_space<vmem>> -> memref<120xi32, #tpu.memory_space<vmem>>
      %dma_start3A_258 = arith.constant 0 : i32
      %dma_start3A_259 = arith.constant 0 : i32
      %dma_start3A_260 = tpu.memref_slice %arg8[%dma_start3A_258, %dma_start3A_259] : memref<10240x128xf32, #tpu.memory_space<vmem_shared>> -> memref<10240x128xf32, #tpu.memory_space<vmem_shared>>
      tpu.enqueue_indirect_dma source(%dma_start3A_254 : memref<120x128xf32, #tpu.memory_space<vmem>>) target(%dma_start3A_260 : memref<10240x128xf32, #tpu.memory_space<vmem_shared>>) offsets(%dma_start3A_257 : memref<120xi32, #tpu.memory_space<vmem>>) semaphore(%run_scoped3A_250 : memref<!tpu.dma_semaphore, #tpu.memory_space<semaphore_mem>>) {add = true}
      %dma_wait3A_261 = arith.constant 0 : i32
      %dma_wait3A_262 = arith.constant 0 : i32
      %dma_wait3A_263 = tpu.memref_slice %arg7[%run_scoped3A_242, %dma_wait3A_261, %dma_wait3A_262] : memref<3x120x128xf32, #tpu.memory_space<vmem>> -> memref<1x120x128xf32, #tpu.memory_space<vmem>>
      %dma_wait3A_264 = tpu.memref_squeeze %dma_wait3A_263 : memref<1x120x128xf32, #tpu.memory_space<vmem>> -> memref<120x128xf32, #tpu.memory_space<vmem>>
      %dma_wait3A_265 = arith.constant 0 : i32
      %dma_wait3A_266 = tpu.memref_slice %arg6[%run_scoped3A_243, %run_scoped3A_244, %dma_wait3A_265] : memref<3x2x120xi32, #tpu.memory_space<vmem>> -> memref<1x1x120xi32, #tpu.memory_space<vmem>>
      %dma_wait3A_267 = tpu.memref_squeeze %dma_wait3A_266 : memref<1x1x120xi32, #tpu.memory_space<vmem>> -> memref<120xi32, #tpu.memory_space<vmem>>
      %dma_wait3A_268 = arith.constant 0 : i32
      %dma_wait3A_269 = arith.constant 0 : i32
      %dma_wait3A_270 = tpu.memref_slice %arg8[%dma_wait3A_268, %dma_wait3A_269] : memref<10240x128xf32, #tpu.memory_space<vmem_shared>> -> memref<10240x128xf32, #tpu.memory_space<vmem_shared>>
      tpu.wait_indirect_dma semaphore(%run_scoped3A_250 : memref<!tpu.dma_semaphore, #tpu.memory_space<semaphore_mem>>) src(%dma_wait3A_264 : memref<120x128xf32, #tpu.memory_space<vmem>>) dst(%dma_wait3A_270 : memref<10240x128xf32, #tpu.memory_space<vmem_shared>>)
      tpu.yield
    }) : () -> ()
    %barrier3A_245 = arith.constant 0 : index
    tpu.barrier barrier_id(%barrier3A_245)
    %mul3A_246 = arith.constant 640 : i32
    %mul3A_247 = arith.muli %arg1, %mul3A_246 : i32
    %mul3A_248 = arith.constant 640 : i32
    %mul3A_249 = arith.muli %arg1, %mul3A_248 : i32
    "tpu.region"() ({
      %run_scoped3A_250 = tpu.sem_alloc : memref<!tpu.dma_semaphore, #tpu.memory_space<semaphore_mem>>
      %dma_start3A_251 = arith.constant 0 : i32
      %dma_start3A_252 = tpu.memref_slice %arg5[%arg0, %mul3A_249, %dma_start3A_251] : memref<2x10240x128xf32, #tpu.memory_space<hbm>> -> memref<1x640x128xf32, #tpu.memory_space<hbm>>
      %dma_start3A_253 = tpu.memref_squeeze %dma_start3A_252 : memref<1x640x128xf32, #tpu.memory_space<hbm>> -> memref<640x128xf32, #tpu.memory_space<hbm>>
      %dma_start3A_254 = arith.constant 0 : i32
      %dma_start3A_255 = tpu.memref_slice %arg8[%mul3A_247, %dma_start3A_254] : memref<10240x128xf32, #tpu.memory_space<vmem_shared>> -> memref<640x128xf32, #tpu.memory_space<vmem_shared>>
      tpu.enqueue_dma source(%dma_start3A_255 : memref<640x128xf32, #tpu.memory_space<vmem_shared>>) target(%dma_start3A_253 : memref<640x128xf32, #tpu.memory_space<hbm>>) target_semaphore(%run_scoped3A_250 : memref<!tpu.dma_semaphore, #tpu.memory_space<semaphore_mem>>)
      %dma_wait3A_256 = arith.constant 0 : i32
      %dma_wait3A_257 = tpu.memref_slice %arg5[%arg0, %mul3A_249, %dma_wait3A_256] : memref<2x10240x128xf32, #tpu.memory_space<hbm>> -> memref<1x640x128xf32, #tpu.memory_space<hbm>>
      %dma_wait3A_258 = tpu.memref_squeeze %dma_wait3A_257 : memref<1x640x128xf32, #tpu.memory_space<hbm>> -> memref<640x128xf32, #tpu.memory_space<hbm>>
      %dma_wait3A_259 = arith.constant 0 : i32
      %dma_wait3A_260 = tpu.memref_slice %arg8[%mul3A_247, %dma_wait3A_259] : memref<10240x128xf32, #tpu.memory_space<vmem_shared>> -> memref<640x128xf32, #tpu.memory_space<vmem_shared>>
      tpu.wait_dma2 semaphore(%run_scoped3A_250 : memref<!tpu.dma_semaphore, #tpu.memory_space<semaphore_mem>>) src(%dma_wait3A_260 : memref<640x128xf32, #tpu.memory_space<vmem_shared>>) dst(%dma_wait3A_258 : memref<640x128xf32, #tpu.memory_space<hbm>>)
      tpu.yield
    }) : () -> ()
    return
  }
}

#map = affine_map<(d0, d1) -> (0, 0)>
#map1 = affine_map<(d0, d1) -> (0, 0, 0)>
module attributes {stable_mosaic.version = 14 : i64} {
  func.func @_ppass_body(%arg0: i32, %arg1: i32, %arg2: memref<10000x128xf32, #tpu.memory_space<hbm>>, %arg3: memref<2688x2x120xi32, #tpu.memory_space<hbm>>, %arg4: memref<640x128xf32, #tpu.memory_space<hbm>>, %arg5: memref<2x10240x128xf32, #tpu.memory_space<hbm>>, %arg6: memref<3x2x120xi32, #tpu.memory_space<vmem>>, %arg7: memref<3x120x128xf32, #tpu.memory_space<vmem>>, %arg8: memref<10240x128xf32, #tpu.memory_space<vmem_shared>>, %arg9: memref<3x!tpu.dma_semaphore, #tpu.memory_space<semaphore_mem>>, %arg10: memref<3x!tpu.dma_semaphore, #tpu.memory_space<semaphore_mem>>) attributes {dimension_semantics = [#tpu.dimension_semantics<core_parallel>, #tpu.dimension_semantics<subcore_parallel>], iteration_bounds = array<i64: 2, 16>, scalar_prefetch = 0 : i64, scratch_operands = 5 : i64, tpu.core_type = #tpu.core_type<sc_vector_subcore>, window_params = [{transform_indices = #map}, {transform_indices = #map1}, {transform_indices = #map}, {transform_indices = #map1}]} {
    %mul3A = arith.constant 2 : i32
    %mul3A_0 = arith.muli %arg1, %mul3A : i32
    %add3A = arith.addi %mul3A_0, %arg0 : i32
    %add3A_1 = arith.constant 0 : i32
    %add3A_2 = arith.addi %add3A, %add3A_1 : i32
    %min3A = arith.constant 2687 : i32
    %min3A_3 = arith.minsi %add3A_2, %min3A : i32
    %dma_start3A = arith.constant 0 : i32
    %dma_start3A_4 = arith.constant 0 : i32
    %dma_start3A_5 = arith.constant 0 : i32
    %dma_start3A_6 = arith.constant 0 : i32
    %dma_start3A_7 = tpu.memref_slice %arg6[%dma_start3A, %dma_start3A_5, %dma_start3A_6] : memref<3x2x120xi32, #tpu.memory_space<vmem>> -> memref<1x2x120xi32, #tpu.memory_space<vmem>>
    %dma_start3A_8 = tpu.memref_squeeze %dma_start3A_7 : memref<1x2x120xi32, #tpu.memory_space<vmem>> -> memref<2x120xi32, #tpu.memory_space<vmem>>
    %dma_start3A_9 = arith.constant 0 : i32
    %dma_start3A_10 = arith.constant 0 : i32
    %dma_start3A_11 = tpu.memref_slice %arg3[%min3A_3, %dma_start3A_9, %dma_start3A_10] : memref<2688x2x120xi32, #tpu.memory_space<hbm>> -> memref<1x2x120xi32, #tpu.memory_space<hbm>>
    %dma_start3A_12 = tpu.memref_squeeze %dma_start3A_11 : memref<1x2x120xi32, #tpu.memory_space<hbm>> -> memref<2x120xi32, #tpu.memory_space<hbm>>
    %dma_start3A_13 = tpu.memref_slice %arg10[%dma_start3A_4] : memref<3x!tpu.dma_semaphore, #tpu.memory_space<semaphore_mem>> -> memref<1x!tpu.dma_semaphore, #tpu.memory_space<semaphore_mem>>
    %dma_start3A_14 = tpu.memref_squeeze %dma_start3A_13 : memref<1x!tpu.dma_semaphore, #tpu.memory_space<semaphore_mem>> -> memref<!tpu.dma_semaphore, #tpu.memory_space<semaphore_mem>>
    %dma_start3A_15 = arith.constant 0 : i32
    %dma_start3A_16 = arith.constant 0 : i32
    %dma_start3A_17 = tpu.memref_slice %arg6[%dma_start3A, %dma_start3A_15, %dma_start3A_16] : memref<3x2x120xi32, #tpu.memory_space<vmem>> -> memref<1x2x120xi32, #tpu.memory_space<vmem>>
    %dma_start3A_18 = tpu.memref_squeeze %dma_start3A_17 : memref<1x2x120xi32, #tpu.memory_space<vmem>> -> memref<2x120xi32, #tpu.memory_space<vmem>>
    %dma_start3A_19 = arith.constant 0 : i32
    %dma_start3A_20 = arith.constant 0 : i32
    %dma_start3A_21 = tpu.memref_slice %arg3[%min3A_3, %dma_start3A_19, %dma_start3A_20] : memref<2688x2x120xi32, #tpu.memory_space<hbm>> -> memref<1x2x120xi32, #tpu.memory_space<hbm>>
    %dma_start3A_22 = tpu.memref_squeeze %dma_start3A_21 : memref<1x2x120xi32, #tpu.memory_space<hbm>> -> memref<2x120xi32, #tpu.memory_space<hbm>>
    tpu.enqueue_dma source(%dma_start3A_22 : memref<2x120xi32, #tpu.memory_space<hbm>>) target(%dma_start3A_18 : memref<2x120xi32, #tpu.memory_space<vmem>>) target_semaphore(%dma_start3A_14 : memref<!tpu.dma_semaphore, #tpu.memory_space<semaphore_mem>>)
    %add3A_23 = arith.constant 32 : i32
    %add3A_24 = arith.addi %add3A, %add3A_23 : i32
    %min3A_25 = arith.constant 2687 : i32
    %min3A_26 = arith.minsi %add3A_24, %min3A_25 : i32
    %dma_start3A_27 = arith.constant 1 : i32
    %dma_start3A_28 = arith.constant 1 : i32
    %dma_start3A_29 = arith.constant 0 : i32
    %dma_start3A_30 = arith.constant 0 : i32
    %dma_start3A_31 = tpu.memref_slice %arg6[%dma_start3A_27, %dma_start3A_29, %dma_start3A_30] : memref<3x2x120xi32, #tpu.memory_space<vmem>> -> memref<1x2x120xi32, #tpu.memory_space<vmem>>
    %dma_start3A_32 = tpu.memref_squeeze %dma_start3A_31 : memref<1x2x120xi32, #tpu.memory_space<vmem>> -> memref<2x120xi32, #tpu.memory_space<vmem>>
    %dma_start3A_33 = arith.constant 0 : i32
    %dma_start3A_34 = arith.constant 0 : i32
    %dma_start3A_35 = tpu.memref_slice %arg3[%min3A_26, %dma_start3A_33, %dma_start3A_34] : memref<2688x2x120xi32, #tpu.memory_space<hbm>> -> memref<1x2x120xi32, #tpu.memory_space<hbm>>
    %dma_start3A_36 = tpu.memref_squeeze %dma_start3A_35 : memref<1x2x120xi32, #tpu.memory_space<hbm>> -> memref<2x120xi32, #tpu.memory_space<hbm>>
    %dma_start3A_37 = tpu.memref_slice %arg10[%dma_start3A_28] : memref<3x!tpu.dma_semaphore, #tpu.memory_space<semaphore_mem>> -> memref<1x!tpu.dma_semaphore, #tpu.memory_space<semaphore_mem>>
    %dma_start3A_38 = tpu.memref_squeeze %dma_start3A_37 : memref<1x!tpu.dma_semaphore, #tpu.memory_space<semaphore_mem>> -> memref<!tpu.dma_semaphore, #tpu.memory_space<semaphore_mem>>
    %dma_start3A_39 = arith.constant 0 : i32
    %dma_start3A_40 = arith.constant 0 : i32
    %dma_start3A_41 = tpu.memref_slice %arg6[%dma_start3A_27, %dma_start3A_39, %dma_start3A_40] : memref<3x2x120xi32, #tpu.memory_space<vmem>> -> memref<1x2x120xi32, #tpu.memory_space<vmem>>
    %dma_start3A_42 = tpu.memref_squeeze %dma_start3A_41 : memref<1x2x120xi32, #tpu.memory_space<vmem>> -> memref<2x120xi32, #tpu.memory_space<vmem>>
    %dma_start3A_43 = arith.constant 0 : i32
    %dma_start3A_44 = arith.constant 0 : i32
    %dma_start3A_45 = tpu.memref_slice %arg3[%min3A_26, %dma_start3A_43, %dma_start3A_44] : memref<2688x2x120xi32, #tpu.memory_space<hbm>> -> memref<1x2x120xi32, #tpu.memory_space<hbm>>
    %dma_start3A_46 = tpu.memref_squeeze %dma_start3A_45 : memref<1x2x120xi32, #tpu.memory_space<hbm>> -> memref<2x120xi32, #tpu.memory_space<hbm>>
    tpu.enqueue_dma source(%dma_start3A_46 : memref<2x120xi32, #tpu.memory_space<hbm>>) target(%dma_start3A_42 : memref<2x120xi32, #tpu.memory_space<vmem>>) target_semaphore(%dma_start3A_38 : memref<!tpu.dma_semaphore, #tpu.memory_space<semaphore_mem>>)
    %dma_wait3A = arith.constant 0 : i32
    %dma_wait3A_47 = arith.constant 0 : i32
    %dma_wait3A_48 = arith.constant 0 : i32
    %dma_wait3A_49 = arith.constant 0 : i32
    %dma_wait3A_50 = arith.constant 0 : i32
    %dma_wait3A_51 = tpu.memref_slice %arg6[%dma_wait3A_47, %dma_wait3A_49, %dma_wait3A_50] : memref<3x2x120xi32, #tpu.memory_space<vmem>> -> memref<1x2x120xi32, #tpu.memory_space<vmem>>
    %dma_wait3A_52 = tpu.memref_squeeze %dma_wait3A_51 : memref<1x2x120xi32, #tpu.memory_space<vmem>> -> memref<2x120xi32, #tpu.memory_space<vmem>>
    %dma_wait3A_53 = arith.constant 0 : i32
    %dma_wait3A_54 = arith.constant 0 : i32
    %dma_wait3A_55 = tpu.memref_slice %arg3[%dma_wait3A, %dma_wait3A_53, %dma_wait3A_54] : memref<2688x2x120xi32, #tpu.memory_space<hbm>> -> memref<1x2x120xi32, #tpu.memory_space<hbm>>
    %dma_wait3A_56 = tpu.memref_squeeze %dma_wait3A_55 : memref<1x2x120xi32, #tpu.memory_space<hbm>> -> memref<2x120xi32, #tpu.memory_space<hbm>>
    %dma_wait3A_57 = tpu.memref_slice %arg10[%dma_wait3A_48] : memref<3x!tpu.dma_semaphore, #tpu.memory_space<semaphore_mem>> -> memref<1x!tpu.dma_semaphore, #tpu.memory_space<semaphore_mem>>
    %dma_wait3A_58 = tpu.memref_squeeze %dma_wait3A_57 : memref<1x!tpu.dma_semaphore, #tpu.memory_space<semaphore_mem>> -> memref<!tpu.dma_semaphore, #tpu.memory_space<semaphore_mem>>
    %dma_wait3A_59 = arith.constant 0 : i32
    %dma_wait3A_60 = arith.constant 0 : i32
    %dma_wait3A_61 = tpu.memref_slice %arg6[%dma_wait3A_47, %dma_wait3A_59, %dma_wait3A_60] : memref<3x2x120xi32, #tpu.memory_space<vmem>> -> memref<1x2x120xi32, #tpu.memory_space<vmem>>
    %dma_wait3A_62 = tpu.memref_squeeze %dma_wait3A_61 : memref<1x2x120xi32, #tpu.memory_space<vmem>> -> memref<2x120xi32, #tpu.memory_space<vmem>>
    %dma_wait3A_63 = arith.constant 0 : i32
    %dma_wait3A_64 = arith.constant 0 : i32
    %dma_wait3A_65 = tpu.memref_slice %arg3[%dma_wait3A, %dma_wait3A_63, %dma_wait3A_64] : memref<2688x2x120xi32, #tpu.memory_space<hbm>> -> memref<1x2x120xi32, #tpu.memory_space<hbm>>
    %dma_wait3A_66 = tpu.memref_squeeze %dma_wait3A_65 : memref<1x2x120xi32, #tpu.memory_space<hbm>> -> memref<2x120xi32, #tpu.memory_space<hbm>>
    tpu.wait_dma2 semaphore(%dma_wait3A_58 : memref<!tpu.dma_semaphore, #tpu.memory_space<semaphore_mem>>) src(%dma_wait3A_66 : memref<2x120xi32, #tpu.memory_space<hbm>>) dst(%dma_wait3A_62 : memref<2x120xi32, #tpu.memory_space<vmem>>)
    %dma_start3A_67 = arith.constant 0 : i32
    %dma_start3A_68 = arith.constant 0 : i32
    %dma_start3A_69 = arith.constant 0 : i32
    %dma_start3A_70 = arith.constant 0 : i32
    %dma_start3A_71 = arith.constant 0 : i32
    %dma_start3A_72 = arith.constant 0 : i32
    %dma_start3A_73 = tpu.memref_slice %arg7[%dma_start3A_69, %dma_start3A_71, %dma_start3A_72] : memref<3x120x128xf32, #tpu.memory_space<vmem>> -> memref<1x120x128xf32, #tpu.memory_space<vmem>>
    %dma_start3A_74 = tpu.memref_squeeze %dma_start3A_73 : memref<1x120x128xf32, #tpu.memory_space<vmem>> -> memref<120x128xf32, #tpu.memory_space<vmem>>
    %dma_start3A_75 = arith.constant 0 : i32
    %dma_start3A_76 = tpu.memref_slice %arg6[%dma_start3A_67, %dma_start3A_68, %dma_start3A_75] : memref<3x2x120xi32, #tpu.memory_space<vmem>> -> memref<1x1x120xi32, #tpu.memory_space<vmem>>
    %dma_start3A_77 = tpu.memref_squeeze %dma_start3A_76 : memref<1x1x120xi32, #tpu.memory_space<vmem>> -> memref<120xi32, #tpu.memory_space<vmem>>
    %dma_start3A_78 = arith.constant 0 : i32
    %dma_start3A_79 = arith.constant 0 : i32
    %dma_start3A_80 = tpu.memref_slice %arg2[%dma_start3A_78, %dma_start3A_79] : memref<10000x128xf32, #tpu.memory_space<hbm>> -> memref<10000x128xf32, #tpu.memory_space<hbm>>
    %dma_start3A_81 = tpu.memref_slice %arg9[%dma_start3A_70] : memref<3x!tpu.dma_semaphore, #tpu.memory_space<semaphore_mem>> -> memref<1x!tpu.dma_semaphore, #tpu.memory_space<semaphore_mem>>
    %dma_start3A_82 = tpu.memref_squeeze %dma_start3A_81 : memref<1x!tpu.dma_semaphore, #tpu.memory_space<semaphore_mem>> -> memref<!tpu.dma_semaphore, #tpu.memory_space<semaphore_mem>>
    tpu.enqueue_indirect_dma source(%dma_start3A_80 : memref<10000x128xf32, #tpu.memory_space<hbm>>) target(%dma_start3A_74 : memref<120x128xf32, #tpu.memory_space<vmem>>) offsets(%dma_start3A_77 : memref<120xi32, #tpu.memory_space<vmem>>) semaphore(%dma_start3A_82 : memref<!tpu.dma_semaphore, #tpu.memory_space<semaphore_mem>>)
    %dma_wait3A_83 = arith.constant 0 : i32
    %dma_wait3A_84 = arith.constant 1 : i32
    %dma_wait3A_85 = arith.constant 1 : i32
    %dma_wait3A_86 = arith.constant 0 : i32
    %dma_wait3A_87 = arith.constant 0 : i32
    %dma_wait3A_88 = tpu.memref_slice %arg6[%dma_wait3A_84, %dma_wait3A_86, %dma_wait3A_87] : memref<3x2x120xi32, #tpu.memory_space<vmem>> -> memref<1x2x120xi32, #tpu.memory_space<vmem>>
    %dma_wait3A_89 = tpu.memref_squeeze %dma_wait3A_88 : memref<1x2x120xi32, #tpu.memory_space<vmem>> -> memref<2x120xi32, #tpu.memory_space<vmem>>
    %dma_wait3A_90 = arith.constant 0 : i32
    %dma_wait3A_91 = arith.constant 0 : i32
    %dma_wait3A_92 = tpu.memref_slice %arg3[%dma_wait3A_83, %dma_wait3A_90, %dma_wait3A_91] : memref<2688x2x120xi32, #tpu.memory_space<hbm>> -> memref<1x2x120xi32, #tpu.memory_space<hbm>>
    %dma_wait3A_93 = tpu.memref_squeeze %dma_wait3A_92 : memref<1x2x120xi32, #tpu.memory_space<hbm>> -> memref<2x120xi32, #tpu.memory_space<hbm>>
    %dma_wait3A_94 = tpu.memref_slice %arg10[%dma_wait3A_85] : memref<3x!tpu.dma_semaphore, #tpu.memory_space<semaphore_mem>> -> memref<1x!tpu.dma_semaphore, #tpu.memory_space<semaphore_mem>>
    %dma_wait3A_95 = tpu.memref_squeeze %dma_wait3A_94 : memref<1x!tpu.dma_semaphore, #tpu.memory_space<semaphore_mem>> -> memref<!tpu.dma_semaphore, #tpu.memory_space<semaphore_mem>>
    %dma_wait3A_96 = arith.constant 0 : i32
    %dma_wait3A_97 = arith.constant 0 : i32
    %dma_wait3A_98 = tpu.memref_slice %arg6[%dma_wait3A_84, %dma_wait3A_96, %dma_wait3A_97] : memref<3x2x120xi32, #tpu.memory_space<vmem>> -> memref<1x2x120xi32, #tpu.memory_space<vmem>>
    %dma_wait3A_99 = tpu.memref_squeeze %dma_wait3A_98 : memref<1x2x120xi32, #tpu.memory_space<vmem>> -> memref<2x120xi32, #tpu.memory_space<vmem>>
    %dma_wait3A_100 = arith.constant 0 : i32
    %dma_wait3A_101 = arith.constant 0 : i32
    %dma_wait3A_102 = tpu.memref_slice %arg3[%dma_wait3A_83, %dma_wait3A_100, %dma_wait3A_101] : memref<2688x2x120xi32, #tpu.memory_space<hbm>> -> memref<1x2x120xi32, #tpu.memory_space<hbm>>
    %dma_wait3A_103 = tpu.memref_squeeze %dma_wait3A_102 : memref<1x2x120xi32, #tpu.memory_space<hbm>> -> memref<2x120xi32, #tpu.memory_space<hbm>>
    tpu.wait_dma2 semaphore(%dma_wait3A_95 : memref<!tpu.dma_semaphore, #tpu.memory_space<semaphore_mem>>) src(%dma_wait3A_103 : memref<2x120xi32, #tpu.memory_space<hbm>>) dst(%dma_wait3A_99 : memref<2x120xi32, #tpu.memory_space<vmem>>)
    %dma_start3A_104 = arith.constant 1 : i32
    %dma_start3A_105 = arith.constant 0 : i32
    %dma_start3A_106 = arith.constant 1 : i32
    %dma_start3A_107 = arith.constant 1 : i32
    %dma_start3A_108 = arith.constant 0 : i32
    %dma_start3A_109 = arith.constant 0 : i32
    %dma_start3A_110 = tpu.memref_slice %arg7[%dma_start3A_106, %dma_start3A_108, %dma_start3A_109] : memref<3x120x128xf32, #tpu.memory_space<vmem>> -> memref<1x120x128xf32, #tpu.memory_space<vmem>>
    %dma_start3A_111 = tpu.memref_squeeze %dma_start3A_110 : memref<1x120x128xf32, #tpu.memory_space<vmem>> -> memref<120x128xf32, #tpu.memory_space<vmem>>
    %dma_start3A_112 = arith.constant 0 : i32
    %dma_start3A_113 = tpu.memref_slice %arg6[%dma_start3A_104, %dma_start3A_105, %dma_start3A_112] : memref<3x2x120xi32, #tpu.memory_space<vmem>> -> memref<1x1x120xi32, #tpu.memory_space<vmem>>
    %dma_start3A_114 = tpu.memref_squeeze %dma_start3A_113 : memref<1x1x120xi32, #tpu.memory_space<vmem>> -> memref<120xi32, #tpu.memory_space<vmem>>
    %dma_start3A_115 = arith.constant 0 : i32
    %dma_start3A_116 = arith.constant 0 : i32
    %dma_start3A_117 = tpu.memref_slice %arg2[%dma_start3A_115, %dma_start3A_116] : memref<10000x128xf32, #tpu.memory_space<hbm>> -> memref<10000x128xf32, #tpu.memory_space<hbm>>
    %dma_start3A_118 = tpu.memref_slice %arg9[%dma_start3A_107] : memref<3x!tpu.dma_semaphore, #tpu.memory_space<semaphore_mem>> -> memref<1x!tpu.dma_semaphore, #tpu.memory_space<semaphore_mem>>
    %dma_start3A_119 = tpu.memref_squeeze %dma_start3A_118 : memref<1x!tpu.dma_semaphore, #tpu.memory_space<semaphore_mem>> -> memref<!tpu.dma_semaphore, #tpu.memory_space<semaphore_mem>>
    tpu.enqueue_indirect_dma source(%dma_start3A_117 : memref<10000x128xf32, #tpu.memory_space<hbm>>) target(%dma_start3A_111 : memref<120x128xf32, #tpu.memory_space<vmem>>) offsets(%dma_start3A_114 : memref<120xi32, #tpu.memory_space<vmem>>) semaphore(%dma_start3A_119 : memref<!tpu.dma_semaphore, #tpu.memory_space<semaphore_mem>>)
    %add3A_120 = arith.constant 64 : i32
    %add3A_121 = arith.addi %add3A, %add3A_120 : i32
    %min3A_122 = arith.constant 2687 : i32
    %min3A_123 = arith.minsi %add3A_121, %min3A_122 : i32
    %dma_start3A_124 = arith.constant 2 : i32
    %dma_start3A_125 = arith.constant 2 : i32
    %dma_start3A_126 = arith.constant 0 : i32
    %dma_start3A_127 = arith.constant 0 : i32
    %dma_start3A_128 = tpu.memref_slice %arg6[%dma_start3A_124, %dma_start3A_126, %dma_start3A_127] : memref<3x2x120xi32, #tpu.memory_space<vmem>> -> memref<1x2x120xi32, #tpu.memory_space<vmem>>
    %dma_start3A_129 = tpu.memref_squeeze %dma_start3A_128 : memref<1x2x120xi32, #tpu.memory_space<vmem>> -> memref<2x120xi32, #tpu.memory_space<vmem>>
    %dma_start3A_130 = arith.constant 0 : i32
    %dma_start3A_131 = arith.constant 0 : i32
    %dma_start3A_132 = tpu.memref_slice %arg3[%min3A_123, %dma_start3A_130, %dma_start3A_131] : memref<2688x2x120xi32, #tpu.memory_space<hbm>> -> memref<1x2x120xi32, #tpu.memory_space<hbm>>
    %dma_start3A_133 = tpu.memref_squeeze %dma_start3A_132 : memref<1x2x120xi32, #tpu.memory_space<hbm>> -> memref<2x120xi32, #tpu.memory_space<hbm>>
    %dma_start3A_134 = tpu.memref_slice %arg10[%dma_start3A_125] : memref<3x!tpu.dma_semaphore, #tpu.memory_space<semaphore_mem>> -> memref<1x!tpu.dma_semaphore, #tpu.memory_space<semaphore_mem>>
    %dma_start3A_135 = tpu.memref_squeeze %dma_start3A_134 : memref<1x!tpu.dma_semaphore, #tpu.memory_space<semaphore_mem>> -> memref<!tpu.dma_semaphore, #tpu.memory_space<semaphore_mem>>
    %dma_start3A_136 = arith.constant 0 : i32
    %dma_start3A_137 = arith.constant 0 : i32
    %dma_start3A_138 = tpu.memref_slice %arg6[%dma_start3A_124, %dma_start3A_136, %dma_start3A_137] : memref<3x2x120xi32, #tpu.memory_space<vmem>> -> memref<1x2x120xi32, #tpu.memory_space<vmem>>
    %dma_start3A_139 = tpu.memref_squeeze %dma_start3A_138 : memref<1x2x120xi32, #tpu.memory_space<vmem>> -> memref<2x120xi32, #tpu.memory_space<vmem>>
    %dma_start3A_140 = arith.constant 0 : i32
    %dma_start3A_141 = arith.constant 0 : i32
    %dma_start3A_142 = tpu.memref_slice %arg3[%min3A_123, %dma_start3A_140, %dma_start3A_141] : memref<2688x2x120xi32, #tpu.memory_space<hbm>> -> memref<1x2x120xi32, #tpu.memory_space<hbm>>
    %dma_start3A_143 = tpu.memref_squeeze %dma_start3A_142 : memref<1x2x120xi32, #tpu.memory_space<hbm>> -> memref<2x120xi32, #tpu.memory_space<hbm>>
    tpu.enqueue_dma source(%dma_start3A_143 : memref<2x120xi32, #tpu.memory_space<hbm>>) target(%dma_start3A_139 : memref<2x120xi32, #tpu.memory_space<vmem>>) target_semaphore(%dma_start3A_135 : memref<!tpu.dma_semaphore, #tpu.memory_space<semaphore_mem>>)
    %mul3A_144 = arith.constant 640 : i32
    %mul3A_145 = arith.muli %arg1, %mul3A_144 : i32
    "tpu.region"() ({
      %run_scoped3A_250 = tpu.sem_alloc : memref<!tpu.dma_semaphore, #tpu.memory_space<semaphore_mem>>
      %dma_start3A_251 = arith.constant 0 : i32
      %dma_start3A_252 = tpu.memref_slice %arg8[%mul3A_145, %dma_start3A_251] : memref<10240x128xf32, #tpu.memory_space<vmem_shared>> -> memref<640x128xf32, #tpu.memory_space<vmem_shared>>
      tpu.enqueue_dma source(%arg4 : memref<640x128xf32, #tpu.memory_space<hbm>>) target(%dma_start3A_252 : memref<640x128xf32, #tpu.memory_space<vmem_shared>>) target_semaphore(%run_scoped3A_250 : memref<!tpu.dma_semaphore, #tpu.memory_space<semaphore_mem>>)
      %dma_wait3A_253 = arith.constant 0 : i32
      %dma_wait3A_254 = tpu.memref_slice %arg8[%mul3A_145, %dma_wait3A_253] : memref<10240x128xf32, #tpu.memory_space<vmem_shared>> -> memref<640x128xf32, #tpu.memory_space<vmem_shared>>
      tpu.wait_dma2 semaphore(%run_scoped3A_250 : memref<!tpu.dma_semaphore, #tpu.memory_space<semaphore_mem>>) src(%arg4 : memref<640x128xf32, #tpu.memory_space<hbm>>) dst(%dma_wait3A_254 : memref<640x128xf32, #tpu.memory_space<vmem_shared>>)
      tpu.yield
    }) : () -> ()
    %barrier3A = arith.constant 0 : index
    tpu.barrier barrier_id(%barrier3A)
    %scan3A = arith.constant 0 : i32
    %scan3A_146 = arith.constant 0 : i32
    %scan3A_147 = arith.constant 27 : i32
    %scan3A_148 = arith.addi %scan3A_146, %scan3A_147 : i32
    %scan3A_149 = arith.constant 1 : i32
    %scan3A_150 = scf.for %scan3A_250 = %scan3A_146 to %scan3A_148 step %scan3A_149 iter_args(%scan3A_251 = %scan3A) -> (i32)  : i32 {
      %mul3A_252 = arith.constant 3 : i32
      %mul3A_253 = arith.muli %mul3A_252, %scan3A_250 : i32
      %add3A_254 = arith.constant 0 : i32
      %add3A_255 = arith.addi %mul3A_253, %add3A_254 : i32
      %dma_wait3A_256 = arith.constant 0 : i32
      %dma_wait3A_257 = arith.constant 2 : i32
      %dma_wait3A_258 = arith.constant 2 : i32
      %dma_wait3A_259 = arith.constant 0 : i32
      %dma_wait3A_260 = arith.constant 0 : i32
      %dma_wait3A_261 = tpu.memref_slice %arg6[%dma_wait3A_257, %dma_wait3A_259, %dma_wait3A_260] : memref<3x2x120xi32, #tpu.memory_space<vmem>> -> memref<1x2x120xi32, #tpu.memory_space<vmem>>
      %dma_wait3A_262 = tpu.memref_squeeze %dma_wait3A_261 : memref<1x2x120xi32, #tpu.memory_space<vmem>> -> memref<2x120xi32, #tpu.memory_space<vmem>>
      %dma_wait3A_263 = arith.constant 0 : i32
      %dma_wait3A_264 = arith.constant 0 : i32
      %dma_wait3A_265 = tpu.memref_slice %arg3[%dma_wait3A_256, %dma_wait3A_263, %dma_wait3A_264] : memref<2688x2x120xi32, #tpu.memory_space<hbm>> -> memref<1x2x120xi32, #tpu.memory_space<hbm>>
      %dma_wait3A_266 = tpu.memref_squeeze %dma_wait3A_265 : memref<1x2x120xi32, #tpu.memory_space<hbm>> -> memref<2x120xi32, #tpu.memory_space<hbm>>
      %dma_wait3A_267 = tpu.memref_slice %arg10[%dma_wait3A_258] : memref<3x!tpu.dma_semaphore, #tpu.memory_space<semaphore_mem>> -> memref<1x!tpu.dma_semaphore, #tpu.memory_space<semaphore_mem>>
      %dma_wait3A_268 = tpu.memref_squeeze %dma_wait3A_267 : memref<1x!tpu.dma_semaphore, #tpu.memory_space<semaphore_mem>> -> memref<!tpu.dma_semaphore, #tpu.memory_space<semaphore_mem>>
      %dma_wait3A_269 = arith.constant 0 : i32
      %dma_wait3A_270 = arith.constant 0 : i32
      %dma_wait3A_271 = tpu.memref_slice %arg6[%dma_wait3A_257, %dma_wait3A_269, %dma_wait3A_270] : memref<3x2x120xi32, #tpu.memory_space<vmem>> -> memref<1x2x120xi32, #tpu.memory_space<vmem>>
      %dma_wait3A_272 = tpu.memref_squeeze %dma_wait3A_271 : memref<1x2x120xi32, #tpu.memory_space<vmem>> -> memref<2x120xi32, #tpu.memory_space<vmem>>
      %dma_wait3A_273 = arith.constant 0 : i32
      %dma_wait3A_274 = arith.constant 0 : i32
      %dma_wait3A_275 = tpu.memref_slice %arg3[%dma_wait3A_256, %dma_wait3A_273, %dma_wait3A_274] : memref<2688x2x120xi32, #tpu.memory_space<hbm>> -> memref<1x2x120xi32, #tpu.memory_space<hbm>>
      %dma_wait3A_276 = tpu.memref_squeeze %dma_wait3A_275 : memref<1x2x120xi32, #tpu.memory_space<hbm>> -> memref<2x120xi32, #tpu.memory_space<hbm>>
      tpu.wait_dma2 semaphore(%dma_wait3A_268 : memref<!tpu.dma_semaphore, #tpu.memory_space<semaphore_mem>>) src(%dma_wait3A_276 : memref<2x120xi32, #tpu.memory_space<hbm>>) dst(%dma_wait3A_272 : memref<2x120xi32, #tpu.memory_space<vmem>>)
      %dma_start3A_277 = arith.constant 2 : i32
      %dma_start3A_278 = arith.constant 0 : i32
      %dma_start3A_279 = arith.constant 2 : i32
      %dma_start3A_280 = arith.constant 2 : i32
      %dma_start3A_281 = arith.constant 0 : i32
      %dma_start3A_282 = arith.constant 0 : i32
      %dma_start3A_283 = tpu.memref_slice %arg7[%dma_start3A_279, %dma_start3A_281, %dma_start3A_282] : memref<3x120x128xf32, #tpu.memory_space<vmem>> -> memref<1x120x128xf32, #tpu.memory_space<vmem>>
      %dma_start3A_284 = tpu.memref_squeeze %dma_start3A_283 : memref<1x120x128xf32, #tpu.memory_space<vmem>> -> memref<120x128xf32, #tpu.memory_space<vmem>>
      %dma_start3A_285 = arith.constant 0 : i32
      %dma_start3A_286 = tpu.memref_slice %arg6[%dma_start3A_277, %dma_start3A_278, %dma_start3A_285] : memref<3x2x120xi32, #tpu.memory_space<vmem>> -> memref<1x1x120xi32, #tpu.memory_space<vmem>>
      %dma_start3A_287 = tpu.memref_squeeze %dma_start3A_286 : memref<1x1x120xi32, #tpu.memory_space<vmem>> -> memref<120xi32, #tpu.memory_space<vmem>>
      %dma_start3A_288 = arith.constant 0 : i32
      %dma_start3A_289 = arith.constant 0 : i32
      %dma_start3A_290 = tpu.memref_slice %arg2[%dma_start3A_288, %dma_start3A_289] : memref<10000x128xf32, #tpu.memory_space<hbm>> -> memref<10000x128xf32, #tpu.memory_space<hbm>>
      %dma_start3A_291 = tpu.memref_slice %arg9[%dma_start3A_280] : memref<3x!tpu.dma_semaphore, #tpu.memory_space<semaphore_mem>> -> memref<1x!tpu.dma_semaphore, #tpu.memory_space<semaphore_mem>>
      %dma_start3A_292 = tpu.memref_squeeze %dma_start3A_291 : memref<1x!tpu.dma_semaphore, #tpu.memory_space<semaphore_mem>> -> memref<!tpu.dma_semaphore, #tpu.memory_space<semaphore_mem>>
      tpu.enqueue_indirect_dma source(%dma_start3A_290 : memref<10000x128xf32, #tpu.memory_space<hbm>>) target(%dma_start3A_284 : memref<120x128xf32, #tpu.memory_space<vmem>>) offsets(%dma_start3A_287 : memref<120xi32, #tpu.memory_space<vmem>>) semaphore(%dma_start3A_292 : memref<!tpu.dma_semaphore, #tpu.memory_space<semaphore_mem>>)
      %dma_wait3A_293 = arith.constant 0 : i32
      %dma_wait3A_294 = arith.constant 0 : i32
      %dma_wait3A_295 = arith.constant 0 : i32
      %dma_wait3A_296 = arith.constant 0 : i32
      %dma_wait3A_297 = arith.constant 0 : i32
      %dma_wait3A_298 = arith.constant 0 : i32
      %dma_wait3A_299 = tpu.memref_slice %arg7[%dma_wait3A_295, %dma_wait3A_297, %dma_wait3A_298] : memref<3x120x128xf32, #tpu.memory_space<vmem>> -> memref<1x120x128xf32, #tpu.memory_space<vmem>>
      %dma_wait3A_300 = tpu.memref_squeeze %dma_wait3A_299 : memref<1x120x128xf32, #tpu.memory_space<vmem>> -> memref<120x128xf32, #tpu.memory_space<vmem>>
      %dma_wait3A_301 = arith.constant 0 : i32
      %dma_wait3A_302 = tpu.memref_slice %arg6[%dma_wait3A_293, %dma_wait3A_294, %dma_wait3A_301] : memref<3x2x120xi32, #tpu.memory_space<vmem>> -> memref<1x1x120xi32, #tpu.memory_space<vmem>>
      %dma_wait3A_303 = tpu.memref_squeeze %dma_wait3A_302 : memref<1x1x120xi32, #tpu.memory_space<vmem>> -> memref<120xi32, #tpu.memory_space<vmem>>
      %dma_wait3A_304 = arith.constant 0 : i32
      %dma_wait3A_305 = arith.constant 0 : i32
      %dma_wait3A_306 = tpu.memref_slice %arg2[%dma_wait3A_304, %dma_wait3A_305] : memref<10000x128xf32, #tpu.memory_space<hbm>> -> memref<10000x128xf32, #tpu.memory_space<hbm>>
      %dma_wait3A_307 = tpu.memref_slice %arg9[%dma_wait3A_296] : memref<3x!tpu.dma_semaphore, #tpu.memory_space<semaphore_mem>> -> memref<1x!tpu.dma_semaphore, #tpu.memory_space<semaphore_mem>>
      %dma_wait3A_308 = tpu.memref_squeeze %dma_wait3A_307 : memref<1x!tpu.dma_semaphore, #tpu.memory_space<semaphore_mem>> -> memref<!tpu.dma_semaphore, #tpu.memory_space<semaphore_mem>>
      tpu.wait_indirect_dma semaphore(%dma_wait3A_308 : memref<!tpu.dma_semaphore, #tpu.memory_space<semaphore_mem>>) src(%dma_wait3A_306 : memref<10000x128xf32, #tpu.memory_space<hbm>>) dst(%dma_wait3A_300 : memref<120x128xf32, #tpu.memory_space<vmem>>)
      %run_scoped3A_309 = arith.constant 0 : i32
      %run_scoped3A_310 = arith.constant 0 : i32
      %run_scoped3A_311 = arith.constant 1 : i32
      "tpu.region"() ({
        %run_scoped3A_514 = tpu.sem_alloc : memref<!tpu.dma_semaphore, #tpu.memory_space<semaphore_mem>>
        %dma_start3A_515 = arith.constant 0 : i32
        %dma_start3A_516 = arith.constant 0 : i32
        %dma_start3A_517 = tpu.memref_slice %arg7[%run_scoped3A_309, %dma_start3A_515, %dma_start3A_516] : memref<3x120x128xf32, #tpu.memory_space<vmem>> -> memref<1x120x128xf32, #tpu.memory_space<vmem>>
        %dma_start3A_518 = tpu.memref_squeeze %dma_start3A_517 : memref<1x120x128xf32, #tpu.memory_space<vmem>> -> memref<120x128xf32, #tpu.memory_space<vmem>>
        %dma_start3A_519 = arith.constant 0 : i32
        %dma_start3A_520 = tpu.memref_slice %arg6[%run_scoped3A_310, %run_scoped3A_311, %dma_start3A_519] : memref<3x2x120xi32, #tpu.memory_space<vmem>> -> memref<1x1x120xi32, #tpu.memory_space<vmem>>
        %dma_start3A_521 = tpu.memref_squeeze %dma_start3A_520 : memref<1x1x120xi32, #tpu.memory_space<vmem>> -> memref<120xi32, #tpu.memory_space<vmem>>
        %dma_start3A_522 = arith.constant 0 : i32
        %dma_start3A_523 = arith.constant 0 : i32
        %dma_start3A_524 = tpu.memref_slice %arg8[%dma_start3A_522, %dma_start3A_523] : memref<10240x128xf32, #tpu.memory_space<vmem_shared>> -> memref<10240x128xf32, #tpu.memory_space<vmem_shared>>
        tpu.enqueue_indirect_dma source(%dma_start3A_518 : memref<120x128xf32, #tpu.memory_space<vmem>>) target(%dma_start3A_524 : memref<10240x128xf32, #tpu.memory_space<vmem_shared>>) offsets(%dma_start3A_521 : memref<120xi32, #tpu.memory_space<vmem>>) semaphore(%run_scoped3A_514 : memref<!tpu.dma_semaphore, #tpu.memory_space<semaphore_mem>>) {add = true}
        %dma_wait3A_525 = arith.constant 0 : i32
        %dma_wait3A_526 = arith.constant 0 : i32
        %dma_wait3A_527 = tpu.memref_slice %arg7[%run_scoped3A_309, %dma_wait3A_525, %dma_wait3A_526] : memref<3x120x128xf32, #tpu.memory_space<vmem>> -> memref<1x120x128xf32, #tpu.memory_space<vmem>>
        %dma_wait3A_528 = tpu.memref_squeeze %dma_wait3A_527 : memref<1x120x128xf32, #tpu.memory_space<vmem>> -> memref<120x128xf32, #tpu.memory_space<vmem>>
        %dma_wait3A_529 = arith.constant 0 : i32
        %dma_wait3A_530 = tpu.memref_slice %arg6[%run_scoped3A_310, %run_scoped3A_311, %dma_wait3A_529] : memref<3x2x120xi32, #tpu.memory_space<vmem>> -> memref<1x1x120xi32, #tpu.memory_space<vmem>>
        %dma_wait3A_531 = tpu.memref_squeeze %dma_wait3A_530 : memref<1x1x120xi32, #tpu.memory_space<vmem>> -> memref<120xi32, #tpu.memory_space<vmem>>
        %dma_wait3A_532 = arith.constant 0 : i32
        %dma_wait3A_533 = arith.constant 0 : i32
        %dma_wait3A_534 = tpu.memref_slice %arg8[%dma_wait3A_532, %dma_wait3A_533] : memref<10240x128xf32, #tpu.memory_space<vmem_shared>> -> memref<10240x128xf32, #tpu.memory_space<vmem_shared>>
        tpu.wait_indirect_dma semaphore(%run_scoped3A_514 : memref<!tpu.dma_semaphore, #tpu.memory_space<semaphore_mem>>) src(%dma_wait3A_528 : memref<120x128xf32, #tpu.memory_space<vmem>>) dst(%dma_wait3A_534 : memref<10240x128xf32, #tpu.memory_space<vmem_shared>>)
        tpu.yield
      }) : () -> ()
      %add3A_312 = arith.constant 3 : i32
      %add3A_313 = arith.addi %add3A_255, %add3A_312 : i32
      %mul3A_314 = arith.constant 32 : i32
      %mul3A_315 = arith.muli %add3A_313, %mul3A_314 : i32
      %add3A_316 = arith.addi %add3A, %mul3A_315 : i32
      %min3A_317 = arith.constant 2687 : i32
      %min3A_318 = arith.minsi %add3A_316, %min3A_317 : i32
      %dma_start3A_319 = arith.constant 0 : i32
      %dma_start3A_320 = arith.constant 0 : i32
      %dma_start3A_321 = arith.constant 0 : i32
      %dma_start3A_322 = arith.constant 0 : i32
      %dma_start3A_323 = tpu.memref_slice %arg6[%dma_start3A_319, %dma_start3A_321, %dma_start3A_322] : memref<3x2x120xi32, #tpu.memory_space<vmem>> -> memref<1x2x120xi32, #tpu.memory_space<vmem>>
      %dma_start3A_324 = tpu.memref_squeeze %dma_start3A_323 : memref<1x2x120xi32, #tpu.memory_space<vmem>> -> memref<2x120xi32, #tpu.memory_space<vmem>>
      %dma_start3A_325 = arith.constant 0 : i32
      %dma_start3A_326 = arith.constant 0 : i32
      %dma_start3A_327 = tpu.memref_slice %arg3[%min3A_318, %dma_start3A_325, %dma_start3A_326] : memref<2688x2x120xi32, #tpu.memory_space<hbm>> -> memref<1x2x120xi32, #tpu.memory_space<hbm>>
      %dma_start3A_328 = tpu.memref_squeeze %dma_start3A_327 : memref<1x2x120xi32, #tpu.memory_space<hbm>> -> memref<2x120xi32, #tpu.memory_space<hbm>>
      %dma_start3A_329 = tpu.memref_slice %arg10[%dma_start3A_320] : memref<3x!tpu.dma_semaphore, #tpu.memory_space<semaphore_mem>> -> memref<1x!tpu.dma_semaphore, #tpu.memory_space<semaphore_mem>>
      %dma_start3A_330 = tpu.memref_squeeze %dma_start3A_329 : memref<1x!tpu.dma_semaphore, #tpu.memory_space<semaphore_mem>> -> memref<!tpu.dma_semaphore, #tpu.memory_space<semaphore_mem>>
      %dma_start3A_331 = arith.constant 0 : i32
      %dma_start3A_332 = arith.constant 0 : i32
      %dma_start3A_333 = tpu.memref_slice %arg6[%dma_start3A_319, %dma_start3A_331, %dma_start3A_332] : memref<3x2x120xi32, #tpu.memory_space<vmem>> -> memref<1x2x120xi32, #tpu.memory_space<vmem>>
      %dma_start3A_334 = tpu.memref_squeeze %dma_start3A_333 : memref<1x2x120xi32, #tpu.memory_space<vmem>> -> memref<2x120xi32, #tpu.memory_space<vmem>>
      %dma_start3A_335 = arith.constant 0 : i32
      %dma_start3A_336 = arith.constant 0 : i32
      %dma_start3A_337 = tpu.memref_slice %arg3[%min3A_318, %dma_start3A_335, %dma_start3A_336] : memref<2688x2x120xi32, #tpu.memory_space<hbm>> -> memref<1x2x120xi32, #tpu.memory_space<hbm>>
      %dma_start3A_338 = tpu.memref_squeeze %dma_start3A_337 : memref<1x2x120xi32, #tpu.memory_space<hbm>> -> memref<2x120xi32, #tpu.memory_space<hbm>>
      tpu.enqueue_dma source(%dma_start3A_338 : memref<2x120xi32, #tpu.memory_space<hbm>>) target(%dma_start3A_334 : memref<2x120xi32, #tpu.memory_space<vmem>>) target_semaphore(%dma_start3A_330 : memref<!tpu.dma_semaphore, #tpu.memory_space<semaphore_mem>>)
      %mul3A_339 = arith.constant 3 : i32
      %mul3A_340 = arith.muli %mul3A_339, %scan3A_250 : i32
      %add3A_341 = arith.constant 1 : i32
      %add3A_342 = arith.addi %mul3A_340, %add3A_341 : i32
      %dma_wait3A_343 = arith.constant 0 : i32
      %dma_wait3A_344 = arith.constant 0 : i32
      %dma_wait3A_345 = arith.constant 0 : i32
      %dma_wait3A_346 = arith.constant 0 : i32
      %dma_wait3A_347 = arith.constant 0 : i32
      %dma_wait3A_348 = tpu.memref_slice %arg6[%dma_wait3A_344, %dma_wait3A_346, %dma_wait3A_347] : memref<3x2x120xi32, #tpu.memory_space<vmem>> -> memref<1x2x120xi32, #tpu.memory_space<vmem>>
      %dma_wait3A_349 = tpu.memref_squeeze %dma_wait3A_348 : memref<1x2x120xi32, #tpu.memory_space<vmem>> -> memref<2x120xi32, #tpu.memory_space<vmem>>
      %dma_wait3A_350 = arith.constant 0 : i32
      %dma_wait3A_351 = arith.constant 0 : i32
      %dma_wait3A_352 = tpu.memref_slice %arg3[%dma_wait3A_343, %dma_wait3A_350, %dma_wait3A_351] : memref<2688x2x120xi32, #tpu.memory_space<hbm>> -> memref<1x2x120xi32, #tpu.memory_space<hbm>>
      %dma_wait3A_353 = tpu.memref_squeeze %dma_wait3A_352 : memref<1x2x120xi32, #tpu.memory_space<hbm>> -> memref<2x120xi32, #tpu.memory_space<hbm>>
      %dma_wait3A_354 = tpu.memref_slice %arg10[%dma_wait3A_345] : memref<3x!tpu.dma_semaphore, #tpu.memory_space<semaphore_mem>> -> memref<1x!tpu.dma_semaphore, #tpu.memory_space<semaphore_mem>>
      %dma_wait3A_355 = tpu.memref_squeeze %dma_wait3A_354 : memref<1x!tpu.dma_semaphore, #tpu.memory_space<semaphore_mem>> -> memref<!tpu.dma_semaphore, #tpu.memory_space<semaphore_mem>>
      %dma_wait3A_356 = arith.constant 0 : i32
      %dma_wait3A_357 = arith.constant 0 : i32
      %dma_wait3A_358 = tpu.memref_slice %arg6[%dma_wait3A_344, %dma_wait3A_356, %dma_wait3A_357] : memref<3x2x120xi32, #tpu.memory_space<vmem>> -> memref<1x2x120xi32, #tpu.memory_space<vmem>>
      %dma_wait3A_359 = tpu.memref_squeeze %dma_wait3A_358 : memref<1x2x120xi32, #tpu.memory_space<vmem>> -> memref<2x120xi32, #tpu.memory_space<vmem>>
      %dma_wait3A_360 = arith.constant 0 : i32
      %dma_wait3A_361 = arith.constant 0 : i32
      %dma_wait3A_362 = tpu.memref_slice %arg3[%dma_wait3A_343, %dma_wait3A_360, %dma_wait3A_361] : memref<2688x2x120xi32, #tpu.memory_space<hbm>> -> memref<1x2x120xi32, #tpu.memory_space<hbm>>
      %dma_wait3A_363 = tpu.memref_squeeze %dma_wait3A_362 : memref<1x2x120xi32, #tpu.memory_space<hbm>> -> memref<2x120xi32, #tpu.memory_space<hbm>>
      tpu.wait_dma2 semaphore(%dma_wait3A_355 : memref<!tpu.dma_semaphore, #tpu.memory_space<semaphore_mem>>) src(%dma_wait3A_363 : memref<2x120xi32, #tpu.memory_space<hbm>>) dst(%dma_wait3A_359 : memref<2x120xi32, #tpu.memory_space<vmem>>)
      %dma_start3A_364 = arith.constant 0 : i32
      %dma_start3A_365 = arith.constant 0 : i32
      %dma_start3A_366 = arith.constant 0 : i32
      %dma_start3A_367 = arith.constant 0 : i32
      %dma_start3A_368 = arith.constant 0 : i32
      %dma_start3A_369 = arith.constant 0 : i32
      %dma_start3A_370 = tpu.memref_slice %arg7[%dma_start3A_366, %dma_start3A_368, %dma_start3A_369] : memref<3x120x128xf32, #tpu.memory_space<vmem>> -> memref<1x120x128xf32, #tpu.memory_space<vmem>>
      %dma_start3A_371 = tpu.memref_squeeze %dma_start3A_370 : memref<1x120x128xf32, #tpu.memory_space<vmem>> -> memref<120x128xf32, #tpu.memory_space<vmem>>
      %dma_start3A_372 = arith.constant 0 : i32
      %dma_start3A_373 = tpu.memref_slice %arg6[%dma_start3A_364, %dma_start3A_365, %dma_start3A_372] : memref<3x2x120xi32, #tpu.memory_space<vmem>> -> memref<1x1x120xi32, #tpu.memory_space<vmem>>
      %dma_start3A_374 = tpu.memref_squeeze %dma_start3A_373 : memref<1x1x120xi32, #tpu.memory_space<vmem>> -> memref<120xi32, #tpu.memory_space<vmem>>
      %dma_start3A_375 = arith.constant 0 : i32
      %dma_start3A_376 = arith.constant 0 : i32
      %dma_start3A_377 = tpu.memref_slice %arg2[%dma_start3A_375, %dma_start3A_376] : memref<10000x128xf32, #tpu.memory_space<hbm>> -> memref<10000x128xf32, #tpu.memory_space<hbm>>
      %dma_start3A_378 = tpu.memref_slice %arg9[%dma_start3A_367] : memref<3x!tpu.dma_semaphore, #tpu.memory_space<semaphore_mem>> -> memref<1x!tpu.dma_semaphore, #tpu.memory_space<semaphore_mem>>
      %dma_start3A_379 = tpu.memref_squeeze %dma_start3A_378 : memref<1x!tpu.dma_semaphore, #tpu.memory_space<semaphore_mem>> -> memref<!tpu.dma_semaphore, #tpu.memory_space<semaphore_mem>>
      tpu.enqueue_indirect_dma source(%dma_start3A_377 : memref<10000x128xf32, #tpu.memory_space<hbm>>) target(%dma_start3A_371 : memref<120x128xf32, #tpu.memory_space<vmem>>) offsets(%dma_start3A_374 : memref<120xi32, #tpu.memory_space<vmem>>) semaphore(%dma_start3A_379 : memref<!tpu.dma_semaphore, #tpu.memory_space<semaphore_mem>>)
      %dma_wait3A_380 = arith.constant 1 : i32
      %dma_wait3A_381 = arith.constant 0 : i32
      %dma_wait3A_382 = arith.constant 1 : i32
      %dma_wait3A_383 = arith.constant 1 : i32
      %dma_wait3A_384 = arith.constant 0 : i32
      %dma_wait3A_385 = arith.constant 0 : i32
      %dma_wait3A_386 = tpu.memref_slice %arg7[%dma_wait3A_382, %dma_wait3A_384, %dma_wait3A_385] : memref<3x120x128xf32, #tpu.memory_space<vmem>> -> memref<1x120x128xf32, #tpu.memory_space<vmem>>
      %dma_wait3A_387 = tpu.memref_squeeze %dma_wait3A_386 : memref<1x120x128xf32, #tpu.memory_space<vmem>> -> memref<120x128xf32, #tpu.memory_space<vmem>>
      %dma_wait3A_388 = arith.constant 0 : i32
      %dma_wait3A_389 = tpu.memref_slice %arg6[%dma_wait3A_380, %dma_wait3A_381, %dma_wait3A_388] : memref<3x2x120xi32, #tpu.memory_space<vmem>> -> memref<1x1x120xi32, #tpu.memory_space<vmem>>
      %dma_wait3A_390 = tpu.memref_squeeze %dma_wait3A_389 : memref<1x1x120xi32, #tpu.memory_space<vmem>> -> memref<120xi32, #tpu.memory_space<vmem>>
      %dma_wait3A_391 = arith.constant 0 : i32
      %dma_wait3A_392 = arith.constant 0 : i32
      %dma_wait3A_393 = tpu.memref_slice %arg2[%dma_wait3A_391, %dma_wait3A_392] : memref<10000x128xf32, #tpu.memory_space<hbm>> -> memref<10000x128xf32, #tpu.memory_space<hbm>>
      %dma_wait3A_394 = tpu.memref_slice %arg9[%dma_wait3A_383] : memref<3x!tpu.dma_semaphore, #tpu.memory_space<semaphore_mem>> -> memref<1x!tpu.dma_semaphore, #tpu.memory_space<semaphore_mem>>
      %dma_wait3A_395 = tpu.memref_squeeze %dma_wait3A_394 : memref<1x!tpu.dma_semaphore, #tpu.memory_space<semaphore_mem>> -> memref<!tpu.dma_semaphore, #tpu.memory_space<semaphore_mem>>
      tpu.wait_indirect_dma semaphore(%dma_wait3A_395 : memref<!tpu.dma_semaphore, #tpu.memory_space<semaphore_mem>>) src(%dma_wait3A_393 : memref<10000x128xf32, #tpu.memory_space<hbm>>) dst(%dma_wait3A_387 : memref<120x128xf32, #tpu.memory_space<vmem>>)
      %run_scoped3A_396 = arith.constant 1 : i32
      %run_scoped3A_397 = arith.constant 1 : i32
      %run_scoped3A_398 = arith.constant 1 : i32
      "tpu.region"() ({
        %run_scoped3A_514 = tpu.sem_alloc : memref<!tpu.dma_semaphore, #tpu.memory_space<semaphore_mem>>
        %dma_start3A_515 = arith.constant 0 : i32
        %dma_start3A_516 = arith.constant 0 : i32
        %dma_start3A_517 = tpu.memref_slice %arg7[%run_scoped3A_396, %dma_start3A_515, %dma_start3A_516] : memref<3x120x128xf32, #tpu.memory_space<vmem>> -> memref<1x120x128xf32, #tpu.memory_space<vmem>>
        %dma_start3A_518 = tpu.memref_squeeze %dma_start3A_517 : memref<1x120x128xf32, #tpu.memory_space<vmem>> -> memref<120x128xf32, #tpu.memory_space<vmem>>
        %dma_start3A_519 = arith.constant 0 : i32
        %dma_start3A_520 = tpu.memref_slice %arg6[%run_scoped3A_397, %run_scoped3A_398, %dma_start3A_519] : memref<3x2x120xi32, #tpu.memory_space<vmem>> -> memref<1x1x120xi32, #tpu.memory_space<vmem>>
        %dma_start3A_521 = tpu.memref_squeeze %dma_start3A_520 : memref<1x1x120xi32, #tpu.memory_space<vmem>> -> memref<120xi32, #tpu.memory_space<vmem>>
        %dma_start3A_522 = arith.constant 0 : i32
        %dma_start3A_523 = arith.constant 0 : i32
        %dma_start3A_524 = tpu.memref_slice %arg8[%dma_start3A_522, %dma_start3A_523] : memref<10240x128xf32, #tpu.memory_space<vmem_shared>> -> memref<10240x128xf32, #tpu.memory_space<vmem_shared>>
        tpu.enqueue_indirect_dma source(%dma_start3A_518 : memref<120x128xf32, #tpu.memory_space<vmem>>) target(%dma_start3A_524 : memref<10240x128xf32, #tpu.memory_space<vmem_shared>>) offsets(%dma_start3A_521 : memref<120xi32, #tpu.memory_space<vmem>>) semaphore(%run_scoped3A_514 : memref<!tpu.dma_semaphore, #tpu.memory_space<semaphore_mem>>) {add = true}
        %dma_wait3A_525 = arith.constant 0 : i32
        %dma_wait3A_526 = arith.constant 0 : i32
        %dma_wait3A_527 = tpu.memref_slice %arg7[%run_scoped3A_396, %dma_wait3A_525, %dma_wait3A_526] : memref<3x120x128xf32, #tpu.memory_space<vmem>> -> memref<1x120x128xf32, #tpu.memory_space<vmem>>
        %dma_wait3A_528 = tpu.memref_squeeze %dma_wait3A_527 : memref<1x120x128xf32, #tpu.memory_space<vmem>> -> memref<120x128xf32, #tpu.memory_space<vmem>>
        %dma_wait3A_529 = arith.constant 0 : i32
        %dma_wait3A_530 = tpu.memref_slice %arg6[%run_scoped3A_397, %run_scoped3A_398, %dma_wait3A_529] : memref<3x2x120xi32, #tpu.memory_space<vmem>> -> memref<1x1x120xi32, #tpu.memory_space<vmem>>
        %dma_wait3A_531 = tpu.memref_squeeze %dma_wait3A_530 : memref<1x1x120xi32, #tpu.memory_space<vmem>> -> memref<120xi32, #tpu.memory_space<vmem>>
        %dma_wait3A_532 = arith.constant 0 : i32
        %dma_wait3A_533 = arith.constant 0 : i32
        %dma_wait3A_534 = tpu.memref_slice %arg8[%dma_wait3A_532, %dma_wait3A_533] : memref<10240x128xf32, #tpu.memory_space<vmem_shared>> -> memref<10240x128xf32, #tpu.memory_space<vmem_shared>>
        tpu.wait_indirect_dma semaphore(%run_scoped3A_514 : memref<!tpu.dma_semaphore, #tpu.memory_space<semaphore_mem>>) src(%dma_wait3A_528 : memref<120x128xf32, #tpu.memory_space<vmem>>) dst(%dma_wait3A_534 : memref<10240x128xf32, #tpu.memory_space<vmem_shared>>)
        tpu.yield
      }) : () -> ()
      %add3A_399 = arith.constant 3 : i32
      %add3A_400 = arith.addi %add3A_342, %add3A_399 : i32
      %mul3A_401 = arith.constant 32 : i32
      %mul3A_402 = arith.muli %add3A_400, %mul3A_401 : i32
      %add3A_403 = arith.addi %add3A, %mul3A_402 : i32
      %min3A_404 = arith.constant 2687 : i32
      %min3A_405 = arith.minsi %add3A_403, %min3A_404 : i32
      %dma_start3A_406 = arith.constant 1 : i32
      %dma_start3A_407 = arith.constant 1 : i32
      %dma_start3A_408 = arith.constant 0 : i32
      %dma_start3A_409 = arith.constant 0 : i32
      %dma_start3A_410 = tpu.memref_slice %arg6[%dma_start3A_406, %dma_start3A_408, %dma_start3A_409] : memref<3x2x120xi32, #tpu.memory_space<vmem>> -> memref<1x2x120xi32, #tpu.memory_space<vmem>>
      %dma_start3A_411 = tpu.memref_squeeze %dma_start3A_410 : memref<1x2x120xi32, #tpu.memory_space<vmem>> -> memref<2x120xi32, #tpu.memory_space<vmem>>
      %dma_start3A_412 = arith.constant 0 : i32
      %dma_start3A_413 = arith.constant 0 : i32
      %dma_start3A_414 = tpu.memref_slice %arg3[%min3A_405, %dma_start3A_412, %dma_start3A_413] : memref<2688x2x120xi32, #tpu.memory_space<hbm>> -> memref<1x2x120xi32, #tpu.memory_space<hbm>>
      %dma_start3A_415 = tpu.memref_squeeze %dma_start3A_414 : memref<1x2x120xi32, #tpu.memory_space<hbm>> -> memref<2x120xi32, #tpu.memory_space<hbm>>
      %dma_start3A_416 = tpu.memref_slice %arg10[%dma_start3A_407] : memref<3x!tpu.dma_semaphore, #tpu.memory_space<semaphore_mem>> -> memref<1x!tpu.dma_semaphore, #tpu.memory_space<semaphore_mem>>
      %dma_start3A_417 = tpu.memref_squeeze %dma_start3A_416 : memref<1x!tpu.dma_semaphore, #tpu.memory_space<semaphore_mem>> -> memref<!tpu.dma_semaphore, #tpu.memory_space<semaphore_mem>>
      %dma_start3A_418 = arith.constant 0 : i32
      %dma_start3A_419 = arith.constant 0 : i32
      %dma_start3A_420 = tpu.memref_slice %arg6[%dma_start3A_406, %dma_start3A_418, %dma_start3A_419] : memref<3x2x120xi32, #tpu.memory_space<vmem>> -> memref<1x2x120xi32, #tpu.memory_space<vmem>>
      %dma_start3A_421 = tpu.memref_squeeze %dma_start3A_420 : memref<1x2x120xi32, #tpu.memory_space<vmem>> -> memref<2x120xi32, #tpu.memory_space<vmem>>
      %dma_start3A_422 = arith.constant 0 : i32
      %dma_start3A_423 = arith.constant 0 : i32
      %dma_start3A_424 = tpu.memref_slice %arg3[%min3A_405, %dma_start3A_422, %dma_start3A_423] : memref<2688x2x120xi32, #tpu.memory_space<hbm>> -> memref<1x2x120xi32, #tpu.memory_space<hbm>>
      %dma_start3A_425 = tpu.memref_squeeze %dma_start3A_424 : memref<1x2x120xi32, #tpu.memory_space<hbm>> -> memref<2x120xi32, #tpu.memory_space<hbm>>
      tpu.enqueue_dma source(%dma_start3A_425 : memref<2x120xi32, #tpu.memory_space<hbm>>) target(%dma_start3A_421 : memref<2x120xi32, #tpu.memory_space<vmem>>) target_semaphore(%dma_start3A_417 : memref<!tpu.dma_semaphore, #tpu.memory_space<semaphore_mem>>)
      %mul3A_426 = arith.constant 3 : i32
      %mul3A_427 = arith.muli %mul3A_426, %scan3A_250 : i32
      %add3A_428 = arith.constant 2 : i32
      %add3A_429 = arith.addi %mul3A_427, %add3A_428 : i32
      %dma_wait3A_430 = arith.constant 0 : i32
      %dma_wait3A_431 = arith.constant 1 : i32
      %dma_wait3A_432 = arith.constant 1 : i32
      %dma_wait3A_433 = arith.constant 0 : i32
      %dma_wait3A_434 = arith.constant 0 : i32
      %dma_wait3A_435 = tpu.memref_slice %arg6[%dma_wait3A_431, %dma_wait3A_433, %dma_wait3A_434] : memref<3x2x120xi32, #tpu.memory_space<vmem>> -> memref<1x2x120xi32, #tpu.memory_space<vmem>>
      %dma_wait3A_436 = tpu.memref_squeeze %dma_wait3A_435 : memref<1x2x120xi32, #tpu.memory_space<vmem>> -> memref<2x120xi32, #tpu.memory_space<vmem>>
      %dma_wait3A_437 = arith.constant 0 : i32
      %dma_wait3A_438 = arith.constant 0 : i32
      %dma_wait3A_439 = tpu.memref_slice %arg3[%dma_wait3A_430, %dma_wait3A_437, %dma_wait3A_438] : memref<2688x2x120xi32, #tpu.memory_space<hbm>> -> memref<1x2x120xi32, #tpu.memory_space<hbm>>
      %dma_wait3A_440 = tpu.memref_squeeze %dma_wait3A_439 : memref<1x2x120xi32, #tpu.memory_space<hbm>> -> memref<2x120xi32, #tpu.memory_space<hbm>>
      %dma_wait3A_441 = tpu.memref_slice %arg10[%dma_wait3A_432] : memref<3x!tpu.dma_semaphore, #tpu.memory_space<semaphore_mem>> -> memref<1x!tpu.dma_semaphore, #tpu.memory_space<semaphore_mem>>
      %dma_wait3A_442 = tpu.memref_squeeze %dma_wait3A_441 : memref<1x!tpu.dma_semaphore, #tpu.memory_space<semaphore_mem>> -> memref<!tpu.dma_semaphore, #tpu.memory_space<semaphore_mem>>
      %dma_wait3A_443 = arith.constant 0 : i32
      %dma_wait3A_444 = arith.constant 0 : i32
      %dma_wait3A_445 = tpu.memref_slice %arg6[%dma_wait3A_431, %dma_wait3A_443, %dma_wait3A_444] : memref<3x2x120xi32, #tpu.memory_space<vmem>> -> memref<1x2x120xi32, #tpu.memory_space<vmem>>
      %dma_wait3A_446 = tpu.memref_squeeze %dma_wait3A_445 : memref<1x2x120xi32, #tpu.memory_space<vmem>> -> memref<2x120xi32, #tpu.memory_space<vmem>>
      %dma_wait3A_447 = arith.constant 0 : i32
      %dma_wait3A_448 = arith.constant 0 : i32
      %dma_wait3A_449 = tpu.memref_slice %arg3[%dma_wait3A_430, %dma_wait3A_447, %dma_wait3A_448] : memref<2688x2x120xi32, #tpu.memory_space<hbm>> -> memref<1x2x120xi32, #tpu.memory_space<hbm>>
      %dma_wait3A_450 = tpu.memref_squeeze %dma_wait3A_449 : memref<1x2x120xi32, #tpu.memory_space<hbm>> -> memref<2x120xi32, #tpu.memory_space<hbm>>
      tpu.wait_dma2 semaphore(%dma_wait3A_442 : memref<!tpu.dma_semaphore, #tpu.memory_space<semaphore_mem>>) src(%dma_wait3A_450 : memref<2x120xi32, #tpu.memory_space<hbm>>) dst(%dma_wait3A_446 : memref<2x120xi32, #tpu.memory_space<vmem>>)
      %dma_start3A_451 = arith.constant 1 : i32
      %dma_start3A_452 = arith.constant 0 : i32
      %dma_start3A_453 = arith.constant 1 : i32
      %dma_start3A_454 = arith.constant 1 : i32
      %dma_start3A_455 = arith.constant 0 : i32
      %dma_start3A_456 = arith.constant 0 : i32
      %dma_start3A_457 = tpu.memref_slice %arg7[%dma_start3A_453, %dma_start3A_455, %dma_start3A_456] : memref<3x120x128xf32, #tpu.memory_space<vmem>> -> memref<1x120x128xf32, #tpu.memory_space<vmem>>
      %dma_start3A_458 = tpu.memref_squeeze %dma_start3A_457 : memref<1x120x128xf32, #tpu.memory_space<vmem>> -> memref<120x128xf32, #tpu.memory_space<vmem>>
      %dma_start3A_459 = arith.constant 0 : i32
      %dma_start3A_460 = tpu.memref_slice %arg6[%dma_start3A_451, %dma_start3A_452, %dma_start3A_459] : memref<3x2x120xi32, #tpu.memory_space<vmem>> -> memref<1x1x120xi32, #tpu.memory_space<vmem>>
      %dma_start3A_461 = tpu.memref_squeeze %dma_start3A_460 : memref<1x1x120xi32, #tpu.memory_space<vmem>> -> memref<120xi32, #tpu.memory_space<vmem>>
      %dma_start3A_462 = arith.constant 0 : i32
      %dma_start3A_463 = arith.constant 0 : i32
      %dma_start3A_464 = tpu.memref_slice %arg2[%dma_start3A_462, %dma_start3A_463] : memref<10000x128xf32, #tpu.memory_space<hbm>> -> memref<10000x128xf32, #tpu.memory_space<hbm>>
      %dma_start3A_465 = tpu.memref_slice %arg9[%dma_start3A_454] : memref<3x!tpu.dma_semaphore, #tpu.memory_space<semaphore_mem>> -> memref<1x!tpu.dma_semaphore, #tpu.memory_space<semaphore_mem>>
      %dma_start3A_466 = tpu.memref_squeeze %dma_start3A_465 : memref<1x!tpu.dma_semaphore, #tpu.memory_space<semaphore_mem>> -> memref<!tpu.dma_semaphore, #tpu.memory_space<semaphore_mem>>
      tpu.enqueue_indirect_dma source(%dma_start3A_464 : memref<10000x128xf32, #tpu.memory_space<hbm>>) target(%dma_start3A_458 : memref<120x128xf32, #tpu.memory_space<vmem>>) offsets(%dma_start3A_461 : memref<120xi32, #tpu.memory_space<vmem>>) semaphore(%dma_start3A_466 : memref<!tpu.dma_semaphore, #tpu.memory_space<semaphore_mem>>)
      %dma_wait3A_467 = arith.constant 2 : i32
      %dma_wait3A_468 = arith.constant 0 : i32
      %dma_wait3A_469 = arith.constant 2 : i32
      %dma_wait3A_470 = arith.constant 2 : i32
      %dma_wait3A_471 = arith.constant 0 : i32
      %dma_wait3A_472 = arith.constant 0 : i32
      %dma_wait3A_473 = tpu.memref_slice %arg7[%dma_wait3A_469, %dma_wait3A_471, %dma_wait3A_472] : memref<3x120x128xf32, #tpu.memory_space<vmem>> -> memref<1x120x128xf32, #tpu.memory_space<vmem>>
      %dma_wait3A_474 = tpu.memref_squeeze %dma_wait3A_473 : memref<1x120x128xf32, #tpu.memory_space<vmem>> -> memref<120x128xf32, #tpu.memory_space<vmem>>
      %dma_wait3A_475 = arith.constant 0 : i32
      %dma_wait3A_476 = tpu.memref_slice %arg6[%dma_wait3A_467, %dma_wait3A_468, %dma_wait3A_475] : memref<3x2x120xi32, #tpu.memory_space<vmem>> -> memref<1x1x120xi32, #tpu.memory_space<vmem>>
      %dma_wait3A_477 = tpu.memref_squeeze %dma_wait3A_476 : memref<1x1x120xi32, #tpu.memory_space<vmem>> -> memref<120xi32, #tpu.memory_space<vmem>>
      %dma_wait3A_478 = arith.constant 0 : i32
      %dma_wait3A_479 = arith.constant 0 : i32
      %dma_wait3A_480 = tpu.memref_slice %arg2[%dma_wait3A_478, %dma_wait3A_479] : memref<10000x128xf32, #tpu.memory_space<hbm>> -> memref<10000x128xf32, #tpu.memory_space<hbm>>
      %dma_wait3A_481 = tpu.memref_slice %arg9[%dma_wait3A_470] : memref<3x!tpu.dma_semaphore, #tpu.memory_space<semaphore_mem>> -> memref<1x!tpu.dma_semaphore, #tpu.memory_space<semaphore_mem>>
      %dma_wait3A_482 = tpu.memref_squeeze %dma_wait3A_481 : memref<1x!tpu.dma_semaphore, #tpu.memory_space<semaphore_mem>> -> memref<!tpu.dma_semaphore, #tpu.memory_space<semaphore_mem>>
      tpu.wait_indirect_dma semaphore(%dma_wait3A_482 : memref<!tpu.dma_semaphore, #tpu.memory_space<semaphore_mem>>) src(%dma_wait3A_480 : memref<10000x128xf32, #tpu.memory_space<hbm>>) dst(%dma_wait3A_474 : memref<120x128xf32, #tpu.memory_space<vmem>>)
      %run_scoped3A_483 = arith.constant 2 : i32
      %run_scoped3A_484 = arith.constant 2 : i32
      %run_scoped3A_485 = arith.constant 1 : i32
      "tpu.region"() ({
        %run_scoped3A_514 = tpu.sem_alloc : memref<!tpu.dma_semaphore, #tpu.memory_space<semaphore_mem>>
        %dma_start3A_515 = arith.constant 0 : i32
        %dma_start3A_516 = arith.constant 0 : i32
        %dma_start3A_517 = tpu.memref_slice %arg7[%run_scoped3A_483, %dma_start3A_515, %dma_start3A_516] : memref<3x120x128xf32, #tpu.memory_space<vmem>> -> memref<1x120x128xf32, #tpu.memory_space<vmem>>
        %dma_start3A_518 = tpu.memref_squeeze %dma_start3A_517 : memref<1x120x128xf32, #tpu.memory_space<vmem>> -> memref<120x128xf32, #tpu.memory_space<vmem>>
        %dma_start3A_519 = arith.constant 0 : i32
        %dma_start3A_520 = tpu.memref_slice %arg6[%run_scoped3A_484, %run_scoped3A_485, %dma_start3A_519] : memref<3x2x120xi32, #tpu.memory_space<vmem>> -> memref<1x1x120xi32, #tpu.memory_space<vmem>>
        %dma_start3A_521 = tpu.memref_squeeze %dma_start3A_520 : memref<1x1x120xi32, #tpu.memory_space<vmem>> -> memref<120xi32, #tpu.memory_space<vmem>>
        %dma_start3A_522 = arith.constant 0 : i32
        %dma_start3A_523 = arith.constant 0 : i32
        %dma_start3A_524 = tpu.memref_slice %arg8[%dma_start3A_522, %dma_start3A_523] : memref<10240x128xf32, #tpu.memory_space<vmem_shared>> -> memref<10240x128xf32, #tpu.memory_space<vmem_shared>>
        tpu.enqueue_indirect_dma source(%dma_start3A_518 : memref<120x128xf32, #tpu.memory_space<vmem>>) target(%dma_start3A_524 : memref<10240x128xf32, #tpu.memory_space<vmem_shared>>) offsets(%dma_start3A_521 : memref<120xi32, #tpu.memory_space<vmem>>) semaphore(%run_scoped3A_514 : memref<!tpu.dma_semaphore, #tpu.memory_space<semaphore_mem>>) {add = true}
        %dma_wait3A_525 = arith.constant 0 : i32
        %dma_wait3A_526 = arith.constant 0 : i32
        %dma_wait3A_527 = tpu.memref_slice %arg7[%run_scoped3A_483, %dma_wait3A_525, %dma_wait3A_526] : memref<3x120x128xf32, #tpu.memory_space<vmem>> -> memref<1x120x128xf32, #tpu.memory_space<vmem>>
        %dma_wait3A_528 = tpu.memref_squeeze %dma_wait3A_527 : memref<1x120x128xf32, #tpu.memory_space<vmem>> -> memref<120x128xf32, #tpu.memory_space<vmem>>
        %dma_wait3A_529 = arith.constant 0 : i32
        %dma_wait3A_530 = tpu.memref_slice %arg6[%run_scoped3A_484, %run_scoped3A_485, %dma_wait3A_529] : memref<3x2x120xi32, #tpu.memory_space<vmem>> -> memref<1x1x120xi32, #tpu.memory_space<vmem>>
        %dma_wait3A_531 = tpu.memref_squeeze %dma_wait3A_530 : memref<1x1x120xi32, #tpu.memory_space<vmem>> -> memref<120xi32, #tpu.memory_space<vmem>>
        %dma_wait3A_532 = arith.constant 0 : i32
        %dma_wait3A_533 = arith.constant 0 : i32
        %dma_wait3A_534 = tpu.memref_slice %arg8[%dma_wait3A_532, %dma_wait3A_533] : memref<10240x128xf32, #tpu.memory_space<vmem_shared>> -> memref<10240x128xf32, #tpu.memory_space<vmem_shared>>
        tpu.wait_indirect_dma semaphore(%run_scoped3A_514 : memref<!tpu.dma_semaphore, #tpu.memory_space<semaphore_mem>>) src(%dma_wait3A_528 : memref<120x128xf32, #tpu.memory_space<vmem>>) dst(%dma_wait3A_534 : memref<10240x128xf32, #tpu.memory_space<vmem_shared>>)
        tpu.yield
      }) : () -> ()
      %add3A_486 = arith.constant 3 : i32
      %add3A_487 = arith.addi %add3A_429, %add3A_486 : i32
      %mul3A_488 = arith.constant 32 : i32
      %mul3A_489 = arith.muli %add3A_487, %mul3A_488 : i32
      %add3A_490 = arith.addi %add3A, %mul3A_489 : i32
      %min3A_491 = arith.constant 2687 : i32
      %min3A_492 = arith.minsi %add3A_490, %min3A_491 : i32
      %dma_start3A_493 = arith.constant 2 : i32
      %dma_start3A_494 = arith.constant 2 : i32
      %dma_start3A_495 = arith.constant 0 : i32
      %dma_start3A_496 = arith.constant 0 : i32
      %dma_start3A_497 = tpu.memref_slice %arg6[%dma_start3A_493, %dma_start3A_495, %dma_start3A_496] : memref<3x2x120xi32, #tpu.memory_space<vmem>> -> memref<1x2x120xi32, #tpu.memory_space<vmem>>
      %dma_start3A_498 = tpu.memref_squeeze %dma_start3A_497 : memref<1x2x120xi32, #tpu.memory_space<vmem>> -> memref<2x120xi32, #tpu.memory_space<vmem>>
      %dma_start3A_499 = arith.constant 0 : i32
      %dma_start3A_500 = arith.constant 0 : i32
      %dma_start3A_501 = tpu.memref_slice %arg3[%min3A_492, %dma_start3A_499, %dma_start3A_500] : memref<2688x2x120xi32, #tpu.memory_space<hbm>> -> memref<1x2x120xi32, #tpu.memory_space<hbm>>
      %dma_start3A_502 = tpu.memref_squeeze %dma_start3A_501 : memref<1x2x120xi32, #tpu.memory_space<hbm>> -> memref<2x120xi32, #tpu.memory_space<hbm>>
      %dma_start3A_503 = tpu.memref_slice %arg10[%dma_start3A_494] : memref<3x!tpu.dma_semaphore, #tpu.memory_space<semaphore_mem>> -> memref<1x!tpu.dma_semaphore, #tpu.memory_space<semaphore_mem>>
      %dma_start3A_504 = tpu.memref_squeeze %dma_start3A_503 : memref<1x!tpu.dma_semaphore, #tpu.memory_space<semaphore_mem>> -> memref<!tpu.dma_semaphore, #tpu.memory_space<semaphore_mem>>
      %dma_start3A_505 = arith.constant 0 : i32
      %dma_start3A_506 = arith.constant 0 : i32
      %dma_start3A_507 = tpu.memref_slice %arg6[%dma_start3A_493, %dma_start3A_505, %dma_start3A_506] : memref<3x2x120xi32, #tpu.memory_space<vmem>> -> memref<1x2x120xi32, #tpu.memory_space<vmem>>
      %dma_start3A_508 = tpu.memref_squeeze %dma_start3A_507 : memref<1x2x120xi32, #tpu.memory_space<vmem>> -> memref<2x120xi32, #tpu.memory_space<vmem>>
      %dma_start3A_509 = arith.constant 0 : i32
      %dma_start3A_510 = arith.constant 0 : i32
      %dma_start3A_511 = tpu.memref_slice %arg3[%min3A_492, %dma_start3A_509, %dma_start3A_510] : memref<2688x2x120xi32, #tpu.memory_space<hbm>> -> memref<1x2x120xi32, #tpu.memory_space<hbm>>
      %dma_start3A_512 = tpu.memref_squeeze %dma_start3A_511 : memref<1x2x120xi32, #tpu.memory_space<hbm>> -> memref<2x120xi32, #tpu.memory_space<hbm>>
      tpu.enqueue_dma source(%dma_start3A_512 : memref<2x120xi32, #tpu.memory_space<hbm>>) target(%dma_start3A_508 : memref<2x120xi32, #tpu.memory_space<vmem>>) target_semaphore(%dma_start3A_504 : memref<!tpu.dma_semaphore, #tpu.memory_space<semaphore_mem>>)
      %scan3A_513 = arith.constant 0 : i32
      scf.yield %scan3A_513 : i32
    }
    %scan3A_151 = arith.constant 27 : i32
    %dma_wait3A_152 = arith.constant 0 : i32
    %dma_wait3A_153 = arith.constant 2 : i32
    %dma_wait3A_154 = arith.constant 2 : i32
    %dma_wait3A_155 = arith.constant 0 : i32
    %dma_wait3A_156 = arith.constant 0 : i32
    %dma_wait3A_157 = tpu.memref_slice %arg6[%dma_wait3A_153, %dma_wait3A_155, %dma_wait3A_156] : memref<3x2x120xi32, #tpu.memory_space<vmem>> -> memref<1x2x120xi32, #tpu.memory_space<vmem>>
    %dma_wait3A_158 = tpu.memref_squeeze %dma_wait3A_157 : memref<1x2x120xi32, #tpu.memory_space<vmem>> -> memref<2x120xi32, #tpu.memory_space<vmem>>
    %dma_wait3A_159 = arith.constant 0 : i32
    %dma_wait3A_160 = arith.constant 0 : i32
    %dma_wait3A_161 = tpu.memref_slice %arg3[%dma_wait3A_152, %dma_wait3A_159, %dma_wait3A_160] : memref<2688x2x120xi32, #tpu.memory_space<hbm>> -> memref<1x2x120xi32, #tpu.memory_space<hbm>>
    %dma_wait3A_162 = tpu.memref_squeeze %dma_wait3A_161 : memref<1x2x120xi32, #tpu.memory_space<hbm>> -> memref<2x120xi32, #tpu.memory_space<hbm>>
    %dma_wait3A_163 = tpu.memref_slice %arg10[%dma_wait3A_154] : memref<3x!tpu.dma_semaphore, #tpu.memory_space<semaphore_mem>> -> memref<1x!tpu.dma_semaphore, #tpu.memory_space<semaphore_mem>>
    %dma_wait3A_164 = tpu.memref_squeeze %dma_wait3A_163 : memref<1x!tpu.dma_semaphore, #tpu.memory_space<semaphore_mem>> -> memref<!tpu.dma_semaphore, #tpu.memory_space<semaphore_mem>>
    %dma_wait3A_165 = arith.constant 0 : i32
    %dma_wait3A_166 = arith.constant 0 : i32
    %dma_wait3A_167 = tpu.memref_slice %arg6[%dma_wait3A_153, %dma_wait3A_165, %dma_wait3A_166] : memref<3x2x120xi32, #tpu.memory_space<vmem>> -> memref<1x2x120xi32, #tpu.memory_space<vmem>>
    %dma_wait3A_168 = tpu.memref_squeeze %dma_wait3A_167 : memref<1x2x120xi32, #tpu.memory_space<vmem>> -> memref<2x120xi32, #tpu.memory_space<vmem>>
    %dma_wait3A_169 = arith.constant 0 : i32
    %dma_wait3A_170 = arith.constant 0 : i32
    %dma_wait3A_171 = tpu.memref_slice %arg3[%dma_wait3A_152, %dma_wait3A_169, %dma_wait3A_170] : memref<2688x2x120xi32, #tpu.memory_space<hbm>> -> memref<1x2x120xi32, #tpu.memory_space<hbm>>
    %dma_wait3A_172 = tpu.memref_squeeze %dma_wait3A_171 : memref<1x2x120xi32, #tpu.memory_space<hbm>> -> memref<2x120xi32, #tpu.memory_space<hbm>>
    tpu.wait_dma2 semaphore(%dma_wait3A_164 : memref<!tpu.dma_semaphore, #tpu.memory_space<semaphore_mem>>) src(%dma_wait3A_172 : memref<2x120xi32, #tpu.memory_space<hbm>>) dst(%dma_wait3A_168 : memref<2x120xi32, #tpu.memory_space<vmem>>)
    %dma_start3A_173 = arith.constant 2 : i32
    %dma_start3A_174 = arith.constant 0 : i32
    %dma_start3A_175 = arith.constant 2 : i32
    %dma_start3A_176 = arith.constant 2 : i32
    %dma_start3A_177 = arith.constant 0 : i32
    %dma_start3A_178 = arith.constant 0 : i32
    %dma_start3A_179 = tpu.memref_slice %arg7[%dma_start3A_175, %dma_start3A_177, %dma_start3A_178] : memref<3x120x128xf32, #tpu.memory_space<vmem>> -> memref<1x120x128xf32, #tpu.memory_space<vmem>>
    %dma_start3A_180 = tpu.memref_squeeze %dma_start3A_179 : memref<1x120x128xf32, #tpu.memory_space<vmem>> -> memref<120x128xf32, #tpu.memory_space<vmem>>
    %dma_start3A_181 = arith.constant 0 : i32
    %dma_start3A_182 = tpu.memref_slice %arg6[%dma_start3A_173, %dma_start3A_174, %dma_start3A_181] : memref<3x2x120xi32, #tpu.memory_space<vmem>> -> memref<1x1x120xi32, #tpu.memory_space<vmem>>
    %dma_start3A_183 = tpu.memref_squeeze %dma_start3A_182 : memref<1x1x120xi32, #tpu.memory_space<vmem>> -> memref<120xi32, #tpu.memory_space<vmem>>
    %dma_start3A_184 = arith.constant 0 : i32
    %dma_start3A_185 = arith.constant 0 : i32
    %dma_start3A_186 = tpu.memref_slice %arg2[%dma_start3A_184, %dma_start3A_185] : memref<10000x128xf32, #tpu.memory_space<hbm>> -> memref<10000x128xf32, #tpu.memory_space<hbm>>
    %dma_start3A_187 = tpu.memref_slice %arg9[%dma_start3A_176] : memref<3x!tpu.dma_semaphore, #tpu.memory_space<semaphore_mem>> -> memref<1x!tpu.dma_semaphore, #tpu.memory_space<semaphore_mem>>
    %dma_start3A_188 = tpu.memref_squeeze %dma_start3A_187 : memref<1x!tpu.dma_semaphore, #tpu.memory_space<semaphore_mem>> -> memref<!tpu.dma_semaphore, #tpu.memory_space<semaphore_mem>>
    tpu.enqueue_indirect_dma source(%dma_start3A_186 : memref<10000x128xf32, #tpu.memory_space<hbm>>) target(%dma_start3A_180 : memref<120x128xf32, #tpu.memory_space<vmem>>) offsets(%dma_start3A_183 : memref<120xi32, #tpu.memory_space<vmem>>) semaphore(%dma_start3A_188 : memref<!tpu.dma_semaphore, #tpu.memory_space<semaphore_mem>>)
    %dma_wait3A_189 = arith.constant 0 : i32
    %dma_wait3A_190 = arith.constant 0 : i32
    %dma_wait3A_191 = arith.constant 0 : i32
    %dma_wait3A_192 = arith.constant 0 : i32
    %dma_wait3A_193 = arith.constant 0 : i32
    %dma_wait3A_194 = arith.constant 0 : i32
    %dma_wait3A_195 = tpu.memref_slice %arg7[%dma_wait3A_191, %dma_wait3A_193, %dma_wait3A_194] : memref<3x120x128xf32, #tpu.memory_space<vmem>> -> memref<1x120x128xf32, #tpu.memory_space<vmem>>
    %dma_wait3A_196 = tpu.memref_squeeze %dma_wait3A_195 : memref<1x120x128xf32, #tpu.memory_space<vmem>> -> memref<120x128xf32, #tpu.memory_space<vmem>>
    %dma_wait3A_197 = arith.constant 0 : i32
    %dma_wait3A_198 = tpu.memref_slice %arg6[%dma_wait3A_189, %dma_wait3A_190, %dma_wait3A_197] : memref<3x2x120xi32, #tpu.memory_space<vmem>> -> memref<1x1x120xi32, #tpu.memory_space<vmem>>
    %dma_wait3A_199 = tpu.memref_squeeze %dma_wait3A_198 : memref<1x1x120xi32, #tpu.memory_space<vmem>> -> memref<120xi32, #tpu.memory_space<vmem>>
    %dma_wait3A_200 = arith.constant 0 : i32
    %dma_wait3A_201 = arith.constant 0 : i32
    %dma_wait3A_202 = tpu.memref_slice %arg2[%dma_wait3A_200, %dma_wait3A_201] : memref<10000x128xf32, #tpu.memory_space<hbm>> -> memref<10000x128xf32, #tpu.memory_space<hbm>>
    %dma_wait3A_203 = tpu.memref_slice %arg9[%dma_wait3A_192] : memref<3x!tpu.dma_semaphore, #tpu.memory_space<semaphore_mem>> -> memref<1x!tpu.dma_semaphore, #tpu.memory_space<semaphore_mem>>
    %dma_wait3A_204 = tpu.memref_squeeze %dma_wait3A_203 : memref<1x!tpu.dma_semaphore, #tpu.memory_space<semaphore_mem>> -> memref<!tpu.dma_semaphore, #tpu.memory_space<semaphore_mem>>
    tpu.wait_indirect_dma semaphore(%dma_wait3A_204 : memref<!tpu.dma_semaphore, #tpu.memory_space<semaphore_mem>>) src(%dma_wait3A_202 : memref<10000x128xf32, #tpu.memory_space<hbm>>) dst(%dma_wait3A_196 : memref<120x128xf32, #tpu.memory_space<vmem>>)
    %run_scoped3A = arith.constant 0 : i32
    %run_scoped3A_205 = arith.constant 0 : i32
    %run_scoped3A_206 = arith.constant 1 : i32
    "tpu.region"() ({
      %run_scoped3A_250 = tpu.sem_alloc : memref<!tpu.dma_semaphore, #tpu.memory_space<semaphore_mem>>
      %dma_start3A_251 = arith.constant 0 : i32
      %dma_start3A_252 = arith.constant 0 : i32
      %dma_start3A_253 = tpu.memref_slice %arg7[%run_scoped3A, %dma_start3A_251, %dma_start3A_252] : memref<3x120x128xf32, #tpu.memory_space<vmem>> -> memref<1x120x128xf32, #tpu.memory_space<vmem>>
      %dma_start3A_254 = tpu.memref_squeeze %dma_start3A_253 : memref<1x120x128xf32, #tpu.memory_space<vmem>> -> memref<120x128xf32, #tpu.memory_space<vmem>>
      %dma_start3A_255 = arith.constant 0 : i32
      %dma_start3A_256 = tpu.memref_slice %arg6[%run_scoped3A_205, %run_scoped3A_206, %dma_start3A_255] : memref<3x2x120xi32, #tpu.memory_space<vmem>> -> memref<1x1x120xi32, #tpu.memory_space<vmem>>
      %dma_start3A_257 = tpu.memref_squeeze %dma_start3A_256 : memref<1x1x120xi32, #tpu.memory_space<vmem>> -> memref<120xi32, #tpu.memory_space<vmem>>
      %dma_start3A_258 = arith.constant 0 : i32
      %dma_start3A_259 = arith.constant 0 : i32
      %dma_start3A_260 = tpu.memref_slice %arg8[%dma_start3A_258, %dma_start3A_259] : memref<10240x128xf32, #tpu.memory_space<vmem_shared>> -> memref<10240x128xf32, #tpu.memory_space<vmem_shared>>
      tpu.enqueue_indirect_dma source(%dma_start3A_254 : memref<120x128xf32, #tpu.memory_space<vmem>>) target(%dma_start3A_260 : memref<10240x128xf32, #tpu.memory_space<vmem_shared>>) offsets(%dma_start3A_257 : memref<120xi32, #tpu.memory_space<vmem>>) semaphore(%run_scoped3A_250 : memref<!tpu.dma_semaphore, #tpu.memory_space<semaphore_mem>>) {add = true}
      %dma_wait3A_261 = arith.constant 0 : i32
      %dma_wait3A_262 = arith.constant 0 : i32
      %dma_wait3A_263 = tpu.memref_slice %arg7[%run_scoped3A, %dma_wait3A_261, %dma_wait3A_262] : memref<3x120x128xf32, #tpu.memory_space<vmem>> -> memref<1x120x128xf32, #tpu.memory_space<vmem>>
      %dma_wait3A_264 = tpu.memref_squeeze %dma_wait3A_263 : memref<1x120x128xf32, #tpu.memory_space<vmem>> -> memref<120x128xf32, #tpu.memory_space<vmem>>
      %dma_wait3A_265 = arith.constant 0 : i32
      %dma_wait3A_266 = tpu.memref_slice %arg6[%run_scoped3A_205, %run_scoped3A_206, %dma_wait3A_265] : memref<3x2x120xi32, #tpu.memory_space<vmem>> -> memref<1x1x120xi32, #tpu.memory_space<vmem>>
      %dma_wait3A_267 = tpu.memref_squeeze %dma_wait3A_266 : memref<1x1x120xi32, #tpu.memory_space<vmem>> -> memref<120xi32, #tpu.memory_space<vmem>>
      %dma_wait3A_268 = arith.constant 0 : i32
      %dma_wait3A_269 = arith.constant 0 : i32
      %dma_wait3A_270 = tpu.memref_slice %arg8[%dma_wait3A_268, %dma_wait3A_269] : memref<10240x128xf32, #tpu.memory_space<vmem_shared>> -> memref<10240x128xf32, #tpu.memory_space<vmem_shared>>
      tpu.wait_indirect_dma semaphore(%run_scoped3A_250 : memref<!tpu.dma_semaphore, #tpu.memory_space<semaphore_mem>>) src(%dma_wait3A_264 : memref<120x128xf32, #tpu.memory_space<vmem>>) dst(%dma_wait3A_270 : memref<10240x128xf32, #tpu.memory_space<vmem_shared>>)
      tpu.yield
    }) : () -> ()
    %dma_wait3A_207 = arith.constant 1 : i32
    %dma_wait3A_208 = arith.constant 0 : i32
    %dma_wait3A_209 = arith.constant 1 : i32
    %dma_wait3A_210 = arith.constant 1 : i32
    %dma_wait3A_211 = arith.constant 0 : i32
    %dma_wait3A_212 = arith.constant 0 : i32
    %dma_wait3A_213 = tpu.memref_slice %arg7[%dma_wait3A_209, %dma_wait3A_211, %dma_wait3A_212] : memref<3x120x128xf32, #tpu.memory_space<vmem>> -> memref<1x120x128xf32, #tpu.memory_space<vmem>>
    %dma_wait3A_214 = tpu.memref_squeeze %dma_wait3A_213 : memref<1x120x128xf32, #tpu.memory_space<vmem>> -> memref<120x128xf32, #tpu.memory_space<vmem>>
    %dma_wait3A_215 = arith.constant 0 : i32
    %dma_wait3A_216 = tpu.memref_slice %arg6[%dma_wait3A_207, %dma_wait3A_208, %dma_wait3A_215] : memref<3x2x120xi32, #tpu.memory_space<vmem>> -> memref<1x1x120xi32, #tpu.memory_space<vmem>>
    %dma_wait3A_217 = tpu.memref_squeeze %dma_wait3A_216 : memref<1x1x120xi32, #tpu.memory_space<vmem>> -> memref<120xi32, #tpu.memory_space<vmem>>
    %dma_wait3A_218 = arith.constant 0 : i32
    %dma_wait3A_219 = arith.constant 0 : i32
    %dma_wait3A_220 = tpu.memref_slice %arg2[%dma_wait3A_218, %dma_wait3A_219] : memref<10000x128xf32, #tpu.memory_space<hbm>> -> memref<10000x128xf32, #tpu.memory_space<hbm>>
    %dma_wait3A_221 = tpu.memref_slice %arg9[%dma_wait3A_210] : memref<3x!tpu.dma_semaphore, #tpu.memory_space<semaphore_mem>> -> memref<1x!tpu.dma_semaphore, #tpu.memory_space<semaphore_mem>>
    %dma_wait3A_222 = tpu.memref_squeeze %dma_wait3A_221 : memref<1x!tpu.dma_semaphore, #tpu.memory_space<semaphore_mem>> -> memref<!tpu.dma_semaphore, #tpu.memory_space<semaphore_mem>>
    tpu.wait_indirect_dma semaphore(%dma_wait3A_222 : memref<!tpu.dma_semaphore, #tpu.memory_space<semaphore_mem>>) src(%dma_wait3A_220 : memref<10000x128xf32, #tpu.memory_space<hbm>>) dst(%dma_wait3A_214 : memref<120x128xf32, #tpu.memory_space<vmem>>)
    %run_scoped3A_223 = arith.constant 1 : i32
    %run_scoped3A_224 = arith.constant 1 : i32
    %run_scoped3A_225 = arith.constant 1 : i32
    "tpu.region"() ({
      %run_scoped3A_250 = tpu.sem_alloc : memref<!tpu.dma_semaphore, #tpu.memory_space<semaphore_mem>>
      %dma_start3A_251 = arith.constant 0 : i32
      %dma_start3A_252 = arith.constant 0 : i32
      %dma_start3A_253 = tpu.memref_slice %arg7[%run_scoped3A_223, %dma_start3A_251, %dma_start3A_252] : memref<3x120x128xf32, #tpu.memory_space<vmem>> -> memref<1x120x128xf32, #tpu.memory_space<vmem>>
      %dma_start3A_254 = tpu.memref_squeeze %dma_start3A_253 : memref<1x120x128xf32, #tpu.memory_space<vmem>> -> memref<120x128xf32, #tpu.memory_space<vmem>>
      %dma_start3A_255 = arith.constant 0 : i32
      %dma_start3A_256 = tpu.memref_slice %arg6[%run_scoped3A_224, %run_scoped3A_225, %dma_start3A_255] : memref<3x2x120xi32, #tpu.memory_space<vmem>> -> memref<1x1x120xi32, #tpu.memory_space<vmem>>
      %dma_start3A_257 = tpu.memref_squeeze %dma_start3A_256 : memref<1x1x120xi32, #tpu.memory_space<vmem>> -> memref<120xi32, #tpu.memory_space<vmem>>
      %dma_start3A_258 = arith.constant 0 : i32
      %dma_start3A_259 = arith.constant 0 : i32
      %dma_start3A_260 = tpu.memref_slice %arg8[%dma_start3A_258, %dma_start3A_259] : memref<10240x128xf32, #tpu.memory_space<vmem_shared>> -> memref<10240x128xf32, #tpu.memory_space<vmem_shared>>
      tpu.enqueue_indirect_dma source(%dma_start3A_254 : memref<120x128xf32, #tpu.memory_space<vmem>>) target(%dma_start3A_260 : memref<10240x128xf32, #tpu.memory_space<vmem_shared>>) offsets(%dma_start3A_257 : memref<120xi32, #tpu.memory_space<vmem>>) semaphore(%run_scoped3A_250 : memref<!tpu.dma_semaphore, #tpu.memory_space<semaphore_mem>>) {add = true}
      %dma_wait3A_261 = arith.constant 0 : i32
      %dma_wait3A_262 = arith.constant 0 : i32
      %dma_wait3A_263 = tpu.memref_slice %arg7[%run_scoped3A_223, %dma_wait3A_261, %dma_wait3A_262] : memref<3x120x128xf32, #tpu.memory_space<vmem>> -> memref<1x120x128xf32, #tpu.memory_space<vmem>>
      %dma_wait3A_264 = tpu.memref_squeeze %dma_wait3A_263 : memref<1x120x128xf32, #tpu.memory_space<vmem>> -> memref<120x128xf32, #tpu.memory_space<vmem>>
      %dma_wait3A_265 = arith.constant 0 : i32
      %dma_wait3A_266 = tpu.memref_slice %arg6[%run_scoped3A_224, %run_scoped3A_225, %dma_wait3A_265] : memref<3x2x120xi32, #tpu.memory_space<vmem>> -> memref<1x1x120xi32, #tpu.memory_space<vmem>>
      %dma_wait3A_267 = tpu.memref_squeeze %dma_wait3A_266 : memref<1x1x120xi32, #tpu.memory_space<vmem>> -> memref<120xi32, #tpu.memory_space<vmem>>
      %dma_wait3A_268 = arith.constant 0 : i32
      %dma_wait3A_269 = arith.constant 0 : i32
      %dma_wait3A_270 = tpu.memref_slice %arg8[%dma_wait3A_268, %dma_wait3A_269] : memref<10240x128xf32, #tpu.memory_space<vmem_shared>> -> memref<10240x128xf32, #tpu.memory_space<vmem_shared>>
      tpu.wait_indirect_dma semaphore(%run_scoped3A_250 : memref<!tpu.dma_semaphore, #tpu.memory_space<semaphore_mem>>) src(%dma_wait3A_264 : memref<120x128xf32, #tpu.memory_space<vmem>>) dst(%dma_wait3A_270 : memref<10240x128xf32, #tpu.memory_space<vmem_shared>>)
      tpu.yield
    }) : () -> ()
    %dma_wait3A_226 = arith.constant 2 : i32
    %dma_wait3A_227 = arith.constant 0 : i32
    %dma_wait3A_228 = arith.constant 2 : i32
    %dma_wait3A_229 = arith.constant 2 : i32
    %dma_wait3A_230 = arith.constant 0 : i32
    %dma_wait3A_231 = arith.constant 0 : i32
    %dma_wait3A_232 = tpu.memref_slice %arg7[%dma_wait3A_228, %dma_wait3A_230, %dma_wait3A_231] : memref<3x120x128xf32, #tpu.memory_space<vmem>> -> memref<1x120x128xf32, #tpu.memory_space<vmem>>
    %dma_wait3A_233 = tpu.memref_squeeze %dma_wait3A_232 : memref<1x120x128xf32, #tpu.memory_space<vmem>> -> memref<120x128xf32, #tpu.memory_space<vmem>>
    %dma_wait3A_234 = arith.constant 0 : i32
    %dma_wait3A_235 = tpu.memref_slice %arg6[%dma_wait3A_226, %dma_wait3A_227, %dma_wait3A_234] : memref<3x2x120xi32, #tpu.memory_space<vmem>> -> memref<1x1x120xi32, #tpu.memory_space<vmem>>
    %dma_wait3A_236 = tpu.memref_squeeze %dma_wait3A_235 : memref<1x1x120xi32, #tpu.memory_space<vmem>> -> memref<120xi32, #tpu.memory_space<vmem>>
    %dma_wait3A_237 = arith.constant 0 : i32
    %dma_wait3A_238 = arith.constant 0 : i32
    %dma_wait3A_239 = tpu.memref_slice %arg2[%dma_wait3A_237, %dma_wait3A_238] : memref<10000x128xf32, #tpu.memory_space<hbm>> -> memref<10000x128xf32, #tpu.memory_space<hbm>>
    %dma_wait3A_240 = tpu.memref_slice %arg9[%dma_wait3A_229] : memref<3x!tpu.dma_semaphore, #tpu.memory_space<semaphore_mem>> -> memref<1x!tpu.dma_semaphore, #tpu.memory_space<semaphore_mem>>
    %dma_wait3A_241 = tpu.memref_squeeze %dma_wait3A_240 : memref<1x!tpu.dma_semaphore, #tpu.memory_space<semaphore_mem>> -> memref<!tpu.dma_semaphore, #tpu.memory_space<semaphore_mem>>
    tpu.wait_indirect_dma semaphore(%dma_wait3A_241 : memref<!tpu.dma_semaphore, #tpu.memory_space<semaphore_mem>>) src(%dma_wait3A_239 : memref<10000x128xf32, #tpu.memory_space<hbm>>) dst(%dma_wait3A_233 : memref<120x128xf32, #tpu.memory_space<vmem>>)
    %run_scoped3A_242 = arith.constant 2 : i32
    %run_scoped3A_243 = arith.constant 2 : i32
    %run_scoped3A_244 = arith.constant 1 : i32
    "tpu.region"() ({
      %run_scoped3A_250 = tpu.sem_alloc : memref<!tpu.dma_semaphore, #tpu.memory_space<semaphore_mem>>
      %dma_start3A_251 = arith.constant 0 : i32
      %dma_start3A_252 = arith.constant 0 : i32
      %dma_start3A_253 = tpu.memref_slice %arg7[%run_scoped3A_242, %dma_start3A_251, %dma_start3A_252] : memref<3x120x128xf32, #tpu.memory_space<vmem>> -> memref<1x120x128xf32, #tpu.memory_space<vmem>>
      %dma_start3A_254 = tpu.memref_squeeze %dma_start3A_253 : memref<1x120x128xf32, #tpu.memory_space<vmem>> -> memref<120x128xf32, #tpu.memory_space<vmem>>
      %dma_start3A_255 = arith.constant 0 : i32
      %dma_start3A_256 = tpu.memref_slice %arg6[%run_scoped3A_243, %run_scoped3A_244, %dma_start3A_255] : memref<3x2x120xi32, #tpu.memory_space<vmem>> -> memref<1x1x120xi32, #tpu.memory_space<vmem>>
      %dma_start3A_257 = tpu.memref_squeeze %dma_start3A_256 : memref<1x1x120xi32, #tpu.memory_space<vmem>> -> memref<120xi32, #tpu.memory_space<vmem>>
      %dma_start3A_258 = arith.constant 0 : i32
      %dma_start3A_259 = arith.constant 0 : i32
      %dma_start3A_260 = tpu.memref_slice %arg8[%dma_start3A_258, %dma_start3A_259] : memref<10240x128xf32, #tpu.memory_space<vmem_shared>> -> memref<10240x128xf32, #tpu.memory_space<vmem_shared>>
      tpu.enqueue_indirect_dma source(%dma_start3A_254 : memref<120x128xf32, #tpu.memory_space<vmem>>) target(%dma_start3A_260 : memref<10240x128xf32, #tpu.memory_space<vmem_shared>>) offsets(%dma_start3A_257 : memref<120xi32, #tpu.memory_space<vmem>>) semaphore(%run_scoped3A_250 : memref<!tpu.dma_semaphore, #tpu.memory_space<semaphore_mem>>) {add = true}
      %dma_wait3A_261 = arith.constant 0 : i32
      %dma_wait3A_262 = arith.constant 0 : i32
      %dma_wait3A_263 = tpu.memref_slice %arg7[%run_scoped3A_242, %dma_wait3A_261, %dma_wait3A_262] : memref<3x120x128xf32, #tpu.memory_space<vmem>> -> memref<1x120x128xf32, #tpu.memory_space<vmem>>
      %dma_wait3A_264 = tpu.memref_squeeze %dma_wait3A_263 : memref<1x120x128xf32, #tpu.memory_space<vmem>> -> memref<120x128xf32, #tpu.memory_space<vmem>>
      %dma_wait3A_265 = arith.constant 0 : i32
      %dma_wait3A_266 = tpu.memref_slice %arg6[%run_scoped3A_243, %run_scoped3A_244, %dma_wait3A_265] : memref<3x2x120xi32, #tpu.memory_space<vmem>> -> memref<1x1x120xi32, #tpu.memory_space<vmem>>
      %dma_wait3A_267 = tpu.memref_squeeze %dma_wait3A_266 : memref<1x1x120xi32, #tpu.memory_space<vmem>> -> memref<120xi32, #tpu.memory_space<vmem>>
      %dma_wait3A_268 = arith.constant 0 : i32
      %dma_wait3A_269 = arith.constant 0 : i32
      %dma_wait3A_270 = tpu.memref_slice %arg8[%dma_wait3A_268, %dma_wait3A_269] : memref<10240x128xf32, #tpu.memory_space<vmem_shared>> -> memref<10240x128xf32, #tpu.memory_space<vmem_shared>>
      tpu.wait_indirect_dma semaphore(%run_scoped3A_250 : memref<!tpu.dma_semaphore, #tpu.memory_space<semaphore_mem>>) src(%dma_wait3A_264 : memref<120x128xf32, #tpu.memory_space<vmem>>) dst(%dma_wait3A_270 : memref<10240x128xf32, #tpu.memory_space<vmem_shared>>)
      tpu.yield
    }) : () -> ()
    %barrier3A_245 = arith.constant 0 : index
    tpu.barrier barrier_id(%barrier3A_245)
    %mul3A_246 = arith.constant 640 : i32
    %mul3A_247 = arith.muli %arg1, %mul3A_246 : i32
    %mul3A_248 = arith.constant 640 : i32
    %mul3A_249 = arith.muli %arg1, %mul3A_248 : i32
    "tpu.region"() ({
      %run_scoped3A_250 = tpu.sem_alloc : memref<!tpu.dma_semaphore, #tpu.memory_space<semaphore_mem>>
      %dma_start3A_251 = arith.constant 0 : i32
      %dma_start3A_252 = tpu.memref_slice %arg5[%arg0, %mul3A_249, %dma_start3A_251] : memref<2x10240x128xf32, #tpu.memory_space<hbm>> -> memref<1x640x128xf32, #tpu.memory_space<hbm>>
      %dma_start3A_253 = tpu.memref_squeeze %dma_start3A_252 : memref<1x640x128xf32, #tpu.memory_space<hbm>> -> memref<640x128xf32, #tpu.memory_space<hbm>>
      %dma_start3A_254 = arith.constant 0 : i32
      %dma_start3A_255 = tpu.memref_slice %arg8[%mul3A_247, %dma_start3A_254] : memref<10240x128xf32, #tpu.memory_space<vmem_shared>> -> memref<640x128xf32, #tpu.memory_space<vmem_shared>>
      tpu.enqueue_dma source(%dma_start3A_255 : memref<640x128xf32, #tpu.memory_space<vmem_shared>>) target(%dma_start3A_253 : memref<640x128xf32, #tpu.memory_space<hbm>>) target_semaphore(%run_scoped3A_250 : memref<!tpu.dma_semaphore, #tpu.memory_space<semaphore_mem>>)
      %dma_wait3A_256 = arith.constant 0 : i32
      %dma_wait3A_257 = tpu.memref_slice %arg5[%arg0, %mul3A_249, %dma_wait3A_256] : memref<2x10240x128xf32, #tpu.memory_space<hbm>> -> memref<1x640x128xf32, #tpu.memory_space<hbm>>
      %dma_wait3A_258 = tpu.memref_squeeze %dma_wait3A_257 : memref<1x640x128xf32, #tpu.memory_space<hbm>> -> memref<640x128xf32, #tpu.memory_space<hbm>>
      %dma_wait3A_259 = arith.constant 0 : i32
      %dma_wait3A_260 = tpu.memref_slice %arg8[%mul3A_247, %dma_wait3A_259] : memref<10240x128xf32, #tpu.memory_space<vmem_shared>> -> memref<640x128xf32, #tpu.memory_space<vmem_shared>>
      tpu.wait_dma2 semaphore(%run_scoped3A_250 : memref<!tpu.dma_semaphore, #tpu.memory_space<semaphore_mem>>) src(%dma_wait3A_260 : memref<640x128xf32, #tpu.memory_space<vmem_shared>>) dst(%dma_wait3A_258 : memref<640x128xf32, #tpu.memory_space<hbm>>)
      tpu.yield
    }) : () -> ()
    return
  }
}

#map = affine_map<(d0, d1) -> (0, 0)>
#map1 = affine_map<(d0, d1) -> (0, 0, 0)>
module attributes {stable_mosaic.version = 14 : i64} {
  func.func @_ppass_body(%arg0: i32, %arg1: i32, %arg2: memref<10000x128xf32, #tpu.memory_space<hbm>>, %arg3: memref<2688x2x120xi32, #tpu.memory_space<hbm>>, %arg4: memref<640x128xf32, #tpu.memory_space<hbm>>, %arg5: memref<2x10240x128xf32, #tpu.memory_space<hbm>>, %arg6: memref<3x2x120xi32, #tpu.memory_space<vmem>>, %arg7: memref<3x120x128xf32, #tpu.memory_space<vmem>>, %arg8: memref<10240x128xf32, #tpu.memory_space<vmem_shared>>, %arg9: memref<3x!tpu.dma_semaphore, #tpu.memory_space<semaphore_mem>>, %arg10: memref<3x!tpu.dma_semaphore, #tpu.memory_space<semaphore_mem>>) attributes {dimension_semantics = [#tpu.dimension_semantics<core_parallel>, #tpu.dimension_semantics<subcore_parallel>], iteration_bounds = array<i64: 2, 16>, scalar_prefetch = 0 : i64, scratch_operands = 5 : i64, tpu.core_type = #tpu.core_type<sc_vector_subcore>, window_params = [{transform_indices = #map}, {transform_indices = #map1}, {transform_indices = #map}, {transform_indices = #map1}]} {
    %mul3A = arith.constant 2 : i32
    %mul3A_0 = arith.muli %arg1, %mul3A : i32
    %add3A = arith.addi %mul3A_0, %arg0 : i32
    %add3A_1 = arith.constant 0 : i32
    %add3A_2 = arith.addi %add3A, %add3A_1 : i32
    %min3A = arith.constant 2687 : i32
    %min3A_3 = arith.minsi %add3A_2, %min3A : i32
    %dma_start3A = arith.constant 0 : i32
    %dma_start3A_4 = arith.constant 0 : i32
    %dma_start3A_5 = arith.constant 0 : i32
    %dma_start3A_6 = arith.constant 0 : i32
    %dma_start3A_7 = tpu.memref_slice %arg6[%dma_start3A, %dma_start3A_5, %dma_start3A_6] : memref<3x2x120xi32, #tpu.memory_space<vmem>> -> memref<1x2x120xi32, #tpu.memory_space<vmem>>
    %dma_start3A_8 = tpu.memref_squeeze %dma_start3A_7 : memref<1x2x120xi32, #tpu.memory_space<vmem>> -> memref<2x120xi32, #tpu.memory_space<vmem>>
    %dma_start3A_9 = arith.constant 0 : i32
    %dma_start3A_10 = arith.constant 0 : i32
    %dma_start3A_11 = tpu.memref_slice %arg3[%min3A_3, %dma_start3A_9, %dma_start3A_10] : memref<2688x2x120xi32, #tpu.memory_space<hbm>> -> memref<1x2x120xi32, #tpu.memory_space<hbm>>
    %dma_start3A_12 = tpu.memref_squeeze %dma_start3A_11 : memref<1x2x120xi32, #tpu.memory_space<hbm>> -> memref<2x120xi32, #tpu.memory_space<hbm>>
    %dma_start3A_13 = tpu.memref_slice %arg10[%dma_start3A_4] : memref<3x!tpu.dma_semaphore, #tpu.memory_space<semaphore_mem>> -> memref<1x!tpu.dma_semaphore, #tpu.memory_space<semaphore_mem>>
    %dma_start3A_14 = tpu.memref_squeeze %dma_start3A_13 : memref<1x!tpu.dma_semaphore, #tpu.memory_space<semaphore_mem>> -> memref<!tpu.dma_semaphore, #tpu.memory_space<semaphore_mem>>
    %dma_start3A_15 = arith.constant 0 : i32
    %dma_start3A_16 = arith.constant 0 : i32
    %dma_start3A_17 = tpu.memref_slice %arg6[%dma_start3A, %dma_start3A_15, %dma_start3A_16] : memref<3x2x120xi32, #tpu.memory_space<vmem>> -> memref<1x2x120xi32, #tpu.memory_space<vmem>>
    %dma_start3A_18 = tpu.memref_squeeze %dma_start3A_17 : memref<1x2x120xi32, #tpu.memory_space<vmem>> -> memref<2x120xi32, #tpu.memory_space<vmem>>
    %dma_start3A_19 = arith.constant 0 : i32
    %dma_start3A_20 = arith.constant 0 : i32
    %dma_start3A_21 = tpu.memref_slice %arg3[%min3A_3, %dma_start3A_19, %dma_start3A_20] : memref<2688x2x120xi32, #tpu.memory_space<hbm>> -> memref<1x2x120xi32, #tpu.memory_space<hbm>>
    %dma_start3A_22 = tpu.memref_squeeze %dma_start3A_21 : memref<1x2x120xi32, #tpu.memory_space<hbm>> -> memref<2x120xi32, #tpu.memory_space<hbm>>
    tpu.enqueue_dma source(%dma_start3A_22 : memref<2x120xi32, #tpu.memory_space<hbm>>) target(%dma_start3A_18 : memref<2x120xi32, #tpu.memory_space<vmem>>) target_semaphore(%dma_start3A_14 : memref<!tpu.dma_semaphore, #tpu.memory_space<semaphore_mem>>)
    %add3A_23 = arith.constant 32 : i32
    %add3A_24 = arith.addi %add3A, %add3A_23 : i32
    %min3A_25 = arith.constant 2687 : i32
    %min3A_26 = arith.minsi %add3A_24, %min3A_25 : i32
    %dma_start3A_27 = arith.constant 1 : i32
    %dma_start3A_28 = arith.constant 1 : i32
    %dma_start3A_29 = arith.constant 0 : i32
    %dma_start3A_30 = arith.constant 0 : i32
    %dma_start3A_31 = tpu.memref_slice %arg6[%dma_start3A_27, %dma_start3A_29, %dma_start3A_30] : memref<3x2x120xi32, #tpu.memory_space<vmem>> -> memref<1x2x120xi32, #tpu.memory_space<vmem>>
    %dma_start3A_32 = tpu.memref_squeeze %dma_start3A_31 : memref<1x2x120xi32, #tpu.memory_space<vmem>> -> memref<2x120xi32, #tpu.memory_space<vmem>>
    %dma_start3A_33 = arith.constant 0 : i32
    %dma_start3A_34 = arith.constant 0 : i32
    %dma_start3A_35 = tpu.memref_slice %arg3[%min3A_26, %dma_start3A_33, %dma_start3A_34] : memref<2688x2x120xi32, #tpu.memory_space<hbm>> -> memref<1x2x120xi32, #tpu.memory_space<hbm>>
    %dma_start3A_36 = tpu.memref_squeeze %dma_start3A_35 : memref<1x2x120xi32, #tpu.memory_space<hbm>> -> memref<2x120xi32, #tpu.memory_space<hbm>>
    %dma_start3A_37 = tpu.memref_slice %arg10[%dma_start3A_28] : memref<3x!tpu.dma_semaphore, #tpu.memory_space<semaphore_mem>> -> memref<1x!tpu.dma_semaphore, #tpu.memory_space<semaphore_mem>>
    %dma_start3A_38 = tpu.memref_squeeze %dma_start3A_37 : memref<1x!tpu.dma_semaphore, #tpu.memory_space<semaphore_mem>> -> memref<!tpu.dma_semaphore, #tpu.memory_space<semaphore_mem>>
    %dma_start3A_39 = arith.constant 0 : i32
    %dma_start3A_40 = arith.constant 0 : i32
    %dma_start3A_41 = tpu.memref_slice %arg6[%dma_start3A_27, %dma_start3A_39, %dma_start3A_40] : memref<3x2x120xi32, #tpu.memory_space<vmem>> -> memref<1x2x120xi32, #tpu.memory_space<vmem>>
    %dma_start3A_42 = tpu.memref_squeeze %dma_start3A_41 : memref<1x2x120xi32, #tpu.memory_space<vmem>> -> memref<2x120xi32, #tpu.memory_space<vmem>>
    %dma_start3A_43 = arith.constant 0 : i32
    %dma_start3A_44 = arith.constant 0 : i32
    %dma_start3A_45 = tpu.memref_slice %arg3[%min3A_26, %dma_start3A_43, %dma_start3A_44] : memref<2688x2x120xi32, #tpu.memory_space<hbm>> -> memref<1x2x120xi32, #tpu.memory_space<hbm>>
    %dma_start3A_46 = tpu.memref_squeeze %dma_start3A_45 : memref<1x2x120xi32, #tpu.memory_space<hbm>> -> memref<2x120xi32, #tpu.memory_space<hbm>>
    tpu.enqueue_dma source(%dma_start3A_46 : memref<2x120xi32, #tpu.memory_space<hbm>>) target(%dma_start3A_42 : memref<2x120xi32, #tpu.memory_space<vmem>>) target_semaphore(%dma_start3A_38 : memref<!tpu.dma_semaphore, #tpu.memory_space<semaphore_mem>>)
    %dma_wait3A = arith.constant 0 : i32
    %dma_wait3A_47 = arith.constant 0 : i32
    %dma_wait3A_48 = arith.constant 0 : i32
    %dma_wait3A_49 = arith.constant 0 : i32
    %dma_wait3A_50 = arith.constant 0 : i32
    %dma_wait3A_51 = tpu.memref_slice %arg6[%dma_wait3A_47, %dma_wait3A_49, %dma_wait3A_50] : memref<3x2x120xi32, #tpu.memory_space<vmem>> -> memref<1x2x120xi32, #tpu.memory_space<vmem>>
    %dma_wait3A_52 = tpu.memref_squeeze %dma_wait3A_51 : memref<1x2x120xi32, #tpu.memory_space<vmem>> -> memref<2x120xi32, #tpu.memory_space<vmem>>
    %dma_wait3A_53 = arith.constant 0 : i32
    %dma_wait3A_54 = arith.constant 0 : i32
    %dma_wait3A_55 = tpu.memref_slice %arg3[%dma_wait3A, %dma_wait3A_53, %dma_wait3A_54] : memref<2688x2x120xi32, #tpu.memory_space<hbm>> -> memref<1x2x120xi32, #tpu.memory_space<hbm>>
    %dma_wait3A_56 = tpu.memref_squeeze %dma_wait3A_55 : memref<1x2x120xi32, #tpu.memory_space<hbm>> -> memref<2x120xi32, #tpu.memory_space<hbm>>
    %dma_wait3A_57 = tpu.memref_slice %arg10[%dma_wait3A_48] : memref<3x!tpu.dma_semaphore, #tpu.memory_space<semaphore_mem>> -> memref<1x!tpu.dma_semaphore, #tpu.memory_space<semaphore_mem>>
    %dma_wait3A_58 = tpu.memref_squeeze %dma_wait3A_57 : memref<1x!tpu.dma_semaphore, #tpu.memory_space<semaphore_mem>> -> memref<!tpu.dma_semaphore, #tpu.memory_space<semaphore_mem>>
    %dma_wait3A_59 = arith.constant 0 : i32
    %dma_wait3A_60 = arith.constant 0 : i32
    %dma_wait3A_61 = tpu.memref_slice %arg6[%dma_wait3A_47, %dma_wait3A_59, %dma_wait3A_60] : memref<3x2x120xi32, #tpu.memory_space<vmem>> -> memref<1x2x120xi32, #tpu.memory_space<vmem>>
    %dma_wait3A_62 = tpu.memref_squeeze %dma_wait3A_61 : memref<1x2x120xi32, #tpu.memory_space<vmem>> -> memref<2x120xi32, #tpu.memory_space<vmem>>
    %dma_wait3A_63 = arith.constant 0 : i32
    %dma_wait3A_64 = arith.constant 0 : i32
    %dma_wait3A_65 = tpu.memref_slice %arg3[%dma_wait3A, %dma_wait3A_63, %dma_wait3A_64] : memref<2688x2x120xi32, #tpu.memory_space<hbm>> -> memref<1x2x120xi32, #tpu.memory_space<hbm>>
    %dma_wait3A_66 = tpu.memref_squeeze %dma_wait3A_65 : memref<1x2x120xi32, #tpu.memory_space<hbm>> -> memref<2x120xi32, #tpu.memory_space<hbm>>
    tpu.wait_dma2 semaphore(%dma_wait3A_58 : memref<!tpu.dma_semaphore, #tpu.memory_space<semaphore_mem>>) src(%dma_wait3A_66 : memref<2x120xi32, #tpu.memory_space<hbm>>) dst(%dma_wait3A_62 : memref<2x120xi32, #tpu.memory_space<vmem>>)
    %dma_start3A_67 = arith.constant 0 : i32
    %dma_start3A_68 = arith.constant 0 : i32
    %dma_start3A_69 = arith.constant 0 : i32
    %dma_start3A_70 = arith.constant 0 : i32
    %dma_start3A_71 = arith.constant 0 : i32
    %dma_start3A_72 = arith.constant 0 : i32
    %dma_start3A_73 = tpu.memref_slice %arg7[%dma_start3A_69, %dma_start3A_71, %dma_start3A_72] : memref<3x120x128xf32, #tpu.memory_space<vmem>> -> memref<1x120x128xf32, #tpu.memory_space<vmem>>
    %dma_start3A_74 = tpu.memref_squeeze %dma_start3A_73 : memref<1x120x128xf32, #tpu.memory_space<vmem>> -> memref<120x128xf32, #tpu.memory_space<vmem>>
    %dma_start3A_75 = arith.constant 0 : i32
    %dma_start3A_76 = tpu.memref_slice %arg6[%dma_start3A_67, %dma_start3A_68, %dma_start3A_75] : memref<3x2x120xi32, #tpu.memory_space<vmem>> -> memref<1x1x120xi32, #tpu.memory_space<vmem>>
    %dma_start3A_77 = tpu.memref_squeeze %dma_start3A_76 : memref<1x1x120xi32, #tpu.memory_space<vmem>> -> memref<120xi32, #tpu.memory_space<vmem>>
    %dma_start3A_78 = arith.constant 0 : i32
    %dma_start3A_79 = arith.constant 0 : i32
    %dma_start3A_80 = tpu.memref_slice %arg2[%dma_start3A_78, %dma_start3A_79] : memref<10000x128xf32, #tpu.memory_space<hbm>> -> memref<10000x128xf32, #tpu.memory_space<hbm>>
    %dma_start3A_81 = tpu.memref_slice %arg9[%dma_start3A_70] : memref<3x!tpu.dma_semaphore, #tpu.memory_space<semaphore_mem>> -> memref<1x!tpu.dma_semaphore, #tpu.memory_space<semaphore_mem>>
    %dma_start3A_82 = tpu.memref_squeeze %dma_start3A_81 : memref<1x!tpu.dma_semaphore, #tpu.memory_space<semaphore_mem>> -> memref<!tpu.dma_semaphore, #tpu.memory_space<semaphore_mem>>
    tpu.enqueue_indirect_dma source(%dma_start3A_80 : memref<10000x128xf32, #tpu.memory_space<hbm>>) target(%dma_start3A_74 : memref<120x128xf32, #tpu.memory_space<vmem>>) offsets(%dma_start3A_77 : memref<120xi32, #tpu.memory_space<vmem>>) semaphore(%dma_start3A_82 : memref<!tpu.dma_semaphore, #tpu.memory_space<semaphore_mem>>)
    %dma_wait3A_83 = arith.constant 0 : i32
    %dma_wait3A_84 = arith.constant 1 : i32
    %dma_wait3A_85 = arith.constant 1 : i32
    %dma_wait3A_86 = arith.constant 0 : i32
    %dma_wait3A_87 = arith.constant 0 : i32
    %dma_wait3A_88 = tpu.memref_slice %arg6[%dma_wait3A_84, %dma_wait3A_86, %dma_wait3A_87] : memref<3x2x120xi32, #tpu.memory_space<vmem>> -> memref<1x2x120xi32, #tpu.memory_space<vmem>>
    %dma_wait3A_89 = tpu.memref_squeeze %dma_wait3A_88 : memref<1x2x120xi32, #tpu.memory_space<vmem>> -> memref<2x120xi32, #tpu.memory_space<vmem>>
    %dma_wait3A_90 = arith.constant 0 : i32
    %dma_wait3A_91 = arith.constant 0 : i32
    %dma_wait3A_92 = tpu.memref_slice %arg3[%dma_wait3A_83, %dma_wait3A_90, %dma_wait3A_91] : memref<2688x2x120xi32, #tpu.memory_space<hbm>> -> memref<1x2x120xi32, #tpu.memory_space<hbm>>
    %dma_wait3A_93 = tpu.memref_squeeze %dma_wait3A_92 : memref<1x2x120xi32, #tpu.memory_space<hbm>> -> memref<2x120xi32, #tpu.memory_space<hbm>>
    %dma_wait3A_94 = tpu.memref_slice %arg10[%dma_wait3A_85] : memref<3x!tpu.dma_semaphore, #tpu.memory_space<semaphore_mem>> -> memref<1x!tpu.dma_semaphore, #tpu.memory_space<semaphore_mem>>
    %dma_wait3A_95 = tpu.memref_squeeze %dma_wait3A_94 : memref<1x!tpu.dma_semaphore, #tpu.memory_space<semaphore_mem>> -> memref<!tpu.dma_semaphore, #tpu.memory_space<semaphore_mem>>
    %dma_wait3A_96 = arith.constant 0 : i32
    %dma_wait3A_97 = arith.constant 0 : i32
    %dma_wait3A_98 = tpu.memref_slice %arg6[%dma_wait3A_84, %dma_wait3A_96, %dma_wait3A_97] : memref<3x2x120xi32, #tpu.memory_space<vmem>> -> memref<1x2x120xi32, #tpu.memory_space<vmem>>
    %dma_wait3A_99 = tpu.memref_squeeze %dma_wait3A_98 : memref<1x2x120xi32, #tpu.memory_space<vmem>> -> memref<2x120xi32, #tpu.memory_space<vmem>>
    %dma_wait3A_100 = arith.constant 0 : i32
    %dma_wait3A_101 = arith.constant 0 : i32
    %dma_wait3A_102 = tpu.memref_slice %arg3[%dma_wait3A_83, %dma_wait3A_100, %dma_wait3A_101] : memref<2688x2x120xi32, #tpu.memory_space<hbm>> -> memref<1x2x120xi32, #tpu.memory_space<hbm>>
    %dma_wait3A_103 = tpu.memref_squeeze %dma_wait3A_102 : memref<1x2x120xi32, #tpu.memory_space<hbm>> -> memref<2x120xi32, #tpu.memory_space<hbm>>
    tpu.wait_dma2 semaphore(%dma_wait3A_95 : memref<!tpu.dma_semaphore, #tpu.memory_space<semaphore_mem>>) src(%dma_wait3A_103 : memref<2x120xi32, #tpu.memory_space<hbm>>) dst(%dma_wait3A_99 : memref<2x120xi32, #tpu.memory_space<vmem>>)
    %dma_start3A_104 = arith.constant 1 : i32
    %dma_start3A_105 = arith.constant 0 : i32
    %dma_start3A_106 = arith.constant 1 : i32
    %dma_start3A_107 = arith.constant 1 : i32
    %dma_start3A_108 = arith.constant 0 : i32
    %dma_start3A_109 = arith.constant 0 : i32
    %dma_start3A_110 = tpu.memref_slice %arg7[%dma_start3A_106, %dma_start3A_108, %dma_start3A_109] : memref<3x120x128xf32, #tpu.memory_space<vmem>> -> memref<1x120x128xf32, #tpu.memory_space<vmem>>
    %dma_start3A_111 = tpu.memref_squeeze %dma_start3A_110 : memref<1x120x128xf32, #tpu.memory_space<vmem>> -> memref<120x128xf32, #tpu.memory_space<vmem>>
    %dma_start3A_112 = arith.constant 0 : i32
    %dma_start3A_113 = tpu.memref_slice %arg6[%dma_start3A_104, %dma_start3A_105, %dma_start3A_112] : memref<3x2x120xi32, #tpu.memory_space<vmem>> -> memref<1x1x120xi32, #tpu.memory_space<vmem>>
    %dma_start3A_114 = tpu.memref_squeeze %dma_start3A_113 : memref<1x1x120xi32, #tpu.memory_space<vmem>> -> memref<120xi32, #tpu.memory_space<vmem>>
    %dma_start3A_115 = arith.constant 0 : i32
    %dma_start3A_116 = arith.constant 0 : i32
    %dma_start3A_117 = tpu.memref_slice %arg2[%dma_start3A_115, %dma_start3A_116] : memref<10000x128xf32, #tpu.memory_space<hbm>> -> memref<10000x128xf32, #tpu.memory_space<hbm>>
    %dma_start3A_118 = tpu.memref_slice %arg9[%dma_start3A_107] : memref<3x!tpu.dma_semaphore, #tpu.memory_space<semaphore_mem>> -> memref<1x!tpu.dma_semaphore, #tpu.memory_space<semaphore_mem>>
    %dma_start3A_119 = tpu.memref_squeeze %dma_start3A_118 : memref<1x!tpu.dma_semaphore, #tpu.memory_space<semaphore_mem>> -> memref<!tpu.dma_semaphore, #tpu.memory_space<semaphore_mem>>
    tpu.enqueue_indirect_dma source(%dma_start3A_117 : memref<10000x128xf32, #tpu.memory_space<hbm>>) target(%dma_start3A_111 : memref<120x128xf32, #tpu.memory_space<vmem>>) offsets(%dma_start3A_114 : memref<120xi32, #tpu.memory_space<vmem>>) semaphore(%dma_start3A_119 : memref<!tpu.dma_semaphore, #tpu.memory_space<semaphore_mem>>)
    %add3A_120 = arith.constant 64 : i32
    %add3A_121 = arith.addi %add3A, %add3A_120 : i32
    %min3A_122 = arith.constant 2687 : i32
    %min3A_123 = arith.minsi %add3A_121, %min3A_122 : i32
    %dma_start3A_124 = arith.constant 2 : i32
    %dma_start3A_125 = arith.constant 2 : i32
    %dma_start3A_126 = arith.constant 0 : i32
    %dma_start3A_127 = arith.constant 0 : i32
    %dma_start3A_128 = tpu.memref_slice %arg6[%dma_start3A_124, %dma_start3A_126, %dma_start3A_127] : memref<3x2x120xi32, #tpu.memory_space<vmem>> -> memref<1x2x120xi32, #tpu.memory_space<vmem>>
    %dma_start3A_129 = tpu.memref_squeeze %dma_start3A_128 : memref<1x2x120xi32, #tpu.memory_space<vmem>> -> memref<2x120xi32, #tpu.memory_space<vmem>>
    %dma_start3A_130 = arith.constant 0 : i32
    %dma_start3A_131 = arith.constant 0 : i32
    %dma_start3A_132 = tpu.memref_slice %arg3[%min3A_123, %dma_start3A_130, %dma_start3A_131] : memref<2688x2x120xi32, #tpu.memory_space<hbm>> -> memref<1x2x120xi32, #tpu.memory_space<hbm>>
    %dma_start3A_133 = tpu.memref_squeeze %dma_start3A_132 : memref<1x2x120xi32, #tpu.memory_space<hbm>> -> memref<2x120xi32, #tpu.memory_space<hbm>>
    %dma_start3A_134 = tpu.memref_slice %arg10[%dma_start3A_125] : memref<3x!tpu.dma_semaphore, #tpu.memory_space<semaphore_mem>> -> memref<1x!tpu.dma_semaphore, #tpu.memory_space<semaphore_mem>>
    %dma_start3A_135 = tpu.memref_squeeze %dma_start3A_134 : memref<1x!tpu.dma_semaphore, #tpu.memory_space<semaphore_mem>> -> memref<!tpu.dma_semaphore, #tpu.memory_space<semaphore_mem>>
    %dma_start3A_136 = arith.constant 0 : i32
    %dma_start3A_137 = arith.constant 0 : i32
    %dma_start3A_138 = tpu.memref_slice %arg6[%dma_start3A_124, %dma_start3A_136, %dma_start3A_137] : memref<3x2x120xi32, #tpu.memory_space<vmem>> -> memref<1x2x120xi32, #tpu.memory_space<vmem>>
    %dma_start3A_139 = tpu.memref_squeeze %dma_start3A_138 : memref<1x2x120xi32, #tpu.memory_space<vmem>> -> memref<2x120xi32, #tpu.memory_space<vmem>>
    %dma_start3A_140 = arith.constant 0 : i32
    %dma_start3A_141 = arith.constant 0 : i32
    %dma_start3A_142 = tpu.memref_slice %arg3[%min3A_123, %dma_start3A_140, %dma_start3A_141] : memref<2688x2x120xi32, #tpu.memory_space<hbm>> -> memref<1x2x120xi32, #tpu.memory_space<hbm>>
    %dma_start3A_143 = tpu.memref_squeeze %dma_start3A_142 : memref<1x2x120xi32, #tpu.memory_space<hbm>> -> memref<2x120xi32, #tpu.memory_space<hbm>>
    tpu.enqueue_dma source(%dma_start3A_143 : memref<2x120xi32, #tpu.memory_space<hbm>>) target(%dma_start3A_139 : memref<2x120xi32, #tpu.memory_space<vmem>>) target_semaphore(%dma_start3A_135 : memref<!tpu.dma_semaphore, #tpu.memory_space<semaphore_mem>>)
    %mul3A_144 = arith.constant 640 : i32
    %mul3A_145 = arith.muli %arg1, %mul3A_144 : i32
    "tpu.region"() ({
      %run_scoped3A_250 = tpu.sem_alloc : memref<!tpu.dma_semaphore, #tpu.memory_space<semaphore_mem>>
      %dma_start3A_251 = arith.constant 0 : i32
      %dma_start3A_252 = tpu.memref_slice %arg8[%mul3A_145, %dma_start3A_251] : memref<10240x128xf32, #tpu.memory_space<vmem_shared>> -> memref<640x128xf32, #tpu.memory_space<vmem_shared>>
      tpu.enqueue_dma source(%arg4 : memref<640x128xf32, #tpu.memory_space<hbm>>) target(%dma_start3A_252 : memref<640x128xf32, #tpu.memory_space<vmem_shared>>) target_semaphore(%run_scoped3A_250 : memref<!tpu.dma_semaphore, #tpu.memory_space<semaphore_mem>>)
      %dma_wait3A_253 = arith.constant 0 : i32
      %dma_wait3A_254 = tpu.memref_slice %arg8[%mul3A_145, %dma_wait3A_253] : memref<10240x128xf32, #tpu.memory_space<vmem_shared>> -> memref<640x128xf32, #tpu.memory_space<vmem_shared>>
      tpu.wait_dma2 semaphore(%run_scoped3A_250 : memref<!tpu.dma_semaphore, #tpu.memory_space<semaphore_mem>>) src(%arg4 : memref<640x128xf32, #tpu.memory_space<hbm>>) dst(%dma_wait3A_254 : memref<640x128xf32, #tpu.memory_space<vmem_shared>>)
      tpu.yield
    }) : () -> ()
    %barrier3A = arith.constant 0 : index
    tpu.barrier barrier_id(%barrier3A)
    %scan3A = arith.constant 0 : i32
    %scan3A_146 = arith.constant 0 : i32
    %scan3A_147 = arith.constant 27 : i32
    %scan3A_148 = arith.addi %scan3A_146, %scan3A_147 : i32
    %scan3A_149 = arith.constant 1 : i32
    %scan3A_150 = scf.for %scan3A_250 = %scan3A_146 to %scan3A_148 step %scan3A_149 iter_args(%scan3A_251 = %scan3A) -> (i32)  : i32 {
      %mul3A_252 = arith.constant 3 : i32
      %mul3A_253 = arith.muli %mul3A_252, %scan3A_250 : i32
      %add3A_254 = arith.constant 0 : i32
      %add3A_255 = arith.addi %mul3A_253, %add3A_254 : i32
      %dma_wait3A_256 = arith.constant 0 : i32
      %dma_wait3A_257 = arith.constant 2 : i32
      %dma_wait3A_258 = arith.constant 2 : i32
      %dma_wait3A_259 = arith.constant 0 : i32
      %dma_wait3A_260 = arith.constant 0 : i32
      %dma_wait3A_261 = tpu.memref_slice %arg6[%dma_wait3A_257, %dma_wait3A_259, %dma_wait3A_260] : memref<3x2x120xi32, #tpu.memory_space<vmem>> -> memref<1x2x120xi32, #tpu.memory_space<vmem>>
      %dma_wait3A_262 = tpu.memref_squeeze %dma_wait3A_261 : memref<1x2x120xi32, #tpu.memory_space<vmem>> -> memref<2x120xi32, #tpu.memory_space<vmem>>
      %dma_wait3A_263 = arith.constant 0 : i32
      %dma_wait3A_264 = arith.constant 0 : i32
      %dma_wait3A_265 = tpu.memref_slice %arg3[%dma_wait3A_256, %dma_wait3A_263, %dma_wait3A_264] : memref<2688x2x120xi32, #tpu.memory_space<hbm>> -> memref<1x2x120xi32, #tpu.memory_space<hbm>>
      %dma_wait3A_266 = tpu.memref_squeeze %dma_wait3A_265 : memref<1x2x120xi32, #tpu.memory_space<hbm>> -> memref<2x120xi32, #tpu.memory_space<hbm>>
      %dma_wait3A_267 = tpu.memref_slice %arg10[%dma_wait3A_258] : memref<3x!tpu.dma_semaphore, #tpu.memory_space<semaphore_mem>> -> memref<1x!tpu.dma_semaphore, #tpu.memory_space<semaphore_mem>>
      %dma_wait3A_268 = tpu.memref_squeeze %dma_wait3A_267 : memref<1x!tpu.dma_semaphore, #tpu.memory_space<semaphore_mem>> -> memref<!tpu.dma_semaphore, #tpu.memory_space<semaphore_mem>>
      %dma_wait3A_269 = arith.constant 0 : i32
      %dma_wait3A_270 = arith.constant 0 : i32
      %dma_wait3A_271 = tpu.memref_slice %arg6[%dma_wait3A_257, %dma_wait3A_269, %dma_wait3A_270] : memref<3x2x120xi32, #tpu.memory_space<vmem>> -> memref<1x2x120xi32, #tpu.memory_space<vmem>>
      %dma_wait3A_272 = tpu.memref_squeeze %dma_wait3A_271 : memref<1x2x120xi32, #tpu.memory_space<vmem>> -> memref<2x120xi32, #tpu.memory_space<vmem>>
      %dma_wait3A_273 = arith.constant 0 : i32
      %dma_wait3A_274 = arith.constant 0 : i32
      %dma_wait3A_275 = tpu.memref_slice %arg3[%dma_wait3A_256, %dma_wait3A_273, %dma_wait3A_274] : memref<2688x2x120xi32, #tpu.memory_space<hbm>> -> memref<1x2x120xi32, #tpu.memory_space<hbm>>
      %dma_wait3A_276 = tpu.memref_squeeze %dma_wait3A_275 : memref<1x2x120xi32, #tpu.memory_space<hbm>> -> memref<2x120xi32, #tpu.memory_space<hbm>>
      tpu.wait_dma2 semaphore(%dma_wait3A_268 : memref<!tpu.dma_semaphore, #tpu.memory_space<semaphore_mem>>) src(%dma_wait3A_276 : memref<2x120xi32, #tpu.memory_space<hbm>>) dst(%dma_wait3A_272 : memref<2x120xi32, #tpu.memory_space<vmem>>)
      %dma_start3A_277 = arith.constant 2 : i32
      %dma_start3A_278 = arith.constant 0 : i32
      %dma_start3A_279 = arith.constant 2 : i32
      %dma_start3A_280 = arith.constant 2 : i32
      %dma_start3A_281 = arith.constant 0 : i32
      %dma_start3A_282 = arith.constant 0 : i32
      %dma_start3A_283 = tpu.memref_slice %arg7[%dma_start3A_279, %dma_start3A_281, %dma_start3A_282] : memref<3x120x128xf32, #tpu.memory_space<vmem>> -> memref<1x120x128xf32, #tpu.memory_space<vmem>>
      %dma_start3A_284 = tpu.memref_squeeze %dma_start3A_283 : memref<1x120x128xf32, #tpu.memory_space<vmem>> -> memref<120x128xf32, #tpu.memory_space<vmem>>
      %dma_start3A_285 = arith.constant 0 : i32
      %dma_start3A_286 = tpu.memref_slice %arg6[%dma_start3A_277, %dma_start3A_278, %dma_start3A_285] : memref<3x2x120xi32, #tpu.memory_space<vmem>> -> memref<1x1x120xi32, #tpu.memory_space<vmem>>
      %dma_start3A_287 = tpu.memref_squeeze %dma_start3A_286 : memref<1x1x120xi32, #tpu.memory_space<vmem>> -> memref<120xi32, #tpu.memory_space<vmem>>
      %dma_start3A_288 = arith.constant 0 : i32
      %dma_start3A_289 = arith.constant 0 : i32
      %dma_start3A_290 = tpu.memref_slice %arg2[%dma_start3A_288, %dma_start3A_289] : memref<10000x128xf32, #tpu.memory_space<hbm>> -> memref<10000x128xf32, #tpu.memory_space<hbm>>
      %dma_start3A_291 = tpu.memref_slice %arg9[%dma_start3A_280] : memref<3x!tpu.dma_semaphore, #tpu.memory_space<semaphore_mem>> -> memref<1x!tpu.dma_semaphore, #tpu.memory_space<semaphore_mem>>
      %dma_start3A_292 = tpu.memref_squeeze %dma_start3A_291 : memref<1x!tpu.dma_semaphore, #tpu.memory_space<semaphore_mem>> -> memref<!tpu.dma_semaphore, #tpu.memory_space<semaphore_mem>>
      tpu.enqueue_indirect_dma source(%dma_start3A_290 : memref<10000x128xf32, #tpu.memory_space<hbm>>) target(%dma_start3A_284 : memref<120x128xf32, #tpu.memory_space<vmem>>) offsets(%dma_start3A_287 : memref<120xi32, #tpu.memory_space<vmem>>) semaphore(%dma_start3A_292 : memref<!tpu.dma_semaphore, #tpu.memory_space<semaphore_mem>>)
      %dma_wait3A_293 = arith.constant 0 : i32
      %dma_wait3A_294 = arith.constant 0 : i32
      %dma_wait3A_295 = arith.constant 0 : i32
      %dma_wait3A_296 = arith.constant 0 : i32
      %dma_wait3A_297 = arith.constant 0 : i32
      %dma_wait3A_298 = arith.constant 0 : i32
      %dma_wait3A_299 = tpu.memref_slice %arg7[%dma_wait3A_295, %dma_wait3A_297, %dma_wait3A_298] : memref<3x120x128xf32, #tpu.memory_space<vmem>> -> memref<1x120x128xf32, #tpu.memory_space<vmem>>
      %dma_wait3A_300 = tpu.memref_squeeze %dma_wait3A_299 : memref<1x120x128xf32, #tpu.memory_space<vmem>> -> memref<120x128xf32, #tpu.memory_space<vmem>>
      %dma_wait3A_301 = arith.constant 0 : i32
      %dma_wait3A_302 = tpu.memref_slice %arg6[%dma_wait3A_293, %dma_wait3A_294, %dma_wait3A_301] : memref<3x2x120xi32, #tpu.memory_space<vmem>> -> memref<1x1x120xi32, #tpu.memory_space<vmem>>
      %dma_wait3A_303 = tpu.memref_squeeze %dma_wait3A_302 : memref<1x1x120xi32, #tpu.memory_space<vmem>> -> memref<120xi32, #tpu.memory_space<vmem>>
      %dma_wait3A_304 = arith.constant 0 : i32
      %dma_wait3A_305 = arith.constant 0 : i32
      %dma_wait3A_306 = tpu.memref_slice %arg2[%dma_wait3A_304, %dma_wait3A_305] : memref<10000x128xf32, #tpu.memory_space<hbm>> -> memref<10000x128xf32, #tpu.memory_space<hbm>>
      %dma_wait3A_307 = tpu.memref_slice %arg9[%dma_wait3A_296] : memref<3x!tpu.dma_semaphore, #tpu.memory_space<semaphore_mem>> -> memref<1x!tpu.dma_semaphore, #tpu.memory_space<semaphore_mem>>
      %dma_wait3A_308 = tpu.memref_squeeze %dma_wait3A_307 : memref<1x!tpu.dma_semaphore, #tpu.memory_space<semaphore_mem>> -> memref<!tpu.dma_semaphore, #tpu.memory_space<semaphore_mem>>
      tpu.wait_indirect_dma semaphore(%dma_wait3A_308 : memref<!tpu.dma_semaphore, #tpu.memory_space<semaphore_mem>>) src(%dma_wait3A_306 : memref<10000x128xf32, #tpu.memory_space<hbm>>) dst(%dma_wait3A_300 : memref<120x128xf32, #tpu.memory_space<vmem>>)
      %run_scoped3A_309 = arith.constant 0 : i32
      %run_scoped3A_310 = arith.constant 0 : i32
      %run_scoped3A_311 = arith.constant 1 : i32
      "tpu.region"() ({
        %run_scoped3A_514 = tpu.sem_alloc : memref<!tpu.dma_semaphore, #tpu.memory_space<semaphore_mem>>
        %dma_start3A_515 = arith.constant 0 : i32
        %dma_start3A_516 = arith.constant 0 : i32
        %dma_start3A_517 = tpu.memref_slice %arg7[%run_scoped3A_309, %dma_start3A_515, %dma_start3A_516] : memref<3x120x128xf32, #tpu.memory_space<vmem>> -> memref<1x120x128xf32, #tpu.memory_space<vmem>>
        %dma_start3A_518 = tpu.memref_squeeze %dma_start3A_517 : memref<1x120x128xf32, #tpu.memory_space<vmem>> -> memref<120x128xf32, #tpu.memory_space<vmem>>
        %dma_start3A_519 = arith.constant 0 : i32
        %dma_start3A_520 = tpu.memref_slice %arg6[%run_scoped3A_310, %run_scoped3A_311, %dma_start3A_519] : memref<3x2x120xi32, #tpu.memory_space<vmem>> -> memref<1x1x120xi32, #tpu.memory_space<vmem>>
        %dma_start3A_521 = tpu.memref_squeeze %dma_start3A_520 : memref<1x1x120xi32, #tpu.memory_space<vmem>> -> memref<120xi32, #tpu.memory_space<vmem>>
        %dma_start3A_522 = arith.constant 0 : i32
        %dma_start3A_523 = arith.constant 0 : i32
        %dma_start3A_524 = tpu.memref_slice %arg8[%dma_start3A_522, %dma_start3A_523] : memref<10240x128xf32, #tpu.memory_space<vmem_shared>> -> memref<10240x128xf32, #tpu.memory_space<vmem_shared>>
        tpu.enqueue_indirect_dma source(%dma_start3A_518 : memref<120x128xf32, #tpu.memory_space<vmem>>) target(%dma_start3A_524 : memref<10240x128xf32, #tpu.memory_space<vmem_shared>>) offsets(%dma_start3A_521 : memref<120xi32, #tpu.memory_space<vmem>>) semaphore(%run_scoped3A_514 : memref<!tpu.dma_semaphore, #tpu.memory_space<semaphore_mem>>) {add = true}
        %dma_wait3A_525 = arith.constant 0 : i32
        %dma_wait3A_526 = arith.constant 0 : i32
        %dma_wait3A_527 = tpu.memref_slice %arg7[%run_scoped3A_309, %dma_wait3A_525, %dma_wait3A_526] : memref<3x120x128xf32, #tpu.memory_space<vmem>> -> memref<1x120x128xf32, #tpu.memory_space<vmem>>
        %dma_wait3A_528 = tpu.memref_squeeze %dma_wait3A_527 : memref<1x120x128xf32, #tpu.memory_space<vmem>> -> memref<120x128xf32, #tpu.memory_space<vmem>>
        %dma_wait3A_529 = arith.constant 0 : i32
        %dma_wait3A_530 = tpu.memref_slice %arg6[%run_scoped3A_310, %run_scoped3A_311, %dma_wait3A_529] : memref<3x2x120xi32, #tpu.memory_space<vmem>> -> memref<1x1x120xi32, #tpu.memory_space<vmem>>
        %dma_wait3A_531 = tpu.memref_squeeze %dma_wait3A_530 : memref<1x1x120xi32, #tpu.memory_space<vmem>> -> memref<120xi32, #tpu.memory_space<vmem>>
        %dma_wait3A_532 = arith.constant 0 : i32
        %dma_wait3A_533 = arith.constant 0 : i32
        %dma_wait3A_534 = tpu.memref_slice %arg8[%dma_wait3A_532, %dma_wait3A_533] : memref<10240x128xf32, #tpu.memory_space<vmem_shared>> -> memref<10240x128xf32, #tpu.memory_space<vmem_shared>>
        tpu.wait_indirect_dma semaphore(%run_scoped3A_514 : memref<!tpu.dma_semaphore, #tpu.memory_space<semaphore_mem>>) src(%dma_wait3A_528 : memref<120x128xf32, #tpu.memory_space<vmem>>) dst(%dma_wait3A_534 : memref<10240x128xf32, #tpu.memory_space<vmem_shared>>)
        tpu.yield
      }) : () -> ()
      %add3A_312 = arith.constant 3 : i32
      %add3A_313 = arith.addi %add3A_255, %add3A_312 : i32
      %mul3A_314 = arith.constant 32 : i32
      %mul3A_315 = arith.muli %add3A_313, %mul3A_314 : i32
      %add3A_316 = arith.addi %add3A, %mul3A_315 : i32
      %min3A_317 = arith.constant 2687 : i32
      %min3A_318 = arith.minsi %add3A_316, %min3A_317 : i32
      %dma_start3A_319 = arith.constant 0 : i32
      %dma_start3A_320 = arith.constant 0 : i32
      %dma_start3A_321 = arith.constant 0 : i32
      %dma_start3A_322 = arith.constant 0 : i32
      %dma_start3A_323 = tpu.memref_slice %arg6[%dma_start3A_319, %dma_start3A_321, %dma_start3A_322] : memref<3x2x120xi32, #tpu.memory_space<vmem>> -> memref<1x2x120xi32, #tpu.memory_space<vmem>>
      %dma_start3A_324 = tpu.memref_squeeze %dma_start3A_323 : memref<1x2x120xi32, #tpu.memory_space<vmem>> -> memref<2x120xi32, #tpu.memory_space<vmem>>
      %dma_start3A_325 = arith.constant 0 : i32
      %dma_start3A_326 = arith.constant 0 : i32
      %dma_start3A_327 = tpu.memref_slice %arg3[%min3A_318, %dma_start3A_325, %dma_start3A_326] : memref<2688x2x120xi32, #tpu.memory_space<hbm>> -> memref<1x2x120xi32, #tpu.memory_space<hbm>>
      %dma_start3A_328 = tpu.memref_squeeze %dma_start3A_327 : memref<1x2x120xi32, #tpu.memory_space<hbm>> -> memref<2x120xi32, #tpu.memory_space<hbm>>
      %dma_start3A_329 = tpu.memref_slice %arg10[%dma_start3A_320] : memref<3x!tpu.dma_semaphore, #tpu.memory_space<semaphore_mem>> -> memref<1x!tpu.dma_semaphore, #tpu.memory_space<semaphore_mem>>
      %dma_start3A_330 = tpu.memref_squeeze %dma_start3A_329 : memref<1x!tpu.dma_semaphore, #tpu.memory_space<semaphore_mem>> -> memref<!tpu.dma_semaphore, #tpu.memory_space<semaphore_mem>>
      %dma_start3A_331 = arith.constant 0 : i32
      %dma_start3A_332 = arith.constant 0 : i32
      %dma_start3A_333 = tpu.memref_slice %arg6[%dma_start3A_319, %dma_start3A_331, %dma_start3A_332] : memref<3x2x120xi32, #tpu.memory_space<vmem>> -> memref<1x2x120xi32, #tpu.memory_space<vmem>>
      %dma_start3A_334 = tpu.memref_squeeze %dma_start3A_333 : memref<1x2x120xi32, #tpu.memory_space<vmem>> -> memref<2x120xi32, #tpu.memory_space<vmem>>
      %dma_start3A_335 = arith.constant 0 : i32
      %dma_start3A_336 = arith.constant 0 : i32
      %dma_start3A_337 = tpu.memref_slice %arg3[%min3A_318, %dma_start3A_335, %dma_start3A_336] : memref<2688x2x120xi32, #tpu.memory_space<hbm>> -> memref<1x2x120xi32, #tpu.memory_space<hbm>>
      %dma_start3A_338 = tpu.memref_squeeze %dma_start3A_337 : memref<1x2x120xi32, #tpu.memory_space<hbm>> -> memref<2x120xi32, #tpu.memory_space<hbm>>
      tpu.enqueue_dma source(%dma_start3A_338 : memref<2x120xi32, #tpu.memory_space<hbm>>) target(%dma_start3A_334 : memref<2x120xi32, #tpu.memory_space<vmem>>) target_semaphore(%dma_start3A_330 : memref<!tpu.dma_semaphore, #tpu.memory_space<semaphore_mem>>)
      %mul3A_339 = arith.constant 3 : i32
      %mul3A_340 = arith.muli %mul3A_339, %scan3A_250 : i32
      %add3A_341 = arith.constant 1 : i32
      %add3A_342 = arith.addi %mul3A_340, %add3A_341 : i32
      %dma_wait3A_343 = arith.constant 0 : i32
      %dma_wait3A_344 = arith.constant 0 : i32
      %dma_wait3A_345 = arith.constant 0 : i32
      %dma_wait3A_346 = arith.constant 0 : i32
      %dma_wait3A_347 = arith.constant 0 : i32
      %dma_wait3A_348 = tpu.memref_slice %arg6[%dma_wait3A_344, %dma_wait3A_346, %dma_wait3A_347] : memref<3x2x120xi32, #tpu.memory_space<vmem>> -> memref<1x2x120xi32, #tpu.memory_space<vmem>>
      %dma_wait3A_349 = tpu.memref_squeeze %dma_wait3A_348 : memref<1x2x120xi32, #tpu.memory_space<vmem>> -> memref<2x120xi32, #tpu.memory_space<vmem>>
      %dma_wait3A_350 = arith.constant 0 : i32
      %dma_wait3A_351 = arith.constant 0 : i32
      %dma_wait3A_352 = tpu.memref_slice %arg3[%dma_wait3A_343, %dma_wait3A_350, %dma_wait3A_351] : memref<2688x2x120xi32, #tpu.memory_space<hbm>> -> memref<1x2x120xi32, #tpu.memory_space<hbm>>
      %dma_wait3A_353 = tpu.memref_squeeze %dma_wait3A_352 : memref<1x2x120xi32, #tpu.memory_space<hbm>> -> memref<2x120xi32, #tpu.memory_space<hbm>>
      %dma_wait3A_354 = tpu.memref_slice %arg10[%dma_wait3A_345] : memref<3x!tpu.dma_semaphore, #tpu.memory_space<semaphore_mem>> -> memref<1x!tpu.dma_semaphore, #tpu.memory_space<semaphore_mem>>
      %dma_wait3A_355 = tpu.memref_squeeze %dma_wait3A_354 : memref<1x!tpu.dma_semaphore, #tpu.memory_space<semaphore_mem>> -> memref<!tpu.dma_semaphore, #tpu.memory_space<semaphore_mem>>
      %dma_wait3A_356 = arith.constant 0 : i32
      %dma_wait3A_357 = arith.constant 0 : i32
      %dma_wait3A_358 = tpu.memref_slice %arg6[%dma_wait3A_344, %dma_wait3A_356, %dma_wait3A_357] : memref<3x2x120xi32, #tpu.memory_space<vmem>> -> memref<1x2x120xi32, #tpu.memory_space<vmem>>
      %dma_wait3A_359 = tpu.memref_squeeze %dma_wait3A_358 : memref<1x2x120xi32, #tpu.memory_space<vmem>> -> memref<2x120xi32, #tpu.memory_space<vmem>>
      %dma_wait3A_360 = arith.constant 0 : i32
      %dma_wait3A_361 = arith.constant 0 : i32
      %dma_wait3A_362 = tpu.memref_slice %arg3[%dma_wait3A_343, %dma_wait3A_360, %dma_wait3A_361] : memref<2688x2x120xi32, #tpu.memory_space<hbm>> -> memref<1x2x120xi32, #tpu.memory_space<hbm>>
      %dma_wait3A_363 = tpu.memref_squeeze %dma_wait3A_362 : memref<1x2x120xi32, #tpu.memory_space<hbm>> -> memref<2x120xi32, #tpu.memory_space<hbm>>
      tpu.wait_dma2 semaphore(%dma_wait3A_355 : memref<!tpu.dma_semaphore, #tpu.memory_space<semaphore_mem>>) src(%dma_wait3A_363 : memref<2x120xi32, #tpu.memory_space<hbm>>) dst(%dma_wait3A_359 : memref<2x120xi32, #tpu.memory_space<vmem>>)
      %dma_start3A_364 = arith.constant 0 : i32
      %dma_start3A_365 = arith.constant 0 : i32
      %dma_start3A_366 = arith.constant 0 : i32
      %dma_start3A_367 = arith.constant 0 : i32
      %dma_start3A_368 = arith.constant 0 : i32
      %dma_start3A_369 = arith.constant 0 : i32
      %dma_start3A_370 = tpu.memref_slice %arg7[%dma_start3A_366, %dma_start3A_368, %dma_start3A_369] : memref<3x120x128xf32, #tpu.memory_space<vmem>> -> memref<1x120x128xf32, #tpu.memory_space<vmem>>
      %dma_start3A_371 = tpu.memref_squeeze %dma_start3A_370 : memref<1x120x128xf32, #tpu.memory_space<vmem>> -> memref<120x128xf32, #tpu.memory_space<vmem>>
      %dma_start3A_372 = arith.constant 0 : i32
      %dma_start3A_373 = tpu.memref_slice %arg6[%dma_start3A_364, %dma_start3A_365, %dma_start3A_372] : memref<3x2x120xi32, #tpu.memory_space<vmem>> -> memref<1x1x120xi32, #tpu.memory_space<vmem>>
      %dma_start3A_374 = tpu.memref_squeeze %dma_start3A_373 : memref<1x1x120xi32, #tpu.memory_space<vmem>> -> memref<120xi32, #tpu.memory_space<vmem>>
      %dma_start3A_375 = arith.constant 0 : i32
      %dma_start3A_376 = arith.constant 0 : i32
      %dma_start3A_377 = tpu.memref_slice %arg2[%dma_start3A_375, %dma_start3A_376] : memref<10000x128xf32, #tpu.memory_space<hbm>> -> memref<10000x128xf32, #tpu.memory_space<hbm>>
      %dma_start3A_378 = tpu.memref_slice %arg9[%dma_start3A_367] : memref<3x!tpu.dma_semaphore, #tpu.memory_space<semaphore_mem>> -> memref<1x!tpu.dma_semaphore, #tpu.memory_space<semaphore_mem>>
      %dma_start3A_379 = tpu.memref_squeeze %dma_start3A_378 : memref<1x!tpu.dma_semaphore, #tpu.memory_space<semaphore_mem>> -> memref<!tpu.dma_semaphore, #tpu.memory_space<semaphore_mem>>
      tpu.enqueue_indirect_dma source(%dma_start3A_377 : memref<10000x128xf32, #tpu.memory_space<hbm>>) target(%dma_start3A_371 : memref<120x128xf32, #tpu.memory_space<vmem>>) offsets(%dma_start3A_374 : memref<120xi32, #tpu.memory_space<vmem>>) semaphore(%dma_start3A_379 : memref<!tpu.dma_semaphore, #tpu.memory_space<semaphore_mem>>)
      %dma_wait3A_380 = arith.constant 1 : i32
      %dma_wait3A_381 = arith.constant 0 : i32
      %dma_wait3A_382 = arith.constant 1 : i32
      %dma_wait3A_383 = arith.constant 1 : i32
      %dma_wait3A_384 = arith.constant 0 : i32
      %dma_wait3A_385 = arith.constant 0 : i32
      %dma_wait3A_386 = tpu.memref_slice %arg7[%dma_wait3A_382, %dma_wait3A_384, %dma_wait3A_385] : memref<3x120x128xf32, #tpu.memory_space<vmem>> -> memref<1x120x128xf32, #tpu.memory_space<vmem>>
      %dma_wait3A_387 = tpu.memref_squeeze %dma_wait3A_386 : memref<1x120x128xf32, #tpu.memory_space<vmem>> -> memref<120x128xf32, #tpu.memory_space<vmem>>
      %dma_wait3A_388 = arith.constant 0 : i32
      %dma_wait3A_389 = tpu.memref_slice %arg6[%dma_wait3A_380, %dma_wait3A_381, %dma_wait3A_388] : memref<3x2x120xi32, #tpu.memory_space<vmem>> -> memref<1x1x120xi32, #tpu.memory_space<vmem>>
      %dma_wait3A_390 = tpu.memref_squeeze %dma_wait3A_389 : memref<1x1x120xi32, #tpu.memory_space<vmem>> -> memref<120xi32, #tpu.memory_space<vmem>>
      %dma_wait3A_391 = arith.constant 0 : i32
      %dma_wait3A_392 = arith.constant 0 : i32
      %dma_wait3A_393 = tpu.memref_slice %arg2[%dma_wait3A_391, %dma_wait3A_392] : memref<10000x128xf32, #tpu.memory_space<hbm>> -> memref<10000x128xf32, #tpu.memory_space<hbm>>
      %dma_wait3A_394 = tpu.memref_slice %arg9[%dma_wait3A_383] : memref<3x!tpu.dma_semaphore, #tpu.memory_space<semaphore_mem>> -> memref<1x!tpu.dma_semaphore, #tpu.memory_space<semaphore_mem>>
      %dma_wait3A_395 = tpu.memref_squeeze %dma_wait3A_394 : memref<1x!tpu.dma_semaphore, #tpu.memory_space<semaphore_mem>> -> memref<!tpu.dma_semaphore, #tpu.memory_space<semaphore_mem>>
      tpu.wait_indirect_dma semaphore(%dma_wait3A_395 : memref<!tpu.dma_semaphore, #tpu.memory_space<semaphore_mem>>) src(%dma_wait3A_393 : memref<10000x128xf32, #tpu.memory_space<hbm>>) dst(%dma_wait3A_387 : memref<120x128xf32, #tpu.memory_space<vmem>>)
      %run_scoped3A_396 = arith.constant 1 : i32
      %run_scoped3A_397 = arith.constant 1 : i32
      %run_scoped3A_398 = arith.constant 1 : i32
      "tpu.region"() ({
        %run_scoped3A_514 = tpu.sem_alloc : memref<!tpu.dma_semaphore, #tpu.memory_space<semaphore_mem>>
        %dma_start3A_515 = arith.constant 0 : i32
        %dma_start3A_516 = arith.constant 0 : i32
        %dma_start3A_517 = tpu.memref_slice %arg7[%run_scoped3A_396, %dma_start3A_515, %dma_start3A_516] : memref<3x120x128xf32, #tpu.memory_space<vmem>> -> memref<1x120x128xf32, #tpu.memory_space<vmem>>
        %dma_start3A_518 = tpu.memref_squeeze %dma_start3A_517 : memref<1x120x128xf32, #tpu.memory_space<vmem>> -> memref<120x128xf32, #tpu.memory_space<vmem>>
        %dma_start3A_519 = arith.constant 0 : i32
        %dma_start3A_520 = tpu.memref_slice %arg6[%run_scoped3A_397, %run_scoped3A_398, %dma_start3A_519] : memref<3x2x120xi32, #tpu.memory_space<vmem>> -> memref<1x1x120xi32, #tpu.memory_space<vmem>>
        %dma_start3A_521 = tpu.memref_squeeze %dma_start3A_520 : memref<1x1x120xi32, #tpu.memory_space<vmem>> -> memref<120xi32, #tpu.memory_space<vmem>>
        %dma_start3A_522 = arith.constant 0 : i32
        %dma_start3A_523 = arith.constant 0 : i32
        %dma_start3A_524 = tpu.memref_slice %arg8[%dma_start3A_522, %dma_start3A_523] : memref<10240x128xf32, #tpu.memory_space<vmem_shared>> -> memref<10240x128xf32, #tpu.memory_space<vmem_shared>>
        tpu.enqueue_indirect_dma source(%dma_start3A_518 : memref<120x128xf32, #tpu.memory_space<vmem>>) target(%dma_start3A_524 : memref<10240x128xf32, #tpu.memory_space<vmem_shared>>) offsets(%dma_start3A_521 : memref<120xi32, #tpu.memory_space<vmem>>) semaphore(%run_scoped3A_514 : memref<!tpu.dma_semaphore, #tpu.memory_space<semaphore_mem>>) {add = true}
        %dma_wait3A_525 = arith.constant 0 : i32
        %dma_wait3A_526 = arith.constant 0 : i32
        %dma_wait3A_527 = tpu.memref_slice %arg7[%run_scoped3A_396, %dma_wait3A_525, %dma_wait3A_526] : memref<3x120x128xf32, #tpu.memory_space<vmem>> -> memref<1x120x128xf32, #tpu.memory_space<vmem>>
        %dma_wait3A_528 = tpu.memref_squeeze %dma_wait3A_527 : memref<1x120x128xf32, #tpu.memory_space<vmem>> -> memref<120x128xf32, #tpu.memory_space<vmem>>
        %dma_wait3A_529 = arith.constant 0 : i32
        %dma_wait3A_530 = tpu.memref_slice %arg6[%run_scoped3A_397, %run_scoped3A_398, %dma_wait3A_529] : memref<3x2x120xi32, #tpu.memory_space<vmem>> -> memref<1x1x120xi32, #tpu.memory_space<vmem>>
        %dma_wait3A_531 = tpu.memref_squeeze %dma_wait3A_530 : memref<1x1x120xi32, #tpu.memory_space<vmem>> -> memref<120xi32, #tpu.memory_space<vmem>>
        %dma_wait3A_532 = arith.constant 0 : i32
        %dma_wait3A_533 = arith.constant 0 : i32
        %dma_wait3A_534 = tpu.memref_slice %arg8[%dma_wait3A_532, %dma_wait3A_533] : memref<10240x128xf32, #tpu.memory_space<vmem_shared>> -> memref<10240x128xf32, #tpu.memory_space<vmem_shared>>
        tpu.wait_indirect_dma semaphore(%run_scoped3A_514 : memref<!tpu.dma_semaphore, #tpu.memory_space<semaphore_mem>>) src(%dma_wait3A_528 : memref<120x128xf32, #tpu.memory_space<vmem>>) dst(%dma_wait3A_534 : memref<10240x128xf32, #tpu.memory_space<vmem_shared>>)
        tpu.yield
      }) : () -> ()
      %add3A_399 = arith.constant 3 : i32
      %add3A_400 = arith.addi %add3A_342, %add3A_399 : i32
      %mul3A_401 = arith.constant 32 : i32
      %mul3A_402 = arith.muli %add3A_400, %mul3A_401 : i32
      %add3A_403 = arith.addi %add3A, %mul3A_402 : i32
      %min3A_404 = arith.constant 2687 : i32
      %min3A_405 = arith.minsi %add3A_403, %min3A_404 : i32
      %dma_start3A_406 = arith.constant 1 : i32
      %dma_start3A_407 = arith.constant 1 : i32
      %dma_start3A_408 = arith.constant 0 : i32
      %dma_start3A_409 = arith.constant 0 : i32
      %dma_start3A_410 = tpu.memref_slice %arg6[%dma_start3A_406, %dma_start3A_408, %dma_start3A_409] : memref<3x2x120xi32, #tpu.memory_space<vmem>> -> memref<1x2x120xi32, #tpu.memory_space<vmem>>
      %dma_start3A_411 = tpu.memref_squeeze %dma_start3A_410 : memref<1x2x120xi32, #tpu.memory_space<vmem>> -> memref<2x120xi32, #tpu.memory_space<vmem>>
      %dma_start3A_412 = arith.constant 0 : i32
      %dma_start3A_413 = arith.constant 0 : i32
      %dma_start3A_414 = tpu.memref_slice %arg3[%min3A_405, %dma_start3A_412, %dma_start3A_413] : memref<2688x2x120xi32, #tpu.memory_space<hbm>> -> memref<1x2x120xi32, #tpu.memory_space<hbm>>
      %dma_start3A_415 = tpu.memref_squeeze %dma_start3A_414 : memref<1x2x120xi32, #tpu.memory_space<hbm>> -> memref<2x120xi32, #tpu.memory_space<hbm>>
      %dma_start3A_416 = tpu.memref_slice %arg10[%dma_start3A_407] : memref<3x!tpu.dma_semaphore, #tpu.memory_space<semaphore_mem>> -> memref<1x!tpu.dma_semaphore, #tpu.memory_space<semaphore_mem>>
      %dma_start3A_417 = tpu.memref_squeeze %dma_start3A_416 : memref<1x!tpu.dma_semaphore, #tpu.memory_space<semaphore_mem>> -> memref<!tpu.dma_semaphore, #tpu.memory_space<semaphore_mem>>
      %dma_start3A_418 = arith.constant 0 : i32
      %dma_start3A_419 = arith.constant 0 : i32
      %dma_start3A_420 = tpu.memref_slice %arg6[%dma_start3A_406, %dma_start3A_418, %dma_start3A_419] : memref<3x2x120xi32, #tpu.memory_space<vmem>> -> memref<1x2x120xi32, #tpu.memory_space<vmem>>
      %dma_start3A_421 = tpu.memref_squeeze %dma_start3A_420 : memref<1x2x120xi32, #tpu.memory_space<vmem>> -> memref<2x120xi32, #tpu.memory_space<vmem>>
      %dma_start3A_422 = arith.constant 0 : i32
      %dma_start3A_423 = arith.constant 0 : i32
      %dma_start3A_424 = tpu.memref_slice %arg3[%min3A_405, %dma_start3A_422, %dma_start3A_423] : memref<2688x2x120xi32, #tpu.memory_space<hbm>> -> memref<1x2x120xi32, #tpu.memory_space<hbm>>
      %dma_start3A_425 = tpu.memref_squeeze %dma_start3A_424 : memref<1x2x120xi32, #tpu.memory_space<hbm>> -> memref<2x120xi32, #tpu.memory_space<hbm>>
      tpu.enqueue_dma source(%dma_start3A_425 : memref<2x120xi32, #tpu.memory_space<hbm>>) target(%dma_start3A_421 : memref<2x120xi32, #tpu.memory_space<vmem>>) target_semaphore(%dma_start3A_417 : memref<!tpu.dma_semaphore, #tpu.memory_space<semaphore_mem>>)
      %mul3A_426 = arith.constant 3 : i32
      %mul3A_427 = arith.muli %mul3A_426, %scan3A_250 : i32
      %add3A_428 = arith.constant 2 : i32
      %add3A_429 = arith.addi %mul3A_427, %add3A_428 : i32
      %dma_wait3A_430 = arith.constant 0 : i32
      %dma_wait3A_431 = arith.constant 1 : i32
      %dma_wait3A_432 = arith.constant 1 : i32
      %dma_wait3A_433 = arith.constant 0 : i32
      %dma_wait3A_434 = arith.constant 0 : i32
      %dma_wait3A_435 = tpu.memref_slice %arg6[%dma_wait3A_431, %dma_wait3A_433, %dma_wait3A_434] : memref<3x2x120xi32, #tpu.memory_space<vmem>> -> memref<1x2x120xi32, #tpu.memory_space<vmem>>
      %dma_wait3A_436 = tpu.memref_squeeze %dma_wait3A_435 : memref<1x2x120xi32, #tpu.memory_space<vmem>> -> memref<2x120xi32, #tpu.memory_space<vmem>>
      %dma_wait3A_437 = arith.constant 0 : i32
      %dma_wait3A_438 = arith.constant 0 : i32
      %dma_wait3A_439 = tpu.memref_slice %arg3[%dma_wait3A_430, %dma_wait3A_437, %dma_wait3A_438] : memref<2688x2x120xi32, #tpu.memory_space<hbm>> -> memref<1x2x120xi32, #tpu.memory_space<hbm>>
      %dma_wait3A_440 = tpu.memref_squeeze %dma_wait3A_439 : memref<1x2x120xi32, #tpu.memory_space<hbm>> -> memref<2x120xi32, #tpu.memory_space<hbm>>
      %dma_wait3A_441 = tpu.memref_slice %arg10[%dma_wait3A_432] : memref<3x!tpu.dma_semaphore, #tpu.memory_space<semaphore_mem>> -> memref<1x!tpu.dma_semaphore, #tpu.memory_space<semaphore_mem>>
      %dma_wait3A_442 = tpu.memref_squeeze %dma_wait3A_441 : memref<1x!tpu.dma_semaphore, #tpu.memory_space<semaphore_mem>> -> memref<!tpu.dma_semaphore, #tpu.memory_space<semaphore_mem>>
      %dma_wait3A_443 = arith.constant 0 : i32
      %dma_wait3A_444 = arith.constant 0 : i32
      %dma_wait3A_445 = tpu.memref_slice %arg6[%dma_wait3A_431, %dma_wait3A_443, %dma_wait3A_444] : memref<3x2x120xi32, #tpu.memory_space<vmem>> -> memref<1x2x120xi32, #tpu.memory_space<vmem>>
      %dma_wait3A_446 = tpu.memref_squeeze %dma_wait3A_445 : memref<1x2x120xi32, #tpu.memory_space<vmem>> -> memref<2x120xi32, #tpu.memory_space<vmem>>
      %dma_wait3A_447 = arith.constant 0 : i32
      %dma_wait3A_448 = arith.constant 0 : i32
      %dma_wait3A_449 = tpu.memref_slice %arg3[%dma_wait3A_430, %dma_wait3A_447, %dma_wait3A_448] : memref<2688x2x120xi32, #tpu.memory_space<hbm>> -> memref<1x2x120xi32, #tpu.memory_space<hbm>>
      %dma_wait3A_450 = tpu.memref_squeeze %dma_wait3A_449 : memref<1x2x120xi32, #tpu.memory_space<hbm>> -> memref<2x120xi32, #tpu.memory_space<hbm>>
      tpu.wait_dma2 semaphore(%dma_wait3A_442 : memref<!tpu.dma_semaphore, #tpu.memory_space<semaphore_mem>>) src(%dma_wait3A_450 : memref<2x120xi32, #tpu.memory_space<hbm>>) dst(%dma_wait3A_446 : memref<2x120xi32, #tpu.memory_space<vmem>>)
      %dma_start3A_451 = arith.constant 1 : i32
      %dma_start3A_452 = arith.constant 0 : i32
      %dma_start3A_453 = arith.constant 1 : i32
      %dma_start3A_454 = arith.constant 1 : i32
      %dma_start3A_455 = arith.constant 0 : i32
      %dma_start3A_456 = arith.constant 0 : i32
      %dma_start3A_457 = tpu.memref_slice %arg7[%dma_start3A_453, %dma_start3A_455, %dma_start3A_456] : memref<3x120x128xf32, #tpu.memory_space<vmem>> -> memref<1x120x128xf32, #tpu.memory_space<vmem>>
      %dma_start3A_458 = tpu.memref_squeeze %dma_start3A_457 : memref<1x120x128xf32, #tpu.memory_space<vmem>> -> memref<120x128xf32, #tpu.memory_space<vmem>>
      %dma_start3A_459 = arith.constant 0 : i32
      %dma_start3A_460 = tpu.memref_slice %arg6[%dma_start3A_451, %dma_start3A_452, %dma_start3A_459] : memref<3x2x120xi32, #tpu.memory_space<vmem>> -> memref<1x1x120xi32, #tpu.memory_space<vmem>>
      %dma_start3A_461 = tpu.memref_squeeze %dma_start3A_460 : memref<1x1x120xi32, #tpu.memory_space<vmem>> -> memref<120xi32, #tpu.memory_space<vmem>>
      %dma_start3A_462 = arith.constant 0 : i32
      %dma_start3A_463 = arith.constant 0 : i32
      %dma_start3A_464 = tpu.memref_slice %arg2[%dma_start3A_462, %dma_start3A_463] : memref<10000x128xf32, #tpu.memory_space<hbm>> -> memref<10000x128xf32, #tpu.memory_space<hbm>>
      %dma_start3A_465 = tpu.memref_slice %arg9[%dma_start3A_454] : memref<3x!tpu.dma_semaphore, #tpu.memory_space<semaphore_mem>> -> memref<1x!tpu.dma_semaphore, #tpu.memory_space<semaphore_mem>>
      %dma_start3A_466 = tpu.memref_squeeze %dma_start3A_465 : memref<1x!tpu.dma_semaphore, #tpu.memory_space<semaphore_mem>> -> memref<!tpu.dma_semaphore, #tpu.memory_space<semaphore_mem>>
      tpu.enqueue_indirect_dma source(%dma_start3A_464 : memref<10000x128xf32, #tpu.memory_space<hbm>>) target(%dma_start3A_458 : memref<120x128xf32, #tpu.memory_space<vmem>>) offsets(%dma_start3A_461 : memref<120xi32, #tpu.memory_space<vmem>>) semaphore(%dma_start3A_466 : memref<!tpu.dma_semaphore, #tpu.memory_space<semaphore_mem>>)
      %dma_wait3A_467 = arith.constant 2 : i32
      %dma_wait3A_468 = arith.constant 0 : i32
      %dma_wait3A_469 = arith.constant 2 : i32
      %dma_wait3A_470 = arith.constant 2 : i32
      %dma_wait3A_471 = arith.constant 0 : i32
      %dma_wait3A_472 = arith.constant 0 : i32
      %dma_wait3A_473 = tpu.memref_slice %arg7[%dma_wait3A_469, %dma_wait3A_471, %dma_wait3A_472] : memref<3x120x128xf32, #tpu.memory_space<vmem>> -> memref<1x120x128xf32, #tpu.memory_space<vmem>>
      %dma_wait3A_474 = tpu.memref_squeeze %dma_wait3A_473 : memref<1x120x128xf32, #tpu.memory_space<vmem>> -> memref<120x128xf32, #tpu.memory_space<vmem>>
      %dma_wait3A_475 = arith.constant 0 : i32
      %dma_wait3A_476 = tpu.memref_slice %arg6[%dma_wait3A_467, %dma_wait3A_468, %dma_wait3A_475] : memref<3x2x120xi32, #tpu.memory_space<vmem>> -> memref<1x1x120xi32, #tpu.memory_space<vmem>>
      %dma_wait3A_477 = tpu.memref_squeeze %dma_wait3A_476 : memref<1x1x120xi32, #tpu.memory_space<vmem>> -> memref<120xi32, #tpu.memory_space<vmem>>
      %dma_wait3A_478 = arith.constant 0 : i32
      %dma_wait3A_479 = arith.constant 0 : i32
      %dma_wait3A_480 = tpu.memref_slice %arg2[%dma_wait3A_478, %dma_wait3A_479] : memref<10000x128xf32, #tpu.memory_space<hbm>> -> memref<10000x128xf32, #tpu.memory_space<hbm>>
      %dma_wait3A_481 = tpu.memref_slice %arg9[%dma_wait3A_470] : memref<3x!tpu.dma_semaphore, #tpu.memory_space<semaphore_mem>> -> memref<1x!tpu.dma_semaphore, #tpu.memory_space<semaphore_mem>>
      %dma_wait3A_482 = tpu.memref_squeeze %dma_wait3A_481 : memref<1x!tpu.dma_semaphore, #tpu.memory_space<semaphore_mem>> -> memref<!tpu.dma_semaphore, #tpu.memory_space<semaphore_mem>>
      tpu.wait_indirect_dma semaphore(%dma_wait3A_482 : memref<!tpu.dma_semaphore, #tpu.memory_space<semaphore_mem>>) src(%dma_wait3A_480 : memref<10000x128xf32, #tpu.memory_space<hbm>>) dst(%dma_wait3A_474 : memref<120x128xf32, #tpu.memory_space<vmem>>)
      %run_scoped3A_483 = arith.constant 2 : i32
      %run_scoped3A_484 = arith.constant 2 : i32
      %run_scoped3A_485 = arith.constant 1 : i32
      "tpu.region"() ({
        %run_scoped3A_514 = tpu.sem_alloc : memref<!tpu.dma_semaphore, #tpu.memory_space<semaphore_mem>>
        %dma_start3A_515 = arith.constant 0 : i32
        %dma_start3A_516 = arith.constant 0 : i32
        %dma_start3A_517 = tpu.memref_slice %arg7[%run_scoped3A_483, %dma_start3A_515, %dma_start3A_516] : memref<3x120x128xf32, #tpu.memory_space<vmem>> -> memref<1x120x128xf32, #tpu.memory_space<vmem>>
        %dma_start3A_518 = tpu.memref_squeeze %dma_start3A_517 : memref<1x120x128xf32, #tpu.memory_space<vmem>> -> memref<120x128xf32, #tpu.memory_space<vmem>>
        %dma_start3A_519 = arith.constant 0 : i32
        %dma_start3A_520 = tpu.memref_slice %arg6[%run_scoped3A_484, %run_scoped3A_485, %dma_start3A_519] : memref<3x2x120xi32, #tpu.memory_space<vmem>> -> memref<1x1x120xi32, #tpu.memory_space<vmem>>
        %dma_start3A_521 = tpu.memref_squeeze %dma_start3A_520 : memref<1x1x120xi32, #tpu.memory_space<vmem>> -> memref<120xi32, #tpu.memory_space<vmem>>
        %dma_start3A_522 = arith.constant 0 : i32
        %dma_start3A_523 = arith.constant 0 : i32
        %dma_start3A_524 = tpu.memref_slice %arg8[%dma_start3A_522, %dma_start3A_523] : memref<10240x128xf32, #tpu.memory_space<vmem_shared>> -> memref<10240x128xf32, #tpu.memory_space<vmem_shared>>
        tpu.enqueue_indirect_dma source(%dma_start3A_518 : memref<120x128xf32, #tpu.memory_space<vmem>>) target(%dma_start3A_524 : memref<10240x128xf32, #tpu.memory_space<vmem_shared>>) offsets(%dma_start3A_521 : memref<120xi32, #tpu.memory_space<vmem>>) semaphore(%run_scoped3A_514 : memref<!tpu.dma_semaphore, #tpu.memory_space<semaphore_mem>>) {add = true}
        %dma_wait3A_525 = arith.constant 0 : i32
        %dma_wait3A_526 = arith.constant 0 : i32
        %dma_wait3A_527 = tpu.memref_slice %arg7[%run_scoped3A_483, %dma_wait3A_525, %dma_wait3A_526] : memref<3x120x128xf32, #tpu.memory_space<vmem>> -> memref<1x120x128xf32, #tpu.memory_space<vmem>>
        %dma_wait3A_528 = tpu.memref_squeeze %dma_wait3A_527 : memref<1x120x128xf32, #tpu.memory_space<vmem>> -> memref<120x128xf32, #tpu.memory_space<vmem>>
        %dma_wait3A_529 = arith.constant 0 : i32
        %dma_wait3A_530 = tpu.memref_slice %arg6[%run_scoped3A_484, %run_scoped3A_485, %dma_wait3A_529] : memref<3x2x120xi32, #tpu.memory_space<vmem>> -> memref<1x1x120xi32, #tpu.memory_space<vmem>>
        %dma_wait3A_531 = tpu.memref_squeeze %dma_wait3A_530 : memref<1x1x120xi32, #tpu.memory_space<vmem>> -> memref<120xi32, #tpu.memory_space<vmem>>
        %dma_wait3A_532 = arith.constant 0 : i32
        %dma_wait3A_533 = arith.constant 0 : i32
        %dma_wait3A_534 = tpu.memref_slice %arg8[%dma_wait3A_532, %dma_wait3A_533] : memref<10240x128xf32, #tpu.memory_space<vmem_shared>> -> memref<10240x128xf32, #tpu.memory_space<vmem_shared>>
        tpu.wait_indirect_dma semaphore(%run_scoped3A_514 : memref<!tpu.dma_semaphore, #tpu.memory_space<semaphore_mem>>) src(%dma_wait3A_528 : memref<120x128xf32, #tpu.memory_space<vmem>>) dst(%dma_wait3A_534 : memref<10240x128xf32, #tpu.memory_space<vmem_shared>>)
        tpu.yield
      }) : () -> ()
      %add3A_486 = arith.constant 3 : i32
      %add3A_487 = arith.addi %add3A_429, %add3A_486 : i32
      %mul3A_488 = arith.constant 32 : i32
      %mul3A_489 = arith.muli %add3A_487, %mul3A_488 : i32
      %add3A_490 = arith.addi %add3A, %mul3A_489 : i32
      %min3A_491 = arith.constant 2687 : i32
      %min3A_492 = arith.minsi %add3A_490, %min3A_491 : i32
      %dma_start3A_493 = arith.constant 2 : i32
      %dma_start3A_494 = arith.constant 2 : i32
      %dma_start3A_495 = arith.constant 0 : i32
      %dma_start3A_496 = arith.constant 0 : i32
      %dma_start3A_497 = tpu.memref_slice %arg6[%dma_start3A_493, %dma_start3A_495, %dma_start3A_496] : memref<3x2x120xi32, #tpu.memory_space<vmem>> -> memref<1x2x120xi32, #tpu.memory_space<vmem>>
      %dma_start3A_498 = tpu.memref_squeeze %dma_start3A_497 : memref<1x2x120xi32, #tpu.memory_space<vmem>> -> memref<2x120xi32, #tpu.memory_space<vmem>>
      %dma_start3A_499 = arith.constant 0 : i32
      %dma_start3A_500 = arith.constant 0 : i32
      %dma_start3A_501 = tpu.memref_slice %arg3[%min3A_492, %dma_start3A_499, %dma_start3A_500] : memref<2688x2x120xi32, #tpu.memory_space<hbm>> -> memref<1x2x120xi32, #tpu.memory_space<hbm>>
      %dma_start3A_502 = tpu.memref_squeeze %dma_start3A_501 : memref<1x2x120xi32, #tpu.memory_space<hbm>> -> memref<2x120xi32, #tpu.memory_space<hbm>>
      %dma_start3A_503 = tpu.memref_slice %arg10[%dma_start3A_494] : memref<3x!tpu.dma_semaphore, #tpu.memory_space<semaphore_mem>> -> memref<1x!tpu.dma_semaphore, #tpu.memory_space<semaphore_mem>>
      %dma_start3A_504 = tpu.memref_squeeze %dma_start3A_503 : memref<1x!tpu.dma_semaphore, #tpu.memory_space<semaphore_mem>> -> memref<!tpu.dma_semaphore, #tpu.memory_space<semaphore_mem>>
      %dma_start3A_505 = arith.constant 0 : i32
      %dma_start3A_506 = arith.constant 0 : i32
      %dma_start3A_507 = tpu.memref_slice %arg6[%dma_start3A_493, %dma_start3A_505, %dma_start3A_506] : memref<3x2x120xi32, #tpu.memory_space<vmem>> -> memref<1x2x120xi32, #tpu.memory_space<vmem>>
      %dma_start3A_508 = tpu.memref_squeeze %dma_start3A_507 : memref<1x2x120xi32, #tpu.memory_space<vmem>> -> memref<2x120xi32, #tpu.memory_space<vmem>>
      %dma_start3A_509 = arith.constant 0 : i32
      %dma_start3A_510 = arith.constant 0 : i32
      %dma_start3A_511 = tpu.memref_slice %arg3[%min3A_492, %dma_start3A_509, %dma_start3A_510] : memref<2688x2x120xi32, #tpu.memory_space<hbm>> -> memref<1x2x120xi32, #tpu.memory_space<hbm>>
      %dma_start3A_512 = tpu.memref_squeeze %dma_start3A_511 : memref<1x2x120xi32, #tpu.memory_space<hbm>> -> memref<2x120xi32, #tpu.memory_space<hbm>>
      tpu.enqueue_dma source(%dma_start3A_512 : memref<2x120xi32, #tpu.memory_space<hbm>>) target(%dma_start3A_508 : memref<2x120xi32, #tpu.memory_space<vmem>>) target_semaphore(%dma_start3A_504 : memref<!tpu.dma_semaphore, #tpu.memory_space<semaphore_mem>>)
      %scan3A_513 = arith.constant 0 : i32
      scf.yield %scan3A_513 : i32
    }
    %scan3A_151 = arith.constant 27 : i32
    %dma_wait3A_152 = arith.constant 0 : i32
    %dma_wait3A_153 = arith.constant 2 : i32
    %dma_wait3A_154 = arith.constant 2 : i32
    %dma_wait3A_155 = arith.constant 0 : i32
    %dma_wait3A_156 = arith.constant 0 : i32
    %dma_wait3A_157 = tpu.memref_slice %arg6[%dma_wait3A_153, %dma_wait3A_155, %dma_wait3A_156] : memref<3x2x120xi32, #tpu.memory_space<vmem>> -> memref<1x2x120xi32, #tpu.memory_space<vmem>>
    %dma_wait3A_158 = tpu.memref_squeeze %dma_wait3A_157 : memref<1x2x120xi32, #tpu.memory_space<vmem>> -> memref<2x120xi32, #tpu.memory_space<vmem>>
    %dma_wait3A_159 = arith.constant 0 : i32
    %dma_wait3A_160 = arith.constant 0 : i32
    %dma_wait3A_161 = tpu.memref_slice %arg3[%dma_wait3A_152, %dma_wait3A_159, %dma_wait3A_160] : memref<2688x2x120xi32, #tpu.memory_space<hbm>> -> memref<1x2x120xi32, #tpu.memory_space<hbm>>
    %dma_wait3A_162 = tpu.memref_squeeze %dma_wait3A_161 : memref<1x2x120xi32, #tpu.memory_space<hbm>> -> memref<2x120xi32, #tpu.memory_space<hbm>>
    %dma_wait3A_163 = tpu.memref_slice %arg10[%dma_wait3A_154] : memref<3x!tpu.dma_semaphore, #tpu.memory_space<semaphore_mem>> -> memref<1x!tpu.dma_semaphore, #tpu.memory_space<semaphore_mem>>
    %dma_wait3A_164 = tpu.memref_squeeze %dma_wait3A_163 : memref<1x!tpu.dma_semaphore, #tpu.memory_space<semaphore_mem>> -> memref<!tpu.dma_semaphore, #tpu.memory_space<semaphore_mem>>
    %dma_wait3A_165 = arith.constant 0 : i32
    %dma_wait3A_166 = arith.constant 0 : i32
    %dma_wait3A_167 = tpu.memref_slice %arg6[%dma_wait3A_153, %dma_wait3A_165, %dma_wait3A_166] : memref<3x2x120xi32, #tpu.memory_space<vmem>> -> memref<1x2x120xi32, #tpu.memory_space<vmem>>
    %dma_wait3A_168 = tpu.memref_squeeze %dma_wait3A_167 : memref<1x2x120xi32, #tpu.memory_space<vmem>> -> memref<2x120xi32, #tpu.memory_space<vmem>>
    %dma_wait3A_169 = arith.constant 0 : i32
    %dma_wait3A_170 = arith.constant 0 : i32
    %dma_wait3A_171 = tpu.memref_slice %arg3[%dma_wait3A_152, %dma_wait3A_169, %dma_wait3A_170] : memref<2688x2x120xi32, #tpu.memory_space<hbm>> -> memref<1x2x120xi32, #tpu.memory_space<hbm>>
    %dma_wait3A_172 = tpu.memref_squeeze %dma_wait3A_171 : memref<1x2x120xi32, #tpu.memory_space<hbm>> -> memref<2x120xi32, #tpu.memory_space<hbm>>
    tpu.wait_dma2 semaphore(%dma_wait3A_164 : memref<!tpu.dma_semaphore, #tpu.memory_space<semaphore_mem>>) src(%dma_wait3A_172 : memref<2x120xi32, #tpu.memory_space<hbm>>) dst(%dma_wait3A_168 : memref<2x120xi32, #tpu.memory_space<vmem>>)
    %dma_start3A_173 = arith.constant 2 : i32
    %dma_start3A_174 = arith.constant 0 : i32
    %dma_start3A_175 = arith.constant 2 : i32
    %dma_start3A_176 = arith.constant 2 : i32
    %dma_start3A_177 = arith.constant 0 : i32
    %dma_start3A_178 = arith.constant 0 : i32
    %dma_start3A_179 = tpu.memref_slice %arg7[%dma_start3A_175, %dma_start3A_177, %dma_start3A_178] : memref<3x120x128xf32, #tpu.memory_space<vmem>> -> memref<1x120x128xf32, #tpu.memory_space<vmem>>
    %dma_start3A_180 = tpu.memref_squeeze %dma_start3A_179 : memref<1x120x128xf32, #tpu.memory_space<vmem>> -> memref<120x128xf32, #tpu.memory_space<vmem>>
    %dma_start3A_181 = arith.constant 0 : i32
    %dma_start3A_182 = tpu.memref_slice %arg6[%dma_start3A_173, %dma_start3A_174, %dma_start3A_181] : memref<3x2x120xi32, #tpu.memory_space<vmem>> -> memref<1x1x120xi32, #tpu.memory_space<vmem>>
    %dma_start3A_183 = tpu.memref_squeeze %dma_start3A_182 : memref<1x1x120xi32, #tpu.memory_space<vmem>> -> memref<120xi32, #tpu.memory_space<vmem>>
    %dma_start3A_184 = arith.constant 0 : i32
    %dma_start3A_185 = arith.constant 0 : i32
    %dma_start3A_186 = tpu.memref_slice %arg2[%dma_start3A_184, %dma_start3A_185] : memref<10000x128xf32, #tpu.memory_space<hbm>> -> memref<10000x128xf32, #tpu.memory_space<hbm>>
    %dma_start3A_187 = tpu.memref_slice %arg9[%dma_start3A_176] : memref<3x!tpu.dma_semaphore, #tpu.memory_space<semaphore_mem>> -> memref<1x!tpu.dma_semaphore, #tpu.memory_space<semaphore_mem>>
    %dma_start3A_188 = tpu.memref_squeeze %dma_start3A_187 : memref<1x!tpu.dma_semaphore, #tpu.memory_space<semaphore_mem>> -> memref<!tpu.dma_semaphore, #tpu.memory_space<semaphore_mem>>
    tpu.enqueue_indirect_dma source(%dma_start3A_186 : memref<10000x128xf32, #tpu.memory_space<hbm>>) target(%dma_start3A_180 : memref<120x128xf32, #tpu.memory_space<vmem>>) offsets(%dma_start3A_183 : memref<120xi32, #tpu.memory_space<vmem>>) semaphore(%dma_start3A_188 : memref<!tpu.dma_semaphore, #tpu.memory_space<semaphore_mem>>)
    %dma_wait3A_189 = arith.constant 0 : i32
    %dma_wait3A_190 = arith.constant 0 : i32
    %dma_wait3A_191 = arith.constant 0 : i32
    %dma_wait3A_192 = arith.constant 0 : i32
    %dma_wait3A_193 = arith.constant 0 : i32
    %dma_wait3A_194 = arith.constant 0 : i32
    %dma_wait3A_195 = tpu.memref_slice %arg7[%dma_wait3A_191, %dma_wait3A_193, %dma_wait3A_194] : memref<3x120x128xf32, #tpu.memory_space<vmem>> -> memref<1x120x128xf32, #tpu.memory_space<vmem>>
    %dma_wait3A_196 = tpu.memref_squeeze %dma_wait3A_195 : memref<1x120x128xf32, #tpu.memory_space<vmem>> -> memref<120x128xf32, #tpu.memory_space<vmem>>
    %dma_wait3A_197 = arith.constant 0 : i32
    %dma_wait3A_198 = tpu.memref_slice %arg6[%dma_wait3A_189, %dma_wait3A_190, %dma_wait3A_197] : memref<3x2x120xi32, #tpu.memory_space<vmem>> -> memref<1x1x120xi32, #tpu.memory_space<vmem>>
    %dma_wait3A_199 = tpu.memref_squeeze %dma_wait3A_198 : memref<1x1x120xi32, #tpu.memory_space<vmem>> -> memref<120xi32, #tpu.memory_space<vmem>>
    %dma_wait3A_200 = arith.constant 0 : i32
    %dma_wait3A_201 = arith.constant 0 : i32
    %dma_wait3A_202 = tpu.memref_slice %arg2[%dma_wait3A_200, %dma_wait3A_201] : memref<10000x128xf32, #tpu.memory_space<hbm>> -> memref<10000x128xf32, #tpu.memory_space<hbm>>
    %dma_wait3A_203 = tpu.memref_slice %arg9[%dma_wait3A_192] : memref<3x!tpu.dma_semaphore, #tpu.memory_space<semaphore_mem>> -> memref<1x!tpu.dma_semaphore, #tpu.memory_space<semaphore_mem>>
    %dma_wait3A_204 = tpu.memref_squeeze %dma_wait3A_203 : memref<1x!tpu.dma_semaphore, #tpu.memory_space<semaphore_mem>> -> memref<!tpu.dma_semaphore, #tpu.memory_space<semaphore_mem>>
    tpu.wait_indirect_dma semaphore(%dma_wait3A_204 : memref<!tpu.dma_semaphore, #tpu.memory_space<semaphore_mem>>) src(%dma_wait3A_202 : memref<10000x128xf32, #tpu.memory_space<hbm>>) dst(%dma_wait3A_196 : memref<120x128xf32, #tpu.memory_space<vmem>>)
    %run_scoped3A = arith.constant 0 : i32
    %run_scoped3A_205 = arith.constant 0 : i32
    %run_scoped3A_206 = arith.constant 1 : i32
    "tpu.region"() ({
      %run_scoped3A_250 = tpu.sem_alloc : memref<!tpu.dma_semaphore, #tpu.memory_space<semaphore_mem>>
      %dma_start3A_251 = arith.constant 0 : i32
      %dma_start3A_252 = arith.constant 0 : i32
      %dma_start3A_253 = tpu.memref_slice %arg7[%run_scoped3A, %dma_start3A_251, %dma_start3A_252] : memref<3x120x128xf32, #tpu.memory_space<vmem>> -> memref<1x120x128xf32, #tpu.memory_space<vmem>>
      %dma_start3A_254 = tpu.memref_squeeze %dma_start3A_253 : memref<1x120x128xf32, #tpu.memory_space<vmem>> -> memref<120x128xf32, #tpu.memory_space<vmem>>
      %dma_start3A_255 = arith.constant 0 : i32
      %dma_start3A_256 = tpu.memref_slice %arg6[%run_scoped3A_205, %run_scoped3A_206, %dma_start3A_255] : memref<3x2x120xi32, #tpu.memory_space<vmem>> -> memref<1x1x120xi32, #tpu.memory_space<vmem>>
      %dma_start3A_257 = tpu.memref_squeeze %dma_start3A_256 : memref<1x1x120xi32, #tpu.memory_space<vmem>> -> memref<120xi32, #tpu.memory_space<vmem>>
      %dma_start3A_258 = arith.constant 0 : i32
      %dma_start3A_259 = arith.constant 0 : i32
      %dma_start3A_260 = tpu.memref_slice %arg8[%dma_start3A_258, %dma_start3A_259] : memref<10240x128xf32, #tpu.memory_space<vmem_shared>> -> memref<10240x128xf32, #tpu.memory_space<vmem_shared>>
      tpu.enqueue_indirect_dma source(%dma_start3A_254 : memref<120x128xf32, #tpu.memory_space<vmem>>) target(%dma_start3A_260 : memref<10240x128xf32, #tpu.memory_space<vmem_shared>>) offsets(%dma_start3A_257 : memref<120xi32, #tpu.memory_space<vmem>>) semaphore(%run_scoped3A_250 : memref<!tpu.dma_semaphore, #tpu.memory_space<semaphore_mem>>) {add = true}
      %dma_wait3A_261 = arith.constant 0 : i32
      %dma_wait3A_262 = arith.constant 0 : i32
      %dma_wait3A_263 = tpu.memref_slice %arg7[%run_scoped3A, %dma_wait3A_261, %dma_wait3A_262] : memref<3x120x128xf32, #tpu.memory_space<vmem>> -> memref<1x120x128xf32, #tpu.memory_space<vmem>>
      %dma_wait3A_264 = tpu.memref_squeeze %dma_wait3A_263 : memref<1x120x128xf32, #tpu.memory_space<vmem>> -> memref<120x128xf32, #tpu.memory_space<vmem>>
      %dma_wait3A_265 = arith.constant 0 : i32
      %dma_wait3A_266 = tpu.memref_slice %arg6[%run_scoped3A_205, %run_scoped3A_206, %dma_wait3A_265] : memref<3x2x120xi32, #tpu.memory_space<vmem>> -> memref<1x1x120xi32, #tpu.memory_space<vmem>>
      %dma_wait3A_267 = tpu.memref_squeeze %dma_wait3A_266 : memref<1x1x120xi32, #tpu.memory_space<vmem>> -> memref<120xi32, #tpu.memory_space<vmem>>
      %dma_wait3A_268 = arith.constant 0 : i32
      %dma_wait3A_269 = arith.constant 0 : i32
      %dma_wait3A_270 = tpu.memref_slice %arg8[%dma_wait3A_268, %dma_wait3A_269] : memref<10240x128xf32, #tpu.memory_space<vmem_shared>> -> memref<10240x128xf32, #tpu.memory_space<vmem_shared>>
      tpu.wait_indirect_dma semaphore(%run_scoped3A_250 : memref<!tpu.dma_semaphore, #tpu.memory_space<semaphore_mem>>) src(%dma_wait3A_264 : memref<120x128xf32, #tpu.memory_space<vmem>>) dst(%dma_wait3A_270 : memref<10240x128xf32, #tpu.memory_space<vmem_shared>>)
      tpu.yield
    }) : () -> ()
    %dma_wait3A_207 = arith.constant 1 : i32
    %dma_wait3A_208 = arith.constant 0 : i32
    %dma_wait3A_209 = arith.constant 1 : i32
    %dma_wait3A_210 = arith.constant 1 : i32
    %dma_wait3A_211 = arith.constant 0 : i32
    %dma_wait3A_212 = arith.constant 0 : i32
    %dma_wait3A_213 = tpu.memref_slice %arg7[%dma_wait3A_209, %dma_wait3A_211, %dma_wait3A_212] : memref<3x120x128xf32, #tpu.memory_space<vmem>> -> memref<1x120x128xf32, #tpu.memory_space<vmem>>
    %dma_wait3A_214 = tpu.memref_squeeze %dma_wait3A_213 : memref<1x120x128xf32, #tpu.memory_space<vmem>> -> memref<120x128xf32, #tpu.memory_space<vmem>>
    %dma_wait3A_215 = arith.constant 0 : i32
    %dma_wait3A_216 = tpu.memref_slice %arg6[%dma_wait3A_207, %dma_wait3A_208, %dma_wait3A_215] : memref<3x2x120xi32, #tpu.memory_space<vmem>> -> memref<1x1x120xi32, #tpu.memory_space<vmem>>
    %dma_wait3A_217 = tpu.memref_squeeze %dma_wait3A_216 : memref<1x1x120xi32, #tpu.memory_space<vmem>> -> memref<120xi32, #tpu.memory_space<vmem>>
    %dma_wait3A_218 = arith.constant 0 : i32
    %dma_wait3A_219 = arith.constant 0 : i32
    %dma_wait3A_220 = tpu.memref_slice %arg2[%dma_wait3A_218, %dma_wait3A_219] : memref<10000x128xf32, #tpu.memory_space<hbm>> -> memref<10000x128xf32, #tpu.memory_space<hbm>>
    %dma_wait3A_221 = tpu.memref_slice %arg9[%dma_wait3A_210] : memref<3x!tpu.dma_semaphore, #tpu.memory_space<semaphore_mem>> -> memref<1x!tpu.dma_semaphore, #tpu.memory_space<semaphore_mem>>
    %dma_wait3A_222 = tpu.memref_squeeze %dma_wait3A_221 : memref<1x!tpu.dma_semaphore, #tpu.memory_space<semaphore_mem>> -> memref<!tpu.dma_semaphore, #tpu.memory_space<semaphore_mem>>
    tpu.wait_indirect_dma semaphore(%dma_wait3A_222 : memref<!tpu.dma_semaphore, #tpu.memory_space<semaphore_mem>>) src(%dma_wait3A_220 : memref<10000x128xf32, #tpu.memory_space<hbm>>) dst(%dma_wait3A_214 : memref<120x128xf32, #tpu.memory_space<vmem>>)
    %run_scoped3A_223 = arith.constant 1 : i32
    %run_scoped3A_224 = arith.constant 1 : i32
    %run_scoped3A_225 = arith.constant 1 : i32
    "tpu.region"() ({
      %run_scoped3A_250 = tpu.sem_alloc : memref<!tpu.dma_semaphore, #tpu.memory_space<semaphore_mem>>
      %dma_start3A_251 = arith.constant 0 : i32
      %dma_start3A_252 = arith.constant 0 : i32
      %dma_start3A_253 = tpu.memref_slice %arg7[%run_scoped3A_223, %dma_start3A_251, %dma_start3A_252] : memref<3x120x128xf32, #tpu.memory_space<vmem>> -> memref<1x120x128xf32, #tpu.memory_space<vmem>>
      %dma_start3A_254 = tpu.memref_squeeze %dma_start3A_253 : memref<1x120x128xf32, #tpu.memory_space<vmem>> -> memref<120x128xf32, #tpu.memory_space<vmem>>
      %dma_start3A_255 = arith.constant 0 : i32
      %dma_start3A_256 = tpu.memref_slice %arg6[%run_scoped3A_224, %run_scoped3A_225, %dma_start3A_255] : memref<3x2x120xi32, #tpu.memory_space<vmem>> -> memref<1x1x120xi32, #tpu.memory_space<vmem>>
      %dma_start3A_257 = tpu.memref_squeeze %dma_start3A_256 : memref<1x1x120xi32, #tpu.memory_space<vmem>> -> memref<120xi32, #tpu.memory_space<vmem>>
      %dma_start3A_258 = arith.constant 0 : i32
      %dma_start3A_259 = arith.constant 0 : i32
      %dma_start3A_260 = tpu.memref_slice %arg8[%dma_start3A_258, %dma_start3A_259] : memref<10240x128xf32, #tpu.memory_space<vmem_shared>> -> memref<10240x128xf32, #tpu.memory_space<vmem_shared>>
      tpu.enqueue_indirect_dma source(%dma_start3A_254 : memref<120x128xf32, #tpu.memory_space<vmem>>) target(%dma_start3A_260 : memref<10240x128xf32, #tpu.memory_space<vmem_shared>>) offsets(%dma_start3A_257 : memref<120xi32, #tpu.memory_space<vmem>>) semaphore(%run_scoped3A_250 : memref<!tpu.dma_semaphore, #tpu.memory_space<semaphore_mem>>) {add = true}
      %dma_wait3A_261 = arith.constant 0 : i32
      %dma_wait3A_262 = arith.constant 0 : i32
      %dma_wait3A_263 = tpu.memref_slice %arg7[%run_scoped3A_223, %dma_wait3A_261, %dma_wait3A_262] : memref<3x120x128xf32, #tpu.memory_space<vmem>> -> memref<1x120x128xf32, #tpu.memory_space<vmem>>
      %dma_wait3A_264 = tpu.memref_squeeze %dma_wait3A_263 : memref<1x120x128xf32, #tpu.memory_space<vmem>> -> memref<120x128xf32, #tpu.memory_space<vmem>>
      %dma_wait3A_265 = arith.constant 0 : i32
      %dma_wait3A_266 = tpu.memref_slice %arg6[%run_scoped3A_224, %run_scoped3A_225, %dma_wait3A_265] : memref<3x2x120xi32, #tpu.memory_space<vmem>> -> memref<1x1x120xi32, #tpu.memory_space<vmem>>
      %dma_wait3A_267 = tpu.memref_squeeze %dma_wait3A_266 : memref<1x1x120xi32, #tpu.memory_space<vmem>> -> memref<120xi32, #tpu.memory_space<vmem>>
      %dma_wait3A_268 = arith.constant 0 : i32
      %dma_wait3A_269 = arith.constant 0 : i32
      %dma_wait3A_270 = tpu.memref_slice %arg8[%dma_wait3A_268, %dma_wait3A_269] : memref<10240x128xf32, #tpu.memory_space<vmem_shared>> -> memref<10240x128xf32, #tpu.memory_space<vmem_shared>>
      tpu.wait_indirect_dma semaphore(%run_scoped3A_250 : memref<!tpu.dma_semaphore, #tpu.memory_space<semaphore_mem>>) src(%dma_wait3A_264 : memref<120x128xf32, #tpu.memory_space<vmem>>) dst(%dma_wait3A_270 : memref<10240x128xf32, #tpu.memory_space<vmem_shared>>)
      tpu.yield
    }) : () -> ()
    %dma_wait3A_226 = arith.constant 2 : i32
    %dma_wait3A_227 = arith.constant 0 : i32
    %dma_wait3A_228 = arith.constant 2 : i32
    %dma_wait3A_229 = arith.constant 2 : i32
    %dma_wait3A_230 = arith.constant 0 : i32
    %dma_wait3A_231 = arith.constant 0 : i32
    %dma_wait3A_232 = tpu.memref_slice %arg7[%dma_wait3A_228, %dma_wait3A_230, %dma_wait3A_231] : memref<3x120x128xf32, #tpu.memory_space<vmem>> -> memref<1x120x128xf32, #tpu.memory_space<vmem>>
    %dma_wait3A_233 = tpu.memref_squeeze %dma_wait3A_232 : memref<1x120x128xf32, #tpu.memory_space<vmem>> -> memref<120x128xf32, #tpu.memory_space<vmem>>
    %dma_wait3A_234 = arith.constant 0 : i32
    %dma_wait3A_235 = tpu.memref_slice %arg6[%dma_wait3A_226, %dma_wait3A_227, %dma_wait3A_234] : memref<3x2x120xi32, #tpu.memory_space<vmem>> -> memref<1x1x120xi32, #tpu.memory_space<vmem>>
    %dma_wait3A_236 = tpu.memref_squeeze %dma_wait3A_235 : memref<1x1x120xi32, #tpu.memory_space<vmem>> -> memref<120xi32, #tpu.memory_space<vmem>>
    %dma_wait3A_237 = arith.constant 0 : i32
    %dma_wait3A_238 = arith.constant 0 : i32
    %dma_wait3A_239 = tpu.memref_slice %arg2[%dma_wait3A_237, %dma_wait3A_238] : memref<10000x128xf32, #tpu.memory_space<hbm>> -> memref<10000x128xf32, #tpu.memory_space<hbm>>
    %dma_wait3A_240 = tpu.memref_slice %arg9[%dma_wait3A_229] : memref<3x!tpu.dma_semaphore, #tpu.memory_space<semaphore_mem>> -> memref<1x!tpu.dma_semaphore, #tpu.memory_space<semaphore_mem>>
    %dma_wait3A_241 = tpu.memref_squeeze %dma_wait3A_240 : memref<1x!tpu.dma_semaphore, #tpu.memory_space<semaphore_mem>> -> memref<!tpu.dma_semaphore, #tpu.memory_space<semaphore_mem>>
    tpu.wait_indirect_dma semaphore(%dma_wait3A_241 : memref<!tpu.dma_semaphore, #tpu.memory_space<semaphore_mem>>) src(%dma_wait3A_239 : memref<10000x128xf32, #tpu.memory_space<hbm>>) dst(%dma_wait3A_233 : memref<120x128xf32, #tpu.memory_space<vmem>>)
    %run_scoped3A_242 = arith.constant 2 : i32
    %run_scoped3A_243 = arith.constant 2 : i32
    %run_scoped3A_244 = arith.constant 1 : i32
    "tpu.region"() ({
      %run_scoped3A_250 = tpu.sem_alloc : memref<!tpu.dma_semaphore, #tpu.memory_space<semaphore_mem>>
      %dma_start3A_251 = arith.constant 0 : i32
      %dma_start3A_252 = arith.constant 0 : i32
      %dma_start3A_253 = tpu.memref_slice %arg7[%run_scoped3A_242, %dma_start3A_251, %dma_start3A_252] : memref<3x120x128xf32, #tpu.memory_space<vmem>> -> memref<1x120x128xf32, #tpu.memory_space<vmem>>
      %dma_start3A_254 = tpu.memref_squeeze %dma_start3A_253 : memref<1x120x128xf32, #tpu.memory_space<vmem>> -> memref<120x128xf32, #tpu.memory_space<vmem>>
      %dma_start3A_255 = arith.constant 0 : i32
      %dma_start3A_256 = tpu.memref_slice %arg6[%run_scoped3A_243, %run_scoped3A_244, %dma_start3A_255] : memref<3x2x120xi32, #tpu.memory_space<vmem>> -> memref<1x1x120xi32, #tpu.memory_space<vmem>>
      %dma_start3A_257 = tpu.memref_squeeze %dma_start3A_256 : memref<1x1x120xi32, #tpu.memory_space<vmem>> -> memref<120xi32, #tpu.memory_space<vmem>>
      %dma_start3A_258 = arith.constant 0 : i32
      %dma_start3A_259 = arith.constant 0 : i32
      %dma_start3A_260 = tpu.memref_slice %arg8[%dma_start3A_258, %dma_start3A_259] : memref<10240x128xf32, #tpu.memory_space<vmem_shared>> -> memref<10240x128xf32, #tpu.memory_space<vmem_shared>>
      tpu.enqueue_indirect_dma source(%dma_start3A_254 : memref<120x128xf32, #tpu.memory_space<vmem>>) target(%dma_start3A_260 : memref<10240x128xf32, #tpu.memory_space<vmem_shared>>) offsets(%dma_start3A_257 : memref<120xi32, #tpu.memory_space<vmem>>) semaphore(%run_scoped3A_250 : memref<!tpu.dma_semaphore, #tpu.memory_space<semaphore_mem>>) {add = true}
      %dma_wait3A_261 = arith.constant 0 : i32
      %dma_wait3A_262 = arith.constant 0 : i32
      %dma_wait3A_263 = tpu.memref_slice %arg7[%run_scoped3A_242, %dma_wait3A_261, %dma_wait3A_262] : memref<3x120x128xf32, #tpu.memory_space<vmem>> -> memref<1x120x128xf32, #tpu.memory_space<vmem>>
      %dma_wait3A_264 = tpu.memref_squeeze %dma_wait3A_263 : memref<1x120x128xf32, #tpu.memory_space<vmem>> -> memref<120x128xf32, #tpu.memory_space<vmem>>
      %dma_wait3A_265 = arith.constant 0 : i32
      %dma_wait3A_266 = tpu.memref_slice %arg6[%run_scoped3A_243, %run_scoped3A_244, %dma_wait3A_265] : memref<3x2x120xi32, #tpu.memory_space<vmem>> -> memref<1x1x120xi32, #tpu.memory_space<vmem>>
      %dma_wait3A_267 = tpu.memref_squeeze %dma_wait3A_266 : memref<1x1x120xi32, #tpu.memory_space<vmem>> -> memref<120xi32, #tpu.memory_space<vmem>>
      %dma_wait3A_268 = arith.constant 0 : i32
      %dma_wait3A_269 = arith.constant 0 : i32
      %dma_wait3A_270 = tpu.memref_slice %arg8[%dma_wait3A_268, %dma_wait3A_269] : memref<10240x128xf32, #tpu.memory_space<vmem_shared>> -> memref<10240x128xf32, #tpu.memory_space<vmem_shared>>
      tpu.wait_indirect_dma semaphore(%run_scoped3A_250 : memref<!tpu.dma_semaphore, #tpu.memory_space<semaphore_mem>>) src(%dma_wait3A_264 : memref<120x128xf32, #tpu.memory_space<vmem>>) dst(%dma_wait3A_270 : memref<10240x128xf32, #tpu.memory_space<vmem_shared>>)
      tpu.yield
    }) : () -> ()
    %barrier3A_245 = arith.constant 0 : index
    tpu.barrier barrier_id(%barrier3A_245)
    %mul3A_246 = arith.constant 640 : i32
    %mul3A_247 = arith.muli %arg1, %mul3A_246 : i32
    %mul3A_248 = arith.constant 640 : i32
    %mul3A_249 = arith.muli %arg1, %mul3A_248 : i32
    "tpu.region"() ({
      %run_scoped3A_250 = tpu.sem_alloc : memref<!tpu.dma_semaphore, #tpu.memory_space<semaphore_mem>>
      %dma_start3A_251 = arith.constant 0 : i32
      %dma_start3A_252 = tpu.memref_slice %arg5[%arg0, %mul3A_249, %dma_start3A_251] : memref<2x10240x128xf32, #tpu.memory_space<hbm>> -> memref<1x640x128xf32, #tpu.memory_space<hbm>>
      %dma_start3A_253 = tpu.memref_squeeze %dma_start3A_252 : memref<1x640x128xf32, #tpu.memory_space<hbm>> -> memref<640x128xf32, #tpu.memory_space<hbm>>
      %dma_start3A_254 = arith.constant 0 : i32
      %dma_start3A_255 = tpu.memref_slice %arg8[%mul3A_247, %dma_start3A_254] : memref<10240x128xf32, #tpu.memory_space<vmem_shared>> -> memref<640x128xf32, #tpu.memory_space<vmem_shared>>
      tpu.enqueue_dma source(%dma_start3A_255 : memref<640x128xf32, #tpu.memory_space<vmem_shared>>) target(%dma_start3A_253 : memref<640x128xf32, #tpu.memory_space<hbm>>) target_semaphore(%run_scoped3A_250 : memref<!tpu.dma_semaphore, #tpu.memory_space<semaphore_mem>>)
      %dma_wait3A_256 = arith.constant 0 : i32
      %dma_wait3A_257 = tpu.memref_slice %arg5[%arg0, %mul3A_249, %dma_wait3A_256] : memref<2x10240x128xf32, #tpu.memory_space<hbm>> -> memref<1x640x128xf32, #tpu.memory_space<hbm>>
      %dma_wait3A_258 = tpu.memref_squeeze %dma_wait3A_257 : memref<1x640x128xf32, #tpu.memory_space<hbm>> -> memref<640x128xf32, #tpu.memory_space<hbm>>
      %dma_wait3A_259 = arith.constant 0 : i32
      %dma_wait3A_260 = tpu.memref_slice %arg8[%mul3A_247, %dma_wait3A_259] : memref<10240x128xf32, #tpu.memory_space<vmem_shared>> -> memref<640x128xf32, #tpu.memory_space<vmem_shared>>
      tpu.wait_dma2 semaphore(%run_scoped3A_250 : memref<!tpu.dma_semaphore, #tpu.memory_space<semaphore_mem>>) src(%dma_wait3A_260 : memref<640x128xf32, #tpu.memory_space<vmem_shared>>) dst(%dma_wait3A_258 : memref<640x128xf32, #tpu.memory_space<hbm>>)
      tpu.yield
    }) : () -> ()
    return
  }
}

module attributes {stable_mosaic.version = 14 : i64} {
  func.func @_mlpscale_body(%arg0: i32, %arg1: memref<2000x128xf32, #tpu.memory_space<vmem>>, %arg2: memref<128x128xf32, #tpu.memory_space<vmem>>, %arg3: memref<1x128xf32, #tpu.memory_space<vmem>>, %arg4: memref<2x2000x1xf32, #tpu.memory_space<vmem>>, %arg5: memref<2000x128xf32, #tpu.memory_space<vmem>>, %arg6: memref<2000x1xf32, #tpu.memory_space<vmem>>, %arg7: memref<2000x128xf32, #tpu.memory_space<vmem>>, %arg8: memref<1x128xf32, #tpu.memory_space<vmem>>) attributes {dimension_semantics = [#tpu.dimension_semantics<arbitrary>], iteration_bounds = array<i64: 5>, scalar_prefetch = 0 : i64, scratch_operands = 0 : i64, tpu.core_type = #tpu.core_type<tc>, window_params = [{transform_indices = @transform_0, window_bounds = array<i64: 2000, 128>}, {pipeline_mode = #tpu.pipeline_mode<synchronous>, transform_indices = @transform_1, window_bounds = array<i64: 128, 128>}, {pipeline_mode = #tpu.pipeline_mode<synchronous>, transform_indices = @transform_2, window_bounds = array<i64: 1, 128>}, {transform_indices = @transform_3, window_bounds = array<i64: 2, 2000, 1>}, {transform_indices = @transform_4, window_bounds = array<i64: 2000, 128>}, {transform_indices = @transform_5, window_bounds = array<i64: 2000, 1>}, {transform_indices = @transform_6, window_bounds = array<i64: 2000, 128>}, {pipeline_mode = #tpu.pipeline_mode<synchronous>, transform_indices = @transform_7, window_bounds = array<i64: 1, 128>}]} {
    %get3A = arith.constant 0 : index
    %get3A_0 = arith.constant 0 : index
    %get3A_1 = vector.load %arg1[%get3A, %get3A_0] : memref<2000x128xf32, #tpu.memory_space<vmem>>, vector<2000x128xf32>
    %get3A_2 = arith.constant 0 : index
    %get3A_3 = arith.constant 0 : index
    %get3A_4 = vector.load %arg2[%get3A_2, %get3A_3] : memref<128x128xf32, #tpu.memory_space<vmem>>, vector<128x128xf32>
    %dot_general3A = arith.constant dense<0.000000e+00> : vector<2000x128xf32>
    %dot_general3A_5 = tpu.matmul %get3A_1, %get3A_4, %dot_general3A {dimension_numbers = #tpu.dot_dimension_numbers<[1], [0], [0], [1], [0, 0, 1, 1], [], []>, precision = #tpu.contract_precision<fp32>, transpose_lhs_hint = false} : vector<2000x128xf32>, vector<128x128xf32>, vector<2000x128xf32> -> vector<2000x128xf32>
    %get3A_6 = arith.constant 0 : index
    %get3A_7 = arith.constant 0 : index
    %get3A_8 = vector.load %arg3[%get3A_6, %get3A_7] : memref<1x128xf32, #tpu.memory_space<vmem>>, vector<1x128xf32>
    %add3A = vector.broadcast %get3A_8 : vector<1x128xf32> to vector<2000x128xf32>
    %add3A_9 = arith.addf %dot_general3A_5, %add3A : vector<2000x128xf32>
    %max3A = arith.constant 0.000000e+00 : f32
    %max3A_10 = vector.broadcast %max3A : f32 to vector<2000x128xf32>
    %max3A_11 = arith.maximumf %add3A_9, %max3A_10 : vector<2000x128xf32>
    %swap3A = arith.constant 0 : index
    %swap3A_12 = arith.constant 0 : index
    %swap3A_13 = vector.load %arg5[%swap3A, %swap3A_12] : memref<2000x128xf32, #tpu.memory_space<vmem>>, vector<2000x128xf32>
    tpu.vector_store %arg5[%swap3A, %swap3A_12], %max3A_11 {strides = array<i32>} : memref<2000x128xf32, #tpu.memory_space<vmem>>, vector<2000x128xf32>,
    %get3A_14 = arith.constant 0 : index
    %get3A_15 = arith.constant 0 : index
    %get3A_16 = arith.constant 0 : index
    %get3A_17 = vector.load %arg4[%get3A_14, %get3A_15, %get3A_16] : memref<2x2000x1xf32, #tpu.memory_space<vmem>>, vector<1x2000x1xf32>
    %get3A_18 = vector.shape_cast %get3A_17 : vector<1x2000x1xf32> to vector<2000x1xf32>
    %get3A_19 = arith.constant 1 : index
    %get3A_20 = arith.constant 0 : index
    %get3A_21 = arith.constant 0 : index
    %get3A_22 = vector.load %arg4[%get3A_19, %get3A_20, %get3A_21] : memref<2x2000x1xf32, #tpu.memory_space<vmem>>, vector<1x2000x1xf32>
    %get3A_23 = vector.shape_cast %get3A_22 : vector<1x2000x1xf32> to vector<2000x1xf32>
    %add3A_24 = arith.addf %get3A_18, %get3A_23 : vector<2000x1xf32>
    %gt3A = arith.constant 0.000000e+00 : f32
    %gt3A_25 = vector.broadcast %gt3A : f32 to vector<2000x1xf32>
    %gt3A_26 = arith.cmpf ogt, %add3A_24, %gt3A_25 : vector<2000x1xf32>
    %max3A_27 = arith.constant 9.99999996E-13 : f32
    %max3A_28 = vector.broadcast %max3A_27 : f32 to vector<2000x1xf32>
    %max3A_29 = arith.maximumf %add3A_24, %max3A_28 : vector<2000x1xf32>
    %rsqrt3A = math.rsqrt %max3A_29 : vector<2000x1xf32>
    %jit3A = arith.constant 0.000000e+00 : f32
    %broadcast_in_dim3A = vector.broadcast %jit3A : f32 to vector<2000x1xf32>
    %select_n3A = arith.select %gt3A_26, %rsqrt3A, %broadcast_in_dim3A : vector<2000x1xi1>, vector<2000x1xf32>
    %swap3A_30 = arith.constant 0 : index
    %swap3A_31 = arith.constant 0 : index
    %swap3A_32 = vector.load %arg6[%swap3A_30, %swap3A_31] : memref<2000x1xf32, #tpu.memory_space<vmem>>, vector<2000x1xf32>
    tpu.vector_store %arg6[%swap3A_30, %swap3A_31], %select_n3A {strides = array<i32>} : memref<2000x1xf32, #tpu.memory_space<vmem>>, vector<2000x1xf32>,
    %mul3A = vector.broadcast %select_n3A : vector<2000x1xf32> to vector<2000x128xf32>
    %mul3A_33 = arith.mulf %max3A_11, %mul3A : vector<2000x128xf32>
    %swap3A_34 = arith.constant 0 : index
    %swap3A_35 = arith.constant 0 : index
    %swap3A_36 = vector.load %arg7[%swap3A_34, %swap3A_35] : memref<2000x128xf32, #tpu.memory_space<vmem>>, vector<2000x128xf32>
    tpu.vector_store %arg7[%swap3A_34, %swap3A_35], %mul3A_33 {strides = array<i32>} : memref<2000x128xf32, #tpu.memory_space<vmem>>, vector<2000x128xf32>,
    %eq3A = arith.constant 0 : i32
    %eq3A_37 = arith.cmpi eq, %arg0, %eq3A : i32
    %convert_element_type3A = arith.extui %eq3A_37 : i1 to i32
    %cond3A = arith.constant 0 : i32
    %cond3A_38 = arith.cmpi ne, %convert_element_type3A, %cond3A : i32
    scf.if %cond3A_38 {
      %broadcast_in_dim3A_48 = arith.constant 0.000000e+00 : f32
      %broadcast_in_dim3A_49 = vector.broadcast %broadcast_in_dim3A_48 : f32 to vector<1x128xf32>
      %swap3A_50 = arith.constant 0 : index
      %swap3A_51 = arith.constant 0 : index
      %swap3A_52 = vector.load %arg8[%swap3A_50, %swap3A_51] : memref<1x128xf32, #tpu.memory_space<vmem>>, vector<1x128xf32>
      tpu.vector_store %arg8[%swap3A_50, %swap3A_51], %broadcast_in_dim3A_49 {strides = array<i32>} : memref<1x128xf32, #tpu.memory_space<vmem>>, vector<1x128xf32>,
    } else {
    }
    %get3A_39 = arith.constant 0 : index
    %get3A_40 = arith.constant 0 : index
    %get3A_41 = vector.load %arg8[%get3A_39, %get3A_40] : memref<1x128xf32, #tpu.memory_space<vmem>>, vector<1x128xf32>
    %reduce_sum3A = arith.constant dense<0.000000e+00> : vector<128xf32>
    %reduce_sum3A_42 = vector.multi_reduction <add>, %max3A_11, %reduce_sum3A [0] : vector<2000x128xf32> to vector<128xf32>
    %broadcast_in_dim3A_43 = vector.shape_cast %reduce_sum3A_42 : vector<128xf32> to vector<1x128xf32>
    %add3A_44 = arith.addf %get3A_41, %broadcast_in_dim3A_43 : vector<1x128xf32>
    %swap3A_45 = arith.constant 0 : index
    %swap3A_46 = arith.constant 0 : index
    %swap3A_47 = vector.load %arg8[%swap3A_45, %swap3A_46] : memref<1x128xf32, #tpu.memory_space<vmem>>, vector<1x128xf32>
    tpu.vector_store %arg8[%swap3A_45, %swap3A_46], %add3A_44 {strides = array<i32>} : memref<1x128xf32, #tpu.memory_space<vmem>>, vector<1x128xf32>,
    return
  }
  func.func @transform_0(%arg0: i32) -> (i32, i32) {
    %c0_i32 = arith.constant 0 : i32
    %c0_i32_0 = arith.constant 0 : i32
    return %arg0, %c0_i32 : i32, i32
  }
  func.func @transform_1(%arg0: i32) -> (i32, i32) {
    %c0_i32 = arith.constant 0 : i32
    %c0_i32_0 = arith.constant 0 : i32
    %c0_i32_1 = arith.constant 0 : i32
    return %c0_i32, %c0_i32_0 : i32, i32
  }
  func.func @transform_2(%arg0: i32) -> (i32, i32) {
    %c0_i32 = arith.constant 0 : i32
    %c0_i32_0 = arith.constant 0 : i32
    %c0_i32_1 = arith.constant 0 : i32
    return %c0_i32, %c0_i32_0 : i32, i32
  }
  func.func @transform_3(%arg0: i32) -> (i32, i32, i32) {
    %c0_i32 = arith.constant 0 : i32
    %c0_i32_0 = arith.constant 0 : i32
    %c0_i32_1 = arith.constant 0 : i32
    return %c0_i32, %arg0, %c0_i32_0 : i32, i32, i32
  }
  func.func @transform_4(%arg0: i32) -> (i32, i32) {
    %c0_i32 = arith.constant 0 : i32
    %c0_i32_0 = arith.constant 0 : i32
    return %arg0, %c0_i32 : i32, i32
  }
  func.func @transform_5(%arg0: i32) -> (i32, i32) {
    %c0_i32 = arith.constant 0 : i32
    %c0_i32_0 = arith.constant 0 : i32
    return %arg0, %c0_i32 : i32, i32
  }
  func.func @transform_6(%arg0: i32) -> (i32, i32) {
    %c0_i32 = arith.constant 0 : i32
    %c0_i32_0 = arith.constant 0 : i32
    return %arg0, %c0_i32 : i32, i32
  }
  func.func @transform_7(%arg0: i32) -> (i32, i32) {
    %c0_i32 = arith.constant 0 : i32
    %c0_i32_0 = arith.constant 0 : i32
    %c0_i32_1 = arith.constant 0 : i32
    return %c0_i32, %c0_i32_0 : i32, i32
  }
}

module attributes {stable_mosaic.version = 14 : i64} {
  func.func @_comb_body(%arg0: i32, %arg1: memref<2x2000x128xf32, #tpu.memory_space<vmem>>, %arg2: memref<2000x1xf32, #tpu.memory_space<vmem>>, %arg3: memref<2000x128xf32, #tpu.memory_space<vmem>>, %arg4: memref<2000x128xf32, #tpu.memory_space<vmem>>, %arg5: memref<2000x128xf32, #tpu.memory_space<vmem>>, %arg6: memref<2000x128xf32, #tpu.memory_space<vmem>>, %arg7: memref<1x128xf32, #tpu.memory_space<vmem>>) attributes {dimension_semantics = [#tpu.dimension_semantics<arbitrary>], iteration_bounds = array<i64: 5>, scalar_prefetch = 0 : i64, scratch_operands = 0 : i64, tpu.core_type = #tpu.core_type<tc>, window_params = [{transform_indices = @transform_0, window_bounds = array<i64: 2, 2000, 128>}, {transform_indices = @transform_1, window_bounds = array<i64: 2000, 1>}, {transform_indices = @transform_2, window_bounds = array<i64: 2000, 128>}, {transform_indices = @transform_3, window_bounds = array<i64: 2000, 128>}, {transform_indices = @transform_4, window_bounds = array<i64: 2000, 128>}, {transform_indices = @transform_5, window_bounds = array<i64: 2000, 128>}, {pipeline_mode = #tpu.pipeline_mode<synchronous>, transform_indices = @transform_6, window_bounds = array<i64: 1, 128>}]} {
    %get3A = arith.constant 0 : index
    %get3A_0 = arith.constant 0 : index
    %get3A_1 = vector.load %arg2[%get3A, %get3A_0] : memref<2000x1xf32, #tpu.memory_space<vmem>>, vector<2000x1xf32>
    %get3A_2 = arith.constant 0 : index
    %get3A_3 = arith.constant 0 : index
    %get3A_4 = arith.constant 0 : index
    %get3A_5 = vector.load %arg1[%get3A_2, %get3A_3, %get3A_4] : memref<2x2000x128xf32, #tpu.memory_space<vmem>>, vector<1x2000x128xf32>
    %get3A_6 = vector.shape_cast %get3A_5 : vector<1x2000x128xf32> to vector<2000x128xf32>
    %get3A_7 = arith.constant 1 : index
    %get3A_8 = arith.constant 0 : index
    %get3A_9 = arith.constant 0 : index
    %get3A_10 = vector.load %arg1[%get3A_7, %get3A_8, %get3A_9] : memref<2x2000x128xf32, #tpu.memory_space<vmem>>, vector<1x2000x128xf32>
    %get3A_11 = vector.shape_cast %get3A_10 : vector<1x2000x128xf32> to vector<2000x128xf32>
    %add3A = arith.addf %get3A_6, %get3A_11 : vector<2000x128xf32>
    %mul3A = vector.broadcast %get3A_1 : vector<2000x1xf32> to vector<2000x128xf32>
    %mul3A_12 = arith.mulf %add3A, %mul3A : vector<2000x128xf32>
    %mul3A_13 = arith.constant 2.000000e+00 : f32
    %mul3A_14 = vector.broadcast %mul3A_13 : f32 to vector<2000x128xf32>
    %mul3A_15 = arith.mulf %mul3A_14, %mul3A_12 : vector<2000x128xf32>
    %get3A_16 = arith.constant 0 : index
    %get3A_17 = arith.constant 0 : index
    %get3A_18 = vector.load %arg3[%get3A_16, %get3A_17] : memref<2000x128xf32, #tpu.memory_space<vmem>>, vector<2000x128xf32>
    %mul3A_19 = arith.constant 0.000000e+00 : f32
    %mul3A_20 = vector.broadcast %mul3A_19 : f32 to vector<2000x128xf32>
    %mul3A_21 = arith.mulf %mul3A_20, %get3A_18 : vector<2000x128xf32>
    %add3A_22 = arith.addf %mul3A_15, %mul3A_21 : vector<2000x128xf32>
    %get3A_23 = arith.constant 0 : index
    %get3A_24 = arith.constant 0 : index
    %get3A_25 = vector.load %arg4[%get3A_23, %get3A_24] : memref<2000x128xf32, #tpu.memory_space<vmem>>, vector<2000x128xf32>
    %mul3A_26 = arith.constant 0.000000e+00 : f32
    %mul3A_27 = vector.broadcast %mul3A_26 : f32 to vector<2000x128xf32>
    %mul3A_28 = arith.mulf %mul3A_27, %get3A_25 : vector<2000x128xf32>
    %add3A_29 = arith.addf %add3A_22, %mul3A_28 : vector<2000x128xf32>
    %swap3A = arith.constant 0 : index
    %swap3A_30 = arith.constant 0 : index
    %swap3A_31 = vector.load %arg5[%swap3A, %swap3A_30] : memref<2000x128xf32, #tpu.memory_space<vmem>>, vector<2000x128xf32>
    tpu.vector_store %arg5[%swap3A, %swap3A_30], %add3A_29 {strides = array<i32>} : memref<2000x128xf32, #tpu.memory_space<vmem>>, vector<2000x128xf32>,
    %mul3A_32 = vector.broadcast %get3A_1 : vector<2000x1xf32> to vector<2000x128xf32>
    %mul3A_33 = arith.mulf %add3A_29, %mul3A_32 : vector<2000x128xf32>
    %swap3A_34 = arith.constant 0 : index
    %swap3A_35 = arith.constant 0 : index
    %swap3A_36 = vector.load %arg6[%swap3A_34, %swap3A_35] : memref<2000x128xf32, #tpu.memory_space<vmem>>, vector<2000x128xf32>
    tpu.vector_store %arg6[%swap3A_34, %swap3A_35], %mul3A_33 {strides = array<i32>} : memref<2000x128xf32, #tpu.memory_space<vmem>>, vector<2000x128xf32>,
    %eq3A = arith.constant 0 : i32
    %eq3A_37 = arith.cmpi eq, %arg0, %eq3A : i32
    %convert_element_type3A = arith.extui %eq3A_37 : i1 to i32
    %cond3A = arith.constant 0 : i32
    %cond3A_38 = arith.cmpi ne, %convert_element_type3A, %cond3A : i32
    scf.if %cond3A_38 {
      %broadcast_in_dim3A_47 = arith.constant 0.000000e+00 : f32
      %broadcast_in_dim3A_48 = vector.broadcast %broadcast_in_dim3A_47 : f32 to vector<1x128xf32>
      %swap3A_49 = arith.constant 0 : index
      %swap3A_50 = arith.constant 0 : index
      %swap3A_51 = vector.load %arg7[%swap3A_49, %swap3A_50] : memref<1x128xf32, #tpu.memory_space<vmem>>, vector<1x128xf32>
      tpu.vector_store %arg7[%swap3A_49, %swap3A_50], %broadcast_in_dim3A_48 {strides = array<i32>} : memref<1x128xf32, #tpu.memory_space<vmem>>, vector<1x128xf32>,
    } else {
    }
    %get3A_39 = arith.constant 0 : index
    %get3A_40 = arith.constant 0 : index
    %get3A_41 = vector.load %arg7[%get3A_39, %get3A_40] : memref<1x128xf32, #tpu.memory_space<vmem>>, vector<1x128xf32>
    %reduce_sum3A = arith.constant dense<0.000000e+00> : vector<128xf32>
    %reduce_sum3A_42 = vector.multi_reduction <add>, %add3A_29, %reduce_sum3A [0] : vector<2000x128xf32> to vector<128xf32>
    %broadcast_in_dim3A = vector.shape_cast %reduce_sum3A_42 : vector<128xf32> to vector<1x128xf32>
    %add3A_43 = arith.addf %get3A_41, %broadcast_in_dim3A : vector<1x128xf32>
    %swap3A_44 = arith.constant 0 : index
    %swap3A_45 = arith.constant 0 : index
    %swap3A_46 = vector.load %arg7[%swap3A_44, %swap3A_45] : memref<1x128xf32, #tpu.memory_space<vmem>>, vector<1x128xf32>
    tpu.vector_store %arg7[%swap3A_44, %swap3A_45], %add3A_43 {strides = array<i32>} : memref<1x128xf32, #tpu.memory_space<vmem>>, vector<1x128xf32>,
    return
  }
  func.func @transform_0(%arg0: i32) -> (i32, i32, i32) {
    %c0_i32 = arith.constant 0 : i32
    %c0_i32_0 = arith.constant 0 : i32
    %c0_i32_1 = arith.constant 0 : i32
    return %c0_i32, %arg0, %c0_i32_0 : i32, i32, i32
  }
  func.func @transform_1(%arg0: i32) -> (i32, i32) {
    %c0_i32 = arith.constant 0 : i32
    %c0_i32_0 = arith.constant 0 : i32
    return %arg0, %c0_i32 : i32, i32
  }
  func.func @transform_2(%arg0: i32) -> (i32, i32) {
    %c0_i32 = arith.constant 0 : i32
    %c0_i32_0 = arith.constant 0 : i32
    return %arg0, %c0_i32 : i32, i32
  }
  func.func @transform_3(%arg0: i32) -> (i32, i32) {
    %c0_i32 = arith.constant 0 : i32
    %c0_i32_0 = arith.constant 0 : i32
    return %arg0, %c0_i32 : i32, i32
  }
  func.func @transform_4(%arg0: i32) -> (i32, i32) {
    %c0_i32 = arith.constant 0 : i32
    %c0_i32_0 = arith.constant 0 : i32
    return %arg0, %c0_i32 : i32, i32
  }
  func.func @transform_5(%arg0: i32) -> (i32, i32) {
    %c0_i32 = arith.constant 0 : i32
    %c0_i32_0 = arith.constant 0 : i32
    return %arg0, %c0_i32 : i32, i32
  }
  func.func @transform_6(%arg0: i32) -> (i32, i32) {
    %c0_i32 = arith.constant 0 : i32
    %c0_i32_0 = arith.constant 0 : i32
    %c0_i32_1 = arith.constant 0 : i32
    return %c0_i32, %c0_i32_0 : i32, i32
  }
}

module attributes {stable_mosaic.version = 14 : i64} {
  func.func @_comb_body(%arg0: i32, %arg1: memref<2x2000x128xf32, #tpu.memory_space<vmem>>, %arg2: memref<2000x1xf32, #tpu.memory_space<vmem>>, %arg3: memref<2000x128xf32, #tpu.memory_space<vmem>>, %arg4: memref<2000x128xf32, #tpu.memory_space<vmem>>, %arg5: memref<2000x128xf32, #tpu.memory_space<vmem>>, %arg6: memref<2000x128xf32, #tpu.memory_space<vmem>>, %arg7: memref<1x128xf32, #tpu.memory_space<vmem>>) attributes {dimension_semantics = [#tpu.dimension_semantics<arbitrary>], iteration_bounds = array<i64: 5>, scalar_prefetch = 0 : i64, scratch_operands = 0 : i64, tpu.core_type = #tpu.core_type<tc>, window_params = [{transform_indices = @transform_0, window_bounds = array<i64: 2, 2000, 128>}, {transform_indices = @transform_1, window_bounds = array<i64: 2000, 1>}, {transform_indices = @transform_2, window_bounds = array<i64: 2000, 128>}, {transform_indices = @transform_3, window_bounds = array<i64: 2000, 128>}, {transform_indices = @transform_4, window_bounds = array<i64: 2000, 128>}, {transform_indices = @transform_5, window_bounds = array<i64: 2000, 128>}, {pipeline_mode = #tpu.pipeline_mode<synchronous>, transform_indices = @transform_6, window_bounds = array<i64: 1, 128>}]} {
    %get3A = arith.constant 0 : index
    %get3A_0 = arith.constant 0 : index
    %get3A_1 = vector.load %arg2[%get3A, %get3A_0] : memref<2000x1xf32, #tpu.memory_space<vmem>>, vector<2000x1xf32>
    %get3A_2 = arith.constant 0 : index
    %get3A_3 = arith.constant 0 : index
    %get3A_4 = arith.constant 0 : index
    %get3A_5 = vector.load %arg1[%get3A_2, %get3A_3, %get3A_4] : memref<2x2000x128xf32, #tpu.memory_space<vmem>>, vector<1x2000x128xf32>
    %get3A_6 = vector.shape_cast %get3A_5 : vector<1x2000x128xf32> to vector<2000x128xf32>
    %get3A_7 = arith.constant 1 : index
    %get3A_8 = arith.constant 0 : index
    %get3A_9 = arith.constant 0 : index
    %get3A_10 = vector.load %arg1[%get3A_7, %get3A_8, %get3A_9] : memref<2x2000x128xf32, #tpu.memory_space<vmem>>, vector<1x2000x128xf32>
    %get3A_11 = vector.shape_cast %get3A_10 : vector<1x2000x128xf32> to vector<2000x128xf32>
    %add3A = arith.addf %get3A_6, %get3A_11 : vector<2000x128xf32>
    %mul3A = vector.broadcast %get3A_1 : vector<2000x1xf32> to vector<2000x128xf32>
    %mul3A_12 = arith.mulf %add3A, %mul3A : vector<2000x128xf32>
    %mul3A_13 = arith.constant 1.875000e+00 : f32
    %mul3A_14 = vector.broadcast %mul3A_13 : f32 to vector<2000x128xf32>
    %mul3A_15 = arith.mulf %mul3A_14, %mul3A_12 : vector<2000x128xf32>
    %get3A_16 = arith.constant 0 : index
    %get3A_17 = arith.constant 0 : index
    %get3A_18 = vector.load %arg3[%get3A_16, %get3A_17] : memref<2000x128xf32, #tpu.memory_space<vmem>>, vector<2000x128xf32>
    %mul3A_19 = arith.constant 0.000000e+00 : f32
    %mul3A_20 = vector.broadcast %mul3A_19 : f32 to vector<2000x128xf32>
    %mul3A_21 = arith.mulf %mul3A_20, %get3A_18 : vector<2000x128xf32>
    %add3A_22 = arith.addf %mul3A_15, %mul3A_21 : vector<2000x128xf32>
    %get3A_23 = arith.constant 0 : index
    %get3A_24 = arith.constant 0 : index
    %get3A_25 = vector.load %arg4[%get3A_23, %get3A_24] : memref<2000x128xf32, #tpu.memory_space<vmem>>, vector<2000x128xf32>
    %mul3A_26 = arith.constant -7.500000e-01 : f32
    %mul3A_27 = vector.broadcast %mul3A_26 : f32 to vector<2000x128xf32>
    %mul3A_28 = arith.mulf %mul3A_27, %get3A_25 : vector<2000x128xf32>
    %add3A_29 = arith.addf %add3A_22, %mul3A_28 : vector<2000x128xf32>
    %swap3A = arith.constant 0 : index
    %swap3A_30 = arith.constant 0 : index
    %swap3A_31 = vector.load %arg5[%swap3A, %swap3A_30] : memref<2000x128xf32, #tpu.memory_space<vmem>>, vector<2000x128xf32>
    tpu.vector_store %arg5[%swap3A, %swap3A_30], %add3A_29 {strides = array<i32>} : memref<2000x128xf32, #tpu.memory_space<vmem>>, vector<2000x128xf32>,
    %mul3A_32 = vector.broadcast %get3A_1 : vector<2000x1xf32> to vector<2000x128xf32>
    %mul3A_33 = arith.mulf %add3A_29, %mul3A_32 : vector<2000x128xf32>
    %swap3A_34 = arith.constant 0 : index
    %swap3A_35 = arith.constant 0 : index
    %swap3A_36 = vector.load %arg6[%swap3A_34, %swap3A_35] : memref<2000x128xf32, #tpu.memory_space<vmem>>, vector<2000x128xf32>
    tpu.vector_store %arg6[%swap3A_34, %swap3A_35], %mul3A_33 {strides = array<i32>} : memref<2000x128xf32, #tpu.memory_space<vmem>>, vector<2000x128xf32>,
    %eq3A = arith.constant 0 : i32
    %eq3A_37 = arith.cmpi eq, %arg0, %eq3A : i32
    %convert_element_type3A = arith.extui %eq3A_37 : i1 to i32
    %cond3A = arith.constant 0 : i32
    %cond3A_38 = arith.cmpi ne, %convert_element_type3A, %cond3A : i32
    scf.if %cond3A_38 {
      %broadcast_in_dim3A_47 = arith.constant 0.000000e+00 : f32
      %broadcast_in_dim3A_48 = vector.broadcast %broadcast_in_dim3A_47 : f32 to vector<1x128xf32>
      %swap3A_49 = arith.constant 0 : index
      %swap3A_50 = arith.constant 0 : index
      %swap3A_51 = vector.load %arg7[%swap3A_49, %swap3A_50] : memref<1x128xf32, #tpu.memory_space<vmem>>, vector<1x128xf32>
      tpu.vector_store %arg7[%swap3A_49, %swap3A_50], %broadcast_in_dim3A_48 {strides = array<i32>} : memref<1x128xf32, #tpu.memory_space<vmem>>, vector<1x128xf32>,
    } else {
    }
    %get3A_39 = arith.constant 0 : index
    %get3A_40 = arith.constant 0 : index
    %get3A_41 = vector.load %arg7[%get3A_39, %get3A_40] : memref<1x128xf32, #tpu.memory_space<vmem>>, vector<1x128xf32>
    %reduce_sum3A = arith.constant dense<0.000000e+00> : vector<128xf32>
    %reduce_sum3A_42 = vector.multi_reduction <add>, %add3A_29, %reduce_sum3A [0] : vector<2000x128xf32> to vector<128xf32>
    %broadcast_in_dim3A = vector.shape_cast %reduce_sum3A_42 : vector<128xf32> to vector<1x128xf32>
    %add3A_43 = arith.addf %get3A_41, %broadcast_in_dim3A : vector<1x128xf32>
    %swap3A_44 = arith.constant 0 : index
    %swap3A_45 = arith.constant 0 : index
    %swap3A_46 = vector.load %arg7[%swap3A_44, %swap3A_45] : memref<1x128xf32, #tpu.memory_space<vmem>>, vector<1x128xf32>
    tpu.vector_store %arg7[%swap3A_44, %swap3A_45], %add3A_43 {strides = array<i32>} : memref<1x128xf32, #tpu.memory_space<vmem>>, vector<1x128xf32>,
    return
  }
  func.func @transform_0(%arg0: i32) -> (i32, i32, i32) {
    %c0_i32 = arith.constant 0 : i32
    %c0_i32_0 = arith.constant 0 : i32
    %c0_i32_1 = arith.constant 0 : i32
    return %c0_i32, %arg0, %c0_i32_0 : i32, i32, i32
  }
  func.func @transform_1(%arg0: i32) -> (i32, i32) {
    %c0_i32 = arith.constant 0 : i32
    %c0_i32_0 = arith.constant 0 : i32
    return %arg0, %c0_i32 : i32, i32
  }
  func.func @transform_2(%arg0: i32) -> (i32, i32) {
    %c0_i32 = arith.constant 0 : i32
    %c0_i32_0 = arith.constant 0 : i32
    return %arg0, %c0_i32 : i32, i32
  }
  func.func @transform_3(%arg0: i32) -> (i32, i32) {
    %c0_i32 = arith.constant 0 : i32
    %c0_i32_0 = arith.constant 0 : i32
    return %arg0, %c0_i32 : i32, i32
  }
  func.func @transform_4(%arg0: i32) -> (i32, i32) {
    %c0_i32 = arith.constant 0 : i32
    %c0_i32_0 = arith.constant 0 : i32
    return %arg0, %c0_i32 : i32, i32
  }
  func.func @transform_5(%arg0: i32) -> (i32, i32) {
    %c0_i32 = arith.constant 0 : i32
    %c0_i32_0 = arith.constant 0 : i32
    return %arg0, %c0_i32 : i32, i32
  }
  func.func @transform_6(%arg0: i32) -> (i32, i32) {
    %c0_i32 = arith.constant 0 : i32
    %c0_i32_0 = arith.constant 0 : i32
    %c0_i32_1 = arith.constant 0 : i32
    return %c0_i32, %c0_i32_0 : i32, i32
  }
}

module attributes {stable_mosaic.version = 14 : i64} {
  func.func @_comb_body(%arg0: i32, %arg1: memref<2x2000x128xf32, #tpu.memory_space<vmem>>, %arg2: memref<2000x1xf32, #tpu.memory_space<vmem>>, %arg3: memref<2000x128xf32, #tpu.memory_space<vmem>>, %arg4: memref<2000x128xf32, #tpu.memory_space<vmem>>, %arg5: memref<2000x128xf32, #tpu.memory_space<vmem>>, %arg6: memref<2000x128xf32, #tpu.memory_space<vmem>>, %arg7: memref<1x128xf32, #tpu.memory_space<vmem>>) attributes {dimension_semantics = [#tpu.dimension_semantics<arbitrary>], iteration_bounds = array<i64: 5>, scalar_prefetch = 0 : i64, scratch_operands = 0 : i64, tpu.core_type = #tpu.core_type<tc>, window_params = [{transform_indices = @transform_0, window_bounds = array<i64: 2, 2000, 128>}, {transform_indices = @transform_1, window_bounds = array<i64: 2000, 1>}, {transform_indices = @transform_2, window_bounds = array<i64: 2000, 128>}, {transform_indices = @transform_3, window_bounds = array<i64: 2000, 128>}, {transform_indices = @transform_4, window_bounds = array<i64: 2000, 128>}, {transform_indices = @transform_5, window_bounds = array<i64: 2000, 128>}, {pipeline_mode = #tpu.pipeline_mode<synchronous>, transform_indices = @transform_6, window_bounds = array<i64: 1, 128>}]} {
    %get3A = arith.constant 0 : index
    %get3A_0 = arith.constant 0 : index
    %get3A_1 = vector.load %arg2[%get3A, %get3A_0] : memref<2000x1xf32, #tpu.memory_space<vmem>>, vector<2000x1xf32>
    %get3A_2 = arith.constant 0 : index
    %get3A_3 = arith.constant 0 : index
    %get3A_4 = arith.constant 0 : index
    %get3A_5 = vector.load %arg1[%get3A_2, %get3A_3, %get3A_4] : memref<2x2000x128xf32, #tpu.memory_space<vmem>>, vector<1x2000x128xf32>
    %get3A_6 = vector.shape_cast %get3A_5 : vector<1x2000x128xf32> to vector<2000x128xf32>
    %get3A_7 = arith.constant 1 : index
    %get3A_8 = arith.constant 0 : index
    %get3A_9 = arith.constant 0 : index
    %get3A_10 = vector.load %arg1[%get3A_7, %get3A_8, %get3A_9] : memref<2x2000x128xf32, #tpu.memory_space<vmem>>, vector<1x2000x128xf32>
    %get3A_11 = vector.shape_cast %get3A_10 : vector<1x2000x128xf32> to vector<2000x128xf32>
    %add3A = arith.addf %get3A_6, %get3A_11 : vector<2000x128xf32>
    %mul3A = vector.broadcast %get3A_1 : vector<2000x1xf32> to vector<2000x128xf32>
    %mul3A_12 = arith.mulf %add3A, %mul3A : vector<2000x128xf32>
    %mul3A_13 = arith.constant 1.86666667 : f32
    %mul3A_14 = vector.broadcast %mul3A_13 : f32 to vector<2000x128xf32>
    %mul3A_15 = arith.mulf %mul3A_14, %mul3A_12 : vector<2000x128xf32>
    %get3A_16 = arith.constant 0 : index
    %get3A_17 = arith.constant 0 : index
    %get3A_18 = vector.load %arg3[%get3A_16, %get3A_17] : memref<2000x128xf32, #tpu.memory_space<vmem>>, vector<2000x128xf32>
    %mul3A_19 = arith.constant 0.000000e+00 : f32
    %mul3A_20 = vector.broadcast %mul3A_19 : f32 to vector<2000x128xf32>
    %mul3A_21 = arith.mulf %mul3A_20, %get3A_18 : vector<2000x128xf32>
    %add3A_22 = arith.addf %mul3A_15, %mul3A_21 : vector<2000x128xf32>
    %get3A_23 = arith.constant 0 : index
    %get3A_24 = arith.constant 0 : index
    %get3A_25 = vector.load %arg4[%get3A_23, %get3A_24] : memref<2000x128xf32, #tpu.memory_space<vmem>>, vector<2000x128xf32>
    %mul3A_26 = arith.constant -8.000000e-01 : f32
    %mul3A_27 = vector.broadcast %mul3A_26 : f32 to vector<2000x128xf32>
    %mul3A_28 = arith.mulf %mul3A_27, %get3A_25 : vector<2000x128xf32>
    %add3A_29 = arith.addf %add3A_22, %mul3A_28 : vector<2000x128xf32>
    %swap3A = arith.constant 0 : index
    %swap3A_30 = arith.constant 0 : index
    %swap3A_31 = vector.load %arg5[%swap3A, %swap3A_30] : memref<2000x128xf32, #tpu.memory_space<vmem>>, vector<2000x128xf32>
    tpu.vector_store %arg5[%swap3A, %swap3A_30], %add3A_29 {strides = array<i32>} : memref<2000x128xf32, #tpu.memory_space<vmem>>, vector<2000x128xf32>,
    %mul3A_32 = vector.broadcast %get3A_1 : vector<2000x1xf32> to vector<2000x128xf32>
    %mul3A_33 = arith.mulf %add3A_29, %mul3A_32 : vector<2000x128xf32>
    %swap3A_34 = arith.constant 0 : index
    %swap3A_35 = arith.constant 0 : index
    %swap3A_36 = vector.load %arg6[%swap3A_34, %swap3A_35] : memref<2000x128xf32, #tpu.memory_space<vmem>>, vector<2000x128xf32>
    tpu.vector_store %arg6[%swap3A_34, %swap3A_35], %mul3A_33 {strides = array<i32>} : memref<2000x128xf32, #tpu.memory_space<vmem>>, vector<2000x128xf32>,
    %eq3A = arith.constant 0 : i32
    %eq3A_37 = arith.cmpi eq, %arg0, %eq3A : i32
    %convert_element_type3A = arith.extui %eq3A_37 : i1 to i32
    %cond3A = arith.constant 0 : i32
    %cond3A_38 = arith.cmpi ne, %convert_element_type3A, %cond3A : i32
    scf.if %cond3A_38 {
      %broadcast_in_dim3A_47 = arith.constant 0.000000e+00 : f32
      %broadcast_in_dim3A_48 = vector.broadcast %broadcast_in_dim3A_47 : f32 to vector<1x128xf32>
      %swap3A_49 = arith.constant 0 : index
      %swap3A_50 = arith.constant 0 : index
      %swap3A_51 = vector.load %arg7[%swap3A_49, %swap3A_50] : memref<1x128xf32, #tpu.memory_space<vmem>>, vector<1x128xf32>
      tpu.vector_store %arg7[%swap3A_49, %swap3A_50], %broadcast_in_dim3A_48 {strides = array<i32>} : memref<1x128xf32, #tpu.memory_space<vmem>>, vector<1x128xf32>,
    } else {
    }
    %get3A_39 = arith.constant 0 : index
    %get3A_40 = arith.constant 0 : index
    %get3A_41 = vector.load %arg7[%get3A_39, %get3A_40] : memref<1x128xf32, #tpu.memory_space<vmem>>, vector<1x128xf32>
    %reduce_sum3A = arith.constant dense<0.000000e+00> : vector<128xf32>
    %reduce_sum3A_42 = vector.multi_reduction <add>, %add3A_29, %reduce_sum3A [0] : vector<2000x128xf32> to vector<128xf32>
    %broadcast_in_dim3A = vector.shape_cast %reduce_sum3A_42 : vector<128xf32> to vector<1x128xf32>
    %add3A_43 = arith.addf %get3A_41, %broadcast_in_dim3A : vector<1x128xf32>
    %swap3A_44 = arith.constant 0 : index
    %swap3A_45 = arith.constant 0 : index
    %swap3A_46 = vector.load %arg7[%swap3A_44, %swap3A_45] : memref<1x128xf32, #tpu.memory_space<vmem>>, vector<1x128xf32>
    tpu.vector_store %arg7[%swap3A_44, %swap3A_45], %add3A_43 {strides = array<i32>} : memref<1x128xf32, #tpu.memory_space<vmem>>, vector<1x128xf32>,
    return
  }
  func.func @transform_0(%arg0: i32) -> (i32, i32, i32) {
    %c0_i32 = arith.constant 0 : i32
    %c0_i32_0 = arith.constant 0 : i32
    %c0_i32_1 = arith.constant 0 : i32
    return %c0_i32, %arg0, %c0_i32_0 : i32, i32, i32
  }
  func.func @transform_1(%arg0: i32) -> (i32, i32) {
    %c0_i32 = arith.constant 0 : i32
    %c0_i32_0 = arith.constant 0 : i32
    return %arg0, %c0_i32 : i32, i32
  }
  func.func @transform_2(%arg0: i32) -> (i32, i32) {
    %c0_i32 = arith.constant 0 : i32
    %c0_i32_0 = arith.constant 0 : i32
    return %arg0, %c0_i32 : i32, i32
  }
  func.func @transform_3(%arg0: i32) -> (i32, i32) {
    %c0_i32 = arith.constant 0 : i32
    %c0_i32_0 = arith.constant 0 : i32
    return %arg0, %c0_i32 : i32, i32
  }
  func.func @transform_4(%arg0: i32) -> (i32, i32) {
    %c0_i32 = arith.constant 0 : i32
    %c0_i32_0 = arith.constant 0 : i32
    return %arg0, %c0_i32 : i32, i32
  }
  func.func @transform_5(%arg0: i32) -> (i32, i32) {
    %c0_i32 = arith.constant 0 : i32
    %c0_i32_0 = arith.constant 0 : i32
    return %arg0, %c0_i32 : i32, i32
  }
  func.func @transform_6(%arg0: i32) -> (i32, i32) {
    %c0_i32 = arith.constant 0 : i32
    %c0_i32_0 = arith.constant 0 : i32
    %c0_i32_1 = arith.constant 0 : i32
    return %c0_i32, %c0_i32_0 : i32, i32
  }
}

module attributes {stable_mosaic.version = 14 : i64} {
  func.func @body(%arg0: i32, %arg1: memref<2x2000x128xf32, #tpu.memory_space<vmem>>, %arg2: memref<2000x1xf32, #tpu.memory_space<vmem>>, %arg3: memref<2000x128xf32, #tpu.memory_space<vmem>>, %arg4: memref<2000x128xf32, #tpu.memory_space<vmem>>, %arg5: memref<2000x128xf32, #tpu.memory_space<vmem>>, %arg6: memref<1x128xf32, #tpu.memory_space<vmem>>) attributes {dimension_semantics = [#tpu.dimension_semantics<arbitrary>], iteration_bounds = array<i64: 5>, scalar_prefetch = 0 : i64, scratch_operands = 0 : i64, tpu.core_type = #tpu.core_type<tc>, window_params = [{transform_indices = @transform_0, window_bounds = array<i64: 2, 2000, 128>}, {transform_indices = @transform_1, window_bounds = array<i64: 2000, 1>}, {transform_indices = @transform_2, window_bounds = array<i64: 2000, 128>}, {transform_indices = @transform_3, window_bounds = array<i64: 2000, 128>}, {transform_indices = @transform_4, window_bounds = array<i64: 2000, 128>}, {pipeline_mode = #tpu.pipeline_mode<synchronous>, transform_indices = @transform_5, window_bounds = array<i64: 1, 128>}]} {
    %get3A = arith.constant 0 : index
    %get3A_0 = arith.constant 0 : index
    %get3A_1 = vector.load %arg2[%get3A, %get3A_0] : memref<2000x1xf32, #tpu.memory_space<vmem>>, vector<2000x1xf32>
    %get3A_2 = arith.constant 0 : index
    %get3A_3 = arith.constant 0 : index
    %get3A_4 = arith.constant 0 : index
    %get3A_5 = vector.load %arg1[%get3A_2, %get3A_3, %get3A_4] : memref<2x2000x128xf32, #tpu.memory_space<vmem>>, vector<1x2000x128xf32>
    %get3A_6 = vector.shape_cast %get3A_5 : vector<1x2000x128xf32> to vector<2000x128xf32>
    %get3A_7 = arith.constant 1 : index
    %get3A_8 = arith.constant 0 : index
    %get3A_9 = arith.constant 0 : index
    %get3A_10 = vector.load %arg1[%get3A_7, %get3A_8, %get3A_9] : memref<2x2000x128xf32, #tpu.memory_space<vmem>>, vector<1x2000x128xf32>
    %get3A_11 = vector.shape_cast %get3A_10 : vector<1x2000x128xf32> to vector<2000x128xf32>
    %add3A = arith.addf %get3A_6, %get3A_11 : vector<2000x128xf32>
    %mul3A = vector.broadcast %get3A_1 : vector<2000x1xf32> to vector<2000x128xf32>
    %mul3A_12 = arith.mulf %add3A, %mul3A : vector<2000x128xf32>
    %mul3A_13 = arith.constant 1.875000e+00 : f32
    %mul3A_14 = vector.broadcast %mul3A_13 : f32 to vector<2000x128xf32>
    %mul3A_15 = arith.mulf %mul3A_14, %mul3A_12 : vector<2000x128xf32>
    %get3A_16 = arith.constant 0 : index
    %get3A_17 = arith.constant 0 : index
    %get3A_18 = vector.load %arg3[%get3A_16, %get3A_17] : memref<2000x128xf32, #tpu.memory_space<vmem>>, vector<2000x128xf32>
    %mul3A_19 = arith.constant 0.000000e+00 : f32
    %mul3A_20 = vector.broadcast %mul3A_19 : f32 to vector<2000x128xf32>
    %mul3A_21 = arith.mulf %mul3A_20, %get3A_18 : vector<2000x128xf32>
    %add3A_22 = arith.addf %mul3A_15, %mul3A_21 : vector<2000x128xf32>
    %get3A_23 = arith.constant 0 : index
    %get3A_24 = arith.constant 0 : index
    %get3A_25 = vector.load %arg4[%get3A_23, %get3A_24] : memref<2000x128xf32, #tpu.memory_space<vmem>>, vector<2000x128xf32>
    %mul3A_26 = arith.constant -0.833333313 : f32
    %mul3A_27 = vector.broadcast %mul3A_26 : f32 to vector<2000x128xf32>
    %mul3A_28 = arith.mulf %mul3A_27, %get3A_25 : vector<2000x128xf32>
    %add3A_29 = arith.addf %add3A_22, %mul3A_28 : vector<2000x128xf32>
    %swap3A = arith.constant 0 : index
    %swap3A_30 = arith.constant 0 : index
    %swap3A_31 = vector.load %arg5[%swap3A, %swap3A_30] : memref<2000x128xf32, #tpu.memory_space<vmem>>, vector<2000x128xf32>
    tpu.vector_store %arg5[%swap3A, %swap3A_30], %add3A_29 {strides = array<i32>} : memref<2000x128xf32, #tpu.memory_space<vmem>>, vector<2000x128xf32>,
    %eq3A = arith.constant 0 : i32
    %eq3A_32 = arith.cmpi eq, %arg0, %eq3A : i32
    %convert_element_type3A = arith.extui %eq3A_32 : i1 to i32
    %cond3A = arith.constant 0 : i32
    %cond3A_33 = arith.cmpi ne, %convert_element_type3A, %cond3A : i32
    scf.if %cond3A_33 {
      %broadcast_in_dim3A_42 = arith.constant 0.000000e+00 : f32
      %broadcast_in_dim3A_43 = vector.broadcast %broadcast_in_dim3A_42 : f32 to vector<1x128xf32>
      %swap3A_44 = arith.constant 0 : index
      %swap3A_45 = arith.constant 0 : index
      %swap3A_46 = vector.load %arg6[%swap3A_44, %swap3A_45] : memref<1x128xf32, #tpu.memory_space<vmem>>, vector<1x128xf32>
      tpu.vector_store %arg6[%swap3A_44, %swap3A_45], %broadcast_in_dim3A_43 {strides = array<i32>} : memref<1x128xf32, #tpu.memory_space<vmem>>, vector<1x128xf32>,
    } else {
    }
    %get3A_34 = arith.constant 0 : index
    %get3A_35 = arith.constant 0 : index
    %get3A_36 = vector.load %arg6[%get3A_34, %get3A_35] : memref<1x128xf32, #tpu.memory_space<vmem>>, vector<1x128xf32>
    %reduce_sum3A = arith.constant dense<0.000000e+00> : vector<128xf32>
    %reduce_sum3A_37 = vector.multi_reduction <add>, %add3A_29, %reduce_sum3A [0] : vector<2000x128xf32> to vector<128xf32>
    %broadcast_in_dim3A = vector.shape_cast %reduce_sum3A_37 : vector<128xf32> to vector<1x128xf32>
    %add3A_38 = arith.addf %get3A_36, %broadcast_in_dim3A : vector<1x128xf32>
    %swap3A_39 = arith.constant 0 : index
    %swap3A_40 = arith.constant 0 : index
    %swap3A_41 = vector.load %arg6[%swap3A_39, %swap3A_40] : memref<1x128xf32, #tpu.memory_space<vmem>>, vector<1x128xf32>
    tpu.vector_store %arg6[%swap3A_39, %swap3A_40], %add3A_38 {strides = array<i32>} : memref<1x128xf32, #tpu.memory_space<vmem>>, vector<1x128xf32>,
    return
  }
  func.func @transform_0(%arg0: i32) -> (i32, i32, i32) {
    %c0_i32 = arith.constant 0 : i32
    %c0_i32_0 = arith.constant 0 : i32
    %c0_i32_1 = arith.constant 0 : i32
    return %c0_i32, %arg0, %c0_i32_0 : i32, i32, i32
  }
  func.func @transform_1(%arg0: i32) -> (i32, i32) {
    %c0_i32 = arith.constant 0 : i32
    %c0_i32_0 = arith.constant 0 : i32
    return %arg0, %c0_i32 : i32, i32
  }
  func.func @transform_2(%arg0: i32) -> (i32, i32) {
    %c0_i32 = arith.constant 0 : i32
    %c0_i32_0 = arith.constant 0 : i32
    return %arg0, %c0_i32 : i32, i32
  }
  func.func @transform_3(%arg0: i32) -> (i32, i32) {
    %c0_i32 = arith.constant 0 : i32
    %c0_i32_0 = arith.constant 0 : i32
    return %arg0, %c0_i32 : i32, i32
  }
  func.func @transform_4(%arg0: i32) -> (i32, i32) {
    %c0_i32 = arith.constant 0 : i32
    %c0_i32_0 = arith.constant 0 : i32
    return %arg0, %c0_i32 : i32, i32
  }
  func.func @transform_5(%arg0: i32) -> (i32, i32) {
    %c0_i32 = arith.constant 0 : i32
    %c0_i32_0 = arith.constant 0 : i32
    %c0_i32_1 = arith.constant 0 : i32
    return %c0_i32, %c0_i32_0 : i32, i32
  }
}

module attributes {stable_mosaic.version = 14 : i64} {
  func.func @_final_body(%arg0: i32, %arg1: memref<5x2000x128xf32, #tpu.memory_space<vmem>>, %arg2: memref<5x128x128xf32, #tpu.memory_space<vmem>>, %arg3: memref<5x128xf32, #tpu.memory_space<vmem>>, %arg4: memref<5x128xf32, #tpu.memory_space<vmem>>, %arg5: memref<128x64xf32, #tpu.memory_space<vmem>>, %arg6: memref<1x64xf32, #tpu.memory_space<vmem>>, %arg7: memref<2000x64xf32, #tpu.memory_space<vmem>>, %arg8: memref<2000x128xf32, #tpu.memory_space<vmem>>, %arg9: memref<2000x5xf32, #tpu.memory_space<vmem>>) attributes {dimension_semantics = [#tpu.dimension_semantics<arbitrary>], iteration_bounds = array<i64: 5>, scalar_prefetch = 0 : i64, scratch_operands = 0 : i64, tpu.core_type = #tpu.core_type<tc>, window_params = [{transform_indices = @transform_0, window_bounds = array<i64: 5, 2000, 128>}, {pipeline_mode = #tpu.pipeline_mode<synchronous>, transform_indices = @transform_1, window_bounds = array<i64: 5, 128, 128>}, {pipeline_mode = #tpu.pipeline_mode<synchronous>, transform_indices = @transform_2, window_bounds = array<i64: 5, 128>}, {pipeline_mode = #tpu.pipeline_mode<synchronous>, transform_indices = @transform_3, window_bounds = array<i64: 5, 128>}, {pipeline_mode = #tpu.pipeline_mode<synchronous>, transform_indices = @transform_4, window_bounds = array<i64: 128, 64>}, {pipeline_mode = #tpu.pipeline_mode<synchronous>, transform_indices = @transform_5, window_bounds = array<i64: 1, 64>}, {transform_indices = @transform_6, window_bounds = array<i64: 2000, 64>}, {transform_indices = @transform_7, window_bounds = array<i64: 2000, 128>}, {transform_indices = @transform_8, window_bounds = array<i64: 2000, 5>}]} {
    %get3A = arith.constant 0 : index
    %get3A_0 = arith.constant 0 : index
    %get3A_1 = vector.load %arg4[%get3A, %get3A_0] : memref<5x128xf32, #tpu.memory_space<vmem>>, vector<5x128xf32>
    %div3A = arith.constant 1.000000e+04 : f32
    %div3A_2 = vector.broadcast %div3A : f32 to vector<5x128xf32>
    %div3A_3 = arith.divf %get3A_1, %div3A_2 : vector<5x128xf32>
    %slice3A = vector.extract_strided_slice %div3A_3 {offsets = [0, 0], sizes = [1, 128], strides = [1, 1]} : vector<5x128xf32> to vector<1x128xf32>
    %get3A_4 = arith.constant 0 : index
    %get3A_5 = arith.constant 0 : index
    %get3A_6 = arith.constant 0 : index
    %get3A_7 = vector.load %arg2[%get3A_4, %get3A_5, %get3A_6] : memref<5x128x128xf32, #tpu.memory_space<vmem>>, vector<1x128x128xf32>
    %get3A_8 = vector.shape_cast %get3A_7 : vector<1x128x128xf32> to vector<128x128xf32>
    %dot_general3A = arith.constant dense<0.000000e+00> : vector<1x128xf32>
    %dot_general3A_9 = tpu.matmul %slice3A, %get3A_8, %dot_general3A {dimension_numbers = #tpu.dot_dimension_numbers<[1], [0], [0], [1], [0, 0, 1, 1], [], []>, precision = #tpu.contract_precision<fp32>, transpose_lhs_hint = false} : vector<1x128xf32>, vector<128x128xf32>, vector<1x128xf32> -> vector<1x128xf32>
    %get3A_10 = arith.constant 0 : index
    %get3A_11 = arith.constant 0 : index
    %get3A_12 = vector.load %arg3[%get3A_10, %get3A_11] : memref<5x128xf32, #tpu.memory_space<vmem>>, vector<1x128xf32>
    %add3A = arith.addf %dot_general3A_9, %get3A_12 : vector<1x128xf32>
    %slice3A_13 = vector.extract_strided_slice %div3A_3 {offsets = [1, 0], sizes = [1, 128], strides = [1, 1]} : vector<5x128xf32> to vector<1x128xf32>
    %get3A_14 = arith.constant 1 : index
    %get3A_15 = arith.constant 0 : index
    %get3A_16 = arith.constant 0 : index
    %get3A_17 = vector.load %arg2[%get3A_14, %get3A_15, %get3A_16] : memref<5x128x128xf32, #tpu.memory_space<vmem>>, vector<1x128x128xf32>
    %get3A_18 = vector.shape_cast %get3A_17 : vector<1x128x128xf32> to vector<128x128xf32>
    %dot_general3A_19 = arith.constant dense<0.000000e+00> : vector<1x128xf32>
    %dot_general3A_20 = tpu.matmul %slice3A_13, %get3A_18, %dot_general3A_19 {dimension_numbers = #tpu.dot_dimension_numbers<[1], [0], [0], [1], [0, 0, 1, 1], [], []>, precision = #tpu.contract_precision<fp32>, transpose_lhs_hint = false} : vector<1x128xf32>, vector<128x128xf32>, vector<1x128xf32> -> vector<1x128xf32>
    %get3A_21 = arith.constant 1 : index
    %get3A_22 = arith.constant 0 : index
    %get3A_23 = vector.load %arg3[%get3A_21, %get3A_22] : memref<5x128xf32, #tpu.memory_space<vmem>>, vector<1x128xf32>
    %add3A_24 = arith.addf %dot_general3A_20, %get3A_23 : vector<1x128xf32>
    %slice3A_25 = vector.extract_strided_slice %div3A_3 {offsets = [2, 0], sizes = [1, 128], strides = [1, 1]} : vector<5x128xf32> to vector<1x128xf32>
    %get3A_26 = arith.constant 2 : index
    %get3A_27 = arith.constant 0 : index
    %get3A_28 = arith.constant 0 : index
    %get3A_29 = vector.load %arg2[%get3A_26, %get3A_27, %get3A_28] : memref<5x128x128xf32, #tpu.memory_space<vmem>>, vector<1x128x128xf32>
    %get3A_30 = vector.shape_cast %get3A_29 : vector<1x128x128xf32> to vector<128x128xf32>
    %dot_general3A_31 = arith.constant dense<0.000000e+00> : vector<1x128xf32>
    %dot_general3A_32 = tpu.matmul %slice3A_25, %get3A_30, %dot_general3A_31 {dimension_numbers = #tpu.dot_dimension_numbers<[1], [0], [0], [1], [0, 0, 1, 1], [], []>, precision = #tpu.contract_precision<fp32>, transpose_lhs_hint = false} : vector<1x128xf32>, vector<128x128xf32>, vector<1x128xf32> -> vector<1x128xf32>
    %get3A_33 = arith.constant 2 : index
    %get3A_34 = arith.constant 0 : index
    %get3A_35 = vector.load %arg3[%get3A_33, %get3A_34] : memref<5x128xf32, #tpu.memory_space<vmem>>, vector<1x128xf32>
    %add3A_36 = arith.addf %dot_general3A_32, %get3A_35 : vector<1x128xf32>
    %slice3A_37 = vector.extract_strided_slice %div3A_3 {offsets = [3, 0], sizes = [1, 128], strides = [1, 1]} : vector<5x128xf32> to vector<1x128xf32>
    %get3A_38 = arith.constant 3 : index
    %get3A_39 = arith.constant 0 : index
    %get3A_40 = arith.constant 0 : index
    %get3A_41 = vector.load %arg2[%get3A_38, %get3A_39, %get3A_40] : memref<5x128x128xf32, #tpu.memory_space<vmem>>, vector<1x128x128xf32>
    %get3A_42 = vector.shape_cast %get3A_41 : vector<1x128x128xf32> to vector<128x128xf32>
    %dot_general3A_43 = arith.constant dense<0.000000e+00> : vector<1x128xf32>
    %dot_general3A_44 = tpu.matmul %slice3A_37, %get3A_42, %dot_general3A_43 {dimension_numbers = #tpu.dot_dimension_numbers<[1], [0], [0], [1], [0, 0, 1, 1], [], []>, precision = #tpu.contract_precision<fp32>, transpose_lhs_hint = false} : vector<1x128xf32>, vector<128x128xf32>, vector<1x128xf32> -> vector<1x128xf32>
    %get3A_45 = arith.constant 3 : index
    %get3A_46 = arith.constant 0 : index
    %get3A_47 = vector.load %arg3[%get3A_45, %get3A_46] : memref<5x128xf32, #tpu.memory_space<vmem>>, vector<1x128xf32>
    %add3A_48 = arith.addf %dot_general3A_44, %get3A_47 : vector<1x128xf32>
    %slice3A_49 = vector.extract_strided_slice %div3A_3 {offsets = [4, 0], sizes = [1, 128], strides = [1, 1]} : vector<5x128xf32> to vector<1x128xf32>
    %get3A_50 = arith.constant 4 : index
    %get3A_51 = arith.constant 0 : index
    %get3A_52 = arith.constant 0 : index
    %get3A_53 = vector.load %arg2[%get3A_50, %get3A_51, %get3A_52] : memref<5x128x128xf32, #tpu.memory_space<vmem>>, vector<1x128x128xf32>
    %get3A_54 = vector.shape_cast %get3A_53 : vector<1x128x128xf32> to vector<128x128xf32>
    %dot_general3A_55 = arith.constant dense<0.000000e+00> : vector<1x128xf32>
    %dot_general3A_56 = tpu.matmul %slice3A_49, %get3A_54, %dot_general3A_55 {dimension_numbers = #tpu.dot_dimension_numbers<[1], [0], [0], [1], [0, 0, 1, 1], [], []>, precision = #tpu.contract_precision<fp32>, transpose_lhs_hint = false} : vector<1x128xf32>, vector<128x128xf32>, vector<1x128xf32> -> vector<1x128xf32>
    %get3A_57 = arith.constant 4 : index
    %get3A_58 = arith.constant 0 : index
    %get3A_59 = vector.load %arg3[%get3A_57, %get3A_58] : memref<5x128xf32, #tpu.memory_space<vmem>>, vector<1x128xf32>
    %add3A_60 = arith.addf %dot_general3A_56, %get3A_59 : vector<1x128xf32>
    %get3A_61 = arith.constant 0 : index
    %get3A_62 = arith.constant 0 : index
    %get3A_63 = arith.constant 0 : index
    %get3A_64 = vector.load %arg1[%get3A_61, %get3A_62, %get3A_63] : memref<5x2000x128xf32, #tpu.memory_space<vmem>>, vector<1x2000x128xf32>
    %get3A_65 = vector.shape_cast %get3A_64 : vector<1x2000x128xf32> to vector<2000x128xf32>
    %get3A_66 = arith.constant 0 : index
    %get3A_67 = arith.constant 0 : index
    %get3A_68 = arith.constant 0 : index
    %get3A_69 = vector.load %arg2[%get3A_66, %get3A_67, %get3A_68] : memref<5x128x128xf32, #tpu.memory_space<vmem>>, vector<1x128x128xf32>
    %get3A_70 = vector.shape_cast %get3A_69 : vector<1x128x128xf32> to vector<128x128xf32>
    %dot_general3A_71 = arith.constant dense<0.000000e+00> : vector<2000x128xf32>
    %dot_general3A_72 = tpu.matmul %get3A_65, %get3A_70, %dot_general3A_71 {dimension_numbers = #tpu.dot_dimension_numbers<[1], [0], [0], [1], [0, 0, 1, 1], [], []>, precision = #tpu.contract_precision<fp32>, transpose_lhs_hint = false} : vector<2000x128xf32>, vector<128x128xf32>, vector<2000x128xf32> -> vector<2000x128xf32>
    %get3A_73 = arith.constant 0 : index
    %get3A_74 = arith.constant 0 : index
    %get3A_75 = vector.load %arg3[%get3A_73, %get3A_74] : memref<5x128xf32, #tpu.memory_space<vmem>>, vector<1x128xf32>
    %add3A_76 = vector.broadcast %get3A_75 : vector<1x128xf32> to vector<2000x128xf32>
    %add3A_77 = arith.addf %dot_general3A_72, %add3A_76 : vector<2000x128xf32>
    %get3A_78 = arith.constant 1 : index
    %get3A_79 = arith.constant 0 : index
    %get3A_80 = arith.constant 0 : index
    %get3A_81 = vector.load %arg1[%get3A_78, %get3A_79, %get3A_80] : memref<5x2000x128xf32, #tpu.memory_space<vmem>>, vector<1x2000x128xf32>
    %get3A_82 = vector.shape_cast %get3A_81 : vector<1x2000x128xf32> to vector<2000x128xf32>
    %get3A_83 = arith.constant 1 : index
    %get3A_84 = arith.constant 0 : index
    %get3A_85 = arith.constant 0 : index
    %get3A_86 = vector.load %arg2[%get3A_83, %get3A_84, %get3A_85] : memref<5x128x128xf32, #tpu.memory_space<vmem>>, vector<1x128x128xf32>
    %get3A_87 = vector.shape_cast %get3A_86 : vector<1x128x128xf32> to vector<128x128xf32>
    %dot_general3A_88 = arith.constant dense<0.000000e+00> : vector<2000x128xf32>
    %dot_general3A_89 = tpu.matmul %get3A_82, %get3A_87, %dot_general3A_88 {dimension_numbers = #tpu.dot_dimension_numbers<[1], [0], [0], [1], [0, 0, 1, 1], [], []>, precision = #tpu.contract_precision<fp32>, transpose_lhs_hint = false} : vector<2000x128xf32>, vector<128x128xf32>, vector<2000x128xf32> -> vector<2000x128xf32>
    %get3A_90 = arith.constant 1 : index
    %get3A_91 = arith.constant 0 : index
    %get3A_92 = vector.load %arg3[%get3A_90, %get3A_91] : memref<5x128xf32, #tpu.memory_space<vmem>>, vector<1x128xf32>
    %add3A_93 = vector.broadcast %get3A_92 : vector<1x128xf32> to vector<2000x128xf32>
    %add3A_94 = arith.addf %dot_general3A_89, %add3A_93 : vector<2000x128xf32>
    %get3A_95 = arith.constant 2 : index
    %get3A_96 = arith.constant 0 : index
    %get3A_97 = arith.constant 0 : index
    %get3A_98 = vector.load %arg1[%get3A_95, %get3A_96, %get3A_97] : memref<5x2000x128xf32, #tpu.memory_space<vmem>>, vector<1x2000x128xf32>
    %get3A_99 = vector.shape_cast %get3A_98 : vector<1x2000x128xf32> to vector<2000x128xf32>
    %get3A_100 = arith.constant 2 : index
    %get3A_101 = arith.constant 0 : index
    %get3A_102 = arith.constant 0 : index
    %get3A_103 = vector.load %arg2[%get3A_100, %get3A_101, %get3A_102] : memref<5x128x128xf32, #tpu.memory_space<vmem>>, vector<1x128x128xf32>
    %get3A_104 = vector.shape_cast %get3A_103 : vector<1x128x128xf32> to vector<128x128xf32>
    %dot_general3A_105 = arith.constant dense<0.000000e+00> : vector<2000x128xf32>
    %dot_general3A_106 = tpu.matmul %get3A_99, %get3A_104, %dot_general3A_105 {dimension_numbers = #tpu.dot_dimension_numbers<[1], [0], [0], [1], [0, 0, 1, 1], [], []>, precision = #tpu.contract_precision<fp32>, transpose_lhs_hint = false} : vector<2000x128xf32>, vector<128x128xf32>, vector<2000x128xf32> -> vector<2000x128xf32>
    %get3A_107 = arith.constant 2 : index
    %get3A_108 = arith.constant 0 : index
    %get3A_109 = vector.load %arg3[%get3A_107, %get3A_108] : memref<5x128xf32, #tpu.memory_space<vmem>>, vector<1x128xf32>
    %add3A_110 = vector.broadcast %get3A_109 : vector<1x128xf32> to vector<2000x128xf32>
    %add3A_111 = arith.addf %dot_general3A_106, %add3A_110 : vector<2000x128xf32>
    %get3A_112 = arith.constant 3 : index
    %get3A_113 = arith.constant 0 : index
    %get3A_114 = arith.constant 0 : index
    %get3A_115 = vector.load %arg1[%get3A_112, %get3A_113, %get3A_114] : memref<5x2000x128xf32, #tpu.memory_space<vmem>>, vector<1x2000x128xf32>
    %get3A_116 = vector.shape_cast %get3A_115 : vector<1x2000x128xf32> to vector<2000x128xf32>
    %get3A_117 = arith.constant 3 : index
    %get3A_118 = arith.constant 0 : index
    %get3A_119 = arith.constant 0 : index
    %get3A_120 = vector.load %arg2[%get3A_117, %get3A_118, %get3A_119] : memref<5x128x128xf32, #tpu.memory_space<vmem>>, vector<1x128x128xf32>
    %get3A_121 = vector.shape_cast %get3A_120 : vector<1x128x128xf32> to vector<128x128xf32>
    %dot_general3A_122 = arith.constant dense<0.000000e+00> : vector<2000x128xf32>
    %dot_general3A_123 = tpu.matmul %get3A_116, %get3A_121, %dot_general3A_122 {dimension_numbers = #tpu.dot_dimension_numbers<[1], [0], [0], [1], [0, 0, 1, 1], [], []>, precision = #tpu.contract_precision<fp32>, transpose_lhs_hint = false} : vector<2000x128xf32>, vector<128x128xf32>, vector<2000x128xf32> -> vector<2000x128xf32>
    %get3A_124 = arith.constant 3 : index
    %get3A_125 = arith.constant 0 : index
    %get3A_126 = vector.load %arg3[%get3A_124, %get3A_125] : memref<5x128xf32, #tpu.memory_space<vmem>>, vector<1x128xf32>
    %add3A_127 = vector.broadcast %get3A_126 : vector<1x128xf32> to vector<2000x128xf32>
    %add3A_128 = arith.addf %dot_general3A_123, %add3A_127 : vector<2000x128xf32>
    %get3A_129 = arith.constant 4 : index
    %get3A_130 = arith.constant 0 : index
    %get3A_131 = arith.constant 0 : index
    %get3A_132 = vector.load %arg1[%get3A_129, %get3A_130, %get3A_131] : memref<5x2000x128xf32, #tpu.memory_space<vmem>>, vector<1x2000x128xf32>
    %get3A_133 = vector.shape_cast %get3A_132 : vector<1x2000x128xf32> to vector<2000x128xf32>
    %get3A_134 = arith.constant 4 : index
    %get3A_135 = arith.constant 0 : index
    %get3A_136 = arith.constant 0 : index
    %get3A_137 = vector.load %arg2[%get3A_134, %get3A_135, %get3A_136] : memref<5x128x128xf32, #tpu.memory_space<vmem>>, vector<1x128x128xf32>
    %get3A_138 = vector.shape_cast %get3A_137 : vector<1x128x128xf32> to vector<128x128xf32>
    %dot_general3A_139 = arith.constant dense<0.000000e+00> : vector<2000x128xf32>
    %dot_general3A_140 = tpu.matmul %get3A_133, %get3A_138, %dot_general3A_139 {dimension_numbers = #tpu.dot_dimension_numbers<[1], [0], [0], [1], [0, 0, 1, 1], [], []>, precision = #tpu.contract_precision<fp32>, transpose_lhs_hint = false} : vector<2000x128xf32>, vector<128x128xf32>, vector<2000x128xf32> -> vector<2000x128xf32>
    %get3A_141 = arith.constant 4 : index
    %get3A_142 = arith.constant 0 : index
    %get3A_143 = vector.load %arg3[%get3A_141, %get3A_142] : memref<5x128xf32, #tpu.memory_space<vmem>>, vector<1x128xf32>
    %add3A_144 = vector.broadcast %get3A_143 : vector<1x128xf32> to vector<2000x128xf32>
    %add3A_145 = arith.addf %dot_general3A_140, %add3A_144 : vector<2000x128xf32>
    %mul3A = vector.broadcast %add3A : vector<1x128xf32> to vector<2000x128xf32>
    %mul3A_146 = arith.mulf %add3A_77, %mul3A : vector<2000x128xf32>
    %reduce_sum3A = arith.constant dense<0.000000e+00> : vector<2000xf32>
    %reduce_sum3A_147 = vector.multi_reduction <add>, %mul3A_146, %reduce_sum3A [1] : vector<2000x128xf32> to vector<2000xf32>
    %broadcast_in_dim3A = vector.shape_cast %reduce_sum3A_147 : vector<2000xf32> to vector<2000x1xf32>
    %mul3A_148 = vector.broadcast %add3A_24 : vector<1x128xf32> to vector<2000x128xf32>
    %mul3A_149 = arith.mulf %add3A_94, %mul3A_148 : vector<2000x128xf32>
    %reduce_sum3A_150 = arith.constant dense<0.000000e+00> : vector<2000xf32>
    %reduce_sum3A_151 = vector.multi_reduction <add>, %mul3A_149, %reduce_sum3A_150 [1] : vector<2000x128xf32> to vector<2000xf32>
    %broadcast_in_dim3A_152 = vector.shape_cast %reduce_sum3A_151 : vector<2000xf32> to vector<2000x1xf32>
    %mul3A_153 = vector.broadcast %add3A_36 : vector<1x128xf32> to vector<2000x128xf32>
    %mul3A_154 = arith.mulf %add3A_111, %mul3A_153 : vector<2000x128xf32>
    %reduce_sum3A_155 = arith.constant dense<0.000000e+00> : vector<2000xf32>
    %reduce_sum3A_156 = vector.multi_reduction <add>, %mul3A_154, %reduce_sum3A_155 [1] : vector<2000x128xf32> to vector<2000xf32>
    %broadcast_in_dim3A_157 = vector.shape_cast %reduce_sum3A_156 : vector<2000xf32> to vector<2000x1xf32>
    %mul3A_158 = vector.broadcast %add3A_48 : vector<1x128xf32> to vector<2000x128xf32>
    %mul3A_159 = arith.mulf %add3A_128, %mul3A_158 : vector<2000x128xf32>
    %reduce_sum3A_160 = arith.constant dense<0.000000e+00> : vector<2000xf32>
    %reduce_sum3A_161 = vector.multi_reduction <add>, %mul3A_159, %reduce_sum3A_160 [1] : vector<2000x128xf32> to vector<2000xf32>
    %broadcast_in_dim3A_162 = vector.shape_cast %reduce_sum3A_161 : vector<2000xf32> to vector<2000x1xf32>
    %mul3A_163 = vector.broadcast %add3A_60 : vector<1x128xf32> to vector<2000x128xf32>
    %mul3A_164 = arith.mulf %add3A_145, %mul3A_163 : vector<2000x128xf32>
    %reduce_sum3A_165 = arith.constant dense<0.000000e+00> : vector<2000xf32>
    %reduce_sum3A_166 = vector.multi_reduction <add>, %mul3A_164, %reduce_sum3A_165 [1] : vector<2000x128xf32> to vector<2000xf32>
    %broadcast_in_dim3A_167 = vector.shape_cast %reduce_sum3A_166 : vector<2000xf32> to vector<2000x1xf32>
    %concatenate3A = tpu.concatenate %broadcast_in_dim3A, %broadcast_in_dim3A_152, %broadcast_in_dim3A_157, %broadcast_in_dim3A_162, %broadcast_in_dim3A_167 in 1 : vector<2000x1xf32>, vector<2000x1xf32>, vector<2000x1xf32>, vector<2000x1xf32>, vector<2000x1xf32> -> vector<2000x5xf32>
    %tanh3A = math.tanh %concatenate3A : vector<2000x5xf32>
    %reduce_max3A = arith.constant dense<0xFF800000> : vector<2000xf32>
    %reduce_max3A_168 = vector.multi_reduction <maximumf>, %tanh3A, %reduce_max3A [1] : vector<2000x5xf32> to vector<2000xf32>
    %broadcast_in_dim3A_169 = vector.shape_cast %reduce_max3A_168 : vector<2000xf32> to vector<2000x1xf32>
    %sub3A = vector.broadcast %broadcast_in_dim3A_169 : vector<2000x1xf32> to vector<2000x5xf32>
    %sub3A_170 = arith.subf %tanh3A, %sub3A : vector<2000x5xf32>
    %exp3A = math.exp %sub3A_170 : vector<2000x5xf32>
    %reduce_sum3A_171 = arith.constant dense<0.000000e+00> : vector<2000xf32>
    %reduce_sum3A_172 = vector.multi_reduction <add>, %exp3A, %reduce_sum3A_171 [1] : vector<2000x5xf32> to vector<2000xf32>
    %broadcast_in_dim3A_173 = vector.shape_cast %reduce_sum3A_172 : vector<2000xf32> to vector<2000x1xf32>
    %div3A_174 = vector.broadcast %broadcast_in_dim3A_173 : vector<2000x1xf32> to vector<2000x5xf32>
    %div3A_175 = arith.divf %exp3A, %div3A_174 : vector<2000x5xf32>
    %swap3A = arith.constant 0 : index
    %swap3A_176 = arith.constant 0 : index
    %swap3A_177 = vector.load %arg9[%swap3A, %swap3A_176] : memref<2000x5xf32, #tpu.memory_space<vmem>>, vector<2000x5xf32>
    tpu.vector_store %arg9[%swap3A, %swap3A_176], %div3A_175 {strides = array<i32>} : memref<2000x5xf32, #tpu.memory_space<vmem>>, vector<2000x5xf32>,
    %slice3A_178 = vector.extract_strided_slice %div3A_175 {offsets = [0, 0], sizes = [2000, 1], strides = [1, 1]} : vector<2000x5xf32> to vector<2000x1xf32>
    %mul3A_179 = vector.broadcast %slice3A_178 : vector<2000x1xf32> to vector<2000x128xf32>
    %mul3A_180 = arith.mulf %mul3A_179, %add3A_77 : vector<2000x128xf32>
    %slice3A_181 = vector.extract_strided_slice %div3A_175 {offsets = [0, 1], sizes = [2000, 1], strides = [1, 1]} : vector<2000x5xf32> to vector<2000x1xf32>
    %mul3A_182 = vector.broadcast %slice3A_181 : vector<2000x1xf32> to vector<2000x128xf32>
    %mul3A_183 = arith.mulf %mul3A_182, %add3A_94 : vector<2000x128xf32>
    %add3A_184 = arith.addf %mul3A_180, %mul3A_183 : vector<2000x128xf32>
    %slice3A_185 = vector.extract_strided_slice %div3A_175 {offsets = [0, 2], sizes = [2000, 1], strides = [1, 1]} : vector<2000x5xf32> to vector<2000x1xf32>
    %mul3A_186 = vector.broadcast %slice3A_185 : vector<2000x1xf32> to vector<2000x128xf32>
    %mul3A_187 = arith.mulf %mul3A_186, %add3A_111 : vector<2000x128xf32>
    %add3A_188 = arith.addf %add3A_184, %mul3A_187 : vector<2000x128xf32>
    %slice3A_189 = vector.extract_strided_slice %div3A_175 {offsets = [0, 3], sizes = [2000, 1], strides = [1, 1]} : vector<2000x5xf32> to vector<2000x1xf32>
    %mul3A_190 = vector.broadcast %slice3A_189 : vector<2000x1xf32> to vector<2000x128xf32>
    %mul3A_191 = arith.mulf %mul3A_190, %add3A_128 : vector<2000x128xf32>
    %add3A_192 = arith.addf %add3A_188, %mul3A_191 : vector<2000x128xf32>
    %slice3A_193 = vector.extract_strided_slice %div3A_175 {offsets = [0, 4], sizes = [2000, 1], strides = [1, 1]} : vector<2000x5xf32> to vector<2000x1xf32>
    %mul3A_194 = vector.broadcast %slice3A_193 : vector<2000x1xf32> to vector<2000x128xf32>
    %mul3A_195 = arith.mulf %mul3A_194, %add3A_145 : vector<2000x128xf32>
    %add3A_196 = arith.addf %add3A_192, %mul3A_195 : vector<2000x128xf32>
    %max3A = arith.constant 0.000000e+00 : f32
    %max3A_197 = vector.broadcast %max3A : f32 to vector<2000x128xf32>
    %max3A_198 = arith.maximumf %add3A_196, %max3A_197 : vector<2000x128xf32>
    %swap3A_199 = arith.constant 0 : index
    %swap3A_200 = arith.constant 0 : index
    %swap3A_201 = vector.load %arg8[%swap3A_199, %swap3A_200] : memref<2000x128xf32, #tpu.memory_space<vmem>>, vector<2000x128xf32>
    tpu.vector_store %arg8[%swap3A_199, %swap3A_200], %max3A_198 {strides = array<i32>} : memref<2000x128xf32, #tpu.memory_space<vmem>>, vector<2000x128xf32>,
    %get3A_202 = arith.constant 0 : index
    %get3A_203 = arith.constant 0 : index
    %get3A_204 = vector.load %arg5[%get3A_202, %get3A_203] : memref<128x64xf32, #tpu.memory_space<vmem>>, vector<128x64xf32>
    %dot_general3A_205 = arith.constant dense<0.000000e+00> : vector<2000x64xf32>
    %dot_general3A_206 = tpu.matmul %max3A_198, %get3A_204, %dot_general3A_205 {dimension_numbers = #tpu.dot_dimension_numbers<[1], [0], [0], [1], [0, 0, 1, 1], [], []>, precision = #tpu.contract_precision<fp32>, transpose_lhs_hint = false} : vector<2000x128xf32>, vector<128x64xf32>, vector<2000x64xf32> -> vector<2000x64xf32>
    %get3A_207 = arith.constant 0 : index
    %get3A_208 = arith.constant 0 : index
    %get3A_209 = vector.load %arg6[%get3A_207, %get3A_208] : memref<1x64xf32, #tpu.memory_space<vmem>>, vector<1x64xf32>
    %add3A_210 = vector.broadcast %get3A_209 : vector<1x64xf32> to vector<2000x64xf32>
    %add3A_211 = arith.addf %dot_general3A_206, %add3A_210 : vector<2000x64xf32>
    %swap3A_212 = arith.constant 0 : index
    %swap3A_213 = arith.constant 0 : index
    %swap3A_214 = vector.load %arg7[%swap3A_212, %swap3A_213] : memref<2000x64xf32, #tpu.memory_space<vmem>>, vector<2000x64xf32>
    tpu.vector_store %arg7[%swap3A_212, %swap3A_213], %add3A_211 {strides = array<i32>} : memref<2000x64xf32, #tpu.memory_space<vmem>>, vector<2000x64xf32>,
    return
  }
  func.func @transform_0(%arg0: i32) -> (i32, i32, i32) {
    %c0_i32 = arith.constant 0 : i32
    %c0_i32_0 = arith.constant 0 : i32
    %c0_i32_1 = arith.constant 0 : i32
    return %c0_i32, %arg0, %c0_i32_0 : i32, i32, i32
  }
  func.func @transform_1(%arg0: i32) -> (i32, i32, i32) {
    %c0_i32 = arith.constant 0 : i32
    %c0_i32_0 = arith.constant 0 : i32
    %c0_i32_1 = arith.constant 0 : i32
    %c0_i32_2 = arith.constant 0 : i32
    return %c0_i32, %c0_i32_0, %c0_i32_1 : i32, i32, i32
  }
  func.func @transform_2(%arg0: i32) -> (i32, i32) {
    %c0_i32 = arith.constant 0 : i32
    %c0_i32_0 = arith.constant 0 : i32
    %c0_i32_1 = arith.constant 0 : i32
    return %c0_i32, %c0_i32_0 : i32, i32
  }
  func.func @transform_3(%arg0: i32) -> (i32, i32) {
    %c0_i32 = arith.constant 0 : i32
    %c0_i32_0 = arith.constant 0 : i32
    %c0_i32_1 = arith.constant 0 : i32
    return %c0_i32, %c0_i32_0 : i32, i32
  }
  func.func @transform_4(%arg0: i32) -> (i32, i32) {
    %c0_i32 = arith.constant 0 : i32
    %c0_i32_0 = arith.constant 0 : i32
    %c0_i32_1 = arith.constant 0 : i32
    return %c0_i32, %c0_i32_0 : i32, i32
  }
  func.func @transform_5(%arg0: i32) -> (i32, i32) {
    %c0_i32 = arith.constant 0 : i32
    %c0_i32_0 = arith.constant 0 : i32
    %c0_i32_1 = arith.constant 0 : i32
    return %c0_i32, %c0_i32_0 : i32, i32
  }
  func.func @transform_6(%arg0: i32) -> (i32, i32) {
    %c0_i32 = arith.constant 0 : i32
    %c0_i32_0 = arith.constant 0 : i32
    return %arg0, %c0_i32 : i32, i32
  }
  func.func @transform_7(%arg0: i32) -> (i32, i32) {
    %c0_i32 = arith.constant 0 : i32
    %c0_i32_0 = arith.constant 0 : i32
    return %arg0, %c0_i32 : i32, i32
  }
  func.func @transform_8(%arg0: i32) -> (i32, i32) {
    %c0_i32 = arith.constant 0 : i32
    %c0_i32_0 = arith.constant 0 : i32
    return %arg0, %c0_i32 : i32, i32
  }
}

</mosaic_0001>

<sc_bundles>
// kernel: kernel.14.cloned.1.call-start
scs
__scs_entry_jumppad:
0x0: {  	(pc) =	sbr.rel $0x88, $3  }
0x1: {  	(tag) =	ssettag $0x0;
	lr =	simm.s32 $0x1  }
0x2: {  	[smem:$0x3F99] =	sst lr;
	_ =	strace $0xD0000000  }
0x3: {  	_ = 	snop  }
0x4: {  	_ = 	snop  }
0x5: {  	_ = 	snop  }
0x6: {  	_ = 	snop  }
0x7: {  	_ = 	snop  }
__scs_overlays_trampoline_lowered:
0x8: {  	[smem:$0x3FA8] =	sst s0  }
0x9: {  	[smem:$0x3FA9] =	sst s1  }
0xa: {  	[smem:$0x3FAA] =	sst s2  }
0xb: {  	[smem:$0x3FAB] =	sst s3  }
0xc: {  	[smem:$0x3FAC] =	sst s4  }
0xd: {  	[smem:$0x3FAD] =	sst s5  }
0xe: {  	[smem:$0x3FAE] =	sst s6  }
0xf: {  	[smem:$0x3FAF] =	sst s7  }
0x10: {  	[smem:$0x3FB0] =	sst s8  }
0x11: {  	[smem:$0x3FB1] =	sst s9;
	s0 =	simm.s32 @!p0 $0x0  }
0x12: {  	s1 =	sld [smem:$0x3F97];
	s0 =	simm.s32 @p0 $0x1  }
0x13: {  	[smem:$0x3FB2] =	sst s0;
	s0 =	simm.s32 @!p1 $0x0  }
0x14: {  	s2 =	sld [smem:$0x3F96];
	s0 =	simm.s32 @p1 $0x1  }
0x15: {  	[smem:$0x3FB3] =	sst s0;
	s0 =	simm.s32 @!p2 $0x0  }
0x16: {  	s3 =	sld [smem:$0x3FDB];
	s0 =	simm.s32 @p2 $0x1  }
0x17: {  	s4 =	simm.s32 $0x1BF5;
	[smem:$0x3FB5] =	sst s0  }
0x18: {  	s0 =	sld [smem:$0x3F98];
	_ =	swait.ge [sflag:s4], $0x0  }
0x19: {  	s7 =	sld [smem:$0x3F99]  }
0x1a: {  	s8 =	sadd.s32 $0xFFFFE003, lr  }
0x1b: {  	s9 =	sadd.s32 $0xFFFFFEF7, lr;
	s5 =	simm.s32 $0xFFFFFFFF;
	p2 =	slt.u32 s8, $0xFFFFF086  }
0x1c: {  	p1 =	slt.u32 s9, $0xF7A;
	s5 =	simm.s32 @!p2 $0x0  }
0x1d: {  	s5 =	simm.s32 @p1 $0x1;
	p0 =	seq.s32 s7, s2  }
0x1e: {  	s7 =	smul.u32 @!p0 $0xF7A, s2;
	p2 =	seq.s32 @!p0 s5, $0x0  }
0x1f: {  	s9 =	smul.u32 $0xF7A, s1;
	s8 =	simm.s32 @!p0 $0x1BF5;
	p2 =	por !p2, p0  }
0x20: {  	[sflag:s8] =	ssyncset.s32 @!p0 $0xFFFFF086;
	s6 =	sadd.s32 @!p0 s3, s7;
	s7 =	simm.s32 @!p0 $0x108  }
0x21: {  	s3 =	sadd.s32 s3, s9;
	s6 =	sadd.s32 @!p0 $0x88, s6;
	s7 =	simm.s32 @p2 $0x1082  }
0x22: {  	[simem:s7], [sflag:s8] =	dma.local @!p0 [hbm:s6], $0xF7A  }
0x23: {  	s9 =	sor.u32 $0xD0000000, s2;
	s6 =	simm.s32 $0x108;
	_ =	swait.ge @!p0 [sflag:s8], $0x0  }
0x24: {  	s3 =	sadd.s32 $0x88, s3;
	s6 =	simm.s32 @!p1 $0x1082;
	[sflag:s4] =	ssyncset.s32 $0xFFFFF086  }
0x25: {  	[simem:s6], [sflag:s4] =	dma.local [hbm:s3], $0xF7A  }
0x26: {  	[smem:$0x3F99] =	sst s1;
	(tag) =	ssettag s2;
	_ =	strace s9  }
0x27: {  	s1 =	sld [smem:$0x3FA9]  }
0x28: {  	s2 =	sld [smem:$0x3FAA]  }
0x29: {  	s4 =	sld [smem:$0x3FAC]  }
0x2a: {  	p0 =	seq.s32 s5, $0x0;
	s5 =	sld [smem:$0x3FAD]  }
0x2b: {  	s6 =	sld [smem:$0x3FAE]  }
0x2c: {  	s7 =	sld [smem:$0x3FAF]  }
0x2d: {  	s3 =	simm.s32 $0x108;
	s8 =	sld [smem:$0x3FB0]  }
0x2e: {  	s3 =	simm.s32 @!p0 $0x1082;
	s9 =	sld [smem:$0x3FB1]  }
0x2f: {  	lr =	sadd.s32 s0, s3;
	s0 =	sld [smem:$0x3FA8]  }
0x30: {  	s3 =	sld [smem:$0x3FAB]  }
0x31: {  	[smem:$0x3FB4] =	sst s10  }
0x32: {  	s10 =	sld [smem:$0x3FB2];
	_ =	sdelay $0x3  }
0x33: {  	p0 =	seq.s32 s10, $0x1;
	s10 =	sld [smem:$0x3FB4];
	_ =	sdelay $0x3  }
0x34: {  	[smem:$0x3FB4] =	sst s10  }
0x35: {  	s10 =	sld [smem:$0x3FB3];
	_ =	sdelay $0x3  }
0x36: {  	p1 =	seq.s32 s10, $0x1;
	s10 =	sld [smem:$0x3FB4];
	_ =	sdelay $0x3  }
0x37: {  	[smem:$0x3FB4] =	sst s10  }
0x38: {  	s10 =	sld [smem:$0x3FB5]  }
0x39: {  	_ = 	snop;
	(pc) =	sbr.ind lr, $3  }
0x3a: {  	_ = 	snop  }
0x3b: {  	_ = 	snop  }
0x3c: {  	p2 =	seq.s32 s10, $0x1;
	s10 =	sld [smem:$0x3FB4]  }
0x3d: {  	_ =	shalt  }
0x3e: {  	_ =	shalt  }
0x3f: {  	_ =	shalt  }
0x40: {  	_ =	shalt  }
0x41: {  	_ =	shalt  }
0x42: {  	_ =	shalt  }
0x43: {  	_ =	shalt  }
0x44: {  	_ =	shalt  }
0x45: {  	_ =	shalt  }
0x46: {  	_ =	shalt  }
0x47: {  	_ =	shalt  }
0x48: {  	_ =	shalt  }
0x49: {  	_ =	shalt  }
0x4a: {  	_ =	shalt  }
0x4b: {  	_ =	shalt  }
0x4c: {  	_ =	shalt  }
0x4d: {  	_ =	shalt  }
0x4e: {  	_ =	shalt  }
0x4f: {  	_ =	shalt  }
0x50: {  	_ =	shalt  }
0x51: {  	_ =	shalt  }
0x52: {  	_ =	shalt  }
0x53: {  	_ =	shalt  }
0x54: {  	_ =	shalt  }
0x55: {  	_ =	shalt  }
0x56: {  	_ =	shalt  }
0x57: {  	_ =	shalt  }
0x58: {  	_ =	shalt  }
0x59: {  	_ =	shalt  }
0x5a: {  	_ =	shalt  }
0x5b: {  	_ =	shalt  }
0x5c: {  	_ =	shalt  }
0x5d: {  	_ =	shalt  }
0x5e: {  	_ =	shalt  }
0x5f: {  	_ =	shalt  }
0x60: {  	_ =	shalt  }
0x61: {  	_ =	shalt  }
0x62: {  	_ =	shalt  }
0x63: {  	_ =	shalt  }
0x64: {  	_ =	shalt  }
0x65: {  	_ =	shalt  }
0x66: {  	_ =	shalt  }
0x67: {  	_ =	shalt  }
0x68: {  	_ =	shalt  }
0x69: {  	_ =	shalt  }
0x6a: {  	_ =	shalt  }
0x6b: {  	_ =	shalt  }
0x6c: {  	_ =	shalt  }
0x6d: {  	_ =	shalt  }
0x6e: {  	_ =	shalt  }
0x6f: {  	_ =	shalt  }
0x70: {  	_ =	shalt  }
0x71: {  	_ =	shalt  }
0x72: {  	_ =	shalt  }
0x73: {  	_ =	shalt  }
0x74: {  	_ =	shalt  }
0x75: {  	_ =	shalt  }
0x76: {  	_ =	shalt  }
0x77: {  	_ =	shalt  }
0x78: {  	_ =	shalt  }
0x79: {  	_ =	shalt  }
0x7a: {  	_ =	shalt  }
0x7b: {  	_ =	shalt  }
0x7c: {  	_ =	shalt  }
0x7d: {  	_ =	shalt  }
0x7e: {  	_ =	shalt  }
0x7f: {  	_ =	shalt  }
0x80: {  	_ =	shalt  }
0x81: {  	_ =	shalt  }
0x82: {  	_ =	shalt  }
0x83: {  	_ =	shalt  }
0x84: {  	_ =	shalt  }
0x85: {  	_ =	shalt  }
0x86: {  	_ =	shalt  }
0x87: {  	_ =	shalt  }
.Lfunc_end0:
.L_simem_size_0:
called_computation_lowered:
.L_overlay_start_0:
0x88: {  	s2 =	sld [smem:$0x3FD9]  }
0x89: {  	s3 =	sld [smem:$0x3FFE];
	_ =	sdelay $0x1  }
0x8a: {  	s1 =	srdreg.scid  }
0x8b: {  	s0 =	sand.u32 $0x1, s1  }
0x8c: {  	s15 =	sshll.u32 s0, $0xA;
	s2 =	sadd.s32 s3, s2  }
0x8d: {  	s2 =	sadd.s32 s2, s15  }
0x8e: {  	[smem:$0x3FC0] =	sst s2  }
0x8f: {  	_ = 	snop  }
0x90: {  	s2 =	sld [smem:$0x3FD0];
	_ =	sdelay $0x2  }
0x91: {  	s16 =	simm.s32 $0xA;
	s4 =	simm.s32 $0x10  }
0x92: {  	[smem:s4], [sflag:s16] =	dma.local [hbm:s2], $0x1  }
0x93: {  	_ =	swait.eq [sflag:s16], $0x1  }
0x94: {  	s17 =	sld [smem:$0x10]  }
0x95: {  	s18 =	sld [smem:$0x11];
	[sflag:s16] =	ssyncset.done $0x0  }
0x96: {  	s5 =	sld [smem:$0x12];
	[sflag:s16] =	ssyncadd.s32 $0xFFFFFFFF  }
0x97: {  	s19 =	sld [smem:$0x13];
	(tm) =	ssettm $0x1  }
0x98: {  	s6 =	sld [smem:$0x3FFB];
	_ =	sdelay $0x3  }
0x99: {  	_ =	strace s6  }
0x9a: {  	s6 =	sld [smem:$0x3FFC];
	_ =	sdelay $0x3  }
0x9b: {  	_ =	strace s6  }
0x9c: {  	s6 =	sld [smem:$0x3FFD];
	_ =	sdelay $0x3  }
0x9d: {  	_ =	strace s6  }
0x9e: {  	_ =	strace $0x8FFFFFFF  }
0x9f: {  	s20 =	sld [smem:$0x3FDB];
	_ =	sdelay $0x1  }
0xa0: {  	s7 =	simm.s32 $_scs_section_size  }
0xa1: {  	s8 =	simm.s32 $_size__tile_overlayer_lowered;
	s9 =	simm.s32 $_tile_overlayer_lowered  }
0xa2: {  	s23 =	simm.s32 $0x1BFF;
	s22 =	sshll.u32 s9, $0x1;
	s6 =	sadd.s32 s7, s20  }
0xa3: {  	s10 =	simm.s32 $0x0;
	s21 =	sshll.u32 s8, $0x1;
	s8 =	sadd.s32 s22, s6  }
0xa4: {  	[timem:s10], [sflag:s23] =	dma.local [hbm:s8], s21  }
0xa5: {  	_ =	swait.ge [sflag:s23], s21  }
0xa6: {  	s7 =	ssub.s32 $0x0, s21;
	[sflag:s23] =	ssyncset.done $0x0  }
0xa7: {  	[sflag:s23] =	ssyncadd.s32 s7;
	_ =	sdelay $0x1  }
0xa8: {  	s24 =	simm.s32 $0x1B8B  }
0xa9: {  	_ =	swait.ge [sflag:s24], $0x1  }
0xaa: {  	[sflag:s24] =	ssyncset.done $0x0  }
0xab: {  	s25 =	simm.s32 $0x1B8E;
	[sflag:s24] =	ssyncadd.s32 $0xFFFFFFFF  }
0xac: {  	s26 =	simm.s32 $execute0_lowered;
	[smem:$0x3FD2] =	sst s25  }
0xad: {  	s7 =	sshll.u32 s26, $0x1;
	_ =	strace $0x80000046;
	[dreg:$0x1] =	wrdreg $0xFFFFFFFF  }
0xae: {  	s28 =	simm.s32 $_size_execute0_lowered;
	s6 =	sadd.s32 s6, s7;
	[dreg:$0x0] =	wrdreg $0x0  }
0xaf: {  	s7 =	sshll.u32 s28, $0x1;
	[dreg:$0x2] =	wrdreg s6  }
0xb0: {  	[dreg:$0x3] =	wrdreg s7  }
0xb1: {  	[dreg:$0x4] =	wrdreg $0xC0  }
0xb2: {  	_ =	task [dreg:s10], $0x5FFFF  }
0xb3: {  	[dreg:$0x1] =	wrdreg $0xFFFFFFFF  }
0xb4: {  	[dreg:$0x0] =	wrdreg $0x60  }
0xb5: {  	[dreg:$0x2] =	wrdreg s17  }
0xb6: {  	[dreg:$0x3] =	wrdreg s5  }
0xb7: {  	[dreg:$0x4] =	wrdreg s18  }
0xb8: {  	[dreg:$0x5] =	wrdreg s19  }
0xb9: {  	[dreg:$0x6] =	wrdreg $0x1800  }
0xba: {  	[dreg:$0x7] =	wrdreg $0x9  }
0xbb: {  	_ =	task.clear_ibuf [dreg:s10], $0x8FFFF;
	_ =	strace $0x90000046  }
0xbc: {  	s29 =	simm.s32 $0x9;
	_ =	strace $0x80000048  }
0xbd: {  	_ =	swait.ge [sflag:s29], $0x1  }
0xbe: {  	[sflag:s29] =	ssyncadd.s32 $0xFFFFFFFF  }
0xbf: {  	_ =	strace $0x90000048  }
0xc0: {  	_ =	sfence  }
0xc1: {  	s30 =	sld [smem:$0x0];
	_ =	sdelay $0x2  }
0xc2: {  	s31 =	sshll.u32 s1, $0xD;
	s1 =	sshrl.u32 s1, $0x2  }
0xc3: {  	s3 =	sand.u32 $0x4000, s31;
	s1 =	sadd.s32 s1, s30  }
0xc4: {  	s0 =	sor.u32 s3, s0;
	s1 =	sshll.u32 s1, $0x11  }
0xc5: {  	s0 =	sor.u32 s1, s0  }
0xc6: {  	s0 =	sadd.s32 $0x8F2B, s0  }
0xc7: {  	[sflag:s0] =	ssyncadd.remote.s32 $0x1  }
0xc8: {  	_ =	sfence.sel $0xFFFF  }
0xc9: {  	[dreg:$0x0] =	wrdreg $0xFFFFFFFF;
	(pc) =	sbr.abs _section_cstart, $3  }
0xca: {  	[dreg:$0x1] =	wrdreg $0xFFFFFFFF  }
0xcb: {  	_ =	task.clear_ibuf [dreg:s10], $0x2FFFF;
	_ =	strace $0x9FFFFFFF  }
0xcc: {  	(tm) =	ssettm $0x7FFFFFFF  }
0xcd: {  	_ =	shalt  }
tec
execute0_lowered:
.L_overlay_start_1:
0x0: {  	(tag) =	ssettag $0x1  }
0x1: {  	s10 =	rddreg [dreg:$0x0]  }
0x2: {  	s1 =	rddreg [dreg:$0x1]  }
0x3: {  	s2 =	rddreg [dreg:$0x2]  }
0x4: {  	s9 =	rddreg [dreg:$0x3]  }
0x5: {  	s4 =	rddreg [dreg:$0x4]  }
0x6: {  	s0 =	rddreg [dreg:$0x5]  }
0x7: {  	s5 =	simm.s32 $0x0;
	s6 =	srdreg.scid;
	s3 =	stileid.u32  }
0x8: {  	s17 =	simm.s32 $0x78;
	s18 =	simm.s32 $0x2;
	s19 =	simm.s32 $0x20  }
0x9: {  	s20 =	simm.s32 $0x10;
	s21 =	simm.s32 $0x0;
	s11 =	smul.u32 $0xA00, s3  }
0xa: {  	[smem:$0x7FF] =	sst s5;
	s8 =	sand.u32 $0x1, s6;
	s15 =	smul.u32 $0x500, s3  }
0xb: {  	s24 =	sshll.u32 s3, $0x1;
	s28 =	sshll.u32 s3, $0x6;
	s30 =	smul.u32 $0x1E, s3  }
0xc: {  	s7 =	ssub.s32 $0x2, s8;
	s6 =	sor.u32 s8, s24;
	s16 =	smul.u32 $0xF, s8  }
0xd: {  	_ =	strace $0x80000047;
	s29 =	sshll.u32 s8, $0x7;
	s13 =	smul.u32 $0xF, s6  }
0xe: {  	s12 =	sshrl.u32 s7, $0x1;
	s25 =	sshrl.u32 s11, $0x2;
	s26 =	smul.u32 $0x78, s6  }
0xf: {  	s6 =	sor.u32 $0x1C03, s28;
	s31 =	sadd.s32 s30, s10;
	s12 =	ssub.s32 s7, s12  }
0x10: {  	s14 =	sadd.s32 s25, s4;
	s7 =	sadd.s32 s10, s13;
	s11 =	sshrl.u32 s26, $0x3  }
0x11: {  	s13 =	sor.u32 s29, s15;
	s15 =	simm.s32 $0x80;
	s11 =	sadd.s32 s10, s11  }
0x12: {  	s13 =	sshrl.u32 s13, $0x3;
	s10 =	smax.u32 s12, $0x1;
	s12 =	sshrl.u32 s14, $0x3  }
0x13: {  	s14 =	simm.s32 $0x100;
	s8 =	sadd.s32 $0x9BA0, s11;
	s9 =	sadd.s32 s9, s13  }
0x14: {  	s11 =	sadd.s32 s16, s31;
	s13 =	simm.s32 $0x3;
	s16 =	simm.s32 $0x1  }
.LBB2_1:
0x15: {  	[spmem:s12], [sflag:s6] =	dma.local [hbm:s2], $0x50  }
0x16: {  	_ =	swait.ge [sflag:s13], $0x50  }
0x17: {  	[sflag:s13] =	ssyncset.done $0x0  }
0x18: {  	[sflag:s13] =	ssyncadd.s32 $0xFFFFFFB0  }
0x19: {  	[tilespmem:s14], [sflag:$0x3] =	stream.linear.gather [hbm4b:s1+s5], $0x80, $0x38;
	[tilespmem:$0x400] =	vst v63  }
0x1a: {  	_ =	swait.ge [sflag:s13], $0x80  }
0x1b: {  	[sflag:s13] =	ssyncset.done $0x0  }
0x1c: {  	[sflag:s13] =	ssyncadd.s32 $0xFFFFFF80  }
0x1d: {  	s22 =	sadd.s32 $0xFFFF6640, s11;
	[bflag:$0x0] =	sbarrier.arrive $0xFFFF  }
0x1e: {  	[tilespmem:s5], [sflag:$0x1] =	stream.linear.gather [hbm4b:s7+s5], $0x78, $0x38;
	[tilespmem:$0x400] =	vst v63  }
0x1f: {  	s23 =	sadd.s32 $0x9BA0, s22  }
0x20: {  	[tilespmem:s15], [sflag:$0x2] =	stream.linear.gather [hbm4b:s23+s5], $0x78, $0x38;
	[tilespmem:$0x400] =	vst v63  }
0x21: {  	_ =	swait.ge [sflag:s16], $0x78  }
0x22: {  	[sflag:s16] =	ssyncset.done $0x0  }
0x23: {  	[sflag:s16] =	ssyncadd.s32 $0xFFFFFF88  }
0x24: {  	[spmem:s4] =	stream.indirect.scatter.add.f32 [tilespmem:s14], [sflag:$0x3], $0x1, s5, s17, $0xb8;
	[tilespmem:$0x400] =	vst v63  }
0x25: {  	_ =	swait.ge [sflag:s13], $0x78  }
0x26: {  	[sflag:s13] =	ssyncset.done $0x0  }
0x27: {  	s22 =	sadd.s32 $0x9D80, s22;
	[sflag:s13] =	ssyncadd.s32 $0xFFFFFF88  }
0x28: {  	[tilespmem:s5], [sflag:$0x1] =	stream.linear.gather [hbm4b:s22+s5], $0x78, $0x38;
	[tilespmem:$0x400] =	vst v63  }
0x29: {  	_ =	swait.ge [sflag:s18], $0x78  }
0x2a: {  	[sflag:s18] =	ssyncset.done $0x0  }
0x2b: {  	[sflag:s18] =	ssyncadd.s32 $0xFFFFFF88  }
0x2c: {  	[spmem:s4] =	stream.indirect.scatter.add.f32 [tilespmem:s14], [sflag:$0x3], $0x1, s15, s17, $0xb8;
	[tilespmem:$0x400] =	vst v63  }
0x2d: {  	_ =	swait.ge [sflag:s13], $0x78  }
0x2e: {  	s23 =	simm.s32 $0xFFFF6DC0;
	s22 =	sadd.s32 $0xFFFF6A00, s11;
	[sflag:s13] =	ssyncset.done $0x0  }
.LBB2_2:
0x2f: {  	s24 =	sadd.s32 $0x9BA0, s22  }
0x30: {  	[sflag:s13] =	ssyncadd.s32 $0xFFFFFF88;
	s25 =	smov.u32 s23;
	s26 =	sadd.s32 $0x3C0, s23  }
0x31: {  	[tilespmem:s15], [sflag:$0x2] =	stream.linear.gather [hbm4b:s24+s5], $0x78, $0x38;
	[tilespmem:$0x400] =	vst v63  }
0x32: {  	p0 =	sne.s32 s23, $0xFFFFFC40;
	_ =	swait.ge [sflag:s16], $0x78  }
0x33: {  	[sflag:s16] =	ssyncset.done $0x0  }
0x34: {  	[sflag:s16] =	ssyncadd.s32 $0xFFFFFF88  }
0x35: {  	[spmem:s4] =	stream.indirect.scatter.add.f32 [tilespmem:s14], [sflag:$0x3], $0x1, s5, s17, $0xb8;
	[tilespmem:$0x400] =	vst v63  }
0x36: {  	_ =	swait.ge [sflag:s13], $0x78  }
0x37: {  	[sflag:s13] =	ssyncset.done $0x0  }
0x38: {  	s22 =	sadd.s32 $0x9D80, s22;
	[sflag:s13] =	ssyncadd.s32 $0xFFFFFF88  }
0x39: {  	[tilespmem:s5], [sflag:$0x1] =	stream.linear.gather [hbm4b:s22+s5], $0x78, $0x38;
	[tilespmem:$0x400] =	vst v63  }
0x3a: {  	_ =	swait.ge [sflag:s18], $0x78  }
.Ltmp0:
0x3b: {  	[sflag:s18] =	ssyncset.done $0x0;
	(pc) =	sbr.rel @p0 .LBB2_2-.Ltmp0, $4  }
0x3c: {  	[sflag:s18] =	ssyncadd.s32 $0xFFFFFF88  }
0x3d: {  	[spmem:s4] =	stream.indirect.scatter.add.f32 [tilespmem:s14], [sflag:$0x3], $0x1, s15, s17, $0xb8;
	[tilespmem:$0x400] =	vst v63  }
0x3e: {  	_ =	swait.ge [sflag:s13], $0x78  }
0x3f: {  	s23 =	smov.u32 s26;
	s22 =	sadd.s32 s25, s11;
	[sflag:s13] =	ssyncset.done $0x0  }
0x40: {  	s23 =	sadd.s32 $0x9BA0, s22;
	[sflag:s13] =	ssyncadd.s32 $0xFFFFFF88  }
0x41: {  	[tilespmem:s15], [sflag:$0x2] =	stream.linear.gather [hbm4b:s23+s5], $0x78, $0x38;
	[tilespmem:$0x400] =	vst v63  }
0x42: {  	_ =	swait.ge [sflag:s16], $0x78  }
0x43: {  	[sflag:s16] =	ssyncset.done $0x0  }
0x44: {  	[sflag:s16] =	ssyncadd.s32 $0xFFFFFF88  }
0x45: {  	[spmem:s4] =	stream.indirect.scatter.add.f32 [tilespmem:s14], [sflag:$0x3], $0x1, s5, s17, $0xb8;
	[tilespmem:$0x400] =	vst v63  }
0x46: {  	_ =	swait.ge [sflag:s13], $0x78  }
0x47: {  	[sflag:s13] =	ssyncset.done $0x0  }
0x48: {  	s31 =	sadd.s32 $0x9D80, s22;
	[sflag:s13] =	ssyncadd.s32 $0xFFFFFF88  }
0x49: {  	[tilespmem:s5], [sflag:$0x1] =	stream.linear.gather [hbm4b:s31+s5], $0x78, $0x38;
	[tilespmem:$0x400] =	vst v63  }
0x4a: {  	_ =	swait.ge [sflag:s18], $0x78  }
0x4b: {  	[sflag:s18] =	ssyncset.done $0x0  }
0x4c: {  	[sflag:s18] =	ssyncadd.s32 $0xFFFFFF88  }
0x4d: {  	[spmem:s4] =	stream.indirect.scatter.add.f32 [tilespmem:s14], [sflag:$0x3], $0x1, s15, s17, $0xb8;
	[tilespmem:$0x400] =	vst v63  }
0x4e: {  	_ =	swait.ge [sflag:s13], $0x78  }
0x4f: {  	[sflag:s13] =	ssyncset.done $0x0  }
0x50: {  	[sflag:s13] =	ssyncadd.s32 $0xFFFFFF88  }
0x51: {  	[tilespmem:s15], [sflag:$0x2] =	stream.linear.gather [hbm4b:s8+s5], $0x78, $0x38;
	[tilespmem:$0x400] =	vst v63  }
0x52: {  	_ =	swait.ge [sflag:s16], $0x78  }
0x53: {  	[sflag:s16] =	ssyncset.done $0x0  }
0x54: {  	[sflag:s16] =	ssyncadd.s32 $0xFFFFFF88  }
0x55: {  	[spmem:s4] =	stream.indirect.scatter.add.f32 [tilespmem:s14], [sflag:$0x3], $0x1, s5, s17, $0xb8;
	[tilespmem:$0x400] =	vst v63  }
0x56: {  	_ =	swait.ge [sflag:s13], $0x78  }
0x57: {  	[sflag:s13] =	ssyncset.done $0x0  }
0x58: {  	[sflag:s13] =	ssyncadd.s32 $0xFFFFFF88  }
0x59: {  	_ =	swait.ge [sflag:s18], $0x78  }
0x5a: {  	[sflag:s18] =	ssyncset.done $0x0  }
0x5b: {  	[sflag:s18] =	ssyncadd.s32 $0xFFFFFF88  }
0x5c: {  	[spmem:s4] =	stream.indirect.scatter.add.f32 [tilespmem:s14], [sflag:$0x3], $0x1, s15, s17, $0xb8;
	[tilespmem:$0x400] =	vst v63  }
0x5d: {  	_ =	swait.ge [sflag:s13], $0x78  }
0x5e: {  	s21 =	sadd.s32 $0x1, s21;
	[sflag:s13] =	ssyncset.done $0x0  }
0x5f: {  	p0 =	sne.s32 s21, s10;
	[sflag:s13] =	ssyncadd.s32 $0xFFFFFF88  }
.Ltmp1:
0x60: {  	[bflag:$0x0] =	sbarrier.arrive $0xFFFF;
	(pc) =	sbr.rel @p0 .LBB2_1-.Ltmp1, $4  }
0x61: {  	[hbm:s9@s19], [sflag:s6] =	dma.strided [spmem:s12@s20], $0x50, s16, $0x10   }
0x62: {  	_ =	swait.ge [sflag:s13], $0x50  }
0x63: {  	[sflag:s13] =	ssyncset.done $0x0  }
0x64: {  	[sflag:s13] =	ssyncadd.s32 $0xFFFFFFB0  }
0x65: {  	_ =	sfence.sel $0x180000  }
0x66: {  	[bflag:$0x0] =	sbarrier.arrive $0xFFFF  }
0x67: {  	p0 =	sne.s32 s3, $0x0;
	_ =	strace $0x90000047  }
0x68: {  	s0 =	sadd.s32 @!p0 $0x100000, s0;
	[bflag:$0x2] =	sbarrier.arrive $0xFFFF  }
0x69: {  	[sflag:s0] =	ssyncadd.tile.s32 @!p0 $0x1;
	_ =	shalt  }
.Lfunc_end2:
_tile_overlayer_lowered:
.L_overlay_start_2:
0x6a: {  	(tag) =	ssettag $0x2  }
0x6b: {  	s0 =	rddreg [dreg:$0x0];
	s2 =	stileid.u32  }
0x6c: {  	s1 =	rddreg [dreg:$0x1];
	p0 =	sne.s32 s2, $0x0  }
0x6d: {  	s3 =	rddreg [dreg:$0x2];
	[bflag:$0x3] =	sbarrier.arrive $0xFFFF;
	s2 =	simm.s32 @!p0 $0x1C03  }
0x6e: {  	[timem:s3], [sflag:s2] =	dma.local @!p0 [hbm:s0], s1  }
0x6f: {  	s0 =	simm.s32 @!p0 $0x3  }
0x70: {  	_ =	swait.ge @!p0 [sflag:s0], s1  }
0x71: {  	s1 =	ssub.s32 @!p0 $0x0, s1;
	[sflag:s0] =	ssyncset.done @!p0 $0x0  }
0x72: {  	[sflag:s0] =	ssyncadd.s32 @!p0 s1  }
0x73: {  	[bflag:$0x3] =	sbarrier.arrive $0xFFFF  }
0x74: {  	_ =	shalt  }

// kernel: kernel.17.cloned.1.call-start
scs
__scs_entry_jumppad:
0x0: {  	(pc) =	sbr.rel $0x88, $3  }
0x1: {  	(tag) =	ssettag $0x0;
	lr =	simm.s32 $0x1  }
0x2: {  	[smem:$0x3F99] =	sst lr;
	_ =	strace $0xD0000000  }
0x3: {  	_ = 	snop  }
0x4: {  	_ = 	snop  }
0x5: {  	_ = 	snop  }
0x6: {  	_ = 	snop  }
0x7: {  	_ = 	snop  }
__scs_overlays_trampoline_lowered:
0x8: {  	[smem:$0x3FA8] =	sst s0  }
0x9: {  	[smem:$0x3FA9] =	sst s1  }
0xa: {  	[smem:$0x3FAA] =	sst s2  }
0xb: {  	[smem:$0x3FAB] =	sst s3  }
0xc: {  	[smem:$0x3FAC] =	sst s4  }
0xd: {  	[smem:$0x3FAD] =	sst s5  }
0xe: {  	[smem:$0x3FAE] =	sst s6  }
0xf: {  	[smem:$0x3FAF] =	sst s7  }
0x10: {  	[smem:$0x3FB0] =	sst s8  }
0x11: {  	[smem:$0x3FB1] =	sst s9;
	s0 =	simm.s32 @!p0 $0x0  }
0x12: {  	s1 =	sld [smem:$0x3F97];
	s0 =	simm.s32 @p0 $0x1  }
0x13: {  	[smem:$0x3FB2] =	sst s0;
	s0 =	simm.s32 @!p1 $0x0  }
0x14: {  	s2 =	sld [smem:$0x3F96];
	s0 =	simm.s32 @p1 $0x1  }
0x15: {  	[smem:$0x3FB3] =	sst s0;
	s0 =	simm.s32 @!p2 $0x0  }
0x16: {  	s3 =	sld [smem:$0x3FDB];
	s0 =	simm.s32 @p2 $0x1  }
0x17: {  	s4 =	simm.s32 $0x1BF5;
	[smem:$0x3FB5] =	sst s0  }
0x18: {  	s0 =	sld [smem:$0x3F98];
	_ =	swait.ge [sflag:s4], $0x0  }
0x19: {  	s7 =	sld [smem:$0x3F99]  }
0x1a: {  	s8 =	sadd.s32 $0xFFFFE003, lr  }
0x1b: {  	s9 =	sadd.s32 $0xFFFFFEF7, lr;
	s5 =	simm.s32 $0xFFFFFFFF;
	p2 =	slt.u32 s8, $0xFFFFF086  }
0x1c: {  	p1 =	slt.u32 s9, $0xF7A;
	s5 =	simm.s32 @!p2 $0x0  }
0x1d: {  	s5 =	simm.s32 @p1 $0x1;
	p0 =	seq.s32 s7, s2  }
0x1e: {  	s7 =	smul.u32 @!p0 $0xF7A, s2;
	p2 =	seq.s32 @!p0 s5, $0x0  }
0x1f: {  	s9 =	smul.u32 $0xF7A, s1;
	s8 =	simm.s32 @!p0 $0x1BF5;
	p2 =	por !p2, p0  }
0x20: {  	[sflag:s8] =	ssyncset.s32 @!p0 $0xFFFFF086;
	s6 =	sadd.s32 @!p0 s3, s7;
	s7 =	simm.s32 @!p0 $0x108  }
0x21: {  	s3 =	sadd.s32 s3, s9;
	s6 =	sadd.s32 @!p0 $0x88, s6;
	s7 =	simm.s32 @p2 $0x1082  }
0x22: {  	[simem:s7], [sflag:s8] =	dma.local @!p0 [hbm:s6], $0xF7A  }
0x23: {  	s9 =	sor.u32 $0xD0000000, s2;
	s6 =	simm.s32 $0x108;
	_ =	swait.ge @!p0 [sflag:s8], $0x0  }
0x24: {  	s3 =	sadd.s32 $0x88, s3;
	s6 =	simm.s32 @!p1 $0x1082;
	[sflag:s4] =	ssyncset.s32 $0xFFFFF086  }
0x25: {  	[simem:s6], [sflag:s4] =	dma.local [hbm:s3], $0xF7A  }
0x26: {  	[smem:$0x3F99] =	sst s1;
	(tag) =	ssettag s2;
	_ =	strace s9  }
0x27: {  	s1 =	sld [smem:$0x3FA9]  }
0x28: {  	s2 =	sld [smem:$0x3FAA]  }
0x29: {  	s4 =	sld [smem:$0x3FAC]  }
0x2a: {  	p0 =	seq.s32 s5, $0x0;
	s5 =	sld [smem:$0x3FAD]  }
0x2b: {  	s6 =	sld [smem:$0x3FAE]  }
0x2c: {  	s7 =	sld [smem:$0x3FAF]  }
0x2d: {  	s3 =	simm.s32 $0x108;
	s8 =	sld [smem:$0x3FB0]  }
0x2e: {  	s3 =	simm.s32 @!p0 $0x1082;
	s9 =	sld [smem:$0x3FB1]  }
0x2f: {  	lr =	sadd.s32 s0, s3;
	s0 =	sld [smem:$0x3FA8]  }
0x30: {  	s3 =	sld [smem:$0x3FAB]  }
0x31: {  	[smem:$0x3FB4] =	sst s10  }
0x32: {  	s10 =	sld [smem:$0x3FB2];
	_ =	sdelay $0x3  }
0x33: {  	p0 =	seq.s32 s10, $0x1;
	s10 =	sld [smem:$0x3FB4];
	_ =	sdelay $0x3  }
0x34: {  	[smem:$0x3FB4] =	sst s10  }
0x35: {  	s10 =	sld [smem:$0x3FB3];
	_ =	sdelay $0x3  }
0x36: {  	p1 =	seq.s32 s10, $0x1;
	s10 =	sld [smem:$0x3FB4];
	_ =	sdelay $0x3  }
0x37: {  	[smem:$0x3FB4] =	sst s10  }
0x38: {  	s10 =	sld [smem:$0x3FB5]  }
0x39: {  	_ = 	snop;
	(pc) =	sbr.ind lr, $3  }
0x3a: {  	_ = 	snop  }
0x3b: {  	_ = 	snop  }
0x3c: {  	p2 =	seq.s32 s10, $0x1;
	s10 =	sld [smem:$0x3FB4]  }
0x3d: {  	_ =	shalt  }
0x3e: {  	_ =	shalt  }
0x3f: {  	_ =	shalt  }
0x40: {  	_ =	shalt  }
0x41: {  	_ =	shalt  }
0x42: {  	_ =	shalt  }
0x43: {  	_ =	shalt  }
0x44: {  	_ =	shalt  }
0x45: {  	_ =	shalt  }
0x46: {  	_ =	shalt  }
0x47: {  	_ =	shalt  }
0x48: {  	_ =	shalt  }
0x49: {  	_ =	shalt  }
0x4a: {  	_ =	shalt  }
0x4b: {  	_ =	shalt  }
0x4c: {  	_ =	shalt  }
0x4d: {  	_ =	shalt  }
0x4e: {  	_ =	shalt  }
0x4f: {  	_ =	shalt  }
0x50: {  	_ =	shalt  }
0x51: {  	_ =	shalt  }
0x52: {  	_ =	shalt  }
0x53: {  	_ =	shalt  }
0x54: {  	_ =	shalt  }
0x55: {  	_ =	shalt  }
0x56: {  	_ =	shalt  }
0x57: {  	_ =	shalt  }
0x58: {  	_ =	shalt  }
0x59: {  	_ =	shalt  }
0x5a: {  	_ =	shalt  }
0x5b: {  	_ =	shalt  }
0x5c: {  	_ =	shalt  }
0x5d: {  	_ =	shalt  }
0x5e: {  	_ =	shalt  }
0x5f: {  	_ =	shalt  }
0x60: {  	_ =	shalt  }
0x61: {  	_ =	shalt  }
0x62: {  	_ =	shalt  }
0x63: {  	_ =	shalt  }
0x64: {  	_ =	shalt  }
0x65: {  	_ =	shalt  }
0x66: {  	_ =	shalt  }
0x67: {  	_ =	shalt  }
0x68: {  	_ =	shalt  }
0x69: {  	_ =	shalt  }
0x6a: {  	_ =	shalt  }
0x6b: {  	_ =	shalt  }
0x6c: {  	_ =	shalt  }
0x6d: {  	_ =	shalt  }
0x6e: {  	_ =	shalt  }
0x6f: {  	_ =	shalt  }
0x70: {  	_ =	shalt  }
0x71: {  	_ =	shalt  }
0x72: {  	_ =	shalt  }
0x73: {  	_ =	shalt  }
0x74: {  	_ =	shalt  }
0x75: {  	_ =	shalt  }
0x76: {  	_ =	shalt  }
0x77: {  	_ =	shalt  }
0x78: {  	_ =	shalt  }
0x79: {  	_ =	shalt  }
0x7a: {  	_ =	shalt  }
0x7b: {  	_ =	shalt  }
0x7c: {  	_ =	shalt  }
0x7d: {  	_ =	shalt  }
0x7e: {  	_ =	shalt  }
0x7f: {  	_ =	shalt  }
0x80: {  	_ =	shalt  }
0x81: {  	_ =	shalt  }
0x82: {  	_ =	shalt  }
0x83: {  	_ =	shalt  }
0x84: {  	_ =	shalt  }
0x85: {  	_ =	shalt  }
0x86: {  	_ =	shalt  }
0x87: {  	_ =	shalt  }
.Lfunc_end0:
.L_simem_size_0:
called_computation.1_lowered:
.L_overlay_start_0:
0x88: {  	s2 =	sld [smem:$0x3FD9]  }
0x89: {  	s3 =	sld [smem:$0x3FFE];
	_ =	sdelay $0x1  }
0x8a: {  	s1 =	srdreg.scid  }
0x8b: {  	s0 =	sand.u32 $0x1, s1  }
0x8c: {  	s14 =	sshll.u32 s0, $0xA;
	s2 =	sadd.s32 s3, s2  }
0x8d: {  	s2 =	sadd.s32 s2, s14  }
0x8e: {  	[smem:$0x3FC0] =	sst s2  }
0x8f: {  	_ = 	snop  }
0x90: {  	s2 =	sld [smem:$0x3FD0];
	_ =	sdelay $0x2  }
0x91: {  	s15 =	simm.s32 $0xA;
	s4 =	simm.s32 $0x10  }
0x92: {  	[smem:s4], [sflag:s15] =	dma.local [hbm:s2], $0x1  }
0x93: {  	_ =	swait.eq [sflag:s15], $0x1  }
0x94: {  	[sflag:s15] =	ssyncset.done $0x0  }
0x95: {  	s16 =	sld [smem:$0x10];
	[sflag:s15] =	ssyncadd.s32 $0xFFFFFFFF  }
0x96: {  	s17 =	sld [smem:$0x12];
	(tm) =	ssettm $0x1  }
0x97: {  	s18 =	sld [smem:$0x3FFB];
	_ =	sdelay $0x3  }
0x98: {  	_ =	strace s18  }
0x99: {  	s4 =	sld [smem:$0x3FFC];
	_ =	sdelay $0x3  }
0x9a: {  	_ =	strace s4  }
0x9b: {  	s4 =	sld [smem:$0x3FFD];
	_ =	sdelay $0x3  }
0x9c: {  	_ =	strace s4  }
0x9d: {  	_ =	strace $0x8FFFFFFF  }
0x9e: {  	s19 =	sld [smem:$0x3FDB];
	_ =	sdelay $0x1  }
0x9f: {  	s5 =	simm.s32 $_scs_section_size  }
0xa0: {  	s6 =	simm.s32 $_size__tile_overlayer_lowered;
	s7 =	simm.s32 $_tile_overlayer_lowered  }
0xa1: {  	s22 =	simm.s32 $0x1BFF;
	s21 =	sshll.u32 s7, $0x1;
	s4 =	sadd.s32 s5, s19  }
0xa2: {  	s8 =	simm.s32 $0x0;
	s20 =	sshll.u32 s6, $0x1;
	s6 =	sadd.s32 s21, s4  }
0xa3: {  	[timem:s8], [sflag:s22] =	dma.local [hbm:s6], s20  }
0xa4: {  	_ =	swait.ge [sflag:s22], s20  }
0xa5: {  	s5 =	ssub.s32 $0x0, s20;
	[sflag:s22] =	ssyncset.done $0x0  }
0xa6: {  	[sflag:s22] =	ssyncadd.s32 s5;
	_ =	sdelay $0x1  }
0xa7: {  	s23 =	simm.s32 $0x1B8B  }
0xa8: {  	_ =	swait.ge [sflag:s23], $0x1  }
0xa9: {  	[sflag:s23] =	ssyncset.done $0x0  }
0xaa: {  	s25 =	simm.s32 $0x1B8E;
	s24 =	sld [smem:$0x3FFE];
	[sflag:s23] =	ssyncadd.s32 $0xFFFFFFFF  }
0xab: {  	s26 =	simm.s32 $execute0_lowered;
	[smem:$0x3FD2] =	sst s25  }
0xac: {  	s6 =	sshll.u32 s26, $0x1;
	_ =	strace $0x80000049;
	[dreg:$0x1] =	wrdreg $0xFFFFFFFF  }
0xad: {  	s28 =	simm.s32 $_size_execute0_lowered;
	s4 =	sadd.s32 s4, s6;
	[dreg:$0x0] =	wrdreg $0x0  }
0xae: {  	s6 =	sshll.u32 s28, $0x1;
	[dreg:$0x2] =	wrdreg s4  }
0xaf: {  	[dreg:$0x3] =	wrdreg s6  }
0xb0: {  	[dreg:$0x4] =	wrdreg $0xC0  }
0xb1: {  	_ =	task [dreg:s8], $0x5FFFF  }
0xb2: {  	[dreg:$0x1] =	wrdreg $0xFFFFFFFF  }
0xb3: {  	[dreg:$0x0] =	wrdreg $0x60  }
0xb4: {  	[dreg:$0x2] =	wrdreg s24  }
0xb5: {  	[dreg:$0x3] =	wrdreg s16  }
0xb6: {  	[dreg:$0x4] =	wrdreg s17  }
0xb7: {  	[dreg:$0x5] =	wrdreg $0xB7000  }
0xb8: {  	[dreg:$0x6] =	wrdreg $0x9  }
0xb9: {  	_ =	task.clear_ibuf [dreg:s8], $0x7FFFF;
	_ =	strace $0x90000049  }
0xba: {  	s29 =	simm.s32 $0x9;
	_ =	strace $0x8000004B  }
0xbb: {  	_ =	swait.ge [sflag:s29], $0x1  }
0xbc: {  	[sflag:s29] =	ssyncadd.s32 $0xFFFFFFFF  }
0xbd: {  	_ =	strace $0x9000004B  }
0xbe: {  	_ =	sfence  }
0xbf: {  	s30 =	sld [smem:$0x0];
	_ =	sdelay $0x2  }
0xc0: {  	s31 =	sshll.u32 s1, $0xD;
	s1 =	sshrl.u32 s1, $0x2  }
0xc1: {  	s3 =	sand.u32 $0x4000, s31;
	s1 =	sadd.s32 s1, s30  }
0xc2: {  	s0 =	sor.u32 s3, s0;
	s1 =	sshll.u32 s1, $0x11  }
0xc3: {  	s0 =	sor.u32 s1, s0  }
0xc4: {  	s0 =	sadd.s32 $0x8F2B, s0  }
0xc5: {  	[sflag:s0] =	ssyncadd.remote.s32 $0x1  }
0xc6: {  	_ =	sfence.sel $0xFFFF  }
0xc7: {  	[dreg:$0x0] =	wrdreg $0xFFFFFFFF;
	(pc) =	sbr.abs _section_cstart, $3  }
0xc8: {  	[dreg:$0x1] =	wrdreg $0xFFFFFFFF  }
0xc9: {  	_ =	task.clear_ibuf [dreg:s8], $0x2FFFF;
	_ =	strace $0x9FFFFFFF  }
0xca: {  	(tm) =	ssettm $0x7FFFFFFF  }
0xcb: {  	_ =	shalt  }
tec
execute0_lowered:
.L_overlay_start_1:
0x0: {  	(tag) =	ssettag $0x1  }
0x1: {  	s0 =	rddreg [dreg:$0x0]  }
0x2: {  	s4 =	rddreg [dreg:$0x2]  }
0x3: {  	s2 =	rddreg [dreg:$0x3];
	s3 =	simm.s32 $0x0;
	s6 =	srdreg.scid  }
0x4: {  	s1 =	stileid.u32;
	s13 =	simm.s32 $0x4;
	s14 =	simm.s32 $0x78  }
0x5: {  	s15 =	simm.s32 $0x300;
	s16 =	simm.s32 $0x5;
	s17 =	simm.s32 $0x3F00  }
0x6: {  	s18 =	simm.s32 $0x200;
	s21 =	simm.s32 $0x7;
	s22 =	simm.s32 $0x6  }
0x7: {  	s23 =	simm.s32 $0x7B00;
	s24 =	simm.s32 $0x1;
	s25 =	simm.s32 $0x80  }
0x8: {  	s28 =	simm.s32 $0x180;
	s29 =	simm.s32 $0x3;
	s30 =	simm.s32 $0x280  }
0x9: {  	s31 =	simm.s32 $0x0;
	[smem:$0x7FF] =	sst s3;
	s5 =	sadd.s32 $0x19A00, s0  }
0xa: {  	s0 =	sadd.s32 $0x4A00, s0;
	s6 =	sand.u32 $0x1, s6;
	s9 =	smul.u32 $0x14000, s1  }
0xb: {  	s19 =	sshll.u32 s1, $0x6;
	s12 =	smul.u32 $0x50000, s1;
	_ =	strace $0x8000004A  }
0xc: {  	s11 =	sshll.u32 s6, $0x5;
	s8 =	smul.u32 $0x140000, s6;
	s7 =	ssub.s32 $0x2, s6  }
0xd: {  	s26 =	sor.u32 s11, s19;
	s10 =	sshrl.u32 s7, $0x1;
	s12 =	sshrl.u32 s12, $0x2  }
0xe: {  	s6 =	sadd.s32 s0, s26;
	s10 =	ssub.s32 s7, s10;
	s9 =	sadd.s32 s9, s8  }
0xf: {  	s20 =	sadd.s32 s12, s2;
	s0 =	sadd.s32 s19, s0;
	s12 =	simm.s32 $0x100  }
0x10: {  	s19 =	sor.u32 $0x1C07, s19;
	s26 =	simm.s32 $0x2;
	s7 =	sadd.s32 $0x400, s6  }
0x11: {  	s8 =	sadd.s32 $0x800, s6;
	s9 =	sshrl.u32 s9, $0x3;
	s10 =	smax.u32 s10, $0x1  }
0x12: {  	s11 =	sadd.s32 s11, s0;
	s20 =	sshrl.u32 s20, $0x3;
	s9 =	sadd.s32 s4, s9  }
.LBB2_1:
0x13: {  	[tilespmem:s3], [sflag:$0x4] =	stream.linear.gather [hbm4b:s6+s3], $0x100, $0x38;
	[tilespmem:$0x1F700] =	vst v63  }
0x14: {  	_ = 	snop  }
0x15: {  	[tilespmem:s12], [sflag:$0x5] =	stream.linear.gather [hbm4b:s7+s3], $0x100, $0x38;
	[tilespmem:$0x1F700] =	vst v63  }
0x16: {  	_ =	swait.ge [sflag:s13], $0x100  }
0x17: {  	[sflag:s13] =	ssyncset.done $0x0  }
0x18: {  	[sflag:s13] =	ssyncadd.s32 $0xFFFFFF00  }
0x19: {  	[tilespmem:s15], [sflag:$0x1] =	stream.indirect.gather [hbm4b:s5+s14], $0x80, s3, s14, $0xb8;
	[tilespmem:$0x1F700] =	vst v63  }
0x1a: {  	_ =	swait.ge [sflag:s16], $0x100  }
0x1b: {  	[sflag:s16] =	ssyncset.done $0x0  }
0x1c: {  	[sflag:s16] =	ssyncadd.s32 $0xFFFFFF00  }
0x1d: {  	[tilespmem:s17], [sflag:$0x2] =	stream.indirect.gather [hbm4b:s5+s14], $0x80, s12, s14, $0xb8;
	[tilespmem:$0x1F700] =	vst v63  }
0x1e: {  	s0 =	rddreg [dreg:$0x1]  }
0x1f: {  	[tilespmem:s18], [sflag:$0x6] =	stream.linear.gather [hbm4b:s8+s3], $0x100, $0x38;
	[tilespmem:$0x1F700] =	vst v63  }
0x20: {  	[spmem:s20], [sflag:s19] =	dma.local [hbm:s0], $0x2800  }
0x21: {  	_ =	swait.ge [sflag:s21], $0x2800  }
0x22: {  	[sflag:s21] =	ssyncset.done $0x0  }
0x23: {  	[sflag:s21] =	ssyncadd.s32 $0xFFFFD800  }
0x24: {  	[bflag:$0x0] =	sbarrier.arrive $0xFFFF  }
0x25: {  	_ =	swait.ge [sflag:s22], $0x100  }
0x26: {  	[sflag:s22] =	ssyncset.done $0x0  }
0x27: {  	[sflag:s22] =	ssyncadd.s32 $0xFFFFFF00  }
0x28: {  	[tilespmem:s23], [sflag:$0x3] =	stream.indirect.gather [hbm4b:s5+s14], $0x80, s18, s14, $0xb8;
	[tilespmem:$0x1F700] =	vst v63  }
0x29: {  	_ =	swait.ge [sflag:s24], $0x3C00  }
0x2a: {  	[sflag:s24] =	ssyncset.done $0x0  }
0x2b: {  	[sflag:s24] =	ssyncadd.s32 $0xFFFFC400  }
0x2c: {  	[spmem:s2] =	stream.indirect.scatter.add.f32 [tilespmem:s15], [sflag:$0x7], $0x80, s25, s14, $0xb8;
	[tilespmem:$0x1F700] =	vst v63  }
0x2d: {  	_ =	swait.ge [sflag:s21], $0x3C00  }
0x2e: {  	s4 =	sadd.s32 $0xFFFEBC00, s11;
	[sflag:s21] =	ssyncset.done $0x0  }
0x2f: {  	s1 =	sadd.s32 $0x15000, s4;
	[sflag:s21] =	ssyncadd.s32 $0xFFFFC400  }
0x30: {  	[tilespmem:s3], [sflag:$0x4] =	stream.linear.gather [hbm4b:s1+s3], $0x100, $0x38;
	[tilespmem:$0x1F700] =	vst v63  }
0x31: {  	_ =	swait.ge [sflag:s13], $0x100  }
0x32: {  	[sflag:s13] =	ssyncset.done $0x0  }
0x33: {  	[sflag:s13] =	ssyncadd.s32 $0xFFFFFF00  }
0x34: {  	[tilespmem:s15], [sflag:$0x1] =	stream.indirect.gather [hbm4b:s5+s14], $0x80, s3, s14, $0xb8;
	[tilespmem:$0x1F700] =	vst v63  }
0x35: {  	_ =	swait.ge [sflag:s26], $0x3C00  }
0x36: {  	[sflag:s26] =	ssyncset.done $0x0  }
0x37: {  	[sflag:s26] =	ssyncadd.s32 $0xFFFFC400  }
0x38: {  	[spmem:s2] =	stream.indirect.scatter.add.f32 [tilespmem:s17], [sflag:$0x7], $0x80, s28, s14, $0xb8;
	[tilespmem:$0x1F700] =	vst v63  }
0x39: {  	_ =	swait.ge [sflag:s21], $0x3C00  }
0x3a: {  	[sflag:s21] =	ssyncset.done $0x0  }
0x3b: {  	s1 =	sadd.s32 $0x15400, s4;
	[sflag:s21] =	ssyncadd.s32 $0xFFFFC400  }
0x3c: {  	[tilespmem:s12], [sflag:$0x5] =	stream.linear.gather [hbm4b:s1+s3], $0x100, $0x38;
	[tilespmem:$0x1F700] =	vst v63  }
0x3d: {  	_ =	swait.ge [sflag:s16], $0x100  }
0x3e: {  	[sflag:s16] =	ssyncset.done $0x0  }
0x3f: {  	[sflag:s16] =	ssyncadd.s32 $0xFFFFFF00  }
0x40: {  	[tilespmem:s17], [sflag:$0x2] =	stream.indirect.gather [hbm4b:s5+s14], $0x80, s12, s14, $0xb8;
	[tilespmem:$0x1F700] =	vst v63  }
0x41: {  	_ =	swait.ge [sflag:s29], $0x3C00  }
0x42: {  	[sflag:s29] =	ssyncset.done $0x0  }
0x43: {  	[sflag:s29] =	ssyncadd.s32 $0xFFFFC400  }
0x44: {  	[spmem:s2] =	stream.indirect.scatter.add.f32 [tilespmem:s23], [sflag:$0x7], $0x80, s30, s14, $0xb8;
	[tilespmem:$0x1F700] =	vst v63  }
0x45: {  	_ =	swait.ge [sflag:s21], $0x3C00  }
0x46: {  	[sflag:s21] =	ssyncset.done $0x0  }
0x47: {  	s0 =	simm.s32 $0xFFFEC800;
	s4 =	sadd.s32 $0x15800, s4;
	[sflag:s21] =	ssyncadd.s32 $0xFFFFC400  }
.LBB2_2:
0x48: {  	[tilespmem:s18], [sflag:$0x6] =	stream.linear.gather [hbm4b:s4+s3], $0x100, $0x38;
	[tilespmem:$0x1F700] =	vst v63  }
0x49: {  	s4 =	smov.u32 s0  }
0x4a: {  	p0 =	sne.s32 s0, $0xFFFFF400;
	s0 =	sadd.s32 $0xC00, s0;
	_ =	swait.ge [sflag:s22], $0x100  }
0x4b: {  	[sflag:s22] =	ssyncset.done $0x0  }
0x4c: {  	[sflag:s22] =	ssyncadd.s32 $0xFFFFFF00  }
0x4d: {  	[tilespmem:s23], [sflag:$0x3] =	stream.indirect.gather [hbm4b:s5+s14], $0x80, s18, s14, $0xb8;
	[tilespmem:$0x1F700] =	vst v63  }
0x4e: {  	_ =	swait.ge [sflag:s24], $0x3C00  }
0x4f: {  	[sflag:s24] =	ssyncset.done $0x0  }
0x50: {  	[sflag:s24] =	ssyncadd.s32 $0xFFFFC400  }
0x51: {  	[spmem:s2] =	stream.indirect.scatter.add.f32 [tilespmem:s15], [sflag:$0x7], $0x80, s25, s14, $0xb8;
	[tilespmem:$0x1F700] =	vst v63  }
0x52: {  	_ =	swait.ge [sflag:s21], $0x3C00  }
0x53: {  	s4 =	sadd.s32 s4, s11;
	[sflag:s21] =	ssyncset.done $0x0  }
0x54: {  	s1 =	sadd.s32 $0x15000, s4;
	[sflag:s21] =	ssyncadd.s32 $0xFFFFC400  }
0x55: {  	[tilespmem:s3], [sflag:$0x4] =	stream.linear.gather [hbm4b:s1+s3], $0x100, $0x38;
	[tilespmem:$0x1F700] =	vst v63  }
0x56: {  	_ =	swait.ge [sflag:s13], $0x100  }
0x57: {  	[sflag:s13] =	ssyncset.done $0x0  }
0x58: {  	[sflag:s13] =	ssyncadd.s32 $0xFFFFFF00  }
0x59: {  	[tilespmem:s15], [sflag:$0x1] =	stream.indirect.gather [hbm4b:s5+s14], $0x80, s3, s14, $0xb8;
	[tilespmem:$0x1F700] =	vst v63  }
0x5a: {  	_ =	swait.ge [sflag:s26], $0x3C00  }
0x5b: {  	[sflag:s26] =	ssyncset.done $0x0  }
0x5c: {  	[sflag:s26] =	ssyncadd.s32 $0xFFFFC400  }
0x5d: {  	[spmem:s2] =	stream.indirect.scatter.add.f32 [tilespmem:s17], [sflag:$0x7], $0x80, s28, s14, $0xb8;
	[tilespmem:$0x1F700] =	vst v63  }
0x5e: {  	_ =	swait.ge [sflag:s21], $0x3C00  }
0x5f: {  	[sflag:s21] =	ssyncset.done $0x0  }
0x60: {  	s1 =	sadd.s32 $0x15400, s4;
	[sflag:s21] =	ssyncadd.s32 $0xFFFFC400  }
0x61: {  	[tilespmem:s12], [sflag:$0x5] =	stream.linear.gather [hbm4b:s1+s3], $0x100, $0x38;
	[tilespmem:$0x1F700] =	vst v63  }
0x62: {  	_ =	swait.ge [sflag:s16], $0x100  }
0x63: {  	[sflag:s16] =	ssyncset.done $0x0  }
0x64: {  	[sflag:s16] =	ssyncadd.s32 $0xFFFFFF00  }
0x65: {  	[tilespmem:s17], [sflag:$0x2] =	stream.indirect.gather [hbm4b:s5+s14], $0x80, s12, s14, $0xb8;
	[tilespmem:$0x1F700] =	vst v63  }
0x66: {  	_ =	swait.ge [sflag:s29], $0x3C00  }
0x67: {  	[sflag:s29] =	ssyncset.done $0x0  }
.Ltmp0:
0x68: {  	[sflag:s29] =	ssyncadd.s32 $0xFFFFC400;
	(pc) =	sbr.rel @p0 .LBB2_2-.Ltmp0, $4  }
0x69: {  	[spmem:s2] =	stream.indirect.scatter.add.f32 [tilespmem:s23], [sflag:$0x7], $0x80, s30, s14, $0xb8;
	[tilespmem:$0x1F700] =	vst v63  }
0x6a: {  	_ =	swait.ge [sflag:s21], $0x3C00  }
0x6b: {  	[sflag:s21] =	ssyncset.done $0x0  }
0x6c: {  	s4 =	sadd.s32 $0x15800, s4;
	[sflag:s21] =	ssyncadd.s32 $0xFFFFC400  }
0x6d: {  	[tilespmem:s18], [sflag:$0x6] =	stream.linear.gather [hbm4b:s4+s3], $0x100, $0x38;
	[tilespmem:$0x1F700] =	vst v63  }
0x6e: {  	_ =	swait.ge [sflag:s22], $0x100  }
0x6f: {  	[sflag:s22] =	ssyncset.done $0x0  }
0x70: {  	[sflag:s22] =	ssyncadd.s32 $0xFFFFFF00  }
0x71: {  	[tilespmem:s23], [sflag:$0x3] =	stream.indirect.gather [hbm4b:s5+s14], $0x80, s18, s14, $0xb8;
	[tilespmem:$0x1F700] =	vst v63  }
0x72: {  	_ =	swait.ge [sflag:s24], $0x3C00  }
0x73: {  	[sflag:s24] =	ssyncset.done $0x0  }
0x74: {  	[sflag:s24] =	ssyncadd.s32 $0xFFFFC400  }
0x75: {  	[spmem:s2] =	stream.indirect.scatter.add.f32 [tilespmem:s15], [sflag:$0x7], $0x80, s25, s14, $0xb8;
	[tilespmem:$0x1F700] =	vst v63  }
0x76: {  	_ =	swait.ge [sflag:s21], $0x3C00  }
0x77: {  	[sflag:s21] =	ssyncset.done $0x0  }
0x78: {  	[sflag:s21] =	ssyncadd.s32 $0xFFFFC400  }
0x79: {  	_ =	swait.ge [sflag:s26], $0x3C00  }
0x7a: {  	[sflag:s26] =	ssyncset.done $0x0  }
0x7b: {  	[sflag:s26] =	ssyncadd.s32 $0xFFFFC400  }
0x7c: {  	[spmem:s2] =	stream.indirect.scatter.add.f32 [tilespmem:s17], [sflag:$0x7], $0x80, s28, s14, $0xb8;
	[tilespmem:$0x1F700] =	vst v63  }
0x7d: {  	_ =	swait.ge [sflag:s21], $0x3C00  }
0x7e: {  	[sflag:s21] =	ssyncset.done $0x0  }
0x7f: {  	[sflag:s21] =	ssyncadd.s32 $0xFFFFC400  }
0x80: {  	_ =	swait.ge [sflag:s29], $0x3C00  }
0x81: {  	[sflag:s29] =	ssyncset.done $0x0  }
0x82: {  	[sflag:s29] =	ssyncadd.s32 $0xFFFFC400  }
0x83: {  	[spmem:s2] =	stream.indirect.scatter.add.f32 [tilespmem:s23], [sflag:$0x7], $0x80, s30, s14, $0xb8;
	[tilespmem:$0x1F700] =	vst v63  }
0x84: {  	_ =	swait.ge [sflag:s21], $0x3C00  }
0x85: {  	s31 =	sadd.s32 $0x1, s31;
	[sflag:s21] =	ssyncset.done $0x0  }
0x86: {  	p0 =	sne.s32 s31, s10;
	[sflag:s21] =	ssyncadd.s32 $0xFFFFC400  }
.Ltmp1:
0x87: {  	[bflag:$0x0] =	sbarrier.arrive $0xFFFF;
	(pc) =	sbr.rel @p0 .LBB2_1-.Ltmp1, $4  }
0x88: {  	[hbm:s9], [sflag:s19] =	dma.local [spmem:s20], $0x2800  }
0x89: {  	_ =	swait.ge [sflag:s21], $0x2800  }
0x8a: {  	[sflag:s21] =	ssyncset.done $0x0  }
0x8b: {  	[sflag:s21] =	ssyncadd.s32 $0xFFFFD800  }
0x8c: {  	_ =	sfence.sel $0x180000  }
0x8d: {  	[bflag:$0x0] =	sbarrier.arrive $0xFFFF  }
0x8e: {  	_ =	strace $0x9000004A  }
0x8f: {  	s0 =	stileid.u32;
	[bflag:$0x2] =	sbarrier.arrive $0xFFFF  }
0x90: {  	p0 =	sne.s32 s0, $0x0;
	s0 =	rddreg [dreg:$0x4]  }
0x91: {  	s0 =	sadd.s32 @!p0 $0x100000, s0  }
0x92: {  	[sflag:s0] =	ssyncadd.tile.s32 @!p0 $0x1;
	_ =	shalt  }
.Lfunc_end2:
_tile_overlayer_lowered:
.L_overlay_start_2:
0x93: {  	(tag) =	ssettag $0x2  }
0x94: {  	s0 =	rddreg [dreg:$0x0];
	s2 =	stileid.u32  }
0x95: {  	s1 =	rddreg [dreg:$0x1];
	p0 =	sne.s32 s2, $0x0  }
0x96: {  	s3 =	rddreg [dreg:$0x2];
	[bflag:$0x3] =	sbarrier.arrive $0xFFFF;
	s2 =	simm.s32 @!p0 $0x1C07  }
0x97: {  	[timem:s3], [sflag:s2] =	dma.local @!p0 [hbm:s0], s1  }
0x98: {  	s0 =	simm.s32 @!p0 $0x7  }
0x99: {  	_ =	swait.ge @!p0 [sflag:s0], s1  }
0x9a: {  	s1 =	ssub.s32 @!p0 $0x0, s1;
	[sflag:s0] =	ssyncset.done @!p0 $0x0  }
0x9b: {  	[sflag:s0] =	ssyncadd.s32 @!p0 s1  }
0x9c: {  	[bflag:$0x3] =	sbarrier.arrive $0xFFFF  }
0x9d: {  	_ =	shalt  }

// kernel: kernel.20.cloned.1.call-start
scs
__scs_entry_jumppad:
0x0: {  	(pc) =	sbr.rel $0x88, $3  }
0x1: {  	(tag) =	ssettag $0x0;
	lr =	simm.s32 $0x1  }
0x2: {  	[smem:$0x3F99] =	sst lr;
	_ =	strace $0xD0000000  }
0x3: {  	_ = 	snop  }
0x4: {  	_ = 	snop  }
0x5: {  	_ = 	snop  }
0x6: {  	_ = 	snop  }
0x7: {  	_ = 	snop  }
__scs_overlays_trampoline_lowered:
0x8: {  	[smem:$0x3FA8] =	sst s0  }
0x9: {  	[smem:$0x3FA9] =	sst s1  }
0xa: {  	[smem:$0x3FAA] =	sst s2  }
0xb: {  	[smem:$0x3FAB] =	sst s3  }
0xc: {  	[smem:$0x3FAC] =	sst s4  }
0xd: {  	[smem:$0x3FAD] =	sst s5  }
0xe: {  	[smem:$0x3FAE] =	sst s6  }
0xf: {  	[smem:$0x3FAF] =	sst s7  }
0x10: {  	[smem:$0x3FB0] =	sst s8  }
0x11: {  	[smem:$0x3FB1] =	sst s9;
	s0 =	simm.s32 @!p0 $0x0  }
0x12: {  	s1 =	sld [smem:$0x3F97];
	s0 =	simm.s32 @p0 $0x1  }
0x13: {  	[smem:$0x3FB2] =	sst s0;
	s0 =	simm.s32 @!p1 $0x0  }
0x14: {  	s2 =	sld [smem:$0x3F96];
	s0 =	simm.s32 @p1 $0x1  }
0x15: {  	[smem:$0x3FB3] =	sst s0;
	s0 =	simm.s32 @!p2 $0x0  }
0x16: {  	s3 =	sld [smem:$0x3FDB];
	s0 =	simm.s32 @p2 $0x1  }
0x17: {  	s4 =	simm.s32 $0x1BF5;
	[smem:$0x3FB5] =	sst s0  }
0x18: {  	s0 =	sld [smem:$0x3F98];
	_ =	swait.ge [sflag:s4], $0x0  }
0x19: {  	s7 =	sld [smem:$0x3F99]  }
0x1a: {  	s8 =	sadd.s32 $0xFFFFE003, lr  }
0x1b: {  	s9 =	sadd.s32 $0xFFFFFEF7, lr;
	s5 =	simm.s32 $0xFFFFFFFF;
	p2 =	slt.u32 s8, $0xFFFFF086  }
0x1c: {  	p1 =	slt.u32 s9, $0xF7A;
	s5 =	simm.s32 @!p2 $0x0  }
0x1d: {  	s5 =	simm.s32 @p1 $0x1;
	p0 =	seq.s32 s7, s2  }
0x1e: {  	s7 =	smul.u32 @!p0 $0xF7A, s2;
	p2 =	seq.s32 @!p0 s5, $0x0  }
0x1f: {  	s9 =	smul.u32 $0xF7A, s1;
	s8 =	simm.s32 @!p0 $0x1BF5;
	p2 =	por !p2, p0  }
0x20: {  	[sflag:s8] =	ssyncset.s32 @!p0 $0xFFFFF086;
	s6 =	sadd.s32 @!p0 s3, s7;
	s7 =	simm.s32 @!p0 $0x108  }
0x21: {  	s3 =	sadd.s32 s3, s9;
	s6 =	sadd.s32 @!p0 $0x88, s6;
	s7 =	simm.s32 @p2 $0x1082  }
0x22: {  	[simem:s7], [sflag:s8] =	dma.local @!p0 [hbm:s6], $0xF7A  }
0x23: {  	s9 =	sor.u32 $0xD0000000, s2;
	s6 =	simm.s32 $0x108;
	_ =	swait.ge @!p0 [sflag:s8], $0x0  }
0x24: {  	s3 =	sadd.s32 $0x88, s3;
	s6 =	simm.s32 @!p1 $0x1082;
	[sflag:s4] =	ssyncset.s32 $0xFFFFF086  }
0x25: {  	[simem:s6], [sflag:s4] =	dma.local [hbm:s3], $0xF7A  }
0x26: {  	[smem:$0x3F99] =	sst s1;
	(tag) =	ssettag s2;
	_ =	strace s9  }
0x27: {  	s1 =	sld [smem:$0x3FA9]  }
0x28: {  	s2 =	sld [smem:$0x3FAA]  }
0x29: {  	s4 =	sld [smem:$0x3FAC]  }
0x2a: {  	p0 =	seq.s32 s5, $0x0;
	s5 =	sld [smem:$0x3FAD]  }
0x2b: {  	s6 =	sld [smem:$0x3FAE]  }
0x2c: {  	s7 =	sld [smem:$0x3FAF]  }
0x2d: {  	s3 =	simm.s32 $0x108;
	s8 =	sld [smem:$0x3FB0]  }
0x2e: {  	s3 =	simm.s32 @!p0 $0x1082;
	s9 =	sld [smem:$0x3FB1]  }
0x2f: {  	lr =	sadd.s32 s0, s3;
	s0 =	sld [smem:$0x3FA8]  }
0x30: {  	s3 =	sld [smem:$0x3FAB]  }
0x31: {  	[smem:$0x3FB4] =	sst s10  }
0x32: {  	s10 =	sld [smem:$0x3FB2];
	_ =	sdelay $0x3  }
0x33: {  	p0 =	seq.s32 s10, $0x1;
	s10 =	sld [smem:$0x3FB4];
	_ =	sdelay $0x3  }
0x34: {  	[smem:$0x3FB4] =	sst s10  }
0x35: {  	s10 =	sld [smem:$0x3FB3];
	_ =	sdelay $0x3  }
0x36: {  	p1 =	seq.s32 s10, $0x1;
	s10 =	sld [smem:$0x3FB4];
	_ =	sdelay $0x3  }
0x37: {  	[smem:$0x3FB4] =	sst s10  }
0x38: {  	s10 =	sld [smem:$0x3FB5]  }
0x39: {  	_ = 	snop;
	(pc) =	sbr.ind lr, $3  }
0x3a: {  	_ = 	snop  }
0x3b: {  	_ = 	snop  }
0x3c: {  	p2 =	seq.s32 s10, $0x1;
	s10 =	sld [smem:$0x3FB4]  }
0x3d: {  	_ =	shalt  }
0x3e: {  	_ =	shalt  }
0x3f: {  	_ =	shalt  }
0x40: {  	_ =	shalt  }
0x41: {  	_ =	shalt  }
0x42: {  	_ =	shalt  }
0x43: {  	_ =	shalt  }
0x44: {  	_ =	shalt  }
0x45: {  	_ =	shalt  }
0x46: {  	_ =	shalt  }
0x47: {  	_ =	shalt  }
0x48: {  	_ =	shalt  }
0x49: {  	_ =	shalt  }
0x4a: {  	_ =	shalt  }
0x4b: {  	_ =	shalt  }
0x4c: {  	_ =	shalt  }
0x4d: {  	_ =	shalt  }
0x4e: {  	_ =	shalt  }
0x4f: {  	_ =	shalt  }
0x50: {  	_ =	shalt  }
0x51: {  	_ =	shalt  }
0x52: {  	_ =	shalt  }
0x53: {  	_ =	shalt  }
0x54: {  	_ =	shalt  }
0x55: {  	_ =	shalt  }
0x56: {  	_ =	shalt  }
0x57: {  	_ =	shalt  }
0x58: {  	_ =	shalt  }
0x59: {  	_ =	shalt  }
0x5a: {  	_ =	shalt  }
0x5b: {  	_ =	shalt  }
0x5c: {  	_ =	shalt  }
0x5d: {  	_ =	shalt  }
0x5e: {  	_ =	shalt  }
0x5f: {  	_ =	shalt  }
0x60: {  	_ =	shalt  }
0x61: {  	_ =	shalt  }
0x62: {  	_ =	shalt  }
0x63: {  	_ =	shalt  }
0x64: {  	_ =	shalt  }
0x65: {  	_ =	shalt  }
0x66: {  	_ =	shalt  }
0x67: {  	_ =	shalt  }
0x68: {  	_ =	shalt  }
0x69: {  	_ =	shalt  }
0x6a: {  	_ =	shalt  }
0x6b: {  	_ =	shalt  }
0x6c: {  	_ =	shalt  }
0x6d: {  	_ =	shalt  }
0x6e: {  	_ =	shalt  }
0x6f: {  	_ =	shalt  }
0x70: {  	_ =	shalt  }
0x71: {  	_ =	shalt  }
0x72: {  	_ =	shalt  }
0x73: {  	_ =	shalt  }
0x74: {  	_ =	shalt  }
0x75: {  	_ =	shalt  }
0x76: {  	_ =	shalt  }
0x77: {  	_ =	shalt  }
0x78: {  	_ =	shalt  }
0x79: {  	_ =	shalt  }
0x7a: {  	_ =	shalt  }
0x7b: {  	_ =	shalt  }
0x7c: {  	_ =	shalt  }
0x7d: {  	_ =	shalt  }
0x7e: {  	_ =	shalt  }
0x7f: {  	_ =	shalt  }
0x80: {  	_ =	shalt  }
0x81: {  	_ =	shalt  }
0x82: {  	_ =	shalt  }
0x83: {  	_ =	shalt  }
0x84: {  	_ =	shalt  }
0x85: {  	_ =	shalt  }
0x86: {  	_ =	shalt  }
0x87: {  	_ =	shalt  }
.Lfunc_end0:
.L_simem_size_0:
called_computation.2_lowered:
.L_overlay_start_0:
0x88: {  	s2 =	sld [smem:$0x3FD9]  }
0x89: {  	s3 =	sld [smem:$0x3FFE];
	_ =	sdelay $0x1  }
0x8a: {  	s1 =	srdreg.scid  }
0x8b: {  	s0 =	sand.u32 $0x1, s1  }
0x8c: {  	s14 =	sshll.u32 s0, $0xA;
	s2 =	sadd.s32 s3, s2  }
0x8d: {  	s2 =	sadd.s32 s2, s14  }
0x8e: {  	[smem:$0x3FC0] =	sst s2  }
0x8f: {  	_ = 	snop  }
0x90: {  	s2 =	sld [smem:$0x3FD0];
	_ =	sdelay $0x2  }
0x91: {  	s15 =	simm.s32 $0xA;
	s4 =	simm.s32 $0x10  }
0x92: {  	[smem:s4], [sflag:s15] =	dma.local [hbm:s2], $0x1  }
0x93: {  	_ =	swait.eq [sflag:s15], $0x1  }
0x94: {  	[sflag:s15] =	ssyncset.done $0x0  }
0x95: {  	s16 =	sld [smem:$0x10];
	[sflag:s15] =	ssyncadd.s32 $0xFFFFFFFF  }
0x96: {  	s17 =	sld [smem:$0x12];
	(tm) =	ssettm $0x1  }
0x97: {  	s18 =	sld [smem:$0x3FFB];
	_ =	sdelay $0x3  }
0x98: {  	_ =	strace s18  }
0x99: {  	s4 =	sld [smem:$0x3FFC];
	_ =	sdelay $0x3  }
0x9a: {  	_ =	strace s4  }
0x9b: {  	s4 =	sld [smem:$0x3FFD];
	_ =	sdelay $0x3  }
0x9c: {  	_ =	strace s4  }
0x9d: {  	_ =	strace $0x8FFFFFFF  }
0x9e: {  	s19 =	sld [smem:$0x3FDB];
	_ =	sdelay $0x1  }
0x9f: {  	s5 =	simm.s32 $_scs_section_size  }
0xa0: {  	s6 =	simm.s32 $_size__tile_overlayer_lowered;
	s7 =	simm.s32 $_tile_overlayer_lowered  }
0xa1: {  	s22 =	simm.s32 $0x1BFF;
	s21 =	sshll.u32 s7, $0x1;
	s4 =	sadd.s32 s5, s19  }
0xa2: {  	s8 =	simm.s32 $0x0;
	s20 =	sshll.u32 s6, $0x1;
	s6 =	sadd.s32 s21, s4  }
0xa3: {  	[timem:s8], [sflag:s22] =	dma.local [hbm:s6], s20  }
0xa4: {  	_ =	swait.ge [sflag:s22], s20  }
0xa5: {  	s5 =	ssub.s32 $0x0, s20;
	[sflag:s22] =	ssyncset.done $0x0  }
0xa6: {  	[sflag:s22] =	ssyncadd.s32 s5;
	_ =	sdelay $0x1  }
0xa7: {  	s23 =	simm.s32 $0x1B8B  }
0xa8: {  	_ =	swait.ge [sflag:s23], $0x1  }
0xa9: {  	[sflag:s23] =	ssyncset.done $0x0  }
0xaa: {  	s25 =	simm.s32 $0x1B8E;
	s24 =	sld [smem:$0x3FFE];
	[sflag:s23] =	ssyncadd.s32 $0xFFFFFFFF  }
0xab: {  	s26 =	simm.s32 $execute0_lowered;
	[smem:$0x3FD2] =	sst s25  }
0xac: {  	s6 =	sshll.u32 s26, $0x1;
	_ =	strace $0x8000004C;
	[dreg:$0x1] =	wrdreg $0xFFFFFFFF  }
0xad: {  	s28 =	simm.s32 $_size_execute0_lowered;
	s4 =	sadd.s32 s4, s6;
	[dreg:$0x0] =	wrdreg $0x0  }
0xae: {  	s6 =	sshll.u32 s28, $0x1;
	[dreg:$0x2] =	wrdreg s4  }
0xaf: {  	[dreg:$0x3] =	wrdreg s6  }
0xb0: {  	[dreg:$0x4] =	wrdreg $0xC0  }
0xb1: {  	_ =	task [dreg:s8], $0x5FFFF  }
0xb2: {  	[dreg:$0x1] =	wrdreg $0xFFFFFFFF  }
0xb3: {  	[dreg:$0x0] =	wrdreg $0x60  }
0xb4: {  	[dreg:$0x2] =	wrdreg s24  }
0xb5: {  	[dreg:$0x3] =	wrdreg s16  }
0xb6: {  	[dreg:$0x4] =	wrdreg s17  }
0xb7: {  	[dreg:$0x5] =	wrdreg $0xB7000  }
0xb8: {  	[dreg:$0x6] =	wrdreg $0x9  }
0xb9: {  	_ =	task.clear_ibuf [dreg:s8], $0x7FFFF;
	_ =	strace $0x9000004C  }
0xba: {  	s29 =	simm.s32 $0x9;
	_ =	strace $0x8000004E  }
0xbb: {  	_ =	swait.ge [sflag:s29], $0x1  }
0xbc: {  	[sflag:s29] =	ssyncadd.s32 $0xFFFFFFFF  }
0xbd: {  	_ =	strace $0x9000004E  }
0xbe: {  	_ =	sfence  }
0xbf: {  	s30 =	sld [smem:$0x0];
	_ =	sdelay $0x2  }
0xc0: {  	s31 =	sshll.u32 s1, $0xD;
	s1 =	sshrl.u32 s1, $0x2  }
0xc1: {  	s3 =	sand.u32 $0x4000, s31;
	s1 =	sadd.s32 s1, s30  }
0xc2: {  	s0 =	sor.u32 s3, s0;
	s1 =	sshll.u32 s1, $0x11  }
0xc3: {  	s0 =	sor.u32 s1, s0  }
0xc4: {  	s0 =	sadd.s32 $0x8F2B, s0  }
0xc5: {  	[sflag:s0] =	ssyncadd.remote.s32 $0x1  }
0xc6: {  	_ =	sfence.sel $0xFFFF  }
0xc7: {  	[dreg:$0x0] =	wrdreg $0xFFFFFFFF;
	(pc) =	sbr.abs _section_cstart, $3  }
0xc8: {  	[dreg:$0x1] =	wrdreg $0xFFFFFFFF  }
0xc9: {  	_ =	task.clear_ibuf [dreg:s8], $0x2FFFF;
	_ =	strace $0x9FFFFFFF  }
0xca: {  	(tm) =	ssettm $0x7FFFFFFF  }
0xcb: {  	_ =	shalt  }
tec
execute0_lowered:
.L_overlay_start_1:
0x0: {  	(tag) =	ssettag $0x1  }
0x1: {  	s0 =	rddreg [dreg:$0x0]  }
0x2: {  	s4 =	rddreg [dreg:$0x2]  }
0x3: {  	s2 =	rddreg [dreg:$0x3];
	s3 =	simm.s32 $0x0;
	s6 =	srdreg.scid  }
0x4: {  	s1 =	stileid.u32;
	s13 =	simm.s32 $0x4;
	s14 =	simm.s32 $0x78  }
0x5: {  	s15 =	simm.s32 $0x300;
	s16 =	simm.s32 $0x5;
	s17 =	simm.s32 $0x3F00  }
0x6: {  	s18 =	simm.s32 $0x200;
	s21 =	simm.s32 $0x7;
	s22 =	simm.s32 $0x6  }
0x7: {  	s23 =	simm.s32 $0x7B00;
	s24 =	simm.s32 $0x1;
	s25 =	simm.s32 $0x80  }
0x8: {  	s28 =	simm.s32 $0x180;
	s29 =	simm.s32 $0x3;
	s30 =	simm.s32 $0x280  }
0x9: {  	s31 =	simm.s32 $0x0;
	[smem:$0x7FF] =	sst s3;
	s5 =	sadd.s32 $0x19A00, s0  }
0xa: {  	s0 =	sadd.s32 $0x4A00, s0;
	s6 =	sand.u32 $0x1, s6;
	s9 =	smul.u32 $0x14000, s1  }
0xb: {  	s19 =	sshll.u32 s1, $0x6;
	s12 =	smul.u32 $0x50000, s1;
	_ =	strace $0x8000004D  }
0xc: {  	s11 =	sshll.u32 s6, $0x5;
	s8 =	smul.u32 $0x140000, s6;
	s7 =	ssub.s32 $0x2, s6  }
0xd: {  	s26 =	sor.u32 s11, s19;
	s10 =	sshrl.u32 s7, $0x1;
	s12 =	sshrl.u32 s12, $0x2  }
0xe: {  	s6 =	sadd.s32 s0, s26;
	s10 =	ssub.s32 s7, s10;
	s9 =	sadd.s32 s9, s8  }
0xf: {  	s20 =	sadd.s32 s12, s2;
	s0 =	sadd.s32 s19, s0;
	s12 =	simm.s32 $0x100  }
0x10: {  	s19 =	sor.u32 $0x1C07, s19;
	s26 =	simm.s32 $0x2;
	s7 =	sadd.s32 $0x400, s6  }
0x11: {  	s8 =	sadd.s32 $0x800, s6;
	s9 =	sshrl.u32 s9, $0x3;
	s10 =	smax.u32 s10, $0x1  }
0x12: {  	s11 =	sadd.s32 s11, s0;
	s20 =	sshrl.u32 s20, $0x3;
	s9 =	sadd.s32 s4, s9  }
.LBB2_1:
0x13: {  	[tilespmem:s3], [sflag:$0x4] =	stream.linear.gather [hbm4b:s6+s3], $0x100, $0x38;
	[tilespmem:$0x1F700] =	vst v63  }
0x14: {  	_ = 	snop  }
0x15: {  	[tilespmem:s12], [sflag:$0x5] =	stream.linear.gather [hbm4b:s7+s3], $0x100, $0x38;
	[tilespmem:$0x1F700] =	vst v63  }
0x16: {  	_ =	swait.ge [sflag:s13], $0x100  }
0x17: {  	[sflag:s13] =	ssyncset.done $0x0  }
0x18: {  	[sflag:s13] =	ssyncadd.s32 $0xFFFFFF00  }
0x19: {  	[tilespmem:s15], [sflag:$0x1] =	stream.indirect.gather [hbm4b:s5+s14], $0x80, s3, s14, $0xb8;
	[tilespmem:$0x1F700] =	vst v63  }
0x1a: {  	_ =	swait.ge [sflag:s16], $0x100  }
0x1b: {  	[sflag:s16] =	ssyncset.done $0x0  }
0x1c: {  	[sflag:s16] =	ssyncadd.s32 $0xFFFFFF00  }
0x1d: {  	[tilespmem:s17], [sflag:$0x2] =	stream.indirect.gather [hbm4b:s5+s14], $0x80, s12, s14, $0xb8;
	[tilespmem:$0x1F700] =	vst v63  }
0x1e: {  	s0 =	rddreg [dreg:$0x1]  }
0x1f: {  	[tilespmem:s18], [sflag:$0x6] =	stream.linear.gather [hbm4b:s8+s3], $0x100, $0x38;
	[tilespmem:$0x1F700] =	vst v63  }
0x20: {  	[spmem:s20], [sflag:s19] =	dma.local [hbm:s0], $0x2800  }
0x21: {  	_ =	swait.ge [sflag:s21], $0x2800  }
0x22: {  	[sflag:s21] =	ssyncset.done $0x0  }
0x23: {  	[sflag:s21] =	ssyncadd.s32 $0xFFFFD800  }
0x24: {  	[bflag:$0x0] =	sbarrier.arrive $0xFFFF  }
0x25: {  	_ =	swait.ge [sflag:s22], $0x100  }
0x26: {  	[sflag:s22] =	ssyncset.done $0x0  }
0x27: {  	[sflag:s22] =	ssyncadd.s32 $0xFFFFFF00  }
0x28: {  	[tilespmem:s23], [sflag:$0x3] =	stream.indirect.gather [hbm4b:s5+s14], $0x80, s18, s14, $0xb8;
	[tilespmem:$0x1F700] =	vst v63  }
0x29: {  	_ =	swait.ge [sflag:s24], $0x3C00  }
0x2a: {  	[sflag:s24] =	ssyncset.done $0x0  }
0x2b: {  	[sflag:s24] =	ssyncadd.s32 $0xFFFFC400  }
0x2c: {  	[spmem:s2] =	stream.indirect.scatter.add.f32 [tilespmem:s15], [sflag:$0x7], $0x80, s25, s14, $0xb8;
	[tilespmem:$0x1F700] =	vst v63  }
0x2d: {  	_ =	swait.ge [sflag:s21], $0x3C00  }
0x2e: {  	s4 =	sadd.s32 $0xFFFEBC00, s11;
	[sflag:s21] =	ssyncset.done $0x0  }
0x2f: {  	s1 =	sadd.s32 $0x15000, s4;
	[sflag:s21] =	ssyncadd.s32 $0xFFFFC400  }
0x30: {  	[tilespmem:s3], [sflag:$0x4] =	stream.linear.gather [hbm4b:s1+s3], $0x100, $0x38;
	[tilespmem:$0x1F700] =	vst v63  }
0x31: {  	_ =	swait.ge [sflag:s13], $0x100  }
0x32: {  	[sflag:s13] =	ssyncset.done $0x0  }
0x33: {  	[sflag:s13] =	ssyncadd.s32 $0xFFFFFF00  }
0x34: {  	[tilespmem:s15], [sflag:$0x1] =	stream.indirect.gather [hbm4b:s5+s14], $0x80, s3, s14, $0xb8;
	[tilespmem:$0x1F700] =	vst v63  }
0x35: {  	_ =	swait.ge [sflag:s26], $0x3C00  }
0x36: {  	[sflag:s26] =	ssyncset.done $0x0  }
0x37: {  	[sflag:s26] =	ssyncadd.s32 $0xFFFFC400  }
0x38: {  	[spmem:s2] =	stream.indirect.scatter.add.f32 [tilespmem:s17], [sflag:$0x7], $0x80, s28, s14, $0xb8;
	[tilespmem:$0x1F700] =	vst v63  }
0x39: {  	_ =	swait.ge [sflag:s21], $0x3C00  }
0x3a: {  	[sflag:s21] =	ssyncset.done $0x0  }
0x3b: {  	s1 =	sadd.s32 $0x15400, s4;
	[sflag:s21] =	ssyncadd.s32 $0xFFFFC400  }
0x3c: {  	[tilespmem:s12], [sflag:$0x5] =	stream.linear.gather [hbm4b:s1+s3], $0x100, $0x38;
	[tilespmem:$0x1F700] =	vst v63  }
0x3d: {  	_ =	swait.ge [sflag:s16], $0x100  }
0x3e: {  	[sflag:s16] =	ssyncset.done $0x0  }
0x3f: {  	[sflag:s16] =	ssyncadd.s32 $0xFFFFFF00  }
0x40: {  	[tilespmem:s17], [sflag:$0x2] =	stream.indirect.gather [hbm4b:s5+s14], $0x80, s12, s14, $0xb8;
	[tilespmem:$0x1F700] =	vst v63  }
0x41: {  	_ =	swait.ge [sflag:s29], $0x3C00  }
0x42: {  	[sflag:s29] =	ssyncset.done $0x0  }
0x43: {  	[sflag:s29] =	ssyncadd.s32 $0xFFFFC400  }
0x44: {  	[spmem:s2] =	stream.indirect.scatter.add.f32 [tilespmem:s23], [sflag:$0x7], $0x80, s30, s14, $0xb8;
	[tilespmem:$0x1F700] =	vst v63  }
0x45: {  	_ =	swait.ge [sflag:s21], $0x3C00  }
0x46: {  	[sflag:s21] =	ssyncset.done $0x0  }
0x47: {  	s0 =	simm.s32 $0xFFFEC800;
	s4 =	sadd.s32 $0x15800, s4;
	[sflag:s21] =	ssyncadd.s32 $0xFFFFC400  }
.LBB2_2:
0x48: {  	[tilespmem:s18], [sflag:$0x6] =	stream.linear.gather [hbm4b:s4+s3], $0x100, $0x38;
	[tilespmem:$0x1F700] =	vst v63  }
0x49: {  	s4 =	smov.u32 s0  }
0x4a: {  	p0 =	sne.s32 s0, $0xFFFFF400;
	s0 =	sadd.s32 $0xC00, s0;
	_ =	swait.ge [sflag:s22], $0x100  }
0x4b: {  	[sflag:s22] =	ssyncset.done $0x0  }
0x4c: {  	[sflag:s22] =	ssyncadd.s32 $0xFFFFFF00  }
0x4d: {  	[tilespmem:s23], [sflag:$0x3] =	stream.indirect.gather [hbm4b:s5+s14], $0x80, s18, s14, $0xb8;
	[tilespmem:$0x1F700] =	vst v63  }
0x4e: {  	_ =	swait.ge [sflag:s24], $0x3C00  }
0x4f: {  	[sflag:s24] =	ssyncset.done $0x0  }
0x50: {  	[sflag:s24] =	ssyncadd.s32 $0xFFFFC400  }
0x51: {  	[spmem:s2] =	stream.indirect.scatter.add.f32 [tilespmem:s15], [sflag:$0x7], $0x80, s25, s14, $0xb8;
	[tilespmem:$0x1F700] =	vst v63  }
0x52: {  	_ =	swait.ge [sflag:s21], $0x3C00  }
0x53: {  	s4 =	sadd.s32 s4, s11;
	[sflag:s21] =	ssyncset.done $0x0  }
0x54: {  	s1 =	sadd.s32 $0x15000, s4;
	[sflag:s21] =	ssyncadd.s32 $0xFFFFC400  }
0x55: {  	[tilespmem:s3], [sflag:$0x4] =	stream.linear.gather [hbm4b:s1+s3], $0x100, $0x38;
	[tilespmem:$0x1F700] =	vst v63  }
0x56: {  	_ =	swait.ge [sflag:s13], $0x100  }
0x57: {  	[sflag:s13] =	ssyncset.done $0x0  }
0x58: {  	[sflag:s13] =	ssyncadd.s32 $0xFFFFFF00  }
0x59: {  	[tilespmem:s15], [sflag:$0x1] =	stream.indirect.gather [hbm4b:s5+s14], $0x80, s3, s14, $0xb8;
	[tilespmem:$0x1F700] =	vst v63  }
0x5a: {  	_ =	swait.ge [sflag:s26], $0x3C00  }
0x5b: {  	[sflag:s26] =	ssyncset.done $0x0  }
0x5c: {  	[sflag:s26] =	ssyncadd.s32 $0xFFFFC400  }
0x5d: {  	[spmem:s2] =	stream.indirect.scatter.add.f32 [tilespmem:s17], [sflag:$0x7], $0x80, s28, s14, $0xb8;
	[tilespmem:$0x1F700] =	vst v63  }
0x5e: {  	_ =	swait.ge [sflag:s21], $0x3C00  }
0x5f: {  	[sflag:s21] =	ssyncset.done $0x0  }
0x60: {  	s1 =	sadd.s32 $0x15400, s4;
	[sflag:s21] =	ssyncadd.s32 $0xFFFFC400  }
0x61: {  	[tilespmem:s12], [sflag:$0x5] =	stream.linear.gather [hbm4b:s1+s3], $0x100, $0x38;
	[tilespmem:$0x1F700] =	vst v63  }
0x62: {  	_ =	swait.ge [sflag:s16], $0x100  }
0x63: {  	[sflag:s16] =	ssyncset.done $0x0  }
0x64: {  	[sflag:s16] =	ssyncadd.s32 $0xFFFFFF00  }
0x65: {  	[tilespmem:s17], [sflag:$0x2] =	stream.indirect.gather [hbm4b:s5+s14], $0x80, s12, s14, $0xb8;
	[tilespmem:$0x1F700] =	vst v63  }
0x66: {  	_ =	swait.ge [sflag:s29], $0x3C00  }
0x67: {  	[sflag:s29] =	ssyncset.done $0x0  }
.Ltmp0:
0x68: {  	[sflag:s29] =	ssyncadd.s32 $0xFFFFC400;
	(pc) =	sbr.rel @p0 .LBB2_2-.Ltmp0, $4  }
0x69: {  	[spmem:s2] =	stream.indirect.scatter.add.f32 [tilespmem:s23], [sflag:$0x7], $0x80, s30, s14, $0xb8;
	[tilespmem:$0x1F700] =	vst v63  }
0x6a: {  	_ =	swait.ge [sflag:s21], $0x3C00  }
0x6b: {  	[sflag:s21] =	ssyncset.done $0x0  }
0x6c: {  	s4 =	sadd.s32 $0x15800, s4;
	[sflag:s21] =	ssyncadd.s32 $0xFFFFC400  }
0x6d: {  	[tilespmem:s18], [sflag:$0x6] =	stream.linear.gather [hbm4b:s4+s3], $0x100, $0x38;
	[tilespmem:$0x1F700] =	vst v63  }
0x6e: {  	_ =	swait.ge [sflag:s22], $0x100  }
0x6f: {  	[sflag:s22] =	ssyncset.done $0x0  }
0x70: {  	[sflag:s22] =	ssyncadd.s32 $0xFFFFFF00  }
0x71: {  	[tilespmem:s23], [sflag:$0x3] =	stream.indirect.gather [hbm4b:s5+s14], $0x80, s18, s14, $0xb8;
	[tilespmem:$0x1F700] =	vst v63  }
0x72: {  	_ =	swait.ge [sflag:s24], $0x3C00  }
0x73: {  	[sflag:s24] =	ssyncset.done $0x0  }
0x74: {  	[sflag:s24] =	ssyncadd.s32 $0xFFFFC400  }
0x75: {  	[spmem:s2] =	stream.indirect.scatter.add.f32 [tilespmem:s15], [sflag:$0x7], $0x80, s25, s14, $0xb8;
	[tilespmem:$0x1F700] =	vst v63  }
0x76: {  	_ =	swait.ge [sflag:s21], $0x3C00  }
0x77: {  	[sflag:s21] =	ssyncset.done $0x0  }
0x78: {  	[sflag:s21] =	ssyncadd.s32 $0xFFFFC400  }
0x79: {  	_ =	swait.ge [sflag:s26], $0x3C00  }
0x7a: {  	[sflag:s26] =	ssyncset.done $0x0  }
0x7b: {  	[sflag:s26] =	ssyncadd.s32 $0xFFFFC400  }
0x7c: {  	[spmem:s2] =	stream.indirect.scatter.add.f32 [tilespmem:s17], [sflag:$0x7], $0x80, s28, s14, $0xb8;
	[tilespmem:$0x1F700] =	vst v63  }
0x7d: {  	_ =	swait.ge [sflag:s21], $0x3C00  }
0x7e: {  	[sflag:s21] =	ssyncset.done $0x0  }
0x7f: {  	[sflag:s21] =	ssyncadd.s32 $0xFFFFC400  }
0x80: {  	_ =	swait.ge [sflag:s29], $0x3C00  }
0x81: {  	[sflag:s29] =	ssyncset.done $0x0  }
0x82: {  	[sflag:s29] =	ssyncadd.s32 $0xFFFFC400  }
0x83: {  	[spmem:s2] =	stream.indirect.scatter.add.f32 [tilespmem:s23], [sflag:$0x7], $0x80, s30, s14, $0xb8;
	[tilespmem:$0x1F700] =	vst v63  }
0x84: {  	_ =	swait.ge [sflag:s21], $0x3C00  }
0x85: {  	s31 =	sadd.s32 $0x1, s31;
	[sflag:s21] =	ssyncset.done $0x0  }
0x86: {  	p0 =	sne.s32 s31, s10;
	[sflag:s21] =	ssyncadd.s32 $0xFFFFC400  }
.Ltmp1:
0x87: {  	[bflag:$0x0] =	sbarrier.arrive $0xFFFF;
	(pc) =	sbr.rel @p0 .LBB2_1-.Ltmp1, $4  }
0x88: {  	[hbm:s9], [sflag:s19] =	dma.local [spmem:s20], $0x2800  }
0x89: {  	_ =	swait.ge [sflag:s21], $0x2800  }
0x8a: {  	[sflag:s21] =	ssyncset.done $0x0  }
0x8b: {  	[sflag:s21] =	ssyncadd.s32 $0xFFFFD800  }
0x8c: {  	_ =	sfence.sel $0x180000  }
0x8d: {  	[bflag:$0x0] =	sbarrier.arrive $0xFFFF  }
0x8e: {  	_ =	strace $0x9000004D  }
0x8f: {  	s0 =	stileid.u32;
	[bflag:$0x2] =	sbarrier.arrive $0xFFFF  }
0x90: {  	p0 =	sne.s32 s0, $0x0;
	s0 =	rddreg [dreg:$0x4]  }
0x91: {  	s0 =	sadd.s32 @!p0 $0x100000, s0  }
0x92: {  	[sflag:s0] =	ssyncadd.tile.s32 @!p0 $0x1;
	_ =	shalt  }
.Lfunc_end2:
_tile_overlayer_lowered:
.L_overlay_start_2:
0x93: {  	(tag) =	ssettag $0x2  }
0x94: {  	s0 =	rddreg [dreg:$0x0];
	s2 =	stileid.u32  }
0x95: {  	s1 =	rddreg [dreg:$0x1];
	p0 =	sne.s32 s2, $0x0  }
0x96: {  	s3 =	rddreg [dreg:$0x2];
	[bflag:$0x3] =	sbarrier.arrive $0xFFFF;
	s2 =	simm.s32 @!p0 $0x1C07  }
0x97: {  	[timem:s3], [sflag:s2] =	dma.local @!p0 [hbm:s0], s1  }
0x98: {  	s0 =	simm.s32 @!p0 $0x7  }
0x99: {  	_ =	swait.ge @!p0 [sflag:s0], s1  }
0x9a: {  	s1 =	ssub.s32 @!p0 $0x0, s1;
	[sflag:s0] =	ssyncset.done @!p0 $0x0  }
0x9b: {  	[sflag:s0] =	ssyncadd.s32 @!p0 s1  }
0x9c: {  	[bflag:$0x3] =	sbarrier.arrive $0xFFFF  }
0x9d: {  	_ =	shalt  }

// kernel: kernel.23.cloned.1.call-start
scs
__scs_entry_jumppad:
0x0: {  	(pc) =	sbr.rel $0x88, $3  }
0x1: {  	(tag) =	ssettag $0x0;
	lr =	simm.s32 $0x1  }
0x2: {  	[smem:$0x3F99] =	sst lr;
	_ =	strace $0xD0000000  }
0x3: {  	_ = 	snop  }
0x4: {  	_ = 	snop  }
0x5: {  	_ = 	snop  }
0x6: {  	_ = 	snop  }
0x7: {  	_ = 	snop  }
__scs_overlays_trampoline_lowered:
0x8: {  	[smem:$0x3FA8] =	sst s0  }
0x9: {  	[smem:$0x3FA9] =	sst s1  }
0xa: {  	[smem:$0x3FAA] =	sst s2  }
0xb: {  	[smem:$0x3FAB] =	sst s3  }
0xc: {  	[smem:$0x3FAC] =	sst s4  }
0xd: {  	[smem:$0x3FAD] =	sst s5  }
0xe: {  	[smem:$0x3FAE] =	sst s6  }
0xf: {  	[smem:$0x3FAF] =	sst s7  }
0x10: {  	[smem:$0x3FB0] =	sst s8  }
0x11: {  	[smem:$0x3FB1] =	sst s9;
	s0 =	simm.s32 @!p0 $0x0  }
0x12: {  	s1 =	sld [smem:$0x3F97];
	s0 =	simm.s32 @p0 $0x1  }
0x13: {  	[smem:$0x3FB2] =	sst s0;
	s0 =	simm.s32 @!p1 $0x0  }
0x14: {  	s2 =	sld [smem:$0x3F96];
	s0 =	simm.s32 @p1 $0x1  }
0x15: {  	[smem:$0x3FB3] =	sst s0;
	s0 =	simm.s32 @!p2 $0x0  }
0x16: {  	s3 =	sld [smem:$0x3FDB];
	s0 =	simm.s32 @p2 $0x1  }
0x17: {  	s4 =	simm.s32 $0x1BF5;
	[smem:$0x3FB5] =	sst s0  }
0x18: {  	s0 =	sld [smem:$0x3F98];
	_ =	swait.ge [sflag:s4], $0x0  }
0x19: {  	s7 =	sld [smem:$0x3F99]  }
0x1a: {  	s8 =	sadd.s32 $0xFFFFE003, lr  }
0x1b: {  	s9 =	sadd.s32 $0xFFFFFEF7, lr;
	s5 =	simm.s32 $0xFFFFFFFF;
	p2 =	slt.u32 s8, $0xFFFFF086  }
0x1c: {  	p1 =	slt.u32 s9, $0xF7A;
	s5 =	simm.s32 @!p2 $0x0  }
0x1d: {  	s5 =	simm.s32 @p1 $0x1;
	p0 =	seq.s32 s7, s2  }
0x1e: {  	s7 =	smul.u32 @!p0 $0xF7A, s2;
	p2 =	seq.s32 @!p0 s5, $0x0  }
0x1f: {  	s9 =	smul.u32 $0xF7A, s1;
	s8 =	simm.s32 @!p0 $0x1BF5;
	p2 =	por !p2, p0  }
0x20: {  	[sflag:s8] =	ssyncset.s32 @!p0 $0xFFFFF086;
	s6 =	sadd.s32 @!p0 s3, s7;
	s7 =	simm.s32 @!p0 $0x108  }
0x21: {  	s3 =	sadd.s32 s3, s9;
	s6 =	sadd.s32 @!p0 $0x88, s6;
	s7 =	simm.s32 @p2 $0x1082  }
0x22: {  	[simem:s7], [sflag:s8] =	dma.local @!p0 [hbm:s6], $0xF7A  }
0x23: {  	s9 =	sor.u32 $0xD0000000, s2;
	s6 =	simm.s32 $0x108;
	_ =	swait.ge @!p0 [sflag:s8], $0x0  }
0x24: {  	s3 =	sadd.s32 $0x88, s3;
	s6 =	simm.s32 @!p1 $0x1082;
	[sflag:s4] =	ssyncset.s32 $0xFFFFF086  }
0x25: {  	[simem:s6], [sflag:s4] =	dma.local [hbm:s3], $0xF7A  }
0x26: {  	[smem:$0x3F99] =	sst s1;
	(tag) =	ssettag s2;
	_ =	strace s9  }
0x27: {  	s1 =	sld [smem:$0x3FA9]  }
0x28: {  	s2 =	sld [smem:$0x3FAA]  }
0x29: {  	s4 =	sld [smem:$0x3FAC]  }
0x2a: {  	p0 =	seq.s32 s5, $0x0;
	s5 =	sld [smem:$0x3FAD]  }
0x2b: {  	s6 =	sld [smem:$0x3FAE]  }
0x2c: {  	s7 =	sld [smem:$0x3FAF]  }
0x2d: {  	s3 =	simm.s32 $0x108;
	s8 =	sld [smem:$0x3FB0]  }
0x2e: {  	s3 =	simm.s32 @!p0 $0x1082;
	s9 =	sld [smem:$0x3FB1]  }
0x2f: {  	lr =	sadd.s32 s0, s3;
	s0 =	sld [smem:$0x3FA8]  }
0x30: {  	s3 =	sld [smem:$0x3FAB]  }
0x31: {  	[smem:$0x3FB4] =	sst s10  }
0x32: {  	s10 =	sld [smem:$0x3FB2];
	_ =	sdelay $0x3  }
0x33: {  	p0 =	seq.s32 s10, $0x1;
	s10 =	sld [smem:$0x3FB4];
	_ =	sdelay $0x3  }
0x34: {  	[smem:$0x3FB4] =	sst s10  }
0x35: {  	s10 =	sld [smem:$0x3FB3];
	_ =	sdelay $0x3  }
0x36: {  	p1 =	seq.s32 s10, $0x1;
	s10 =	sld [smem:$0x3FB4];
	_ =	sdelay $0x3  }
0x37: {  	[smem:$0x3FB4] =	sst s10  }
0x38: {  	s10 =	sld [smem:$0x3FB5]  }
0x39: {  	_ = 	snop;
	(pc) =	sbr.ind lr, $3  }
0x3a: {  	_ = 	snop  }
0x3b: {  	_ = 	snop  }
0x3c: {  	p2 =	seq.s32 s10, $0x1;
	s10 =	sld [smem:$0x3FB4]  }
0x3d: {  	_ =	shalt  }
0x3e: {  	_ =	shalt  }
0x3f: {  	_ =	shalt  }
0x40: {  	_ =	shalt  }
0x41: {  	_ =	shalt  }
0x42: {  	_ =	shalt  }
0x43: {  	_ =	shalt  }
0x44: {  	_ =	shalt  }
0x45: {  	_ =	shalt  }
0x46: {  	_ =	shalt  }
0x47: {  	_ =	shalt  }
0x48: {  	_ =	shalt  }
0x49: {  	_ =	shalt  }
0x4a: {  	_ =	shalt  }
0x4b: {  	_ =	shalt  }
0x4c: {  	_ =	shalt  }
0x4d: {  	_ =	shalt  }
0x4e: {  	_ =	shalt  }
0x4f: {  	_ =	shalt  }
0x50: {  	_ =	shalt  }
0x51: {  	_ =	shalt  }
0x52: {  	_ =	shalt  }
0x53: {  	_ =	shalt  }
0x54: {  	_ =	shalt  }
0x55: {  	_ =	shalt  }
0x56: {  	_ =	shalt  }
0x57: {  	_ =	shalt  }
0x58: {  	_ =	shalt  }
0x59: {  	_ =	shalt  }
0x5a: {  	_ =	shalt  }
0x5b: {  	_ =	shalt  }
0x5c: {  	_ =	shalt  }
0x5d: {  	_ =	shalt  }
0x5e: {  	_ =	shalt  }
0x5f: {  	_ =	shalt  }
0x60: {  	_ =	shalt  }
0x61: {  	_ =	shalt  }
0x62: {  	_ =	shalt  }
0x63: {  	_ =	shalt  }
0x64: {  	_ =	shalt  }
0x65: {  	_ =	shalt  }
0x66: {  	_ =	shalt  }
0x67: {  	_ =	shalt  }
0x68: {  	_ =	shalt  }
0x69: {  	_ =	shalt  }
0x6a: {  	_ =	shalt  }
0x6b: {  	_ =	shalt  }
0x6c: {  	_ =	shalt  }
0x6d: {  	_ =	shalt  }
0x6e: {  	_ =	shalt  }
0x6f: {  	_ =	shalt  }
0x70: {  	_ =	shalt  }
0x71: {  	_ =	shalt  }
0x72: {  	_ =	shalt  }
0x73: {  	_ =	shalt  }
0x74: {  	_ =	shalt  }
0x75: {  	_ =	shalt  }
0x76: {  	_ =	shalt  }
0x77: {  	_ =	shalt  }
0x78: {  	_ =	shalt  }
0x79: {  	_ =	shalt  }
0x7a: {  	_ =	shalt  }
0x7b: {  	_ =	shalt  }
0x7c: {  	_ =	shalt  }
0x7d: {  	_ =	shalt  }
0x7e: {  	_ =	shalt  }
0x7f: {  	_ =	shalt  }
0x80: {  	_ =	shalt  }
0x81: {  	_ =	shalt  }
0x82: {  	_ =	shalt  }
0x83: {  	_ =	shalt  }
0x84: {  	_ =	shalt  }
0x85: {  	_ =	shalt  }
0x86: {  	_ =	shalt  }
0x87: {  	_ =	shalt  }
.Lfunc_end0:
.L_simem_size_0:
called_computation.3_lowered:
.L_overlay_start_0:
0x88: {  	s2 =	sld [smem:$0x3FD9]  }
0x89: {  	s3 =	sld [smem:$0x3FFE];
	_ =	sdelay $0x1  }
0x8a: {  	s1 =	srdreg.scid  }
0x8b: {  	s0 =	sand.u32 $0x1, s1  }
0x8c: {  	s14 =	sshll.u32 s0, $0xA;
	s2 =	sadd.s32 s3, s2  }
0x8d: {  	s2 =	sadd.s32 s2, s14  }
0x8e: {  	[smem:$0x3FC0] =	sst s2  }
0x8f: {  	_ = 	snop  }
0x90: {  	s2 =	sld [smem:$0x3FD0];
	_ =	sdelay $0x2  }
0x91: {  	s15 =	simm.s32 $0xA;
	s4 =	simm.s32 $0x10  }
0x92: {  	[smem:s4], [sflag:s15] =	dma.local [hbm:s2], $0x1  }
0x93: {  	_ =	swait.eq [sflag:s15], $0x1  }
0x94: {  	[sflag:s15] =	ssyncset.done $0x0  }
0x95: {  	s16 =	sld [smem:$0x10];
	[sflag:s15] =	ssyncadd.s32 $0xFFFFFFFF  }
0x96: {  	s17 =	sld [smem:$0x12];
	(tm) =	ssettm $0x1  }
0x97: {  	s18 =	sld [smem:$0x3FFB];
	_ =	sdelay $0x3  }
0x98: {  	_ =	strace s18  }
0x99: {  	s4 =	sld [smem:$0x3FFC];
	_ =	sdelay $0x3  }
0x9a: {  	_ =	strace s4  }
0x9b: {  	s4 =	sld [smem:$0x3FFD];
	_ =	sdelay $0x3  }
0x9c: {  	_ =	strace s4  }
0x9d: {  	_ =	strace $0x8FFFFFFF  }
0x9e: {  	s19 =	sld [smem:$0x3FDB];
	_ =	sdelay $0x1  }
0x9f: {  	s5 =	simm.s32 $_scs_section_size  }
0xa0: {  	s6 =	simm.s32 $_size__tile_overlayer_lowered;
	s7 =	simm.s32 $_tile_overlayer_lowered  }
0xa1: {  	s22 =	simm.s32 $0x1BFF;
	s21 =	sshll.u32 s7, $0x1;
	s4 =	sadd.s32 s5, s19  }
0xa2: {  	s8 =	simm.s32 $0x0;
	s20 =	sshll.u32 s6, $0x1;
	s6 =	sadd.s32 s21, s4  }
0xa3: {  	[timem:s8], [sflag:s22] =	dma.local [hbm:s6], s20  }
0xa4: {  	_ =	swait.ge [sflag:s22], s20  }
0xa5: {  	s5 =	ssub.s32 $0x0, s20;
	[sflag:s22] =	ssyncset.done $0x0  }
0xa6: {  	[sflag:s22] =	ssyncadd.s32 s5;
	_ =	sdelay $0x1  }
0xa7: {  	s23 =	simm.s32 $0x1B8B  }
0xa8: {  	_ =	swait.ge [sflag:s23], $0x1  }
0xa9: {  	[sflag:s23] =	ssyncset.done $0x0  }
0xaa: {  	s25 =	simm.s32 $0x1B8E;
	s24 =	sld [smem:$0x3FFE];
	[sflag:s23] =	ssyncadd.s32 $0xFFFFFFFF  }
0xab: {  	s26 =	simm.s32 $execute0_lowered;
	[smem:$0x3FD2] =	sst s25  }
0xac: {  	s6 =	sshll.u32 s26, $0x1;
	_ =	strace $0x8000004F;
	[dreg:$0x1] =	wrdreg $0xFFFFFFFF  }
0xad: {  	s28 =	simm.s32 $_size_execute0_lowered;
	s4 =	sadd.s32 s4, s6;
	[dreg:$0x0] =	wrdreg $0x0  }
0xae: {  	s6 =	sshll.u32 s28, $0x1;
	[dreg:$0x2] =	wrdreg s4  }
0xaf: {  	[dreg:$0x3] =	wrdreg s6  }
0xb0: {  	[dreg:$0x4] =	wrdreg $0xC0  }
0xb1: {  	_ =	task [dreg:s8], $0x5FFFF  }
0xb2: {  	[dreg:$0x1] =	wrdreg $0xFFFFFFFF  }
0xb3: {  	[dreg:$0x0] =	wrdreg $0x60  }
0xb4: {  	[dreg:$0x2] =	wrdreg s24  }
0xb5: {  	[dreg:$0x3] =	wrdreg s16  }
0xb6: {  	[dreg:$0x4] =	wrdreg s17  }
0xb7: {  	[dreg:$0x5] =	wrdreg $0xB7000  }
0xb8: {  	[dreg:$0x6] =	wrdreg $0x9  }
0xb9: {  	_ =	task.clear_ibuf [dreg:s8], $0x7FFFF;
	_ =	strace $0x9000004F  }
0xba: {  	s29 =	simm.s32 $0x9;
	_ =	strace $0x80000051  }
0xbb: {  	_ =	swait.ge [sflag:s29], $0x1  }
0xbc: {  	[sflag:s29] =	ssyncadd.s32 $0xFFFFFFFF  }
0xbd: {  	_ =	strace $0x90000051  }
0xbe: {  	_ =	sfence  }
0xbf: {  	s30 =	sld [smem:$0x0];
	_ =	sdelay $0x2  }
0xc0: {  	s31 =	sshll.u32 s1, $0xD;
	s1 =	sshrl.u32 s1, $0x2  }
0xc1: {  	s3 =	sand.u32 $0x4000, s31;
	s1 =	sadd.s32 s1, s30  }
0xc2: {  	s0 =	sor.u32 s3, s0;
	s1 =	sshll.u32 s1, $0x11  }
0xc3: {  	s0 =	sor.u32 s1, s0  }
0xc4: {  	s0 =	sadd.s32 $0x8F2B, s0  }
0xc5: {  	[sflag:s0] =	ssyncadd.remote.s32 $0x1  }
0xc6: {  	_ =	sfence.sel $0xFFFF  }
0xc7: {  	[dreg:$0x0] =	wrdreg $0xFFFFFFFF;
	(pc) =	sbr.abs _section_cstart, $3  }
0xc8: {  	[dreg:$0x1] =	wrdreg $0xFFFFFFFF  }
0xc9: {  	_ =	task.clear_ibuf [dreg:s8], $0x2FFFF;
	_ =	strace $0x9FFFFFFF  }
0xca: {  	(tm) =	ssettm $0x7FFFFFFF  }
0xcb: {  	_ =	shalt  }
tec
execute0_lowered:
.L_overlay_start_1:
0x0: {  	(tag) =	ssettag $0x1  }
0x1: {  	s0 =	rddreg [dreg:$0x0]  }
0x2: {  	s4 =	rddreg [dreg:$0x2]  }
0x3: {  	s2 =	rddreg [dreg:$0x3];
	s3 =	simm.s32 $0x0;
	s6 =	srdreg.scid  }
0x4: {  	s1 =	stileid.u32;
	s13 =	simm.s32 $0x4;
	s14 =	simm.s32 $0x78  }
0x5: {  	s15 =	simm.s32 $0x300;
	s16 =	simm.s32 $0x5;
	s17 =	simm.s32 $0x3F00  }
0x6: {  	s18 =	simm.s32 $0x200;
	s21 =	simm.s32 $0x7;
	s22 =	simm.s32 $0x6  }
0x7: {  	s23 =	simm.s32 $0x7B00;
	s24 =	simm.s32 $0x1;
	s25 =	simm.s32 $0x80  }
0x8: {  	s28 =	simm.s32 $0x180;
	s29 =	simm.s32 $0x3;
	s30 =	simm.s32 $0x280  }
0x9: {  	s31 =	simm.s32 $0x0;
	[smem:$0x7FF] =	sst s3;
	s5 =	sadd.s32 $0x19A00, s0  }
0xa: {  	s0 =	sadd.s32 $0x4A00, s0;
	s6 =	sand.u32 $0x1, s6;
	s9 =	smul.u32 $0x14000, s1  }
0xb: {  	s19 =	sshll.u32 s1, $0x6;
	s12 =	smul.u32 $0x50000, s1;
	_ =	strace $0x80000050  }
0xc: {  	s11 =	sshll.u32 s6, $0x5;
	s8 =	smul.u32 $0x140000, s6;
	s7 =	ssub.s32 $0x2, s6  }
0xd: {  	s26 =	sor.u32 s11, s19;
	s10 =	sshrl.u32 s7, $0x1;
	s12 =	sshrl.u32 s12, $0x2  }
0xe: {  	s6 =	sadd.s32 s0, s26;
	s10 =	ssub.s32 s7, s10;
	s9 =	sadd.s32 s9, s8  }
0xf: {  	s20 =	sadd.s32 s12, s2;
	s0 =	sadd.s32 s19, s0;
	s12 =	simm.s32 $0x100  }
0x10: {  	s19 =	sor.u32 $0x1C07, s19;
	s26 =	simm.s32 $0x2;
	s7 =	sadd.s32 $0x400, s6  }
0x11: {  	s8 =	sadd.s32 $0x800, s6;
	s9 =	sshrl.u32 s9, $0x3;
	s10 =	smax.u32 s10, $0x1  }
0x12: {  	s11 =	sadd.s32 s11, s0;
	s20 =	sshrl.u32 s20, $0x3;
	s9 =	sadd.s32 s4, s9  }
.LBB2_1:
0x13: {  	[tilespmem:s3], [sflag:$0x4] =	stream.linear.gather [hbm4b:s6+s3], $0x100, $0x38;
	[tilespmem:$0x1F700] =	vst v63  }
0x14: {  	_ = 	snop  }
0x15: {  	[tilespmem:s12], [sflag:$0x5] =	stream.linear.gather [hbm4b:s7+s3], $0x100, $0x38;
	[tilespmem:$0x1F700] =	vst v63  }
0x16: {  	_ =	swait.ge [sflag:s13], $0x100  }
0x17: {  	[sflag:s13] =	ssyncset.done $0x0  }
0x18: {  	[sflag:s13] =	ssyncadd.s32 $0xFFFFFF00  }
0x19: {  	[tilespmem:s15], [sflag:$0x1] =	stream.indirect.gather [hbm4b:s5+s14], $0x80, s3, s14, $0xb8;
	[tilespmem:$0x1F700] =	vst v63  }
0x1a: {  	_ =	swait.ge [sflag:s16], $0x100  }
0x1b: {  	[sflag:s16] =	ssyncset.done $0x0  }
0x1c: {  	[sflag:s16] =	ssyncadd.s32 $0xFFFFFF00  }
0x1d: {  	[tilespmem:s17], [sflag:$0x2] =	stream.indirect.gather [hbm4b:s5+s14], $0x80, s12, s14, $0xb8;
	[tilespmem:$0x1F700] =	vst v63  }
0x1e: {  	s0 =	rddreg [dreg:$0x1]  }
0x1f: {  	[tilespmem:s18], [sflag:$0x6] =	stream.linear.gather [hbm4b:s8+s3], $0x100, $0x38;
	[tilespmem:$0x1F700] =	vst v63  }
0x20: {  	[spmem:s20], [sflag:s19] =	dma.local [hbm:s0], $0x2800  }
0x21: {  	_ =	swait.ge [sflag:s21], $0x2800  }
0x22: {  	[sflag:s21] =	ssyncset.done $0x0  }
0x23: {  	[sflag:s21] =	ssyncadd.s32 $0xFFFFD800  }
0x24: {  	[bflag:$0x0] =	sbarrier.arrive $0xFFFF  }
0x25: {  	_ =	swait.ge [sflag:s22], $0x100  }
0x26: {  	[sflag:s22] =	ssyncset.done $0x0  }
0x27: {  	[sflag:s22] =	ssyncadd.s32 $0xFFFFFF00  }
0x28: {  	[tilespmem:s23], [sflag:$0x3] =	stream.indirect.gather [hbm4b:s5+s14], $0x80, s18, s14, $0xb8;
	[tilespmem:$0x1F700] =	vst v63  }
0x29: {  	_ =	swait.ge [sflag:s24], $0x3C00  }
0x2a: {  	[sflag:s24] =	ssyncset.done $0x0  }
0x2b: {  	[sflag:s24] =	ssyncadd.s32 $0xFFFFC400  }
0x2c: {  	[spmem:s2] =	stream.indirect.scatter.add.f32 [tilespmem:s15], [sflag:$0x7], $0x80, s25, s14, $0xb8;
	[tilespmem:$0x1F700] =	vst v63  }
0x2d: {  	_ =	swait.ge [sflag:s21], $0x3C00  }
0x2e: {  	s4 =	sadd.s32 $0xFFFEBC00, s11;
	[sflag:s21] =	ssyncset.done $0x0  }
0x2f: {  	s1 =	sadd.s32 $0x15000, s4;
	[sflag:s21] =	ssyncadd.s32 $0xFFFFC400  }
0x30: {  	[tilespmem:s3], [sflag:$0x4] =	stream.linear.gather [hbm4b:s1+s3], $0x100, $0x38;
	[tilespmem:$0x1F700] =	vst v63  }
0x31: {  	_ =	swait.ge [sflag:s13], $0x100  }
0x32: {  	[sflag:s13] =	ssyncset.done $0x0  }
0x33: {  	[sflag:s13] =	ssyncadd.s32 $0xFFFFFF00  }
0x34: {  	[tilespmem:s15], [sflag:$0x1] =	stream.indirect.gather [hbm4b:s5+s14], $0x80, s3, s14, $0xb8;
	[tilespmem:$0x1F700] =	vst v63  }
0x35: {  	_ =	swait.ge [sflag:s26], $0x3C00  }
0x36: {  	[sflag:s26] =	ssyncset.done $0x0  }
0x37: {  	[sflag:s26] =	ssyncadd.s32 $0xFFFFC400  }
0x38: {  	[spmem:s2] =	stream.indirect.scatter.add.f32 [tilespmem:s17], [sflag:$0x7], $0x80, s28, s14, $0xb8;
	[tilespmem:$0x1F700] =	vst v63  }
0x39: {  	_ =	swait.ge [sflag:s21], $0x3C00  }
0x3a: {  	[sflag:s21] =	ssyncset.done $0x0  }
0x3b: {  	s1 =	sadd.s32 $0x15400, s4;
	[sflag:s21] =	ssyncadd.s32 $0xFFFFC400  }
0x3c: {  	[tilespmem:s12], [sflag:$0x5] =	stream.linear.gather [hbm4b:s1+s3], $0x100, $0x38;
	[tilespmem:$0x1F700] =	vst v63  }
0x3d: {  	_ =	swait.ge [sflag:s16], $0x100  }
0x3e: {  	[sflag:s16] =	ssyncset.done $0x0  }
0x3f: {  	[sflag:s16] =	ssyncadd.s32 $0xFFFFFF00  }
0x40: {  	[tilespmem:s17], [sflag:$0x2] =	stream.indirect.gather [hbm4b:s5+s14], $0x80, s12, s14, $0xb8;
	[tilespmem:$0x1F700] =	vst v63  }
0x41: {  	_ =	swait.ge [sflag:s29], $0x3C00  }
0x42: {  	[sflag:s29] =	ssyncset.done $0x0  }
0x43: {  	[sflag:s29] =	ssyncadd.s32 $0xFFFFC400  }
0x44: {  	[spmem:s2] =	stream.indirect.scatter.add.f32 [tilespmem:s23], [sflag:$0x7], $0x80, s30, s14, $0xb8;
	[tilespmem:$0x1F700] =	vst v63  }
0x45: {  	_ =	swait.ge [sflag:s21], $0x3C00  }
0x46: {  	[sflag:s21] =	ssyncset.done $0x0  }
0x47: {  	s0 =	simm.s32 $0xFFFEC800;
	s4 =	sadd.s32 $0x15800, s4;
	[sflag:s21] =	ssyncadd.s32 $0xFFFFC400  }
.LBB2_2:
0x48: {  	[tilespmem:s18], [sflag:$0x6] =	stream.linear.gather [hbm4b:s4+s3], $0x100, $0x38;
	[tilespmem:$0x1F700] =	vst v63  }
0x49: {  	s4 =	smov.u32 s0  }
0x4a: {  	p0 =	sne.s32 s0, $0xFFFFF400;
	s0 =	sadd.s32 $0xC00, s0;
	_ =	swait.ge [sflag:s22], $0x100  }
0x4b: {  	[sflag:s22] =	ssyncset.done $0x0  }
0x4c: {  	[sflag:s22] =	ssyncadd.s32 $0xFFFFFF00  }
0x4d: {  	[tilespmem:s23], [sflag:$0x3] =	stream.indirect.gather [hbm4b:s5+s14], $0x80, s18, s14, $0xb8;
	[tilespmem:$0x1F700] =	vst v63  }
0x4e: {  	_ =	swait.ge [sflag:s24], $0x3C00  }
0x4f: {  	[sflag:s24] =	ssyncset.done $0x0  }
0x50: {  	[sflag:s24] =	ssyncadd.s32 $0xFFFFC400  }
0x51: {  	[spmem:s2] =	stream.indirect.scatter.add.f32 [tilespmem:s15], [sflag:$0x7], $0x80, s25, s14, $0xb8;
	[tilespmem:$0x1F700] =	vst v63  }
0x52: {  	_ =	swait.ge [sflag:s21], $0x3C00  }
0x53: {  	s4 =	sadd.s32 s4, s11;
	[sflag:s21] =	ssyncset.done $0x0  }
0x54: {  	s1 =	sadd.s32 $0x15000, s4;
	[sflag:s21] =	ssyncadd.s32 $0xFFFFC400  }
0x55: {  	[tilespmem:s3], [sflag:$0x4] =	stream.linear.gather [hbm4b:s1+s3], $0x100, $0x38;
	[tilespmem:$0x1F700] =	vst v63  }
0x56: {  	_ =	swait.ge [sflag:s13], $0x100  }
0x57: {  	[sflag:s13] =	ssyncset.done $0x0  }
0x58: {  	[sflag:s13] =	ssyncadd.s32 $0xFFFFFF00  }
0x59: {  	[tilespmem:s15], [sflag:$0x1] =	stream.indirect.gather [hbm4b:s5+s14], $0x80, s3, s14, $0xb8;
	[tilespmem:$0x1F700] =	vst v63  }
0x5a: {  	_ =	swait.ge [sflag:s26], $0x3C00  }
0x5b: {  	[sflag:s26] =	ssyncset.done $0x0  }
0x5c: {  	[sflag:s26] =	ssyncadd.s32 $0xFFFFC400  }
0x5d: {  	[spmem:s2] =	stream.indirect.scatter.add.f32 [tilespmem:s17], [sflag:$0x7], $0x80, s28, s14, $0xb8;
	[tilespmem:$0x1F700] =	vst v63  }
0x5e: {  	_ =	swait.ge [sflag:s21], $0x3C00  }
0x5f: {  	[sflag:s21] =	ssyncset.done $0x0  }
0x60: {  	s1 =	sadd.s32 $0x15400, s4;
	[sflag:s21] =	ssyncadd.s32 $0xFFFFC400  }
0x61: {  	[tilespmem:s12], [sflag:$0x5] =	stream.linear.gather [hbm4b:s1+s3], $0x100, $0x38;
	[tilespmem:$0x1F700] =	vst v63  }
0x62: {  	_ =	swait.ge [sflag:s16], $0x100  }
0x63: {  	[sflag:s16] =	ssyncset.done $0x0  }
0x64: {  	[sflag:s16] =	ssyncadd.s32 $0xFFFFFF00  }
0x65: {  	[tilespmem:s17], [sflag:$0x2] =	stream.indirect.gather [hbm4b:s5+s14], $0x80, s12, s14, $0xb8;
	[tilespmem:$0x1F700] =	vst v63  }
0x66: {  	_ =	swait.ge [sflag:s29], $0x3C00  }
0x67: {  	[sflag:s29] =	ssyncset.done $0x0  }
.Ltmp0:
0x68: {  	[sflag:s29] =	ssyncadd.s32 $0xFFFFC400;
	(pc) =	sbr.rel @p0 .LBB2_2-.Ltmp0, $4  }
0x69: {  	[spmem:s2] =	stream.indirect.scatter.add.f32 [tilespmem:s23], [sflag:$0x7], $0x80, s30, s14, $0xb8;
	[tilespmem:$0x1F700] =	vst v63  }
0x6a: {  	_ =	swait.ge [sflag:s21], $0x3C00  }
0x6b: {  	[sflag:s21] =	ssyncset.done $0x0  }
0x6c: {  	s4 =	sadd.s32 $0x15800, s4;
	[sflag:s21] =	ssyncadd.s32 $0xFFFFC400  }
0x6d: {  	[tilespmem:s18], [sflag:$0x6] =	stream.linear.gather [hbm4b:s4+s3], $0x100, $0x38;
	[tilespmem:$0x1F700] =	vst v63  }
0x6e: {  	_ =	swait.ge [sflag:s22], $0x100  }
0x6f: {  	[sflag:s22] =	ssyncset.done $0x0  }
0x70: {  	[sflag:s22] =	ssyncadd.s32 $0xFFFFFF00  }
0x71: {  	[tilespmem:s23], [sflag:$0x3] =	stream.indirect.gather [hbm4b:s5+s14], $0x80, s18, s14, $0xb8;
	[tilespmem:$0x1F700] =	vst v63  }
0x72: {  	_ =	swait.ge [sflag:s24], $0x3C00  }
0x73: {  	[sflag:s24] =	ssyncset.done $0x0  }
0x74: {  	[sflag:s24] =	ssyncadd.s32 $0xFFFFC400  }
0x75: {  	[spmem:s2] =	stream.indirect.scatter.add.f32 [tilespmem:s15], [sflag:$0x7], $0x80, s25, s14, $0xb8;
	[tilespmem:$0x1F700] =	vst v63  }
0x76: {  	_ =	swait.ge [sflag:s21], $0x3C00  }
0x77: {  	[sflag:s21] =	ssyncset.done $0x0  }
0x78: {  	[sflag:s21] =	ssyncadd.s32 $0xFFFFC400  }
0x79: {  	_ =	swait.ge [sflag:s26], $0x3C00  }
0x7a: {  	[sflag:s26] =	ssyncset.done $0x0  }
0x7b: {  	[sflag:s26] =	ssyncadd.s32 $0xFFFFC400  }
0x7c: {  	[spmem:s2] =	stream.indirect.scatter.add.f32 [tilespmem:s17], [sflag:$0x7], $0x80, s28, s14, $0xb8;
	[tilespmem:$0x1F700] =	vst v63  }
0x7d: {  	_ =	swait.ge [sflag:s21], $0x3C00  }
0x7e: {  	[sflag:s21] =	ssyncset.done $0x0  }
0x7f: {  	[sflag:s21] =	ssyncadd.s32 $0xFFFFC400  }
0x80: {  	_ =	swait.ge [sflag:s29], $0x3C00  }
0x81: {  	[sflag:s29] =	ssyncset.done $0x0  }
0x82: {  	[sflag:s29] =	ssyncadd.s32 $0xFFFFC400  }
0x83: {  	[spmem:s2] =	stream.indirect.scatter.add.f32 [tilespmem:s23], [sflag:$0x7], $0x80, s30, s14, $0xb8;
	[tilespmem:$0x1F700] =	vst v63  }
0x84: {  	_ =	swait.ge [sflag:s21], $0x3C00  }
0x85: {  	s31 =	sadd.s32 $0x1, s31;
	[sflag:s21] =	ssyncset.done $0x0  }
0x86: {  	p0 =	sne.s32 s31, s10;
	[sflag:s21] =	ssyncadd.s32 $0xFFFFC400  }
.Ltmp1:
0x87: {  	[bflag:$0x0] =	sbarrier.arrive $0xFFFF;
	(pc) =	sbr.rel @p0 .LBB2_1-.Ltmp1, $4  }
0x88: {  	[hbm:s9], [sflag:s19] =	dma.local [spmem:s20], $0x2800  }
0x89: {  	_ =	swait.ge [sflag:s21], $0x2800  }
0x8a: {  	[sflag:s21] =	ssyncset.done $0x0  }
0x8b: {  	[sflag:s21] =	ssyncadd.s32 $0xFFFFD800  }
0x8c: {  	_ =	sfence.sel $0x180000  }
0x8d: {  	[bflag:$0x0] =	sbarrier.arrive $0xFFFF  }
0x8e: {  	_ =	strace $0x90000050  }
0x8f: {  	s0 =	stileid.u32;
	[bflag:$0x2] =	sbarrier.arrive $0xFFFF  }
0x90: {  	p0 =	sne.s32 s0, $0x0;
	s0 =	rddreg [dreg:$0x4]  }
0x91: {  	s0 =	sadd.s32 @!p0 $0x100000, s0  }
0x92: {  	[sflag:s0] =	ssyncadd.tile.s32 @!p0 $0x1;
	_ =	shalt  }
.Lfunc_end2:
_tile_overlayer_lowered:
.L_overlay_start_2:
0x93: {  	(tag) =	ssettag $0x2  }
0x94: {  	s0 =	rddreg [dreg:$0x0];
	s2 =	stileid.u32  }
0x95: {  	s1 =	rddreg [dreg:$0x1];
	p0 =	sne.s32 s2, $0x0  }
0x96: {  	s3 =	rddreg [dreg:$0x2];
	[bflag:$0x3] =	sbarrier.arrive $0xFFFF;
	s2 =	simm.s32 @!p0 $0x1C07  }
0x97: {  	[timem:s3], [sflag:s2] =	dma.local @!p0 [hbm:s0], s1  }
0x98: {  	s0 =	simm.s32 @!p0 $0x7  }
0x99: {  	_ =	swait.ge @!p0 [sflag:s0], s1  }
0x9a: {  	s1 =	ssub.s32 @!p0 $0x0, s1;
	[sflag:s0] =	ssyncset.done @!p0 $0x0  }
0x9b: {  	[sflag:s0] =	ssyncadd.s32 @!p0 s1  }
0x9c: {  	[bflag:$0x3] =	sbarrier.arrive $0xFFFF  }
0x9d: {  	_ =	shalt  }

// kernel: kernel.26.cloned.1.call-start
scs
__scs_entry_jumppad:
0x0: {  	(pc) =	sbr.rel $0x88, $3  }
0x1: {  	(tag) =	ssettag $0x0;
	lr =	simm.s32 $0x1  }
0x2: {  	[smem:$0x3F99] =	sst lr;
	_ =	strace $0xD0000000  }
0x3: {  	_ = 	snop  }
0x4: {  	_ = 	snop  }
0x5: {  	_ = 	snop  }
0x6: {  	_ = 	snop  }
0x7: {  	_ = 	snop  }
__scs_overlays_trampoline_lowered:
0x8: {  	[smem:$0x3FA8] =	sst s0  }
0x9: {  	[smem:$0x3FA9] =	sst s1  }
0xa: {  	[smem:$0x3FAA] =	sst s2  }
0xb: {  	[smem:$0x3FAB] =	sst s3  }
0xc: {  	[smem:$0x3FAC] =	sst s4  }
0xd: {  	[smem:$0x3FAD] =	sst s5  }
0xe: {  	[smem:$0x3FAE] =	sst s6  }
0xf: {  	[smem:$0x3FAF] =	sst s7  }
0x10: {  	[smem:$0x3FB0] =	sst s8  }
0x11: {  	[smem:$0x3FB1] =	sst s9;
	s0 =	simm.s32 @!p0 $0x0  }
0x12: {  	s1 =	sld [smem:$0x3F97];
	s0 =	simm.s32 @p0 $0x1  }
0x13: {  	[smem:$0x3FB2] =	sst s0;
	s0 =	simm.s32 @!p1 $0x0  }
0x14: {  	s2 =	sld [smem:$0x3F96];
	s0 =	simm.s32 @p1 $0x1  }
0x15: {  	[smem:$0x3FB3] =	sst s0;
	s0 =	simm.s32 @!p2 $0x0  }
0x16: {  	s3 =	sld [smem:$0x3FDB];
	s0 =	simm.s32 @p2 $0x1  }
0x17: {  	s4 =	simm.s32 $0x1BF5;
	[smem:$0x3FB5] =	sst s0  }
0x18: {  	s0 =	sld [smem:$0x3F98];
	_ =	swait.ge [sflag:s4], $0x0  }
0x19: {  	s7 =	sld [smem:$0x3F99]  }
0x1a: {  	s8 =	sadd.s32 $0xFFFFE003, lr  }
0x1b: {  	s9 =	sadd.s32 $0xFFFFFEF7, lr;
	s5 =	simm.s32 $0xFFFFFFFF;
	p2 =	slt.u32 s8, $0xFFFFF086  }
0x1c: {  	p1 =	slt.u32 s9, $0xF7A;
	s5 =	simm.s32 @!p2 $0x0  }
0x1d: {  	s5 =	simm.s32 @p1 $0x1;
	p0 =	seq.s32 s7, s2  }
0x1e: {  	s7 =	smul.u32 @!p0 $0xF7A, s2;
	p2 =	seq.s32 @!p0 s5, $0x0  }
0x1f: {  	s9 =	smul.u32 $0xF7A, s1;
	s8 =	simm.s32 @!p0 $0x1BF5;
	p2 =	por !p2, p0  }
0x20: {  	[sflag:s8] =	ssyncset.s32 @!p0 $0xFFFFF086;
	s6 =	sadd.s32 @!p0 s3, s7;
	s7 =	simm.s32 @!p0 $0x108  }
0x21: {  	s3 =	sadd.s32 s3, s9;
	s6 =	sadd.s32 @!p0 $0x88, s6;
	s7 =	simm.s32 @p2 $0x1082  }
0x22: {  	[simem:s7], [sflag:s8] =	dma.local @!p0 [hbm:s6], $0xF7A  }
0x23: {  	s9 =	sor.u32 $0xD0000000, s2;
	s6 =	simm.s32 $0x108;
	_ =	swait.ge @!p0 [sflag:s8], $0x0  }
0x24: {  	s3 =	sadd.s32 $0x88, s3;
	s6 =	simm.s32 @!p1 $0x1082;
	[sflag:s4] =	ssyncset.s32 $0xFFFFF086  }
0x25: {  	[simem:s6], [sflag:s4] =	dma.local [hbm:s3], $0xF7A  }
0x26: {  	[smem:$0x3F99] =	sst s1;
	(tag) =	ssettag s2;
	_ =	strace s9  }
0x27: {  	s1 =	sld [smem:$0x3FA9]  }
0x28: {  	s2 =	sld [smem:$0x3FAA]  }
0x29: {  	s4 =	sld [smem:$0x3FAC]  }
0x2a: {  	p0 =	seq.s32 s5, $0x0;
	s5 =	sld [smem:$0x3FAD]  }
0x2b: {  	s6 =	sld [smem:$0x3FAE]  }
0x2c: {  	s7 =	sld [smem:$0x3FAF]  }
0x2d: {  	s3 =	simm.s32 $0x108;
	s8 =	sld [smem:$0x3FB0]  }
0x2e: {  	s3 =	simm.s32 @!p0 $0x1082;
	s9 =	sld [smem:$0x3FB1]  }
0x2f: {  	lr =	sadd.s32 s0, s3;
	s0 =	sld [smem:$0x3FA8]  }
0x30: {  	s3 =	sld [smem:$0x3FAB]  }
0x31: {  	[smem:$0x3FB4] =	sst s10  }
0x32: {  	s10 =	sld [smem:$0x3FB2];
	_ =	sdelay $0x3  }
0x33: {  	p0 =	seq.s32 s10, $0x1;
	s10 =	sld [smem:$0x3FB4];
	_ =	sdelay $0x3  }
0x34: {  	[smem:$0x3FB4] =	sst s10  }
0x35: {  	s10 =	sld [smem:$0x3FB3];
	_ =	sdelay $0x3  }
0x36: {  	p1 =	seq.s32 s10, $0x1;
	s10 =	sld [smem:$0x3FB4];
	_ =	sdelay $0x3  }
0x37: {  	[smem:$0x3FB4] =	sst s10  }
0x38: {  	s10 =	sld [smem:$0x3FB5]  }
0x39: {  	_ = 	snop;
	(pc) =	sbr.ind lr, $3  }
0x3a: {  	_ = 	snop  }
0x3b: {  	_ = 	snop  }
0x3c: {  	p2 =	seq.s32 s10, $0x1;
	s10 =	sld [smem:$0x3FB4]  }
0x3d: {  	_ =	shalt  }
0x3e: {  	_ =	shalt  }
0x3f: {  	_ =	shalt  }
0x40: {  	_ =	shalt  }
0x41: {  	_ =	shalt  }
0x42: {  	_ =	shalt  }
0x43: {  	_ =	shalt  }
0x44: {  	_ =	shalt  }
0x45: {  	_ =	shalt  }
0x46: {  	_ =	shalt  }
0x47: {  	_ =	shalt  }
0x48: {  	_ =	shalt  }
0x49: {  	_ =	shalt  }
0x4a: {  	_ =	shalt  }
0x4b: {  	_ =	shalt  }
0x4c: {  	_ =	shalt  }
0x4d: {  	_ =	shalt  }
0x4e: {  	_ =	shalt  }
0x4f: {  	_ =	shalt  }
0x50: {  	_ =	shalt  }
0x51: {  	_ =	shalt  }
0x52: {  	_ =	shalt  }
0x53: {  	_ =	shalt  }
0x54: {  	_ =	shalt  }
0x55: {  	_ =	shalt  }
0x56: {  	_ =	shalt  }
0x57: {  	_ =	shalt  }
0x58: {  	_ =	shalt  }
0x59: {  	_ =	shalt  }
0x5a: {  	_ =	shalt  }
0x5b: {  	_ =	shalt  }
0x5c: {  	_ =	shalt  }
0x5d: {  	_ =	shalt  }
0x5e: {  	_ =	shalt  }
0x5f: {  	_ =	shalt  }
0x60: {  	_ =	shalt  }
0x61: {  	_ =	shalt  }
0x62: {  	_ =	shalt  }
0x63: {  	_ =	shalt  }
0x64: {  	_ =	shalt  }
0x65: {  	_ =	shalt  }
0x66: {  	_ =	shalt  }
0x67: {  	_ =	shalt  }
0x68: {  	_ =	shalt  }
0x69: {  	_ =	shalt  }
0x6a: {  	_ =	shalt  }
0x6b: {  	_ =	shalt  }
0x6c: {  	_ =	shalt  }
0x6d: {  	_ =	shalt  }
0x6e: {  	_ =	shalt  }
0x6f: {  	_ =	shalt  }
0x70: {  	_ =	shalt  }
0x71: {  	_ =	shalt  }
0x72: {  	_ =	shalt  }
0x73: {  	_ =	shalt  }
0x74: {  	_ =	shalt  }
0x75: {  	_ =	shalt  }
0x76: {  	_ =	shalt  }
0x77: {  	_ =	shalt  }
0x78: {  	_ =	shalt  }
0x79: {  	_ =	shalt  }
0x7a: {  	_ =	shalt  }
0x7b: {  	_ =	shalt  }
0x7c: {  	_ =	shalt  }
0x7d: {  	_ =	shalt  }
0x7e: {  	_ =	shalt  }
0x7f: {  	_ =	shalt  }
0x80: {  	_ =	shalt  }
0x81: {  	_ =	shalt  }
0x82: {  	_ =	shalt  }
0x83: {  	_ =	shalt  }
0x84: {  	_ =	shalt  }
0x85: {  	_ =	shalt  }
0x86: {  	_ =	shalt  }
0x87: {  	_ =	shalt  }
.Lfunc_end0:
.L_simem_size_0:
called_computation.4_lowered:
.L_overlay_start_0:
0x88: {  	s2 =	sld [smem:$0x3FD9]  }
0x89: {  	s3 =	sld [smem:$0x3FFE];
	_ =	sdelay $0x1  }
0x8a: {  	s1 =	srdreg.scid  }
0x8b: {  	s0 =	sand.u32 $0x1, s1  }
0x8c: {  	s14 =	sshll.u32 s0, $0xA;
	s2 =	sadd.s32 s3, s2  }
0x8d: {  	s2 =	sadd.s32 s2, s14  }
0x8e: {  	[smem:$0x3FC0] =	sst s2  }
0x8f: {  	_ = 	snop  }
0x90: {  	s2 =	sld [smem:$0x3FD0];
	_ =	sdelay $0x2  }
0x91: {  	s15 =	simm.s32 $0xA;
	s4 =	simm.s32 $0x10  }
0x92: {  	[smem:s4], [sflag:s15] =	dma.local [hbm:s2], $0x1  }
0x93: {  	_ =	swait.eq [sflag:s15], $0x1  }
0x94: {  	[sflag:s15] =	ssyncset.done $0x0  }
0x95: {  	[sflag:s15] =	ssyncadd.s32 $0xFFFFFFFF  }
0x96: {  	s16 =	sld [smem:$0x10];
	(tm) =	ssettm $0x1  }
0x97: {  	s17 =	sld [smem:$0x3FFB];
	_ =	sdelay $0x3  }
0x98: {  	_ =	strace s17  }
0x99: {  	s3 =	sld [smem:$0x3FFC];
	_ =	sdelay $0x3  }
0x9a: {  	_ =	strace s3  }
0x9b: {  	s3 =	sld [smem:$0x3FFD];
	_ =	sdelay $0x3  }
0x9c: {  	_ =	strace s3  }
0x9d: {  	_ =	strace $0x8FFFFFFF  }
0x9e: {  	s18 =	sld [smem:$0x3FDB];
	_ =	sdelay $0x1  }
0x9f: {  	s19 =	simm.s32 $_scs_section_size  }
0xa0: {  	s5 =	simm.s32 $_size__tile_overlayer_lowered;
	s6 =	simm.s32 $_tile_overlayer_lowered  }
0xa1: {  	s22 =	simm.s32 $0x1BFF;
	s21 =	sshll.u32 s6, $0x1;
	s3 =	sadd.s32 s19, s18  }
0xa2: {  	s7 =	simm.s32 $0x0;
	s20 =	sshll.u32 s5, $0x1;
	s5 =	sadd.s32 s21, s3  }
0xa3: {  	[timem:s7], [sflag:s22] =	dma.local [hbm:s5], s20  }
0xa4: {  	_ =	swait.ge [sflag:s22], s20  }
0xa5: {  	s4 =	ssub.s32 $0x0, s20;
	[sflag:s22] =	ssyncset.done $0x0  }
0xa6: {  	[sflag:s22] =	ssyncadd.s32 s4;
	_ =	sdelay $0x1  }
0xa7: {  	s23 =	simm.s32 $0x1B8B  }
0xa8: {  	_ =	swait.ge [sflag:s23], $0x1  }
0xa9: {  	[sflag:s23] =	ssyncset.done $0x0  }
0xaa: {  	s25 =	simm.s32 $0x1B8E;
	s24 =	sld [smem:$0x3FFE];
	[sflag:s23] =	ssyncadd.s32 $0xFFFFFFFF  }
0xab: {  	s26 =	simm.s32 $execute0_lowered;
	[smem:$0x3FD2] =	sst s25  }
0xac: {  	s5 =	sshll.u32 s26, $0x1;
	_ =	strace $0x80000052;
	[dreg:$0x1] =	wrdreg $0xFFFFFFFF  }
0xad: {  	s28 =	simm.s32 $_size_execute0_lowered;
	s3 =	sadd.s32 s3, s5;
	[dreg:$0x0] =	wrdreg $0x0  }
0xae: {  	s5 =	sshll.u32 s28, $0x1;
	[dreg:$0x2] =	wrdreg s3  }
0xaf: {  	[dreg:$0x3] =	wrdreg s5  }
0xb0: {  	[dreg:$0x4] =	wrdreg $0xC0  }
0xb1: {  	_ =	task [dreg:s7], $0x5FFFF  }
0xb2: {  	[dreg:$0x1] =	wrdreg $0xFFFFFFFF  }
0xb3: {  	[dreg:$0x0] =	wrdreg $0x60  }
0xb4: {  	[dreg:$0x2] =	wrdreg s24  }
0xb5: {  	[dreg:$0x3] =	wrdreg s16  }
0xb6: {  	[dreg:$0x4] =	wrdreg $0xB7000  }
0xb7: {  	[dreg:$0x5] =	wrdreg $0x9  }
0xb8: {  	_ =	task.clear_ibuf [dreg:s7], $0x6FFFF;
	_ =	strace $0x90000052  }
0xb9: {  	s29 =	simm.s32 $0x9;
	_ =	strace $0x80000054  }
0xba: {  	_ =	swait.ge [sflag:s29], $0x1  }
0xbb: {  	[sflag:s29] =	ssyncadd.s32 $0xFFFFFFFF  }
0xbc: {  	_ =	strace $0x90000054  }
0xbd: {  	_ =	sfence  }
0xbe: {  	s30 =	sld [smem:$0x0];
	_ =	sdelay $0x2  }
0xbf: {  	s31 =	sshll.u32 s1, $0xD;
	s1 =	sshrl.u32 s1, $0x2  }
0xc0: {  	s3 =	sand.u32 $0x4000, s31;
	s1 =	sadd.s32 s1, s30  }
0xc1: {  	s0 =	sor.u32 s3, s0;
	s1 =	sshll.u32 s1, $0x11  }
0xc2: {  	s0 =	sor.u32 s1, s0  }
0xc3: {  	s0 =	sadd.s32 $0x8F2B, s0  }
0xc4: {  	[sflag:s0] =	ssyncadd.remote.s32 $0x1  }
0xc5: {  	_ =	sfence.sel $0xFFFF  }
0xc6: {  	[dreg:$0x0] =	wrdreg $0xFFFFFFFF;
	(pc) =	sbr.abs _section_cstart, $3  }
0xc7: {  	[dreg:$0x1] =	wrdreg $0xFFFFFFFF  }
0xc8: {  	_ =	task.clear_ibuf [dreg:s7], $0x2FFFF;
	_ =	strace $0x9FFFFFFF  }
0xc9: {  	(tm) =	ssettm $0x7FFFFFFF  }
tec
execute0_lowered:
.L_overlay_start_1:
0x0: {  	(tag) =	ssettag $0x1  }
0x1: {  	s0 =	rddreg [dreg:$0x0];
	s1 =	srdreg.scid  }
0x2: {  	s3 =	rddreg [dreg:$0x2];
	s2 =	stileid.u32;
	s4 =	simm.s32 $0x0  }
0x3: {  	s13 =	simm.s32 $0x4;
	s14 =	simm.s32 $0x78;
	s15 =	simm.s32 $0x300  }
0x4: {  	s16 =	simm.s32 $0x5;
	s17 =	simm.s32 $0x3F00;
	s18 =	simm.s32 $0x200  }
0x5: {  	s21 =	simm.s32 $0x7;
	s22 =	simm.s32 $0x6;
	s23 =	simm.s32 $0x7B00  }
0x6: {  	s24 =	simm.s32 $0x1;
	s28 =	simm.s32 $0x180;
	s29 =	simm.s32 $0x3  }
0x7: {  	s30 =	simm.s32 $0x280;
	s31 =	simm.s32 $0x0;
	s6 =	smul.u32 $0x14000, s2  }
0x8: {  	s1 =	sand.u32 $0x1, s1;
	[smem:$0x7FF] =	sst s4;
	s11 =	smul.u32 $0x50000, s2  }
0x9: {  	s10 =	sadd.s32 $0x4A00, s0;
	s19 =	sshll.u32 s2, $0x6;
	s5 =	smul.u32 $0x140000, s1  }
0xa: {  	_ =	strace $0x80000053;
	s7 =	ssub.s32 $0x2, s1;
	s1 =	sshll.u32 s1, $0x5  }
0xb: {  	s26 =	sadd.s32 s19, s10;
	s8 =	sshrl.u32 s7, $0x1;
	s9 =	sor.u32 s1, s19  }
0xc: {  	s25 =	sshrl.u32 s11, $0x2;
	s11 =	sadd.s32 s1, s26;
	s19 =	sor.u32 $0x1C07, s19  }
0xd: {  	s26 =	simm.s32 $0x2;
	s6 =	sadd.s32 s6, s5;
	s5 =	sadd.s32 $0x19A00, s0  }
0xe: {  	s12 =	ssub.s32 s7, s8;
	s20 =	sadd.s32 s25, s3;
	s6 =	sshrl.u32 s6, $0x3  }
0xf: {  	s25 =	simm.s32 $0x80;
	s20 =	sshrl.u32 s20, $0x3;
	s0 =	sadd.s32 s6, s0  }
0x10: {  	s6 =	sadd.s32 s10, s9;
	s10 =	smax.u32 s12, $0x1;
	s12 =	simm.s32 $0x100  }
0x11: {  	s7 =	sadd.s32 $0x400, s6;
	s8 =	sadd.s32 $0x800, s6;
	s9 =	sadd.s32 $0x67E00, s0  }
.LBB2_1:
0x12: {  	[tilespmem:s4], [sflag:$0x4] =	stream.linear.gather [hbm4b:s6+s4], $0x100, $0x38;
	[tilespmem:$0x1F700] =	vst v63  }
0x13: {  	_ = 	snop  }
0x14: {  	[tilespmem:s12], [sflag:$0x5] =	stream.linear.gather [hbm4b:s7+s4], $0x100, $0x38;
	[tilespmem:$0x1F700] =	vst v63  }
0x15: {  	_ =	swait.ge [sflag:s13], $0x100  }
0x16: {  	[sflag:s13] =	ssyncset.done $0x0  }
0x17: {  	[sflag:s13] =	ssyncadd.s32 $0xFFFFFF00  }
0x18: {  	[tilespmem:s15], [sflag:$0x1] =	stream.indirect.gather [hbm4b:s5+s14], $0x80, s4, s14, $0xb8;
	[tilespmem:$0x1F700] =	vst v63  }
0x19: {  	_ =	swait.ge [sflag:s16], $0x100  }
0x1a: {  	[sflag:s16] =	ssyncset.done $0x0  }
0x1b: {  	[sflag:s16] =	ssyncadd.s32 $0xFFFFFF00  }
0x1c: {  	[tilespmem:s17], [sflag:$0x2] =	stream.indirect.gather [hbm4b:s5+s14], $0x80, s12, s14, $0xb8;
	[tilespmem:$0x1F700] =	vst v63  }
0x1d: {  	s0 =	rddreg [dreg:$0x1]  }
0x1e: {  	[tilespmem:s18], [sflag:$0x6] =	stream.linear.gather [hbm4b:s8+s4], $0x100, $0x38;
	[tilespmem:$0x1F700] =	vst v63  }
0x1f: {  	[spmem:s20], [sflag:s19] =	dma.local [hbm:s0], $0x2800  }
0x20: {  	_ =	swait.ge [sflag:s21], $0x2800  }
0x21: {  	[sflag:s21] =	ssyncset.done $0x0  }
0x22: {  	[sflag:s21] =	ssyncadd.s32 $0xFFFFD800  }
0x23: {  	[bflag:$0x0] =	sbarrier.arrive $0xFFFF  }
0x24: {  	_ =	swait.ge [sflag:s22], $0x100  }
0x25: {  	[sflag:s22] =	ssyncset.done $0x0  }
0x26: {  	[sflag:s22] =	ssyncadd.s32 $0xFFFFFF00  }
0x27: {  	[tilespmem:s23], [sflag:$0x3] =	stream.indirect.gather [hbm4b:s5+s14], $0x80, s18, s14, $0xb8;
	[tilespmem:$0x1F700] =	vst v63  }
0x28: {  	_ =	swait.ge [sflag:s24], $0x3C00  }
0x29: {  	[sflag:s24] =	ssyncset.done $0x0  }
0x2a: {  	[sflag:s24] =	ssyncadd.s32 $0xFFFFC400  }
0x2b: {  	[spmem:s3] =	stream.indirect.scatter.add.f32 [tilespmem:s15], [sflag:$0x7], $0x80, s25, s14, $0xb8;
	[tilespmem:$0x1F700] =	vst v63  }
0x2c: {  	_ =	swait.ge [sflag:s21], $0x3C00  }
0x2d: {  	s1 =	sadd.s32 $0xFFFEBC00, s11;
	[sflag:s21] =	ssyncset.done $0x0  }
0x2e: {  	s2 =	sadd.s32 $0x15000, s1;
	[sflag:s21] =	ssyncadd.s32 $0xFFFFC400  }
0x2f: {  	[tilespmem:s4], [sflag:$0x4] =	stream.linear.gather [hbm4b:s2+s4], $0x100, $0x38;
	[tilespmem:$0x1F700] =	vst v63  }
0x30: {  	_ =	swait.ge [sflag:s13], $0x100  }
0x31: {  	[sflag:s13] =	ssyncset.done $0x0  }
0x32: {  	[sflag:s13] =	ssyncadd.s32 $0xFFFFFF00  }
0x33: {  	[tilespmem:s15], [sflag:$0x1] =	stream.indirect.gather [hbm4b:s5+s14], $0x80, s4, s14, $0xb8;
	[tilespmem:$0x1F700] =	vst v63  }
0x34: {  	_ =	swait.ge [sflag:s26], $0x3C00  }
0x35: {  	[sflag:s26] =	ssyncset.done $0x0  }
0x36: {  	[sflag:s26] =	ssyncadd.s32 $0xFFFFC400  }
0x37: {  	[spmem:s3] =	stream.indirect.scatter.add.f32 [tilespmem:s17], [sflag:$0x7], $0x80, s28, s14, $0xb8;
	[tilespmem:$0x1F700] =	vst v63  }
0x38: {  	_ =	swait.ge [sflag:s21], $0x3C00  }
0x39: {  	[sflag:s21] =	ssyncset.done $0x0  }
0x3a: {  	s2 =	sadd.s32 $0x15400, s1;
	[sflag:s21] =	ssyncadd.s32 $0xFFFFC400  }
0x3b: {  	[tilespmem:s12], [sflag:$0x5] =	stream.linear.gather [hbm4b:s2+s4], $0x100, $0x38;
	[tilespmem:$0x1F700] =	vst v63  }
0x3c: {  	_ =	swait.ge [sflag:s16], $0x100  }
0x3d: {  	[sflag:s16] =	ssyncset.done $0x0  }
0x3e: {  	[sflag:s16] =	ssyncadd.s32 $0xFFFFFF00  }
0x3f: {  	[tilespmem:s17], [sflag:$0x2] =	stream.indirect.gather [hbm4b:s5+s14], $0x80, s12, s14, $0xb8;
	[tilespmem:$0x1F700] =	vst v63  }
0x40: {  	_ =	swait.ge [sflag:s29], $0x3C00  }
0x41: {  	[sflag:s29] =	ssyncset.done $0x0  }
0x42: {  	[sflag:s29] =	ssyncadd.s32 $0xFFFFC400  }
0x43: {  	[spmem:s3] =	stream.indirect.scatter.add.f32 [tilespmem:s23], [sflag:$0x7], $0x80, s30, s14, $0xb8;
	[tilespmem:$0x1F700] =	vst v63  }
0x44: {  	_ =	swait.ge [sflag:s21], $0x3C00  }
0x45: {  	[sflag:s21] =	ssyncset.done $0x0  }
0x46: {  	s0 =	simm.s32 $0xFFFEC800;
	s1 =	sadd.s32 $0x15800, s1;
	[sflag:s21] =	ssyncadd.s32 $0xFFFFC400  }
.LBB2_2:
0x47: {  	[tilespmem:s18], [sflag:$0x6] =	stream.linear.gather [hbm4b:s1+s4], $0x100, $0x38;
	[tilespmem:$0x1F700] =	vst v63  }
0x48: {  	s1 =	smov.u32 s0  }
0x49: {  	p0 =	sne.s32 s0, $0xFFFFF400;
	s0 =	sadd.s32 $0xC00, s0;
	_ =	swait.ge [sflag:s22], $0x100  }
0x4a: {  	[sflag:s22] =	ssyncset.done $0x0  }
0x4b: {  	[sflag:s22] =	ssyncadd.s32 $0xFFFFFF00  }
0x4c: {  	[tilespmem:s23], [sflag:$0x3] =	stream.indirect.gather [hbm4b:s5+s14], $0x80, s18, s14, $0xb8;
	[tilespmem:$0x1F700] =	vst v63  }
0x4d: {  	_ =	swait.ge [sflag:s24], $0x3C00  }
0x4e: {  	[sflag:s24] =	ssyncset.done $0x0  }
0x4f: {  	[sflag:s24] =	ssyncadd.s32 $0xFFFFC400  }
0x50: {  	[spmem:s3] =	stream.indirect.scatter.add.f32 [tilespmem:s15], [sflag:$0x7], $0x80, s25, s14, $0xb8;
	[tilespmem:$0x1F700] =	vst v63  }
0x51: {  	_ =	swait.ge [sflag:s21], $0x3C00  }
0x52: {  	s1 =	sadd.s32 s1, s11;
	[sflag:s21] =	ssyncset.done $0x0  }
0x53: {  	s2 =	sadd.s32 $0x15000, s1;
	[sflag:s21] =	ssyncadd.s32 $0xFFFFC400  }
0x54: {  	[tilespmem:s4], [sflag:$0x4] =	stream.linear.gather [hbm4b:s2+s4], $0x100, $0x38;
	[tilespmem:$0x1F700] =	vst v63  }
0x55: {  	_ =	swait.ge [sflag:s13], $0x100  }
0x56: {  	[sflag:s13] =	ssyncset.done $0x0  }
0x57: {  	[sflag:s13] =	ssyncadd.s32 $0xFFFFFF00  }
0x58: {  	[tilespmem:s15], [sflag:$0x1] =	stream.indirect.gather [hbm4b:s5+s14], $0x80, s4, s14, $0xb8;
	[tilespmem:$0x1F700] =	vst v63  }
0x59: {  	_ =	swait.ge [sflag:s26], $0x3C00  }
0x5a: {  	[sflag:s26] =	ssyncset.done $0x0  }
0x5b: {  	[sflag:s26] =	ssyncadd.s32 $0xFFFFC400  }
0x5c: {  	[spmem:s3] =	stream.indirect.scatter.add.f32 [tilespmem:s17], [sflag:$0x7], $0x80, s28, s14, $0xb8;
	[tilespmem:$0x1F700] =	vst v63  }
0x5d: {  	_ =	swait.ge [sflag:s21], $0x3C00  }
0x5e: {  	[sflag:s21] =	ssyncset.done $0x0  }
0x5f: {  	s2 =	sadd.s32 $0x15400, s1;
	[sflag:s21] =	ssyncadd.s32 $0xFFFFC400  }
0x60: {  	[tilespmem:s12], [sflag:$0x5] =	stream.linear.gather [hbm4b:s2+s4], $0x100, $0x38;
	[tilespmem:$0x1F700] =	vst v63  }
0x61: {  	_ =	swait.ge [sflag:s16], $0x100  }
0x62: {  	[sflag:s16] =	ssyncset.done $0x0  }
0x63: {  	[sflag:s16] =	ssyncadd.s32 $0xFFFFFF00  }
0x64: {  	[tilespmem:s17], [sflag:$0x2] =	stream.indirect.gather [hbm4b:s5+s14], $0x80, s12, s14, $0xb8;
	[tilespmem:$0x1F700] =	vst v63  }
0x65: {  	_ =	swait.ge [sflag:s29], $0x3C00  }
0x66: {  	[sflag:s29] =	ssyncset.done $0x0  }
.Ltmp0:
0x67: {  	[sflag:s29] =	ssyncadd.s32 $0xFFFFC400;
	(pc) =	sbr.rel @p0 .LBB2_2-.Ltmp0, $4  }
0x68: {  	[spmem:s3] =	stream.indirect.scatter.add.f32 [tilespmem:s23], [sflag:$0x7], $0x80, s30, s14, $0xb8;
	[tilespmem:$0x1F700] =	vst v63  }
0x69: {  	_ =	swait.ge [sflag:s21], $0x3C00  }
0x6a: {  	[sflag:s21] =	ssyncset.done $0x0  }
0x6b: {  	s1 =	sadd.s32 $0x15800, s1;
	[sflag:s21] =	ssyncadd.s32 $0xFFFFC400  }
0x6c: {  	[tilespmem:s18], [sflag:$0x6] =	stream.linear.gather [hbm4b:s1+s4], $0x100, $0x38;
	[tilespmem:$0x1F700] =	vst v63  }
0x6d: {  	_ =	swait.ge [sflag:s22], $0x100  }
0x6e: {  	[sflag:s22] =	ssyncset.done $0x0  }
0x6f: {  	[sflag:s22] =	ssyncadd.s32 $0xFFFFFF00  }
0x70: {  	[tilespmem:s23], [sflag:$0x3] =	stream.indirect.gather [hbm4b:s5+s14], $0x80, s18, s14, $0xb8;
	[tilespmem:$0x1F700] =	vst v63  }
0x71: {  	_ =	swait.ge [sflag:s24], $0x3C00  }
0x72: {  	[sflag:s24] =	ssyncset.done $0x0  }
0x73: {  	[sflag:s24] =	ssyncadd.s32 $0xFFFFC400  }
0x74: {  	[spmem:s3] =	stream.indirect.scatter.add.f32 [tilespmem:s15], [sflag:$0x7], $0x80, s25, s14, $0xb8;
	[tilespmem:$0x1F700] =	vst v63  }
0x75: {  	_ =	swait.ge [sflag:s21], $0x3C00  }
0x76: {  	[sflag:s21] =	ssyncset.done $0x0  }
0x77: {  	[sflag:s21] =	ssyncadd.s32 $0xFFFFC400  }
0x78: {  	_ =	swait.ge [sflag:s26], $0x3C00  }
0x79: {  	[sflag:s26] =	ssyncset.done $0x0  }
0x7a: {  	[sflag:s26] =	ssyncadd.s32 $0xFFFFC400  }
0x7b: {  	[spmem:s3] =	stream.indirect.scatter.add.f32 [tilespmem:s17], [sflag:$0x7], $0x80, s28, s14, $0xb8;
	[tilespmem:$0x1F700] =	vst v63  }
0x7c: {  	_ =	swait.ge [sflag:s21], $0x3C00  }
0x7d: {  	[sflag:s21] =	ssyncset.done $0x0  }
0x7e: {  	[sflag:s21] =	ssyncadd.s32 $0xFFFFC400  }
0x7f: {  	_ =	swait.ge [sflag:s29], $0x3C00  }
0x80: {  	[sflag:s29] =	ssyncset.done $0x0  }
0x81: {  	[sflag:s29] =	ssyncadd.s32 $0xFFFFC400  }
0x82: {  	[spmem:s3] =	stream.indirect.scatter.add.f32 [tilespmem:s23], [sflag:$0x7], $0x80, s30, s14, $0xb8;
	[tilespmem:$0x1F700] =	vst v63  }
0x83: {  	_ =	swait.ge [sflag:s21], $0x3C00  }
0x84: {  	s31 =	sadd.s32 $0x1, s31;
	[sflag:s21] =	ssyncset.done $0x0  }
0x85: {  	p0 =	sne.s32 s31, s10;
	[sflag:s21] =	ssyncadd.s32 $0xFFFFC400  }
.Ltmp1:
0x86: {  	[bflag:$0x0] =	sbarrier.arrive $0xFFFF;
	(pc) =	sbr.rel @p0 .LBB2_1-.Ltmp1, $4  }
0x87: {  	[hbm:s9], [sflag:s19] =	dma.local [spmem:s20], $0x2800  }
0x88: {  	_ =	swait.ge [sflag:s21], $0x2800  }
0x89: {  	[sflag:s21] =	ssyncset.done $0x0  }
0x8a: {  	[sflag:s21] =	ssyncadd.s32 $0xFFFFD800  }
0x8b: {  	_ =	sfence.sel $0x180000  }
0x8c: {  	[bflag:$0x0] =	sbarrier.arrive $0xFFFF  }
0x8d: {  	_ =	strace $0x90000053  }
0x8e: {  	s0 =	stileid.u32;
	[bflag:$0x2] =	sbarrier.arrive $0xFFFF  }
0x8f: {  	p0 =	sne.s32 s0, $0x0;
	s0 =	rddreg [dreg:$0x3]  }
0x90: {  	s0 =	sadd.s32 @!p0 $0x100000, s0  }
0x91: {  	[sflag:s0] =	ssyncadd.tile.s32 @!p0 $0x1;
	_ =	shalt  }
.Lfunc_end2:
_tile_overlayer_lowered:
.L_overlay_start_2:
0x92: {  	(tag) =	ssettag $0x2  }
0x93: {  	s0 =	rddreg [dreg:$0x0];
	s2 =	stileid.u32  }
0x94: {  	s1 =	rddreg [dreg:$0x1];
	p0 =	sne.s32 s2, $0x0  }
0x95: {  	s3 =	rddreg [dreg:$0x2];
	[bflag:$0x3] =	sbarrier.arrive $0xFFFF;
	s2 =	simm.s32 @!p0 $0x1C07  }
0x96: {  	[timem:s3], [sflag:s2] =	dma.local @!p0 [hbm:s0], s1  }
0x97: {  	s0 =	simm.s32 @!p0 $0x7  }
0x98: {  	_ =	swait.ge @!p0 [sflag:s0], s1  }
0x99: {  	s1 =	ssub.s32 @!p0 $0x0, s1;
	[sflag:s0] =	ssyncset.done @!p0 $0x0  }
0x9a: {  	[sflag:s0] =	ssyncadd.s32 @!p0 s1  }
0x9b: {  	[bflag:$0x3] =	sbarrier.arrive $0xFFFF  }
0x9c: {  	_ =	shalt  }

</sc_bundles>
